<compile_context>
chip_gen: v7x
topology: tpu7x:2x2x1
jax: 0.10.2.dev20260603
libtpu: 0.0.44.dev20260713+nightly
codegen_flags: <defaults>
</compile_context>

<pallas_src>
import functools
import jax
import jax.numpy as jnp
from jax import lax
from jax.experimental import pallas as pl
from jax.experimental.pallas import tpu as pltpu
from jax.experimental.pallas import tpu_sc as plsc

KS = 5
K = 25
G = 64
N = 50000
E = 800000
NW = 32
NPT = 1568
NP = NW * NPT
EP = 802816
CH1 = 2048
NCH1 = EP // CH1
CH2 = 512
NCH2 = EP // CH2
RB = 1024
FLUSH = RB - CH2
GB = 128
TCB = 512
NTCB = NP // TCB

_mesh = plsc.VectorSubcoreMesh(core_axis_name="c", subcore_axis_name="s")
_sc_params = pltpu.CompilerParams(needs_layout_passes=False,
                                  use_tc_tiling_on_sc=False)


def _wid():
    return lax.axis_index("s") * 2 + lax.axis_index("c")


def _zero_f32(ref, nwords):
    z16 = jnp.zeros((16,), jnp.float32)

    def body(i, _):
        ref[pl.ds(i * 16, 16)] = z16
        return 0

    lax.fori_loop(0, nwords // 16, body, 0)


def _taps(a0, a1):
    v0 = a0 * (KS - 1.0)
    v1 = a1 * (KS - 1.0)
    b0 = jnp.clip(v0.astype(jnp.int32), 0, KS - 2)
    b1 = jnp.clip(v1.astype(jnp.int32), 0, KS - 2)
    f0 = v0 - b0.astype(jnp.float32)
    f1 = v1 - b1.astype(jnp.float32)
    w = ((1.0 - f0) * (1.0 - f1), f0 * (1.0 - f1), (1.0 - f0) * f1, f0 * f1)
    tap0 = b0 + b1 * KS
    return tap0, w


_TAP_OFF = (0, 1, KS, KS + 1)


def _edge_fields(ebuf, i):
    s16 = ebuf[0, pl.ds(i * 16, 16)]
    d16 = ebuf[1, pl.ds(i * 16, 16)]
    a0 = lax.bitcast_convert_type(ebuf[2, pl.ds(i * 16, 16)], jnp.float32)
    a1 = lax.bitcast_convert_type(ebuf[3, pl.ds(i * 16, 16)], jnp.float32)
    return s16, d16, a0, a1


def _sc1_body(ep_hbm, x_hbm, z1_hbm, deg_hbm, xv, ebuf, z1acc, degacc):
    wid = _wid()
    base = wid * NPT
    pltpu.sync_copy(x_hbm, xv)
    _zero_f32(z1acc, NPT * K)
    _zero_f32(degacc, NPT)
    ones16 = jnp.ones((16,), jnp.float32)

    def chunk(c, _):
        pltpu.sync_copy(ep_hbm.at[c], ebuf)

        def vec(i, _):
            s16, d16, a0, a1 = _edge_fields(ebuf, i)
            tap0, w = _taps(a0, a1)
            mask = (d16 >= base) & (d16 < base + NPT)
            dl = jnp.where(mask, d16 - base, 0)
            xj = plsc.load_gather(xv, [s16])
            tbase = dl * K + tap0
            for t in range(4):
                plsc.addupdate_scatter(z1acc, [tbase + _TAP_OFF[t]], w[t] * xj,
                                       mask=mask)
            plsc.addupdate_scatter(degacc, [dl], ones16, mask=mask)
            return 0

        lax.fori_loop(0, CH1 // 16, vec, 0)
        return 0

    lax.fori_loop(0, NCH1, chunk, 0)
    pltpu.sync_copy(z1acc, z1_hbm.at[wid])
    pltpu.sync_copy(degacc, deg_hbm.at[wid])


@functools.partial(
    pl.kernel, mesh=_mesh,
    out_type=[
        jax.ShapeDtypeStruct((NW, NPT * K), jnp.float32),
        jax.ShapeDtypeStruct((NW, NPT), jnp.float32),
    ],
    scratch_types=[
        pltpu.VMEM((NP,), jnp.float32),
        pltpu.VMEM((4, CH1), jnp.int32),
        pltpu.VMEM((NPT * K,), jnp.float32),
        pltpu.VMEM((NPT,), jnp.float32),
    ],
    compiler_params=_sc_params,
)
def _sc1(*refs):
    _sc1_body(*refs)


def _sc2_body(ep_hbm, h2_hbm, agg_hbm, ebuf, idx4, w4, dloc, rows, acc,
              sem0, sem1):
    wid = _wid()
    base = wid * NPT
    _zero_f32(acc, NPT * 64)
    z16f = jnp.zeros((16,), jnp.float32)
    z16i = jnp.zeros((16,), jnp.int32)

    def zero_ring(_):
        def zb(i, __):
            w4[pl.ds(i * 16, 16)] = z16f
            return 0
        lax.fori_loop(0, 4 * RB // 16, zb, 0)
        def zi(i, __):
            idx4[pl.ds(i * 16, 16)] = z16i
            return 0
        lax.fori_loop(0, 4 * RB // 16, zi, 0)
        def zd(i, __):
            dloc[pl.ds(i * 16, 16)] = z16i
            return 0
        lax.fori_loop(0, RB // 16, zd, 0)
        return 0

    zero_ring(0)
    lanes = lax.iota(jnp.int32, 16)

    def flush(cnt):
        nb = (cnt + GB - 1) // GB
        nu = nb * 4
        r0 = rows.at[0]
        r1 = rows.at[1]

        def ring_off(u):
            return (u % 4) * RB + (u // 4) * GB

        def fire(u, rbuf, sm):
            pltpu.async_copy(h2_hbm.at[idx4.at[pl.ds(ring_off(u), GB)]],
                             rbuf, sm)

        def drain(u, rbuf, sm):
            pltpu.make_async_copy(
                h2_hbm.at[idx4.at[pl.ds(ring_off(u), GB)]], rbuf, sm).wait()

        def accum(u, rbuf):
            off = ring_off(u)
            doff = (u // 4) * GB

            def grp(q, __):
                w16 = w4[pl.ds(off + q * 16, 16)]
                dl16 = dloc[pl.ds(doff + q * 16, 16)]
                tgt0 = dl16 * 64
                r16 = q * 16 + lanes

                def feat(fo, ___):
                    for fu in range(8):
                        f = fo * 8 + fu
                        vals = plsc.load_gather(rbuf, [r16, z16i + f])
                        plsc.addupdate_scatter(acc, [tgt0 + f], w16 * vals)
                    return 0

                lax.fori_loop(0, 8, feat, 0)
                return 0

            lax.fori_loop(0, GB // 16, grp, 0)

        @pl.when(nu > 0)
        def _pipe():
            fire(0, r0, sem0)

            def body(j, _):
                u0 = 2 * j
                u1 = u0 + 1
                fire(u1, r1, sem1)
                drain(u0, r0, sem0)
                accum(u0, r0)

                @pl.when(u1 + 1 < nu)
                def _next():
                    fire(u1 + 1, r0, sem0)

                drain(u1, r1, sem1)
                accum(u1, r1)
                return 0

            lax.fori_loop(0, nu // 2, body, 0)

    def chunk(c, cnt):
        pltpu.sync_copy(ep_hbm.at[c], ebuf)

        def vec(i, cn):
            s16, d16, a0, a1 = _edge_fields(ebuf, i)
            tap0, w = _taps(a0, a1)
            mask = (d16 >= base) & (d16 < base + NPT)
            dl = jnp.where(mask, d16 - base, 0)
            rbase = s16 * K + tap0
            for t in range(4):
                plsc.store_compressed(idx4.at[pl.ds(t * RB + cn, 16)],
                                      rbase + _TAP_OFF[t], mask=mask)
                plsc.store_compressed(w4.at[pl.ds(t * RB + cn, 16)], w[t],
                                      mask=mask)
            plsc.store_compressed(dloc.at[pl.ds(cn, 16)], dl, mask=mask)
            return cn + jnp.sum(mask.astype(jnp.int32))

        cnt = lax.fori_loop(0, CH2 // 16, vec, cnt)

        def do_flush(cn):
            flush(cn)
            zero_ring(0)
            return 0

        cnt = lax.cond(cnt >= FLUSH, do_flush, lambda cn: cn, cnt)
        return cnt

    cnt = lax.fori_loop(0, NCH2, chunk, 0)
    flush(cnt)
    pltpu.sync_copy(acc, agg_hbm.at[wid])


@functools.partial(
    pl.kernel, mesh=_mesh,
    out_type=jax.ShapeDtypeStruct((NW, NPT * 64), jnp.float32),
    scratch_types=[
        pltpu.VMEM((4, CH2), jnp.int32),
        pltpu.VMEM((4 * RB,), jnp.int32),
        pltpu.VMEM((4 * RB,), jnp.float32),
        pltpu.VMEM((RB,), jnp.int32),
        pltpu.VMEM((2, GB, 64), jnp.float32),
        pltpu.VMEM((NPT * 64,), jnp.float32),
        pltpu.SemaphoreType.DMA,
        pltpu.SemaphoreType.DMA,
    ],
    compiler_params=_sc_params,
)
def _sc2(*refs):
    _sc2_body(*refs)


def _elu(t):
    return jnp.where(t > 0.0, t, jnp.exp(jnp.minimum(t, 0.0)) - 1.0)


def _tc1_kernel(z1_ref, deg_ref, x_ref, w1_ref, r1_ref, b1_ref, w2_ref,
                r2_ref, h2_ref, hr2_ref):
    z1 = z1_ref[...]
    deg = jnp.maximum(deg_ref[...], 1.0)
    h1 = z1 @ w1_ref[...] / deg + x_ref[...] @ r1_ref[...] + b1_ref[...]
    h1 = _elu(h1)
    h2_ref[...] = h1 @ w2_ref[...]
    hr2_ref[...] = h1 @ r2_ref[...]


def _tc2_kernel(agg_ref, deg_ref, hr2_ref, b2_ref, p_ref, wl1_ref, bl1_ref,
                wl2_ref, bl2_ref, out_ref, pool_ref, cnt_ref):
    j = pl.program_id(0)

    @pl.when(j == 0)
    def _init():
        pool_ref[...] = jnp.zeros_like(pool_ref)
        cnt_ref[...] = jnp.zeros_like(cnt_ref)

    deg = jnp.maximum(deg_ref[...], 1.0)
    h2 = _elu(agg_ref[...] / deg + hr2_ref[...] + b2_ref[...])
    p = p_ref[...]
    pool_ref[...] += p @ h2
    cnt_ref[...] += p @ jnp.ones_like(h2)

    @pl.when(j == NTCB - 1)
    def _head():
        pooled = pool_ref[...] / jnp.maximum(cnt_ref[...], 1.0)
        t1 = _elu(pooled @ wl1_ref[...] + bl1_ref[...])
        logits = t1 @ wl2_ref[...] + bl2_ref[...]
        m = jnp.max(logits, axis=1, keepdims=True)
        s = logits - m
        lse = jnp.log(jnp.sum(jnp.exp(s), axis=1, keepdims=True))
        out_ref[...] = s - lse


def _row_spec(cols):
    return pl.BlockSpec((TCB, cols), lambda j: (j, 0))


def _full_spec(r, c):
    return pl.BlockSpec((r, c), lambda j: (0, 0))


def kernel(x, edge_index, edge_attr, batch, W1, root1, b1, W2, root2, b2,
           Wl1, bl1, Wl2, bl2):
    src = edge_index[0].astype(jnp.int32)
    dst = edge_index[1].astype(jnp.int32)
    pad_e = EP - E
    src_p = jnp.concatenate([src, jnp.zeros((pad_e,), jnp.int32)])
    dst_p = jnp.concatenate([dst, jnp.full((pad_e,), NP, jnp.int32)])
    a0_p = jnp.concatenate([edge_attr[:, 0], jnp.zeros((pad_e,), jnp.float32)])
    a1_p = jnp.concatenate([edge_attr[:, 1], jnp.zeros((pad_e,), jnp.float32)])
    stacked = jnp.stack([
        src_p, dst_p,
        lax.bitcast_convert_type(a0_p, jnp.int32),
        lax.bitcast_convert_type(a1_p, jnp.int32),
    ])
    ep1 = stacked.reshape(4, NCH1, CH1).transpose(1, 0, 2)
    ep2 = stacked.reshape(4, NCH2, CH2).transpose(1, 0, 2)
    x_p = jnp.concatenate([x[:, 0], jnp.zeros((NP - N,), jnp.float32)])

    z1_2d, deg_2d = _sc1(ep1, x_p)
    z1 = z1_2d.reshape(NP, K)
    deg = deg_2d.reshape(NP, 1)

    w1m = W1.reshape(K, 32)
    w2m = W2.transpose(1, 0, 2).reshape(32, K * 64)
    h2rows, hr2 = pl.pallas_call(
        _tc1_kernel,
        grid=(NTCB,),
        in_specs=[
            _row_spec(K), _row_spec(1), _row_spec(1),
            _full_spec(K, 32), _full_spec(1, 32), _full_spec(1, 32),
            _full_spec(32, K * 64), _full_spec(32, 64),
        ],
        out_specs=[_row_spec(K * 64), _row_spec(64)],
        out_shape=[
            jax.ShapeDtypeStruct((NP, K * 64), jnp.float32),
            jax.ShapeDtypeStruct((NP, 64), jnp.float32),
        ],
    )(z1, deg, x_p[:, None], w1m, root1, b1[None, :], w2m, root2)

    agg_2d = _sc2(ep2, h2rows.reshape(NP * K, 64))
    agg = agg_2d.reshape(NP, 64)

    batch_p = jnp.concatenate([batch.astype(jnp.int32),
                               jnp.full((NP - N,), G, jnp.int32)])
    onehot = (batch_p[None, :] == jnp.arange(G, dtype=jnp.int32)[:, None])
    onehot = onehot.astype(jnp.float32)

    return pl.pallas_call(
        _tc2_kernel,
        grid=(NTCB,),
        in_specs=[
            _row_spec(64), _row_spec(1), _row_spec(64),
            _full_spec(1, 64),
            pl.BlockSpec((G, TCB), lambda j: (0, j)),
            _full_spec(64, 128), _full_spec(1, 128),
            _full_spec(128, 10), _full_spec(1, 10),
        ],
        out_specs=pl.BlockSpec((G, 10), lambda j: (0, 0)),
        out_shape=jax.ShapeDtypeStruct((G, 10), jnp.float32),
        scratch_shapes=[
            pltpu.VMEM((G, 64), jnp.float32),
            pltpu.VMEM((G, 64), jnp.float32),
        ],
    )(agg, deg, hr2, b2[None, :], onehot, Wl1, bl1[None, :], Wl2, bl2[None, :])

# --- scband reference (transcript-rebuilt; emitter-appended) ---
"""Pipeline reference for scband-net-1632087572625 (READ-ONLY COPY).

The authoritative reference and input builder live on the scoring server;
editing this copy changes nothing except your own understanding.
"""

import jax, jax.numpy as jnp
import numpy as np

N = 50000
E = 800000
KS = 5
K = KS * KS
G = 64


def setup_inputs(seed: int = 0) -> dict:
    key = jax.random.key(seed)
    ks = jax.random.split(key, 12)
    x = jax.random.uniform(ks[0], (N, 1), dtype=jnp.float32)
    edge_index = jax.random.randint(ks[1], (2, E), 0, N)
    edge_attr = jax.random.uniform(ks[2], (E, 2), dtype=jnp.float32)
    batch = jnp.sort(jax.random.randint(ks[3], (N,), 0, G))
    W1 = jax.random.normal(ks[4], (K, 1, 32), dtype=jnp.float32) * 0.2
    root1 = jax.random.normal(ks[5], (1, 32), dtype=jnp.float32) * 0.2
    b1 = jnp.zeros((32,), jnp.float32)
    W2 = jax.random.normal(ks[6], (K, 32, 64), dtype=jnp.float32) * 0.05
    root2 = jax.random.normal(ks[7], (32, 64), dtype=jnp.float32) * 0.1
    b2 = jnp.zeros((64,), jnp.float32)
    Wl1 = jax.random.normal(ks[8], (64, 128), dtype=jnp.float32) * 0.1
    bl1 = jnp.zeros((128,), jnp.float32)
    Wl2 = jax.random.normal(ks[9], (128, 10), dtype=jnp.float32) * 0.1
    bl2 = jnp.zeros((10,), jnp.float32)
    return {"x": x, "edge_index": edge_index, "edge_attr": edge_attr, "batch": batch,
            "W1": W1, "root1": root1, "b1": b1, "W2": W2, "root2": root2, "b2": b2,
            "Wl1": Wl1, "bl1": bl1, "Wl2": Wl2, "bl2": bl2}


def _spline_conv(x, src, dst, pseudo, W, root, bias):
    # SplineConv with dim=2, kernel_size=5, degree=1, open splines, aggr='mean',
    # root_weight=True, bias=True (torch_geometric defaults).
    Kk, Fin, Fout = W.shape
    Nn = x.shape[0]
    v = pseudo * (KS - 1)
    bot = jnp.clip(jnp.floor(v).astype(jnp.int32), 0, KS - 2)
    frac = v - bot.astype(v.dtype)
    x_j = x[src]
    acc = jnp.zeros((Nn * Kk, Fin), dtype=x.dtype)
    for b0 in (0, 1):
        for b1 in (0, 1):
            w0 = frac[:, 0] if b0 else 1.0 - frac[:, 0]
            w1 = frac[:, 1] if b1 else 1.0 - frac[:, 1]
            w = w0 * w1
            idx = (bot[:, 0] + b0) + (bot[:, 1] + b1) * KS
            seg = dst * Kk + idx
            acc = acc.at[seg].add(w[:, None] * x_j)
    z = acc.reshape(Nn, Kk, Fin)
    out = jnp.einsum('nki,kio->no', z, W)
    deg = jnp.zeros((Nn,), x.dtype).at[dst].add(1.0)
    out = out / jnp.maximum(deg, 1.0)[:, None]
    out = out + x @ root + bias
    return out


def reference(x, edge_index, edge_attr, batch, W1, root1, b1, W2, root2, b2, Wl1, bl1, Wl2, bl2):
    src = edge_index[0]
    dst = edge_index[1]
    h = jax.nn.elu(_spline_conv(x, src, dst, edge_attr, W1, root1, b1))
    h = jax.nn.elu(_spline_conv(h, src, dst, edge_attr, W2, root2, b2))
    pooled = jnp.zeros((G, h.shape[1]), h.dtype).at[batch].add(h)
    cnt = jnp.zeros((G,), h.dtype).at[batch].add(1.0)
    pooled = pooled / jnp.maximum(cnt, 1.0)[:, None]
    h = jax.nn.elu(pooled @ Wl1 + bl1)
    logits = h @ Wl2 + bl2
    return jax.nn.log_softmax(logits, axis=1)

if __name__ == "__main__":
    import jax
    _d = setup_inputs()
    print(jax.jit(kernel)(*tuple(_d.values())))

</pallas_src>

<mosaic_0001>
#map = affine_map<(d0, d1) -> (0, 0, 0)>
#map1 = affine_map<(d0, d1) -> (0)>
#map2 = affine_map<(d0, d1) -> (0, 0)>
module attributes {stable_mosaic.version = 14 : i64} {
  func.func @_sc1(%arg0: i32, %arg1: i32, %arg2: memref<392x4x2048xi32, #tpu.memory_space<hbm>>, %arg3: memref<50176xf32, #tpu.memory_space<hbm>>, %arg4: memref<32x39200xf32, #tpu.memory_space<hbm>>, %arg5: memref<32x1568xf32, #tpu.memory_space<hbm>>, %arg6: memref<50176xf32, #tpu.memory_space<vmem>>, %arg7: memref<4x2048xi32, #tpu.memory_space<vmem>>, %arg8: memref<39200xf32, #tpu.memory_space<vmem>>, %arg9: memref<1568xf32, #tpu.memory_space<vmem>>) attributes {dimension_semantics = [#tpu.dimension_semantics<core_parallel>, #tpu.dimension_semantics<subcore_parallel>], iteration_bounds = array<i64: 2, 16>, scalar_prefetch = 0 : i64, scratch_operands = 4 : i64, tpu.core_type = #tpu.core_type<sc_vector_subcore>, window_params = [{transform_indices = #map}, {transform_indices = #map1}, {transform_indices = #map2}, {transform_indices = #map2}]} {
    %mul3A = arith.constant 2 : i32
    %mul3A_0 = arith.muli %arg1, %mul3A : i32
    %add3A = arith.addi %mul3A_0, %arg0 : i32
    %mul3A_1 = arith.constant 1568 : i32
    %mul3A_2 = arith.muli %add3A, %mul3A_1 : i32
    "tpu.region"() ({
      %run_scoped3A = tpu.sem_alloc : memref<!tpu.dma_semaphore, #tpu.memory_space<semaphore_mem>>
      tpu.enqueue_dma source(%arg3 : memref<50176xf32, #tpu.memory_space<hbm>>) target(%arg6 : memref<50176xf32, #tpu.memory_space<vmem>>) target_semaphore(%run_scoped3A : memref<!tpu.dma_semaphore, #tpu.memory_space<semaphore_mem>>)
      tpu.wait_dma2 semaphore(%run_scoped3A : memref<!tpu.dma_semaphore, #tpu.memory_space<semaphore_mem>>) src(%arg3 : memref<50176xf32, #tpu.memory_space<hbm>>) dst(%arg6 : memref<50176xf32, #tpu.memory_space<vmem>>)
      tpu.yield
    }) : () -> ()
    %broadcast_in_dim3A = arith.constant 0.000000e+00 : f32
    %broadcast_in_dim3A_3 = vector.broadcast %broadcast_in_dim3A : f32 to vector<16xf32>
    %scan3A = arith.constant 0 : i32
    %scan3A_4 = arith.constant 0 : i32
    %scan3A_5 = arith.constant 2450 : i32
    %scan3A_6 = arith.addi %scan3A_4, %scan3A_5 : i32
    %scan3A_7 = arith.constant 1 : i32
    %scan3A_8 = scf.for %scan3A_28 = %scan3A_4 to %scan3A_6 step %scan3A_7 iter_args(%scan3A_29 = %scan3A) -> (i32)  : i32 {
      %mul3A_30 = arith.constant 16 : i32
      %mul3A_31 = arith.muli %scan3A_28, %mul3A_30 : i32
      %swap3A = arith.index_cast %mul3A_31 : i32 to index
      %swap3A_32 = tpu.vector_load %arg8[%swap3A] {strides = array<i32>} : memref<39200xf32, #tpu.memory_space<vmem>>, vector<16xf32>,
      tpu.vector_store %arg8[%swap3A], %broadcast_in_dim3A_3 {strides = array<i32>} : memref<39200xf32, #tpu.memory_space<vmem>>, vector<16xf32>,
      %scan3A_33 = arith.constant 0 : i32
      scf.yield %scan3A_33 : i32
    }
    %scan3A_9 = arith.constant 2450 : i32
    %broadcast_in_dim3A_10 = arith.constant 0.000000e+00 : f32
    %broadcast_in_dim3A_11 = vector.broadcast %broadcast_in_dim3A_10 : f32 to vector<16xf32>
    %scan3A_12 = arith.constant 0 : i32
    %scan3A_13 = arith.constant 0 : i32
    %scan3A_14 = arith.constant 98 : i32
    %scan3A_15 = arith.addi %scan3A_13, %scan3A_14 : i32
    %scan3A_16 = arith.constant 1 : i32
    %scan3A_17 = scf.for %scan3A_28 = %scan3A_13 to %scan3A_15 step %scan3A_16 iter_args(%scan3A_29 = %scan3A_12) -> (i32)  : i32 {
      %mul3A_30 = arith.constant 16 : i32
      %mul3A_31 = arith.muli %scan3A_28, %mul3A_30 : i32
      %swap3A = arith.index_cast %mul3A_31 : i32 to index
      %swap3A_32 = tpu.vector_load %arg9[%swap3A] {strides = array<i32>} : memref<1568xf32, #tpu.memory_space<vmem>>, vector<16xf32>,
      tpu.vector_store %arg9[%swap3A], %broadcast_in_dim3A_11 {strides = array<i32>} : memref<1568xf32, #tpu.memory_space<vmem>>, vector<16xf32>,
      %scan3A_33 = arith.constant 0 : i32
      scf.yield %scan3A_33 : i32
    }
    %scan3A_18 = arith.constant 98 : i32
    %broadcast_in_dim3A_19 = arith.constant 1.000000e+00 : f32
    %broadcast_in_dim3A_20 = vector.broadcast %broadcast_in_dim3A_19 : f32 to vector<16xf32>
    %scan3A_21 = arith.constant 0 : i32
    %scan3A_22 = arith.constant 0 : i32
    %scan3A_23 = arith.constant 392 : i32
    %scan3A_24 = arith.addi %scan3A_22, %scan3A_23 : i32
    %scan3A_25 = arith.constant 1 : i32
    %scan3A_26 = scf.for %scan3A_28 = %scan3A_22 to %scan3A_24 step %scan3A_25 iter_args(%scan3A_29 = %scan3A_21) -> (i32)  : i32 {
      "tpu.region"() ({
        %run_scoped3A = tpu.sem_alloc : memref<!tpu.dma_semaphore, #tpu.memory_space<semaphore_mem>>
        %dma_start3A = arith.constant 0 : i32
        %dma_start3A_38 = arith.constant 0 : i32
        %dma_start3A_39 = tpu.memref_slice %arg2[%scan3A_28, %dma_start3A, %dma_start3A_38] : memref<392x4x2048xi32, #tpu.memory_space<hbm>> -> memref<1x4x2048xi32, #tpu.memory_space<hbm>>
        %dma_start3A_40 = tpu.memref_squeeze %dma_start3A_39 : memref<1x4x2048xi32, #tpu.memory_space<hbm>> -> memref<4x2048xi32, #tpu.memory_space<hbm>>
        %dma_start3A_41 = arith.constant 0 : i32
        %dma_start3A_42 = arith.constant 0 : i32
        %dma_start3A_43 = tpu.memref_slice %arg2[%scan3A_28, %dma_start3A_41, %dma_start3A_42] : memref<392x4x2048xi32, #tpu.memory_space<hbm>> -> memref<1x4x2048xi32, #tpu.memory_space<hbm>>
        %dma_start3A_44 = tpu.memref_squeeze %dma_start3A_43 : memref<1x4x2048xi32, #tpu.memory_space<hbm>> -> memref<4x2048xi32, #tpu.memory_space<hbm>>
        tpu.enqueue_dma source(%dma_start3A_44 : memref<4x2048xi32, #tpu.memory_space<hbm>>) target(%arg7 : memref<4x2048xi32, #tpu.memory_space<vmem>>) target_semaphore(%run_scoped3A : memref<!tpu.dma_semaphore, #tpu.memory_space<semaphore_mem>>)
        %dma_wait3A = arith.constant 0 : i32
        %dma_wait3A_45 = arith.constant 0 : i32
        %dma_wait3A_46 = tpu.memref_slice %arg2[%scan3A_28, %dma_wait3A, %dma_wait3A_45] : memref<392x4x2048xi32, #tpu.memory_space<hbm>> -> memref<1x4x2048xi32, #tpu.memory_space<hbm>>
        %dma_wait3A_47 = tpu.memref_squeeze %dma_wait3A_46 : memref<1x4x2048xi32, #tpu.memory_space<hbm>> -> memref<4x2048xi32, #tpu.memory_space<hbm>>
        %dma_wait3A_48 = arith.constant 0 : i32
        %dma_wait3A_49 = arith.constant 0 : i32
        %dma_wait3A_50 = tpu.memref_slice %arg2[%scan3A_28, %dma_wait3A_48, %dma_wait3A_49] : memref<392x4x2048xi32, #tpu.memory_space<hbm>> -> memref<1x4x2048xi32, #tpu.memory_space<hbm>>
        %dma_wait3A_51 = tpu.memref_squeeze %dma_wait3A_50 : memref<1x4x2048xi32, #tpu.memory_space<hbm>> -> memref<4x2048xi32, #tpu.memory_space<hbm>>
        tpu.wait_dma2 semaphore(%run_scoped3A : memref<!tpu.dma_semaphore, #tpu.memory_space<semaphore_mem>>) src(%dma_wait3A_51 : memref<4x2048xi32, #tpu.memory_space<hbm>>) dst(%arg7 : memref<4x2048xi32, #tpu.memory_space<vmem>>)
        tpu.yield
      }) : () -> ()
      %scan3A_30 = arith.constant 0 : i32
      %scan3A_31 = arith.constant 0 : i32
      %scan3A_32 = arith.constant 128 : i32
      %scan3A_33 = arith.addi %scan3A_31, %scan3A_32 : i32
      %scan3A_34 = arith.constant 1 : i32
      %scan3A_35 = scf.for %scan3A_38 = %scan3A_31 to %scan3A_33 step %scan3A_34 iter_args(%scan3A_39 = %scan3A_30) -> (i32)  : i32 {
        %mul3A_40 = arith.constant 16 : i32
        %mul3A_41 = arith.muli %scan3A_38, %mul3A_40 : i32
        %get3A = arith.constant 0 : i32
        %get3A_42 = arith.index_cast %get3A : i32 to index
        %get3A_43 = arith.index_cast %mul3A_41 : i32 to index
        %get3A_44 = tpu.vector_load %arg7[%get3A_42, %get3A_43] {strides = array<i32>} : memref<4x2048xi32, #tpu.memory_space<vmem>>, vector<16xi32>,
        %mul3A_45 = arith.constant 16 : i32
        %mul3A_46 = arith.muli %scan3A_38, %mul3A_45 : i32
        %get3A_47 = arith.constant 1 : i32
        %get3A_48 = arith.index_cast %get3A_47 : i32 to index
        %get3A_49 = arith.index_cast %mul3A_46 : i32 to index
        %get3A_50 = tpu.vector_load %arg7[%get3A_48, %get3A_49] {strides = array<i32>} : memref<4x2048xi32, #tpu.memory_space<vmem>>, vector<16xi32>,
        %mul3A_51 = arith.constant 16 : i32
        %mul3A_52 = arith.muli %scan3A_38, %mul3A_51 : i32
        %get3A_53 = arith.constant 2 : i32
        %get3A_54 = arith.index_cast %get3A_53 : i32 to index
        %get3A_55 = arith.index_cast %mul3A_52 : i32 to index
        %get3A_56 = tpu.vector_load %arg7[%get3A_54, %get3A_55] {strides = array<i32>} : memref<4x2048xi32, #tpu.memory_space<vmem>>, vector<16xi32>,
        %bitcast_convert_type3A = tpu.bitcast %get3A_56 : vector<16xi32> -> vector<16xf32>
        %mul3A_57 = arith.constant 16 : i32
        %mul3A_58 = arith.muli %scan3A_38, %mul3A_57 : i32
        %get3A_59 = arith.constant 3 : i32
        %get3A_60 = arith.index_cast %get3A_59 : i32 to index
        %get3A_61 = arith.index_cast %mul3A_58 : i32 to index
        %get3A_62 = tpu.vector_load %arg7[%get3A_60, %get3A_61] {strides = array<i32>} : memref<4x2048xi32, #tpu.memory_space<vmem>>, vector<16xi32>,
        %bitcast_convert_type3A_63 = tpu.bitcast %get3A_62 : vector<16xi32> -> vector<16xf32>
        %mul3A_64 = arith.constant 4.000000e+00 : f32
        %mul3A_65 = vector.broadcast %mul3A_64 : f32 to vector<16xf32>
        %mul3A_66 = arith.mulf %bitcast_convert_type3A, %mul3A_65 : vector<16xf32>
        %mul3A_67 = arith.constant 4.000000e+00 : f32
        %mul3A_68 = vector.broadcast %mul3A_67 : f32 to vector<16xf32>
        %mul3A_69 = arith.mulf %bitcast_convert_type3A_63, %mul3A_68 : vector<16xf32>
        %convert_element_type3A = arith.fptosi %mul3A_66 : vector<16xf32> to vector<16xi32>
        %jit3A = arith.constant 0 : i32
        %jit3A_70 = arith.constant 3 : i32
        %max3A = vector.broadcast %jit3A : i32 to vector<16xi32>
        %max3A_71 = arith.maxsi %max3A, %convert_element_type3A : vector<16xi32>
        %min3A = vector.broadcast %jit3A_70 : i32 to vector<16xi32>
        %min3A_72 = arith.minsi %min3A, %max3A_71 : vector<16xi32>
        %convert_element_type3A_73 = arith.fptosi %mul3A_69 : vector<16xf32> to vector<16xi32>
        %jit3A_74 = arith.constant 0 : i32
        %jit3A_75 = arith.constant 3 : i32
        %max3A_76 = vector.broadcast %jit3A_74 : i32 to vector<16xi32>
        %max3A_77 = arith.maxsi %max3A_76, %convert_element_type3A_73 : vector<16xi32>
        %min3A_78 = vector.broadcast %jit3A_75 : i32 to vector<16xi32>
        %min3A_79 = arith.minsi %min3A_78, %max3A_77 : vector<16xi32>
        %convert_element_type3A_80 = arith.sitofp %min3A_72 : vector<16xi32> to vector<16xf32>
        %sub3A = arith.subf %mul3A_66, %convert_element_type3A_80 : vector<16xf32>
        %convert_element_type3A_81 = arith.sitofp %min3A_79 : vector<16xi32> to vector<16xf32>
        %sub3A_82 = arith.subf %mul3A_69, %convert_element_type3A_81 : vector<16xf32>
        %sub3A_83 = arith.constant 1.000000e+00 : f32
        %sub3A_84 = vector.broadcast %sub3A_83 : f32 to vector<16xf32>
        %sub3A_85 = arith.subf %sub3A_84, %sub3A : vector<16xf32>
        %sub3A_86 = arith.constant 1.000000e+00 : f32
        %sub3A_87 = vector.broadcast %sub3A_86 : f32 to vector<16xf32>
        %sub3A_88 = arith.subf %sub3A_87, %sub3A_82 : vector<16xf32>
        %mul3A_89 = arith.mulf %sub3A_85, %sub3A_88 : vector<16xf32>
        %sub3A_90 = arith.constant 1.000000e+00 : f32
        %sub3A_91 = vector.broadcast %sub3A_90 : f32 to vector<16xf32>
        %sub3A_92 = arith.subf %sub3A_91, %sub3A_82 : vector<16xf32>
        %mul3A_93 = arith.mulf %sub3A, %sub3A_92 : vector<16xf32>
        %sub3A_94 = arith.constant 1.000000e+00 : f32
        %sub3A_95 = vector.broadcast %sub3A_94 : f32 to vector<16xf32>
        %sub3A_96 = arith.subf %sub3A_95, %sub3A : vector<16xf32>
        %mul3A_97 = arith.mulf %sub3A_96, %sub3A_82 : vector<16xf32>
        %mul3A_98 = arith.mulf %sub3A, %sub3A_82 : vector<16xf32>
        %mul3A_99 = arith.constant 5 : i32
        %mul3A_100 = vector.broadcast %mul3A_99 : i32 to vector<16xi32>
        %mul3A_101 = arith.muli %min3A_79, %mul3A_100 : vector<16xi32>
        %add3A_102 = arith.addi %min3A_72, %mul3A_101 : vector<16xi32>
        %ge3A = vector.broadcast %mul3A_2 : i32 to vector<16xi32>
        %ge3A_103 = arith.cmpi sge, %get3A_50, %ge3A : vector<16xi32>
        %add3A_104 = arith.constant 1568 : i32
        %add3A_105 = arith.addi %mul3A_2, %add3A_104 : i32
        %lt3A = vector.broadcast %add3A_105 : i32 to vector<16xi32>
        %lt3A_106 = arith.cmpi slt, %get3A_50, %lt3A : vector<16xi32>
        %and3A = arith.andi %ge3A_103, %lt3A_106 : vector<16xi1>
        %sub3A_107 = vector.broadcast %mul3A_2 : i32 to vector<16xi32>
        %sub3A_108 = arith.subi %get3A_50, %sub3A_107 : vector<16xi32>
        %jit3A_109 = arith.constant 0 : i32
        %broadcast_in_dim3A_110 = vector.broadcast %jit3A_109 : i32 to vector<16xi32>
        %select_n3A = arith.select %and3A, %sub3A_108, %broadcast_in_dim3A_110 : vector<16xi1>, vector<16xi32>
        %gather3A = tpu.vector_load_idx %arg6[%get3A_44] : memref<50176xf32, #tpu.memory_space<vmem>>[vector<16xi32>], vector<16xf32>,
        %mul3A_111 = arith.constant 25 : i32
        %mul3A_112 = vector.broadcast %mul3A_111 : i32 to vector<16xi32>
        %mul3A_113 = arith.muli %select_n3A, %mul3A_112 : vector<16xi32>
        %add3A_114 = arith.addi %mul3A_113, %add3A_102 : vector<16xi32>
        %add3A_115 = arith.constant 0 : i32
        %add3A_116 = vector.broadcast %add3A_115 : i32 to vector<16xi32>
        %add3A_117 = arith.addi %add3A_114, %add3A_116 : vector<16xi32>
        %mul3A_118 = arith.mulf %mul3A_89, %gather3A : vector<16xf32>
        tpu.vector_store_idx %arg8[%add3A_117], %mul3A_118 masked %and3A {add = true} : memref<39200xf32, #tpu.memory_space<vmem>>[vector<16xi32>], vector<16xf32>, vector<16xi1>
        %add3A_119 = arith.constant 1 : i32
        %add3A_120 = vector.broadcast %add3A_119 : i32 to vector<16xi32>
        %add3A_121 = arith.addi %add3A_114, %add3A_120 : vector<16xi32>
        %mul3A_122 = arith.mulf %mul3A_93, %gather3A : vector<16xf32>
        tpu.vector_store_idx %arg8[%add3A_121], %mul3A_122 masked %and3A {add = true} : memref<39200xf32, #tpu.memory_space<vmem>>[vector<16xi32>], vector<16xf32>, vector<16xi1>
        %add3A_123 = arith.constant 5 : i32
        %add3A_124 = vector.broadcast %add3A_123 : i32 to vector<16xi32>
        %add3A_125 = arith.addi %add3A_114, %add3A_124 : vector<16xi32>
        %mul3A_126 = arith.mulf %mul3A_97, %gather3A : vector<16xf32>
        tpu.vector_store_idx %arg8[%add3A_125], %mul3A_126 masked %and3A {add = true} : memref<39200xf32, #tpu.memory_space<vmem>>[vector<16xi32>], vector<16xf32>, vector<16xi1>
        %add3A_127 = arith.constant 6 : i32
        %add3A_128 = vector.broadcast %add3A_127 : i32 to vector<16xi32>
        %add3A_129 = arith.addi %add3A_114, %add3A_128 : vector<16xi32>
        %mul3A_130 = arith.mulf %mul3A_98, %gather3A : vector<16xf32>
        tpu.vector_store_idx %arg8[%add3A_129], %mul3A_130 masked %and3A {add = true} : memref<39200xf32, #tpu.memory_space<vmem>>[vector<16xi32>], vector<16xf32>, vector<16xi1>
        tpu.vector_store_idx %arg9[%select_n3A], %broadcast_in_dim3A_20 masked %and3A {add = true} : memref<1568xf32, #tpu.memory_space<vmem>>[vector<16xi32>], vector<16xf32>, vector<16xi1>
        %scan3A_131 = arith.constant 0 : i32
        scf.yield %scan3A_131 : i32
      }
      %scan3A_36 = arith.constant 128 : i32
      %scan3A_37 = arith.constant 0 : i32
      scf.yield %scan3A_37 : i32
    }
    %scan3A_27 = arith.constant 392 : i32
    "tpu.region"() ({
      %run_scoped3A = tpu.sem_alloc : memref<!tpu.dma_semaphore, #tpu.memory_space<semaphore_mem>>
      %dma_start3A = arith.constant 0 : i32
      %dma_start3A_28 = tpu.memref_slice %arg4[%add3A, %dma_start3A] : memref<32x39200xf32, #tpu.memory_space<hbm>> -> memref<1x39200xf32, #tpu.memory_space<hbm>>
      %dma_start3A_29 = tpu.memref_squeeze %dma_start3A_28 : memref<1x39200xf32, #tpu.memory_space<hbm>> -> memref<39200xf32, #tpu.memory_space<hbm>>
      %dma_start3A_30 = arith.constant 0 : i32
      %dma_start3A_31 = tpu.memref_slice %arg4[%add3A, %dma_start3A_30] : memref<32x39200xf32, #tpu.memory_space<hbm>> -> memref<1x39200xf32, #tpu.memory_space<hbm>>
      %dma_start3A_32 = tpu.memref_squeeze %dma_start3A_31 : memref<1x39200xf32, #tpu.memory_space<hbm>> -> memref<39200xf32, #tpu.memory_space<hbm>>
      tpu.enqueue_dma source(%arg8 : memref<39200xf32, #tpu.memory_space<vmem>>) target(%dma_start3A_32 : memref<39200xf32, #tpu.memory_space<hbm>>) target_semaphore(%run_scoped3A : memref<!tpu.dma_semaphore, #tpu.memory_space<semaphore_mem>>)
      %dma_wait3A = arith.constant 0 : i32
      %dma_wait3A_33 = tpu.memref_slice %arg4[%add3A, %dma_wait3A] : memref<32x39200xf32, #tpu.memory_space<hbm>> -> memref<1x39200xf32, #tpu.memory_space<hbm>>
      %dma_wait3A_34 = tpu.memref_squeeze %dma_wait3A_33 : memref<1x39200xf32, #tpu.memory_space<hbm>> -> memref<39200xf32, #tpu.memory_space<hbm>>
      %dma_wait3A_35 = arith.constant 0 : i32
      %dma_wait3A_36 = tpu.memref_slice %arg4[%add3A, %dma_wait3A_35] : memref<32x39200xf32, #tpu.memory_space<hbm>> -> memref<1x39200xf32, #tpu.memory_space<hbm>>
      %dma_wait3A_37 = tpu.memref_squeeze %dma_wait3A_36 : memref<1x39200xf32, #tpu.memory_space<hbm>> -> memref<39200xf32, #tpu.memory_space<hbm>>
      tpu.wait_dma2 semaphore(%run_scoped3A : memref<!tpu.dma_semaphore, #tpu.memory_space<semaphore_mem>>) src(%arg8 : memref<39200xf32, #tpu.memory_space<vmem>>) dst(%dma_wait3A_37 : memref<39200xf32, #tpu.memory_space<hbm>>)
      tpu.yield
    }) : () -> ()
    "tpu.region"() ({
      %run_scoped3A = tpu.sem_alloc : memref<!tpu.dma_semaphore, #tpu.memory_space<semaphore_mem>>
      %dma_start3A = arith.constant 0 : i32
      %dma_start3A_28 = tpu.memref_slice %arg5[%add3A, %dma_start3A] : memref<32x1568xf32, #tpu.memory_space<hbm>> -> memref<1x1568xf32, #tpu.memory_space<hbm>>
      %dma_start3A_29 = tpu.memref_squeeze %dma_start3A_28 : memref<1x1568xf32, #tpu.memory_space<hbm>> -> memref<1568xf32, #tpu.memory_space<hbm>>
      %dma_start3A_30 = arith.constant 0 : i32
      %dma_start3A_31 = tpu.memref_slice %arg5[%add3A, %dma_start3A_30] : memref<32x1568xf32, #tpu.memory_space<hbm>> -> memref<1x1568xf32, #tpu.memory_space<hbm>>
      %dma_start3A_32 = tpu.memref_squeeze %dma_start3A_31 : memref<1x1568xf32, #tpu.memory_space<hbm>> -> memref<1568xf32, #tpu.memory_space<hbm>>
      tpu.enqueue_dma source(%arg9 : memref<1568xf32, #tpu.memory_space<vmem>>) target(%dma_start3A_32 : memref<1568xf32, #tpu.memory_space<hbm>>) target_semaphore(%run_scoped3A : memref<!tpu.dma_semaphore, #tpu.memory_space<semaphore_mem>>)
      %dma_wait3A = arith.constant 0 : i32
      %dma_wait3A_33 = tpu.memref_slice %arg5[%add3A, %dma_wait3A] : memref<32x1568xf32, #tpu.memory_space<hbm>> -> memref<1x1568xf32, #tpu.memory_space<hbm>>
      %dma_wait3A_34 = tpu.memref_squeeze %dma_wait3A_33 : memref<1x1568xf32, #tpu.memory_space<hbm>> -> memref<1568xf32, #tpu.memory_space<hbm>>
      %dma_wait3A_35 = arith.constant 0 : i32
      %dma_wait3A_36 = tpu.memref_slice %arg5[%add3A, %dma_wait3A_35] : memref<32x1568xf32, #tpu.memory_space<hbm>> -> memref<1x1568xf32, #tpu.memory_space<hbm>>
      %dma_wait3A_37 = tpu.memref_squeeze %dma_wait3A_36 : memref<1x1568xf32, #tpu.memory_space<hbm>> -> memref<1568xf32, #tpu.memory_space<hbm>>
      tpu.wait_dma2 semaphore(%run_scoped3A : memref<!tpu.dma_semaphore, #tpu.memory_space<semaphore_mem>>) src(%arg9 : memref<1568xf32, #tpu.memory_space<vmem>>) dst(%dma_wait3A_37 : memref<1568xf32, #tpu.memory_space<hbm>>)
      tpu.yield
    }) : () -> ()
    return
  }
}

#map = affine_map<(d0, d1) -> (0, 0, 0)>
#map1 = affine_map<(d0, d1) -> (0, 0)>
module attributes {stable_mosaic.version = 14 : i64} {
  func.func @_sc2(%arg0: i32, %arg1: i32, %arg2: memref<1568x4x512xi32, #tpu.memory_space<hbm>>, %arg3: memref<1254400x64xf32, #tpu.memory_space<hbm>>, %arg4: memref<32x100352xf32, #tpu.memory_space<hbm>>, %arg5: memref<4x512xi32, #tpu.memory_space<vmem>>, %arg6: memref<4096xi32, #tpu.memory_space<vmem>>, %arg7: memref<4096xf32, #tpu.memory_space<vmem>>, %arg8: memref<1024xi32, #tpu.memory_space<vmem>>, %arg9: memref<2x128x64xf32, #tpu.memory_space<vmem>>, %arg10: memref<100352xf32, #tpu.memory_space<vmem>>, %arg11: memref<!tpu.dma_semaphore, #tpu.memory_space<semaphore_mem>>, %arg12: memref<!tpu.dma_semaphore, #tpu.memory_space<semaphore_mem>>) attributes {dimension_semantics = [#tpu.dimension_semantics<core_parallel>, #tpu.dimension_semantics<subcore_parallel>], iteration_bounds = array<i64: 2, 16>, scalar_prefetch = 0 : i64, scratch_operands = 8 : i64, tpu.core_type = #tpu.core_type<sc_vector_subcore>, window_params = [{transform_indices = #map}, {transform_indices = #map1}, {transform_indices = #map1}]} {
    %mul3A = arith.constant 2 : i32
    %mul3A_0 = arith.muli %arg1, %mul3A : i32
    %add3A = arith.addi %mul3A_0, %arg0 : i32
    %mul3A_1 = arith.constant 1568 : i32
    %mul3A_2 = arith.muli %add3A, %mul3A_1 : i32
    %broadcast_in_dim3A = arith.constant 0.000000e+00 : f32
    %broadcast_in_dim3A_3 = vector.broadcast %broadcast_in_dim3A : f32 to vector<16xf32>
    %scan3A = arith.constant 0 : i32
    %scan3A_4 = arith.constant 0 : i32
    %scan3A_5 = arith.constant 6272 : i32
    %scan3A_6 = arith.addi %scan3A_4, %scan3A_5 : i32
    %scan3A_7 = arith.constant 1 : i32
    %scan3A_8 = scf.for %scan3A_68 = %scan3A_4 to %scan3A_6 step %scan3A_7 iter_args(%scan3A_69 = %scan3A) -> (i32)  : i32 {
      %mul3A_70 = arith.constant 16 : i32
      %mul3A_71 = arith.muli %scan3A_68, %mul3A_70 : i32
      %swap3A = arith.index_cast %mul3A_71 : i32 to index
      %swap3A_72 = tpu.vector_load %arg10[%swap3A] {strides = array<i32>} : memref<100352xf32, #tpu.memory_space<vmem>>, vector<16xf32>,
      tpu.vector_store %arg10[%swap3A], %broadcast_in_dim3A_3 {strides = array<i32>} : memref<100352xf32, #tpu.memory_space<vmem>>, vector<16xf32>,
      %scan3A_73 = arith.constant 0 : i32
      scf.yield %scan3A_73 : i32
    }
    %scan3A_9 = arith.constant 6272 : i32
    %broadcast_in_dim3A_10 = arith.constant 0.000000e+00 : f32
    %broadcast_in_dim3A_11 = vector.broadcast %broadcast_in_dim3A_10 : f32 to vector<16xf32>
    %broadcast_in_dim3A_12 = arith.constant 0 : i32
    %broadcast_in_dim3A_13 = vector.broadcast %broadcast_in_dim3A_12 : i32 to vector<16xi32>
    %scan3A_14 = arith.constant 0 : i32
    %scan3A_15 = arith.constant 0 : i32
    %scan3A_16 = arith.constant 256 : i32
    %scan3A_17 = arith.addi %scan3A_15, %scan3A_16 : i32
    %scan3A_18 = arith.constant 1 : i32
    %scan3A_19 = scf.for %scan3A_68 = %scan3A_15 to %scan3A_17 step %scan3A_18 iter_args(%scan3A_69 = %scan3A_14) -> (i32)  : i32 {
      %mul3A_70 = arith.constant 16 : i32
      %mul3A_71 = arith.muli %scan3A_68, %mul3A_70 : i32
      %swap3A = arith.index_cast %mul3A_71 : i32 to index
      %swap3A_72 = tpu.vector_load %arg7[%swap3A] {strides = array<i32>} : memref<4096xf32, #tpu.memory_space<vmem>>, vector<16xf32>,
      tpu.vector_store %arg7[%swap3A], %broadcast_in_dim3A_11 {strides = array<i32>} : memref<4096xf32, #tpu.memory_space<vmem>>, vector<16xf32>,
      %scan3A_73 = arith.constant 0 : i32
      scf.yield %scan3A_73 : i32
    }
    %scan3A_20 = arith.constant 256 : i32
    %scan3A_21 = arith.constant 0 : i32
    %scan3A_22 = arith.constant 0 : i32
    %scan3A_23 = arith.constant 256 : i32
    %scan3A_24 = arith.addi %scan3A_22, %scan3A_23 : i32
    %scan3A_25 = arith.constant 1 : i32
    %scan3A_26 = scf.for %scan3A_68 = %scan3A_22 to %scan3A_24 step %scan3A_25 iter_args(%scan3A_69 = %scan3A_21) -> (i32)  : i32 {
      %mul3A_70 = arith.constant 16 : i32
      %mul3A_71 = arith.muli %scan3A_68, %mul3A_70 : i32
      %swap3A = arith.index_cast %mul3A_71 : i32 to index
      %swap3A_72 = tpu.vector_load %arg6[%swap3A] {strides = array<i32>} : memref<4096xi32, #tpu.memory_space<vmem>>, vector<16xi32>,
      tpu.vector_store %arg6[%swap3A], %broadcast_in_dim3A_13 {strides = array<i32>} : memref<4096xi32, #tpu.memory_space<vmem>>, vector<16xi32>,
      %scan3A_73 = arith.constant 0 : i32
      scf.yield %scan3A_73 : i32
    }
    %scan3A_27 = arith.constant 256 : i32
    %scan3A_28 = arith.constant 0 : i32
    %scan3A_29 = arith.constant 0 : i32
    %scan3A_30 = arith.constant 64 : i32
    %scan3A_31 = arith.addi %scan3A_29, %scan3A_30 : i32
    %scan3A_32 = arith.constant 1 : i32
    %scan3A_33 = scf.for %scan3A_68 = %scan3A_29 to %scan3A_31 step %scan3A_32 iter_args(%scan3A_69 = %scan3A_28) -> (i32)  : i32 {
      %mul3A_70 = arith.constant 16 : i32
      %mul3A_71 = arith.muli %scan3A_68, %mul3A_70 : i32
      %swap3A = arith.index_cast %mul3A_71 : i32 to index
      %swap3A_72 = tpu.vector_load %arg8[%swap3A] {strides = array<i32>} : memref<1024xi32, #tpu.memory_space<vmem>>, vector<16xi32>,
      tpu.vector_store %arg8[%swap3A], %broadcast_in_dim3A_13 {strides = array<i32>} : memref<1024xi32, #tpu.memory_space<vmem>>, vector<16xi32>,
      %scan3A_73 = arith.constant 0 : i32
      scf.yield %scan3A_73 : i32
    }
    %scan3A_34 = arith.constant 64 : i32
    %iota3A = tpu.iota {dimensions = array<i32: 0>} : vector<16xi32>
    %scan3A_35 = arith.constant 0 : i32
    %scan3A_36 = arith.constant 0 : i32
    %scan3A_37 = arith.constant 1568 : i32
    %scan3A_38 = arith.addi %scan3A_36, %scan3A_37 : i32
    %scan3A_39 = arith.constant 1 : i32
    %scan3A_40 = scf.for %scan3A_68 = %scan3A_36 to %scan3A_38 step %scan3A_39 iter_args(%scan3A_69 = %scan3A_35) -> (i32)  : i32 {
      "tpu.region"() ({
        %run_scoped3A = tpu.sem_alloc : memref<!tpu.dma_semaphore, #tpu.memory_space<semaphore_mem>>
        %dma_start3A = arith.constant 0 : i32
        %dma_start3A_81 = arith.constant 0 : i32
        %dma_start3A_82 = tpu.memref_slice %arg2[%scan3A_68, %dma_start3A, %dma_start3A_81] : memref<1568x4x512xi32, #tpu.memory_space<hbm>> -> memref<1x4x512xi32, #tpu.memory_space<hbm>>
        %dma_start3A_83 = tpu.memref_squeeze %dma_start3A_82 : memref<1x4x512xi32, #tpu.memory_space<hbm>> -> memref<4x512xi32, #tpu.memory_space<hbm>>
        %dma_start3A_84 = arith.constant 0 : i32
        %dma_start3A_85 = arith.constant 0 : i32
        %dma_start3A_86 = tpu.memref_slice %arg2[%scan3A_68, %dma_start3A_84, %dma_start3A_85] : memref<1568x4x512xi32, #tpu.memory_space<hbm>> -> memref<1x4x512xi32, #tpu.memory_space<hbm>>
        %dma_start3A_87 = tpu.memref_squeeze %dma_start3A_86 : memref<1x4x512xi32, #tpu.memory_space<hbm>> -> memref<4x512xi32, #tpu.memory_space<hbm>>
        tpu.enqueue_dma source(%dma_start3A_87 : memref<4x512xi32, #tpu.memory_space<hbm>>) target(%arg5 : memref<4x512xi32, #tpu.memory_space<vmem>>) target_semaphore(%run_scoped3A : memref<!tpu.dma_semaphore, #tpu.memory_space<semaphore_mem>>)
        %dma_wait3A = arith.constant 0 : i32
        %dma_wait3A_88 = arith.constant 0 : i32
        %dma_wait3A_89 = tpu.memref_slice %arg2[%scan3A_68, %dma_wait3A, %dma_wait3A_88] : memref<1568x4x512xi32, #tpu.memory_space<hbm>> -> memref<1x4x512xi32, #tpu.memory_space<hbm>>
        %dma_wait3A_90 = tpu.memref_squeeze %dma_wait3A_89 : memref<1x4x512xi32, #tpu.memory_space<hbm>> -> memref<4x512xi32, #tpu.memory_space<hbm>>
        %dma_wait3A_91 = arith.constant 0 : i32
        %dma_wait3A_92 = arith.constant 0 : i32
        %dma_wait3A_93 = tpu.memref_slice %arg2[%scan3A_68, %dma_wait3A_91, %dma_wait3A_92] : memref<1568x4x512xi32, #tpu.memory_space<hbm>> -> memref<1x4x512xi32, #tpu.memory_space<hbm>>
        %dma_wait3A_94 = tpu.memref_squeeze %dma_wait3A_93 : memref<1x4x512xi32, #tpu.memory_space<hbm>> -> memref<4x512xi32, #tpu.memory_space<hbm>>
        tpu.wait_dma2 semaphore(%run_scoped3A : memref<!tpu.dma_semaphore, #tpu.memory_space<semaphore_mem>>) src(%dma_wait3A_94 : memref<4x512xi32, #tpu.memory_space<hbm>>) dst(%arg5 : memref<4x512xi32, #tpu.memory_space<vmem>>)
        tpu.yield
      }) : () -> ()
      %scan3A_70 = arith.constant 0 : i32
      %scan3A_71 = arith.constant 32 : i32
      %scan3A_72 = arith.addi %scan3A_70, %scan3A_71 : i32
      %scan3A_73 = arith.constant 1 : i32
      %scan3A_74 = scf.for %scan3A_81 = %scan3A_70 to %scan3A_72 step %scan3A_73 iter_args(%scan3A_82 = %scan3A_69) -> (i32)  : i32 {
        %mul3A_83 = arith.constant 16 : i32
        %mul3A_84 = arith.muli %scan3A_81, %mul3A_83 : i32
        %get3A = arith.constant 0 : i32
        %get3A_85 = arith.index_cast %get3A : i32 to index
        %get3A_86 = arith.index_cast %mul3A_84 : i32 to index
        %get3A_87 = tpu.vector_load %arg5[%get3A_85, %get3A_86] {strides = array<i32>} : memref<4x512xi32, #tpu.memory_space<vmem>>, vector<16xi32>,
        %mul3A_88 = arith.constant 16 : i32
        %mul3A_89 = arith.muli %scan3A_81, %mul3A_88 : i32
        %get3A_90 = arith.constant 1 : i32
        %get3A_91 = arith.index_cast %get3A_90 : i32 to index
        %get3A_92 = arith.index_cast %mul3A_89 : i32 to index
        %get3A_93 = tpu.vector_load %arg5[%get3A_91, %get3A_92] {strides = array<i32>} : memref<4x512xi32, #tpu.memory_space<vmem>>, vector<16xi32>,
        %mul3A_94 = arith.constant 16 : i32
        %mul3A_95 = arith.muli %scan3A_81, %mul3A_94 : i32
        %get3A_96 = arith.constant 2 : i32
        %get3A_97 = arith.index_cast %get3A_96 : i32 to index
        %get3A_98 = arith.index_cast %mul3A_95 : i32 to index
        %get3A_99 = tpu.vector_load %arg5[%get3A_97, %get3A_98] {strides = array<i32>} : memref<4x512xi32, #tpu.memory_space<vmem>>, vector<16xi32>,
        %bitcast_convert_type3A = tpu.bitcast %get3A_99 : vector<16xi32> -> vector<16xf32>
        %mul3A_100 = arith.constant 16 : i32
        %mul3A_101 = arith.muli %scan3A_81, %mul3A_100 : i32
        %get3A_102 = arith.constant 3 : i32
        %get3A_103 = arith.index_cast %get3A_102 : i32 to index
        %get3A_104 = arith.index_cast %mul3A_101 : i32 to index
        %get3A_105 = tpu.vector_load %arg5[%get3A_103, %get3A_104] {strides = array<i32>} : memref<4x512xi32, #tpu.memory_space<vmem>>, vector<16xi32>,
        %bitcast_convert_type3A_106 = tpu.bitcast %get3A_105 : vector<16xi32> -> vector<16xf32>
        %mul3A_107 = arith.constant 4.000000e+00 : f32
        %mul3A_108 = vector.broadcast %mul3A_107 : f32 to vector<16xf32>
        %mul3A_109 = arith.mulf %bitcast_convert_type3A, %mul3A_108 : vector<16xf32>
        %mul3A_110 = arith.constant 4.000000e+00 : f32
        %mul3A_111 = vector.broadcast %mul3A_110 : f32 to vector<16xf32>
        %mul3A_112 = arith.mulf %bitcast_convert_type3A_106, %mul3A_111 : vector<16xf32>
        %convert_element_type3A_113 = arith.fptosi %mul3A_109 : vector<16xf32> to vector<16xi32>
        %jit3A_114 = arith.constant 0 : i32
        %jit3A_115 = arith.constant 3 : i32
        %max3A = vector.broadcast %jit3A_114 : i32 to vector<16xi32>
        %max3A_116 = arith.maxsi %max3A, %convert_element_type3A_113 : vector<16xi32>
        %min3A = vector.broadcast %jit3A_115 : i32 to vector<16xi32>
        %min3A_117 = arith.minsi %min3A, %max3A_116 : vector<16xi32>
        %convert_element_type3A_118 = arith.fptosi %mul3A_112 : vector<16xf32> to vector<16xi32>
        %jit3A_119 = arith.constant 0 : i32
        %jit3A_120 = arith.constant 3 : i32
        %max3A_121 = vector.broadcast %jit3A_119 : i32 to vector<16xi32>
        %max3A_122 = arith.maxsi %max3A_121, %convert_element_type3A_118 : vector<16xi32>
        %min3A_123 = vector.broadcast %jit3A_120 : i32 to vector<16xi32>
        %min3A_124 = arith.minsi %min3A_123, %max3A_122 : vector<16xi32>
        %convert_element_type3A_125 = arith.sitofp %min3A_117 : vector<16xi32> to vector<16xf32>
        %sub3A_126 = arith.subf %mul3A_109, %convert_element_type3A_125 : vector<16xf32>
        %convert_element_type3A_127 = arith.sitofp %min3A_124 : vector<16xi32> to vector<16xf32>
        %sub3A_128 = arith.subf %mul3A_112, %convert_element_type3A_127 : vector<16xf32>
        %sub3A_129 = arith.constant 1.000000e+00 : f32
        %sub3A_130 = vector.broadcast %sub3A_129 : f32 to vector<16xf32>
        %sub3A_131 = arith.subf %sub3A_130, %sub3A_126 : vector<16xf32>
        %sub3A_132 = arith.constant 1.000000e+00 : f32
        %sub3A_133 = vector.broadcast %sub3A_132 : f32 to vector<16xf32>
        %sub3A_134 = arith.subf %sub3A_133, %sub3A_128 : vector<16xf32>
        %mul3A_135 = arith.mulf %sub3A_131, %sub3A_134 : vector<16xf32>
        %sub3A_136 = arith.constant 1.000000e+00 : f32
        %sub3A_137 = vector.broadcast %sub3A_136 : f32 to vector<16xf32>
        %sub3A_138 = arith.subf %sub3A_137, %sub3A_128 : vector<16xf32>
        %mul3A_139 = arith.mulf %sub3A_126, %sub3A_138 : vector<16xf32>
        %sub3A_140 = arith.constant 1.000000e+00 : f32
        %sub3A_141 = vector.broadcast %sub3A_140 : f32 to vector<16xf32>
        %sub3A_142 = arith.subf %sub3A_141, %sub3A_126 : vector<16xf32>
        %mul3A_143 = arith.mulf %sub3A_142, %sub3A_128 : vector<16xf32>
        %mul3A_144 = arith.mulf %sub3A_126, %sub3A_128 : vector<16xf32>
        %mul3A_145 = arith.constant 5 : i32
        %mul3A_146 = vector.broadcast %mul3A_145 : i32 to vector<16xi32>
        %mul3A_147 = arith.muli %min3A_124, %mul3A_146 : vector<16xi32>
        %add3A_148 = arith.addi %min3A_117, %mul3A_147 : vector<16xi32>
        %ge3A_149 = vector.broadcast %mul3A_2 : i32 to vector<16xi32>
        %ge3A_150 = arith.cmpi sge, %get3A_93, %ge3A_149 : vector<16xi32>
        %add3A_151 = arith.constant 1568 : i32
        %add3A_152 = arith.addi %mul3A_2, %add3A_151 : i32
        %lt3A = vector.broadcast %add3A_152 : i32 to vector<16xi32>
        %lt3A_153 = arith.cmpi slt, %get3A_93, %lt3A : vector<16xi32>
        %and3A_154 = arith.andi %ge3A_150, %lt3A_153 : vector<16xi1>
        %sub3A_155 = vector.broadcast %mul3A_2 : i32 to vector<16xi32>
        %sub3A_156 = arith.subi %get3A_93, %sub3A_155 : vector<16xi32>
        %jit3A_157 = arith.constant 0 : i32
        %broadcast_in_dim3A_158 = vector.broadcast %jit3A_157 : i32 to vector<16xi32>
        %select_n3A_159 = arith.select %and3A_154, %sub3A_156, %broadcast_in_dim3A_158 : vector<16xi1>, vector<16xi32>
        %mul3A_160 = arith.constant 25 : i32
        %mul3A_161 = vector.broadcast %mul3A_160 : i32 to vector<16xi32>
        %mul3A_162 = arith.muli %get3A_87, %mul3A_161 : vector<16xi32>
        %add3A_163 = arith.addi %mul3A_162, %add3A_148 : vector<16xi32>
        %add3A_164 = arith.constant 0 : i32
        %add3A_165 = arith.addi %add3A_164, %scan3A_82 : i32
        %add3A_166 = arith.constant 0 : i32
        %add3A_167 = vector.broadcast %add3A_166 : i32 to vector<16xi32>
        %add3A_168 = arith.addi %add3A_163, %add3A_167 : vector<16xi32>
        %swap3A = arith.index_cast %add3A_165 : i32 to index
        %swap3A_169 = tpu.vector_load %arg6[%swap3A] masked %and3A_154 {strides = array<i32>} : memref<4096xi32, #tpu.memory_space<vmem>>, vector<16xi32>, vector<16xi1>
        tpu.vector_store %arg6[%swap3A], %add3A_168 masked %and3A_154 {strides = array<i32>} : memref<4096xi32, #tpu.memory_space<vmem>>, vector<16xi32>, vector<16xi1>
        %add3A_170 = arith.constant 0 : i32
        %add3A_171 = arith.addi %add3A_170, %scan3A_82 : i32
        %swap3A_172 = arith.index_cast %add3A_171 : i32 to index
        %swap3A_173 = tpu.vector_load %arg7[%swap3A_172] masked %and3A_154 {strides = array<i32>} : memref<4096xf32, #tpu.memory_space<vmem>>, vector<16xf32>, vector<16xi1>
        tpu.vector_store %arg7[%swap3A_172], %mul3A_135 masked %and3A_154 {strides = array<i32>} : memref<4096xf32, #tpu.memory_space<vmem>>, vector<16xf32>, vector<16xi1>
        %add3A_174 = arith.constant 1024 : i32
        %add3A_175 = arith.addi %add3A_174, %scan3A_82 : i32
        %add3A_176 = arith.constant 1 : i32
        %add3A_177 = vector.broadcast %add3A_176 : i32 to vector<16xi32>
        %add3A_178 = arith.addi %add3A_163, %add3A_177 : vector<16xi32>
        %swap3A_179 = arith.index_cast %add3A_175 : i32 to index
        %swap3A_180 = tpu.vector_load %arg6[%swap3A_179] masked %and3A_154 {strides = array<i32>} : memref<4096xi32, #tpu.memory_space<vmem>>, vector<16xi32>, vector<16xi1>
        tpu.vector_store %arg6[%swap3A_179], %add3A_178 masked %and3A_154 {strides = array<i32>} : memref<4096xi32, #tpu.memory_space<vmem>>, vector<16xi32>, vector<16xi1>
        %add3A_181 = arith.constant 1024 : i32
        %add3A_182 = arith.addi %add3A_181, %scan3A_82 : i32
        %swap3A_183 = arith.index_cast %add3A_182 : i32 to index
        %swap3A_184 = tpu.vector_load %arg7[%swap3A_183] masked %and3A_154 {strides = array<i32>} : memref<4096xf32, #tpu.memory_space<vmem>>, vector<16xf32>, vector<16xi1>
        tpu.vector_store %arg7[%swap3A_183], %mul3A_139 masked %and3A_154 {strides = array<i32>} : memref<4096xf32, #tpu.memory_space<vmem>>, vector<16xf32>, vector<16xi1>
        %add3A_185 = arith.constant 2048 : i32
        %add3A_186 = arith.addi %add3A_185, %scan3A_82 : i32
        %add3A_187 = arith.constant 5 : i32
        %add3A_188 = vector.broadcast %add3A_187 : i32 to vector<16xi32>
        %add3A_189 = arith.addi %add3A_163, %add3A_188 : vector<16xi32>
        %swap3A_190 = arith.index_cast %add3A_186 : i32 to index
        %swap3A_191 = tpu.vector_load %arg6[%swap3A_190] masked %and3A_154 {strides = array<i32>} : memref<4096xi32, #tpu.memory_space<vmem>>, vector<16xi32>, vector<16xi1>
        tpu.vector_store %arg6[%swap3A_190], %add3A_189 masked %and3A_154 {strides = array<i32>} : memref<4096xi32, #tpu.memory_space<vmem>>, vector<16xi32>, vector<16xi1>
        %add3A_192 = arith.constant 2048 : i32
        %add3A_193 = arith.addi %add3A_192, %scan3A_82 : i32
        %swap3A_194 = arith.index_cast %add3A_193 : i32 to index
        %swap3A_195 = tpu.vector_load %arg7[%swap3A_194] masked %and3A_154 {strides = array<i32>} : memref<4096xf32, #tpu.memory_space<vmem>>, vector<16xf32>, vector<16xi1>
        tpu.vector_store %arg7[%swap3A_194], %mul3A_143 masked %and3A_154 {strides = array<i32>} : memref<4096xf32, #tpu.memory_space<vmem>>, vector<16xf32>, vector<16xi1>
        %add3A_196 = arith.constant 3072 : i32
        %add3A_197 = arith.addi %add3A_196, %scan3A_82 : i32
        %add3A_198 = arith.constant 6 : i32
        %add3A_199 = vector.broadcast %add3A_198 : i32 to vector<16xi32>
        %add3A_200 = arith.addi %add3A_163, %add3A_199 : vector<16xi32>
        %swap3A_201 = arith.index_cast %add3A_197 : i32 to index
        %swap3A_202 = tpu.vector_load %arg6[%swap3A_201] masked %and3A_154 {strides = array<i32>} : memref<4096xi32, #tpu.memory_space<vmem>>, vector<16xi32>, vector<16xi1>
        tpu.vector_store %arg6[%swap3A_201], %add3A_200 masked %and3A_154 {strides = array<i32>} : memref<4096xi32, #tpu.memory_space<vmem>>, vector<16xi32>, vector<16xi1>
        %add3A_203 = arith.constant 3072 : i32
        %add3A_204 = arith.addi %add3A_203, %scan3A_82 : i32
        %swap3A_205 = arith.index_cast %add3A_204 : i32 to index
        %swap3A_206 = tpu.vector_load %arg7[%swap3A_205] masked %and3A_154 {strides = array<i32>} : memref<4096xf32, #tpu.memory_space<vmem>>, vector<16xf32>, vector<16xi1>
        tpu.vector_store %arg7[%swap3A_205], %mul3A_144 masked %and3A_154 {strides = array<i32>} : memref<4096xf32, #tpu.memory_space<vmem>>, vector<16xf32>, vector<16xi1>
        %swap3A_207 = arith.index_cast %scan3A_82 : i32 to index
        %swap3A_208 = tpu.vector_load %arg8[%swap3A_207] masked %and3A_154 {strides = array<i32>} : memref<1024xi32, #tpu.memory_space<vmem>>, vector<16xi32>, vector<16xi1>
        tpu.vector_store %arg8[%swap3A_207], %select_n3A_159 masked %and3A_154 {strides = array<i32>} : memref<1024xi32, #tpu.memory_space<vmem>>, vector<16xi32>, vector<16xi1>
        %convert_element_type3A_209 = arith.extui %and3A_154 : vector<16xi1> to vector<16xi32>
        %reduce_sum3A = arith.constant true
        %reduce_sum3A_210 = vector.broadcast %reduce_sum3A : i1 to vector<16xi1>
        %reduce_sum3A_211 = tpu.scan <sum>, %convert_element_type3A_209 masked %reduce_sum3A_210 : vector<16xi32>, vector<16xi1> -> vector<16xi32>
        %reduce_sum3A_212 = vector.extract %reduce_sum3A_211[15] : i32 from vector<16xi32>
        %add3A_213 = arith.addi %scan3A_82, %reduce_sum3A_212 : i32
        scf.yield %add3A_213 : i32
      }
      %scan3A_75 = arith.constant 32 : i32
      %ge3A = arith.constant 512 : i32
      %ge3A_76 = arith.cmpi sge, %scan3A_74, %ge3A : i32
      %convert_element_type3A_77 = arith.extui %ge3A_76 : i1 to i32
      %cond3A_78 = arith.constant 0 : i32
      %cond3A_79 = arith.cmpi ne, %convert_element_type3A_77, %cond3A_78 : i32
      %cond3A_80 = scf.if %cond3A_79 -> (i32) {
        %add3A_81 = arith.constant 128 : i32
        %add3A_82 = arith.addi %scan3A_74, %add3A_81 : i32
        %sub3A_83 = arith.constant 1 : i32
        %sub3A_84 = arith.subi %add3A_82, %sub3A_83 : i32
        %jit3A_85 = arith.constant 128 : i32
        %div3A_86 = arith.divsi %sub3A_84, %jit3A_85 : i32
        %sign3A_87 = arith.constant 0 : i32
        %sign3A_88 = arith.cmpi sgt, %sub3A_84, %sign3A_87 : i32
        %sign3A_89 = arith.extui %sign3A_88 : i1 to i32
        %sign3A_90 = arith.constant 0 : i32
        %sign3A_91 = arith.cmpi slt, %sub3A_84, %sign3A_90 : i32
        %sign3A_92 = arith.extui %sign3A_91 : i1 to i32
        %sign3A_93 = arith.subi %sign3A_89, %sign3A_92 : i32
        %sign3A_94 = arith.constant 0 : i32
        %sign3A_95 = arith.cmpi sgt, %jit3A_85, %sign3A_94 : i32
        %sign3A_96 = arith.extui %sign3A_95 : i1 to i32
        %sign3A_97 = arith.constant 0 : i32
        %sign3A_98 = arith.cmpi slt, %jit3A_85, %sign3A_97 : i32
        %sign3A_99 = arith.extui %sign3A_98 : i1 to i32
        %sign3A_100 = arith.subi %sign3A_96, %sign3A_99 : i32
        %ne3A_101 = arith.cmpi ne, %sign3A_93, %sign3A_100 : i32
        %rem3A_102 = arith.remsi %sub3A_84, %jit3A_85 : i32
        %ne3A_103 = arith.constant 0 : i32
        %ne3A_104 = arith.cmpi ne, %rem3A_102, %ne3A_103 : i32
        %and3A_105 = arith.andi %ne3A_101, %ne3A_104 : i1
        %sub3A_106 = arith.constant 1 : i32
        %sub3A_107 = arith.subi %div3A_86, %sub3A_106 : i32
        %select_n3A_108 = arith.select %and3A_105, %sub3A_107, %div3A_86 : i32
        %mul3A_109 = arith.constant 4 : i32
        %mul3A_110 = arith.muli %select_n3A_108, %mul3A_109 : i32
        %gt3A_111 = arith.constant 0 : i32
        %gt3A_112 = arith.cmpi sgt, %mul3A_110, %gt3A_111 : i32
        %convert_element_type3A_113 = arith.extui %gt3A_112 : i1 to i32
        %cond3A_114 = arith.constant 0 : i32
        %cond3A_115 = arith.constant 1 : i32
        %cond3A_116 = arith.constant 0 : i32
        %cond3A_117 = arith.cmpi ne, %convert_element_type3A_113, %cond3A_116 : i32
        scf.if %cond3A_117 {
          %dma_start3A = arith.constant 0 : i32
          %dma_start3A_140 = arith.constant 0 : i32
          %dma_start3A_141 = tpu.memref_slice %arg9[%cond3A_114, %dma_start3A, %dma_start3A_140] : memref<2x128x64xf32, #tpu.memory_space<vmem>> -> memref<1x128x64xf32, #tpu.memory_space<vmem>>
          %dma_start3A_142 = tpu.memref_squeeze %dma_start3A_141 : memref<1x128x64xf32, #tpu.memory_space<vmem>> -> memref<128x64xf32, #tpu.memory_space<vmem>>
          %dma_start3A_143 = arith.constant 0 : i32
          %dma_start3A_144 = tpu.memref_slice %arg6[%dma_start3A_143] : memref<4096xi32, #tpu.memory_space<vmem>> -> memref<128xi32, #tpu.memory_space<vmem>>
          %dma_start3A_145 = arith.constant 0 : i32
          %dma_start3A_146 = arith.constant 0 : i32
          %dma_start3A_147 = tpu.memref_slice %arg3[%dma_start3A_145, %dma_start3A_146] : memref<1254400x64xf32, #tpu.memory_space<hbm>> -> memref<1254400x64xf32, #tpu.memory_space<hbm>>
          tpu.enqueue_indirect_dma source(%dma_start3A_147 : memref<1254400x64xf32, #tpu.memory_space<hbm>>) target(%dma_start3A_142 : memref<128x64xf32, #tpu.memory_space<vmem>>) offsets(%dma_start3A_144 : memref<128xi32, #tpu.memory_space<vmem>>) semaphore(%arg11 : memref<!tpu.dma_semaphore, #tpu.memory_space<semaphore_mem>>)
          %jit3A_148 = arith.constant 2 : i32
          %div3A_149 = arith.divsi %mul3A_110, %jit3A_148 : i32
          %sign3A_150 = arith.constant 0 : i32
          %sign3A_151 = arith.cmpi sgt, %mul3A_110, %sign3A_150 : i32
          %sign3A_152 = arith.extui %sign3A_151 : i1 to i32
          %sign3A_153 = arith.constant 0 : i32
          %sign3A_154 = arith.cmpi slt, %mul3A_110, %sign3A_153 : i32
          %sign3A_155 = arith.extui %sign3A_154 : i1 to i32
          %sign3A_156 = arith.subi %sign3A_152, %sign3A_155 : i32
          %sign3A_157 = arith.constant 0 : i32
          %sign3A_158 = arith.cmpi sgt, %jit3A_148, %sign3A_157 : i32
          %sign3A_159 = arith.extui %sign3A_158 : i1 to i32
          %sign3A_160 = arith.constant 0 : i32
          %sign3A_161 = arith.cmpi slt, %jit3A_148, %sign3A_160 : i32
          %sign3A_162 = arith.extui %sign3A_161 : i1 to i32
          %sign3A_163 = arith.subi %sign3A_159, %sign3A_162 : i32
          %ne3A_164 = arith.cmpi ne, %sign3A_156, %sign3A_163 : i32
          %rem3A_165 = arith.remsi %mul3A_110, %jit3A_148 : i32
          %ne3A_166 = arith.constant 0 : i32
          %ne3A_167 = arith.cmpi ne, %rem3A_165, %ne3A_166 : i32
          %and3A_168 = arith.andi %ne3A_164, %ne3A_167 : i1
          %sub3A_169 = arith.constant 1 : i32
          %sub3A_170 = arith.subi %div3A_149, %sub3A_169 : i32
          %select_n3A_171 = arith.select %and3A_168, %sub3A_170, %div3A_149 : i32
          %while3A = arith.constant 0 : i32
          %while3A_172 = arith.constant 0 : i32
          %while3A_173 = arith.subi %select_n3A_171, %while3A : i32
          %while3A_174 = arith.addi %while3A, %while3A_173 : i32
          %while3A_175 = arith.constant 1 : i32
          %while3A_176 = arith.divsi %while3A_173, %while3A_175 : i32
          %while3A_177 = arith.muli %while3A_176, %while3A_175 : i32
          %while3A_178 = arith.addi %while3A, %while3A_177 : i32
          %while3A_179 = arith.constant 1 : i32
          %while3A_180 = scf.for %while3A_183 = %while3A to %while3A_178 step %while3A_179 iter_args(%while3A_184 = %while3A_172) -> (i32)  : i32 {
            %mul3A_185 = arith.constant 2 : i32
            %mul3A_186 = arith.muli %mul3A_185, %while3A_183 : i32
            %add3A_187 = arith.constant 1 : i32
            %add3A_188 = arith.addi %mul3A_186, %add3A_187 : i32
            %jit3A_189 = arith.constant 4 : i32
            %eq3A = arith.constant 0 : i32
            %eq3A_190 = arith.cmpi eq, %jit3A_189, %eq3A : i32
            %jit3A_191 = arith.constant 1 : i32
            %select_n3A_192 = arith.select %eq3A_190, %jit3A_191, %jit3A_189 : i32
            %rem3A_193 = arith.remsi %add3A_188, %select_n3A_192 : i32
            %ne3A_194 = arith.constant 0 : i32
            %ne3A_195 = arith.cmpi ne, %rem3A_193, %ne3A_194 : i32
            %lt3A = arith.constant 0 : i32
            %lt3A_196 = arith.cmpi slt, %rem3A_193, %lt3A : i32
            %lt3A_197 = arith.constant 0 : i32
            %lt3A_198 = arith.cmpi slt, %select_n3A_192, %lt3A_197 : i32
            %ne3A_199 = arith.xori %lt3A_196, %lt3A_198 : i1
            %and3A_200 = arith.andi %ne3A_199, %ne3A_195 : i1
            %add3A_201 = arith.addi %rem3A_193, %select_n3A_192 : i32
            %select_n3A_202 = arith.select %and3A_200, %add3A_201, %rem3A_193 : i32
            %mul3A_203 = arith.constant 1024 : i32
            %mul3A_204 = arith.muli %select_n3A_202, %mul3A_203 : i32
            %jit3A_205 = arith.constant 4 : i32
            %div3A_206 = arith.divsi %add3A_188, %jit3A_205 : i32
            %sign3A_207 = arith.constant 0 : i32
            %sign3A_208 = arith.cmpi sgt, %add3A_188, %sign3A_207 : i32
            %sign3A_209 = arith.extui %sign3A_208 : i1 to i32
            %sign3A_210 = arith.constant 0 : i32
            %sign3A_211 = arith.cmpi slt, %add3A_188, %sign3A_210 : i32
            %sign3A_212 = arith.extui %sign3A_211 : i1 to i32
            %sign3A_213 = arith.subi %sign3A_209, %sign3A_212 : i32
            %sign3A_214 = arith.constant 0 : i32
            %sign3A_215 = arith.cmpi sgt, %jit3A_205, %sign3A_214 : i32
            %sign3A_216 = arith.extui %sign3A_215 : i1 to i32
            %sign3A_217 = arith.constant 0 : i32
            %sign3A_218 = arith.cmpi slt, %jit3A_205, %sign3A_217 : i32
            %sign3A_219 = arith.extui %sign3A_218 : i1 to i32
            %sign3A_220 = arith.subi %sign3A_216, %sign3A_219 : i32
            %ne3A_221 = arith.cmpi ne, %sign3A_213, %sign3A_220 : i32
            %rem3A_222 = arith.remsi %add3A_188, %jit3A_205 : i32
            %ne3A_223 = arith.constant 0 : i32
            %ne3A_224 = arith.cmpi ne, %rem3A_222, %ne3A_223 : i32
            %and3A_225 = arith.andi %ne3A_221, %ne3A_224 : i1
            %sub3A_226 = arith.constant 1 : i32
            %sub3A_227 = arith.subi %div3A_206, %sub3A_226 : i32
            %select_n3A_228 = arith.select %and3A_225, %sub3A_227, %div3A_206 : i32
            %mul3A_229 = arith.constant 128 : i32
            %mul3A_230 = arith.muli %select_n3A_228, %mul3A_229 : i32
            %add3A_231 = arith.addi %mul3A_204, %mul3A_230 : i32
            %dma_start3A_232 = arith.constant 0 : i32
            %dma_start3A_233 = arith.constant 0 : i32
            %dma_start3A_234 = tpu.memref_slice %arg9[%cond3A_115, %dma_start3A_232, %dma_start3A_233] : memref<2x128x64xf32, #tpu.memory_space<vmem>> -> memref<1x128x64xf32, #tpu.memory_space<vmem>>
            %dma_start3A_235 = tpu.memref_squeeze %dma_start3A_234 : memref<1x128x64xf32, #tpu.memory_space<vmem>> -> memref<128x64xf32, #tpu.memory_space<vmem>>
            %dma_start3A_236 = tpu.memref_slice %arg6[%add3A_231] : memref<4096xi32, #tpu.memory_space<vmem>> -> memref<128xi32, #tpu.memory_space<vmem>>
            %dma_start3A_237 = arith.constant 0 : i32
            %dma_start3A_238 = arith.constant 0 : i32
            %dma_start3A_239 = tpu.memref_slice %arg3[%dma_start3A_237, %dma_start3A_238] : memref<1254400x64xf32, #tpu.memory_space<hbm>> -> memref<1254400x64xf32, #tpu.memory_space<hbm>>
            tpu.enqueue_indirect_dma source(%dma_start3A_239 : memref<1254400x64xf32, #tpu.memory_space<hbm>>) target(%dma_start3A_235 : memref<128x64xf32, #tpu.memory_space<vmem>>) offsets(%dma_start3A_236 : memref<128xi32, #tpu.memory_space<vmem>>) semaphore(%arg12 : memref<!tpu.dma_semaphore, #tpu.memory_space<semaphore_mem>>)
            %jit3A_240 = arith.constant 4 : i32
            %eq3A_241 = arith.constant 0 : i32
            %eq3A_242 = arith.cmpi eq, %jit3A_240, %eq3A_241 : i32
            %jit3A_243 = arith.constant 1 : i32
            %select_n3A_244 = arith.select %eq3A_242, %jit3A_243, %jit3A_240 : i32
            %rem3A_245 = arith.remsi %mul3A_186, %select_n3A_244 : i32
            %ne3A_246 = arith.constant 0 : i32
            %ne3A_247 = arith.cmpi ne, %rem3A_245, %ne3A_246 : i32
            %lt3A_248 = arith.constant 0 : i32
            %lt3A_249 = arith.cmpi slt, %rem3A_245, %lt3A_248 : i32
            %lt3A_250 = arith.constant 0 : i32
            %lt3A_251 = arith.cmpi slt, %select_n3A_244, %lt3A_250 : i32
            %ne3A_252 = arith.xori %lt3A_249, %lt3A_251 : i1
            %and3A_253 = arith.andi %ne3A_252, %ne3A_247 : i1
            %add3A_254 = arith.addi %rem3A_245, %select_n3A_244 : i32
            %select_n3A_255 = arith.select %and3A_253, %add3A_254, %rem3A_245 : i32
            %mul3A_256 = arith.constant 1024 : i32
            %mul3A_257 = arith.muli %select_n3A_255, %mul3A_256 : i32
            %jit3A_258 = arith.constant 4 : i32
            %div3A_259 = arith.divsi %mul3A_186, %jit3A_258 : i32
            %sign3A_260 = arith.constant 0 : i32
            %sign3A_261 = arith.cmpi sgt, %mul3A_186, %sign3A_260 : i32
            %sign3A_262 = arith.extui %sign3A_261 : i1 to i32
            %sign3A_263 = arith.constant 0 : i32
            %sign3A_264 = arith.cmpi slt, %mul3A_186, %sign3A_263 : i32
            %sign3A_265 = arith.extui %sign3A_264 : i1 to i32
            %sign3A_266 = arith.subi %sign3A_262, %sign3A_265 : i32
            %sign3A_267 = arith.constant 0 : i32
            %sign3A_268 = arith.cmpi sgt, %jit3A_258, %sign3A_267 : i32
            %sign3A_269 = arith.extui %sign3A_268 : i1 to i32
            %sign3A_270 = arith.constant 0 : i32
            %sign3A_271 = arith.cmpi slt, %jit3A_258, %sign3A_270 : i32
            %sign3A_272 = arith.extui %sign3A_271 : i1 to i32
            %sign3A_273 = arith.subi %sign3A_269, %sign3A_272 : i32
            %ne3A_274 = arith.cmpi ne, %sign3A_266, %sign3A_273 : i32
            %rem3A_275 = arith.remsi %mul3A_186, %jit3A_258 : i32
            %ne3A_276 = arith.constant 0 : i32
            %ne3A_277 = arith.cmpi ne, %rem3A_275, %ne3A_276 : i32
            %and3A_278 = arith.andi %ne3A_274, %ne3A_277 : i1
            %sub3A_279 = arith.constant 1 : i32
            %sub3A_280 = arith.subi %div3A_259, %sub3A_279 : i32
            %select_n3A_281 = arith.select %and3A_278, %sub3A_280, %div3A_259 : i32
            %mul3A_282 = arith.constant 128 : i32
            %mul3A_283 = arith.muli %select_n3A_281, %mul3A_282 : i32
            %add3A_284 = arith.addi %mul3A_257, %mul3A_283 : i32
            %dma_wait3A = arith.constant 0 : i32
            %dma_wait3A_285 = arith.constant 0 : i32
            %dma_wait3A_286 = tpu.memref_slice %arg9[%cond3A_114, %dma_wait3A, %dma_wait3A_285] : memref<2x128x64xf32, #tpu.memory_space<vmem>> -> memref<1x128x64xf32, #tpu.memory_space<vmem>>
            %dma_wait3A_287 = tpu.memref_squeeze %dma_wait3A_286 : memref<1x128x64xf32, #tpu.memory_space<vmem>> -> memref<128x64xf32, #tpu.memory_space<vmem>>
            %dma_wait3A_288 = tpu.memref_slice %arg6[%add3A_284] : memref<4096xi32, #tpu.memory_space<vmem>> -> memref<128xi32, #tpu.memory_space<vmem>>
            %dma_wait3A_289 = arith.constant 0 : i32
            %dma_wait3A_290 = arith.constant 0 : i32
            %dma_wait3A_291 = tpu.memref_slice %arg3[%dma_wait3A_289, %dma_wait3A_290] : memref<1254400x64xf32, #tpu.memory_space<hbm>> -> memref<1254400x64xf32, #tpu.memory_space<hbm>>
            tpu.wait_indirect_dma semaphore(%arg11 : memref<!tpu.dma_semaphore, #tpu.memory_space<semaphore_mem>>) src(%dma_wait3A_291 : memref<1254400x64xf32, #tpu.memory_space<hbm>>) dst(%dma_wait3A_287 : memref<128x64xf32, #tpu.memory_space<vmem>>)
            %jit3A_292 = arith.constant 4 : i32
            %eq3A_293 = arith.constant 0 : i32
            %eq3A_294 = arith.cmpi eq, %jit3A_292, %eq3A_293 : i32
            %jit3A_295 = arith.constant 1 : i32
            %select_n3A_296 = arith.select %eq3A_294, %jit3A_295, %jit3A_292 : i32
            %rem3A_297 = arith.remsi %mul3A_186, %select_n3A_296 : i32
            %ne3A_298 = arith.constant 0 : i32
            %ne3A_299 = arith.cmpi ne, %rem3A_297, %ne3A_298 : i32
            %lt3A_300 = arith.constant 0 : i32
            %lt3A_301 = arith.cmpi slt, %rem3A_297, %lt3A_300 : i32
            %lt3A_302 = arith.constant 0 : i32
            %lt3A_303 = arith.cmpi slt, %select_n3A_296, %lt3A_302 : i32
            %ne3A_304 = arith.xori %lt3A_301, %lt3A_303 : i1
            %and3A_305 = arith.andi %ne3A_304, %ne3A_299 : i1
            %add3A_306 = arith.addi %rem3A_297, %select_n3A_296 : i32
            %select_n3A_307 = arith.select %and3A_305, %add3A_306, %rem3A_297 : i32
            %mul3A_308 = arith.constant 1024 : i32
            %mul3A_309 = arith.muli %select_n3A_307, %mul3A_308 : i32
            %jit3A_310 = arith.constant 4 : i32
            %div3A_311 = arith.divsi %mul3A_186, %jit3A_310 : i32
            %sign3A_312 = arith.constant 0 : i32
            %sign3A_313 = arith.cmpi sgt, %mul3A_186, %sign3A_312 : i32
            %sign3A_314 = arith.extui %sign3A_313 : i1 to i32
            %sign3A_315 = arith.constant 0 : i32
            %sign3A_316 = arith.cmpi slt, %mul3A_186, %sign3A_315 : i32
            %sign3A_317 = arith.extui %sign3A_316 : i1 to i32
            %sign3A_318 = arith.subi %sign3A_314, %sign3A_317 : i32
            %sign3A_319 = arith.constant 0 : i32
            %sign3A_320 = arith.cmpi sgt, %jit3A_310, %sign3A_319 : i32
            %sign3A_321 = arith.extui %sign3A_320 : i1 to i32
            %sign3A_322 = arith.constant 0 : i32
            %sign3A_323 = arith.cmpi slt, %jit3A_310, %sign3A_322 : i32
            %sign3A_324 = arith.extui %sign3A_323 : i1 to i32
            %sign3A_325 = arith.subi %sign3A_321, %sign3A_324 : i32
            %ne3A_326 = arith.cmpi ne, %sign3A_318, %sign3A_325 : i32
            %rem3A_327 = arith.remsi %mul3A_186, %jit3A_310 : i32
            %ne3A_328 = arith.constant 0 : i32
            %ne3A_329 = arith.cmpi ne, %rem3A_327, %ne3A_328 : i32
            %and3A_330 = arith.andi %ne3A_326, %ne3A_329 : i1
            %sub3A_331 = arith.constant 1 : i32
            %sub3A_332 = arith.subi %div3A_311, %sub3A_331 : i32
            %select_n3A_333 = arith.select %and3A_330, %sub3A_332, %div3A_311 : i32
            %mul3A_334 = arith.constant 128 : i32
            %mul3A_335 = arith.muli %select_n3A_333, %mul3A_334 : i32
            %add3A_336 = arith.addi %mul3A_309, %mul3A_335 : i32
            %jit3A_337 = arith.constant 4 : i32
            %div3A_338 = arith.divsi %mul3A_186, %jit3A_337 : i32
            %sign3A_339 = arith.constant 0 : i32
            %sign3A_340 = arith.cmpi sgt, %mul3A_186, %sign3A_339 : i32
            %sign3A_341 = arith.extui %sign3A_340 : i1 to i32
            %sign3A_342 = arith.constant 0 : i32
            %sign3A_343 = arith.cmpi slt, %mul3A_186, %sign3A_342 : i32
            %sign3A_344 = arith.extui %sign3A_343 : i1 to i32
            %sign3A_345 = arith.subi %sign3A_341, %sign3A_344 : i32
            %sign3A_346 = arith.constant 0 : i32
            %sign3A_347 = arith.cmpi sgt, %jit3A_337, %sign3A_346 : i32
            %sign3A_348 = arith.extui %sign3A_347 : i1 to i32
            %sign3A_349 = arith.constant 0 : i32
            %sign3A_350 = arith.cmpi slt, %jit3A_337, %sign3A_349 : i32
            %sign3A_351 = arith.extui %sign3A_350 : i1 to i32
            %sign3A_352 = arith.subi %sign3A_348, %sign3A_351 : i32
            %ne3A_353 = arith.cmpi ne, %sign3A_345, %sign3A_352 : i32
            %rem3A_354 = arith.remsi %mul3A_186, %jit3A_337 : i32
            %ne3A_355 = arith.constant 0 : i32
            %ne3A_356 = arith.cmpi ne, %rem3A_354, %ne3A_355 : i32
            %and3A_357 = arith.andi %ne3A_353, %ne3A_356 : i1
            %sub3A_358 = arith.constant 1 : i32
            %sub3A_359 = arith.subi %div3A_338, %sub3A_358 : i32
            %select_n3A_360 = arith.select %and3A_357, %sub3A_359, %div3A_338 : i32
            %mul3A_361 = arith.constant 128 : i32
            %mul3A_362 = arith.muli %select_n3A_360, %mul3A_361 : i32
            %scan3A_363 = arith.constant 0 : i32
            %scan3A_364 = arith.constant 0 : i32
            %scan3A_365 = arith.constant 8 : i32
            %scan3A_366 = arith.addi %scan3A_364, %scan3A_365 : i32
            %scan3A_367 = arith.constant 1 : i32
            %scan3A_368 = scf.for %scan3A_508 = %scan3A_364 to %scan3A_366 step %scan3A_367 iter_args(%scan3A_509 = %scan3A_363) -> (i32)  : i32 {
              %mul3A_510 = arith.constant 16 : i32
              %mul3A_511 = arith.muli %scan3A_508, %mul3A_510 : i32
              %add3A_512 = arith.addi %add3A_336, %mul3A_511 : i32
              %get3A = arith.index_cast %add3A_512 : i32 to index
              %get3A_513 = tpu.vector_load %arg7[%get3A] {strides = array<i32>} : memref<4096xf32, #tpu.memory_space<vmem>>, vector<16xf32>,
              %mul3A_514 = arith.constant 16 : i32
              %mul3A_515 = arith.muli %scan3A_508, %mul3A_514 : i32
              %add3A_516 = arith.addi %mul3A_362, %mul3A_515 : i32
              %get3A_517 = arith.index_cast %add3A_516 : i32 to index
              %get3A_518 = tpu.vector_load %arg8[%get3A_517] {strides = array<i32>} : memref<1024xi32, #tpu.memory_space<vmem>>, vector<16xi32>,
              %mul3A_519 = arith.constant 64 : i32
              %mul3A_520 = vector.broadcast %mul3A_519 : i32 to vector<16xi32>
              %mul3A_521 = arith.muli %get3A_518, %mul3A_520 : vector<16xi32>
              %mul3A_522 = arith.constant 16 : i32
              %mul3A_523 = arith.muli %scan3A_508, %mul3A_522 : i32
              %add3A_524 = vector.broadcast %mul3A_523 : i32 to vector<16xi32>
              %add3A_525 = arith.addi %add3A_524, %iota3A : vector<16xi32>
              %scan3A_526 = arith.constant 0 : i32
              %scan3A_527 = arith.constant 0 : i32
              %scan3A_528 = arith.constant 8 : i32
              %scan3A_529 = arith.addi %scan3A_527, %scan3A_528 : i32
              %scan3A_530 = arith.constant 1 : i32
              %scan3A_531 = scf.for %scan3A_534 = %scan3A_527 to %scan3A_529 step %scan3A_530 iter_args(%scan3A_535 = %scan3A_526) -> (i32)  : i32 {
                %mul3A_536 = arith.constant 8 : i32
                %mul3A_537 = arith.muli %scan3A_534, %mul3A_536 : i32
                %add3A_538 = arith.constant 0 : i32
                %add3A_539 = arith.addi %mul3A_537, %add3A_538 : i32
                %add3A_540 = vector.broadcast %add3A_539 : i32 to vector<16xi32>
                %add3A_541 = arith.addi %broadcast_in_dim3A_13, %add3A_540 : vector<16xi32>
                %gather3A = arith.constant 0 : i32
                %gather3A_542 = arith.constant 0 : i32
                %gather3A_543 = tpu.memref_slice %arg9[%cond3A_114, %gather3A, %gather3A_542] : memref<2x128x64xf32, #tpu.memory_space<vmem>> -> memref<1x128x64xf32, #tpu.memory_space<vmem>>
                %gather3A_544 = tpu.memref_squeeze %gather3A_543 : memref<1x128x64xf32, #tpu.memory_space<vmem>> -> memref<128x64xf32, #tpu.memory_space<vmem>>
                %gather3A_545 = tpu.vector_load_idx %gather3A_544[%add3A_525, %add3A_541] : memref<128x64xf32, #tpu.memory_space<vmem>>[vector<16xi32>, vector<16xi32>], vector<16xf32>,
                %add3A_546 = vector.broadcast %add3A_539 : i32 to vector<16xi32>
                %add3A_547 = arith.addi %mul3A_521, %add3A_546 : vector<16xi32>
                %mul3A_548 = arith.mulf %get3A_513, %gather3A_545 : vector<16xf32>
                tpu.vector_store_idx %arg10[%add3A_547], %mul3A_548 {add = true} : memref<100352xf32, #tpu.memory_space<vmem>>[vector<16xi32>], vector<16xf32>,
                %mul3A_549 = arith.constant 8 : i32
                %mul3A_550 = arith.muli %scan3A_534, %mul3A_549 : i32
                %add3A_551 = arith.constant 1 : i32
                %add3A_552 = arith.addi %mul3A_550, %add3A_551 : i32
                %add3A_553 = vector.broadcast %add3A_552 : i32 to vector<16xi32>
                %add3A_554 = arith.addi %broadcast_in_dim3A_13, %add3A_553 : vector<16xi32>
                %gather3A_555 = arith.constant 0 : i32
                %gather3A_556 = arith.constant 0 : i32
                %gather3A_557 = tpu.memref_slice %arg9[%cond3A_114, %gather3A_555, %gather3A_556] : memref<2x128x64xf32, #tpu.memory_space<vmem>> -> memref<1x128x64xf32, #tpu.memory_space<vmem>>
                %gather3A_558 = tpu.memref_squeeze %gather3A_557 : memref<1x128x64xf32, #tpu.memory_space<vmem>> -> memref<128x64xf32, #tpu.memory_space<vmem>>
                %gather3A_559 = tpu.vector_load_idx %gather3A_558[%add3A_525, %add3A_554] : memref<128x64xf32, #tpu.memory_space<vmem>>[vector<16xi32>, vector<16xi32>], vector<16xf32>,
                %add3A_560 = vector.broadcast %add3A_552 : i32 to vector<16xi32>
                %add3A_561 = arith.addi %mul3A_521, %add3A_560 : vector<16xi32>
                %mul3A_562 = arith.mulf %get3A_513, %gather3A_559 : vector<16xf32>
                tpu.vector_store_idx %arg10[%add3A_561], %mul3A_562 {add = true} : memref<100352xf32, #tpu.memory_space<vmem>>[vector<16xi32>], vector<16xf32>,
                %mul3A_563 = arith.constant 8 : i32
                %mul3A_564 = arith.muli %scan3A_534, %mul3A_563 : i32
                %add3A_565 = arith.constant 2 : i32
                %add3A_566 = arith.addi %mul3A_564, %add3A_565 : i32
                %add3A_567 = vector.broadcast %add3A_566 : i32 to vector<16xi32>
                %add3A_568 = arith.addi %broadcast_in_dim3A_13, %add3A_567 : vector<16xi32>
                %gather3A_569 = arith.constant 0 : i32
                %gather3A_570 = arith.constant 0 : i32
                %gather3A_571 = tpu.memref_slice %arg9[%cond3A_114, %gather3A_569, %gather3A_570] : memref<2x128x64xf32, #tpu.memory_space<vmem>> -> memref<1x128x64xf32, #tpu.memory_space<vmem>>
                %gather3A_572 = tpu.memref_squeeze %gather3A_571 : memref<1x128x64xf32, #tpu.memory_space<vmem>> -> memref<128x64xf32, #tpu.memory_space<vmem>>
                %gather3A_573 = tpu.vector_load_idx %gather3A_572[%add3A_525, %add3A_568] : memref<128x64xf32, #tpu.memory_space<vmem>>[vector<16xi32>, vector<16xi32>], vector<16xf32>,
                %add3A_574 = vector.broadcast %add3A_566 : i32 to vector<16xi32>
                %add3A_575 = arith.addi %mul3A_521, %add3A_574 : vector<16xi32>
                %mul3A_576 = arith.mulf %get3A_513, %gather3A_573 : vector<16xf32>
                tpu.vector_store_idx %arg10[%add3A_575], %mul3A_576 {add = true} : memref<100352xf32, #tpu.memory_space<vmem>>[vector<16xi32>], vector<16xf32>,
                %mul3A_577 = arith.constant 8 : i32
                %mul3A_578 = arith.muli %scan3A_534, %mul3A_577 : i32
                %add3A_579 = arith.constant 3 : i32
                %add3A_580 = arith.addi %mul3A_578, %add3A_579 : i32
                %add3A_581 = vector.broadcast %add3A_580 : i32 to vector<16xi32>
                %add3A_582 = arith.addi %broadcast_in_dim3A_13, %add3A_581 : vector<16xi32>
                %gather3A_583 = arith.constant 0 : i32
                %gather3A_584 = arith.constant 0 : i32
                %gather3A_585 = tpu.memref_slice %arg9[%cond3A_114, %gather3A_583, %gather3A_584] : memref<2x128x64xf32, #tpu.memory_space<vmem>> -> memref<1x128x64xf32, #tpu.memory_space<vmem>>
                %gather3A_586 = tpu.memref_squeeze %gather3A_585 : memref<1x128x64xf32, #tpu.memory_space<vmem>> -> memref<128x64xf32, #tpu.memory_space<vmem>>
                %gather3A_587 = tpu.vector_load_idx %gather3A_586[%add3A_525, %add3A_582] : memref<128x64xf32, #tpu.memory_space<vmem>>[vector<16xi32>, vector<16xi32>], vector<16xf32>,
                %add3A_588 = vector.broadcast %add3A_580 : i32 to vector<16xi32>
                %add3A_589 = arith.addi %mul3A_521, %add3A_588 : vector<16xi32>
                %mul3A_590 = arith.mulf %get3A_513, %gather3A_587 : vector<16xf32>
                tpu.vector_store_idx %arg10[%add3A_589], %mul3A_590 {add = true} : memref<100352xf32, #tpu.memory_space<vmem>>[vector<16xi32>], vector<16xf32>,
                %mul3A_591 = arith.constant 8 : i32
                %mul3A_592 = arith.muli %scan3A_534, %mul3A_591 : i32
                %add3A_593 = arith.constant 4 : i32
                %add3A_594 = arith.addi %mul3A_592, %add3A_593 : i32
                %add3A_595 = vector.broadcast %add3A_594 : i32 to vector<16xi32>
                %add3A_596 = arith.addi %broadcast_in_dim3A_13, %add3A_595 : vector<16xi32>
                %gather3A_597 = arith.constant 0 : i32
                %gather3A_598 = arith.constant 0 : i32
                %gather3A_599 = tpu.memref_slice %arg9[%cond3A_114, %gather3A_597, %gather3A_598] : memref<2x128x64xf32, #tpu.memory_space<vmem>> -> memref<1x128x64xf32, #tpu.memory_space<vmem>>
                %gather3A_600 = tpu.memref_squeeze %gather3A_599 : memref<1x128x64xf32, #tpu.memory_space<vmem>> -> memref<128x64xf32, #tpu.memory_space<vmem>>
                %gather3A_601 = tpu.vector_load_idx %gather3A_600[%add3A_525, %add3A_596] : memref<128x64xf32, #tpu.memory_space<vmem>>[vector<16xi32>, vector<16xi32>], vector<16xf32>,
                %add3A_602 = vector.broadcast %add3A_594 : i32 to vector<16xi32>
                %add3A_603 = arith.addi %mul3A_521, %add3A_602 : vector<16xi32>
                %mul3A_604 = arith.mulf %get3A_513, %gather3A_601 : vector<16xf32>
                tpu.vector_store_idx %arg10[%add3A_603], %mul3A_604 {add = true} : memref<100352xf32, #tpu.memory_space<vmem>>[vector<16xi32>], vector<16xf32>,
                %mul3A_605 = arith.constant 8 : i32
                %mul3A_606 = arith.muli %scan3A_534, %mul3A_605 : i32
                %add3A_607 = arith.constant 5 : i32
                %add3A_608 = arith.addi %mul3A_606, %add3A_607 : i32
                %add3A_609 = vector.broadcast %add3A_608 : i32 to vector<16xi32>
                %add3A_610 = arith.addi %broadcast_in_dim3A_13, %add3A_609 : vector<16xi32>
                %gather3A_611 = arith.constant 0 : i32
                %gather3A_612 = arith.constant 0 : i32
                %gather3A_613 = tpu.memref_slice %arg9[%cond3A_114, %gather3A_611, %gather3A_612] : memref<2x128x64xf32, #tpu.memory_space<vmem>> -> memref<1x128x64xf32, #tpu.memory_space<vmem>>
                %gather3A_614 = tpu.memref_squeeze %gather3A_613 : memref<1x128x64xf32, #tpu.memory_space<vmem>> -> memref<128x64xf32, #tpu.memory_space<vmem>>
                %gather3A_615 = tpu.vector_load_idx %gather3A_614[%add3A_525, %add3A_610] : memref<128x64xf32, #tpu.memory_space<vmem>>[vector<16xi32>, vector<16xi32>], vector<16xf32>,
                %add3A_616 = vector.broadcast %add3A_608 : i32 to vector<16xi32>
                %add3A_617 = arith.addi %mul3A_521, %add3A_616 : vector<16xi32>
                %mul3A_618 = arith.mulf %get3A_513, %gather3A_615 : vector<16xf32>
                tpu.vector_store_idx %arg10[%add3A_617], %mul3A_618 {add = true} : memref<100352xf32, #tpu.memory_space<vmem>>[vector<16xi32>], vector<16xf32>,
                %mul3A_619 = arith.constant 8 : i32
                %mul3A_620 = arith.muli %scan3A_534, %mul3A_619 : i32
                %add3A_621 = arith.constant 6 : i32
                %add3A_622 = arith.addi %mul3A_620, %add3A_621 : i32
                %add3A_623 = vector.broadcast %add3A_622 : i32 to vector<16xi32>
                %add3A_624 = arith.addi %broadcast_in_dim3A_13, %add3A_623 : vector<16xi32>
                %gather3A_625 = arith.constant 0 : i32
                %gather3A_626 = arith.constant 0 : i32
                %gather3A_627 = tpu.memref_slice %arg9[%cond3A_114, %gather3A_625, %gather3A_626] : memref<2x128x64xf32, #tpu.memory_space<vmem>> -> memref<1x128x64xf32, #tpu.memory_space<vmem>>
                %gather3A_628 = tpu.memref_squeeze %gather3A_627 : memref<1x128x64xf32, #tpu.memory_space<vmem>> -> memref<128x64xf32, #tpu.memory_space<vmem>>
                %gather3A_629 = tpu.vector_load_idx %gather3A_628[%add3A_525, %add3A_624] : memref<128x64xf32, #tpu.memory_space<vmem>>[vector<16xi32>, vector<16xi32>], vector<16xf32>,
                %add3A_630 = vector.broadcast %add3A_622 : i32 to vector<16xi32>
                %add3A_631 = arith.addi %mul3A_521, %add3A_630 : vector<16xi32>
                %mul3A_632 = arith.mulf %get3A_513, %gather3A_629 : vector<16xf32>
                tpu.vector_store_idx %arg10[%add3A_631], %mul3A_632 {add = true} : memref<100352xf32, #tpu.memory_space<vmem>>[vector<16xi32>], vector<16xf32>,
                %mul3A_633 = arith.constant 8 : i32
                %mul3A_634 = arith.muli %scan3A_534, %mul3A_633 : i32
                %add3A_635 = arith.constant 7 : i32
                %add3A_636 = arith.addi %mul3A_634, %add3A_635 : i32
                %add3A_637 = vector.broadcast %add3A_636 : i32 to vector<16xi32>
                %add3A_638 = arith.addi %broadcast_in_dim3A_13, %add3A_637 : vector<16xi32>
                %gather3A_639 = arith.constant 0 : i32
                %gather3A_640 = arith.constant 0 : i32
                %gather3A_641 = tpu.memref_slice %arg9[%cond3A_114, %gather3A_639, %gather3A_640] : memref<2x128x64xf32, #tpu.memory_space<vmem>> -> memref<1x128x64xf32, #tpu.memory_space<vmem>>
                %gather3A_642 = tpu.memref_squeeze %gather3A_641 : memref<1x128x64xf32, #tpu.memory_space<vmem>> -> memref<128x64xf32, #tpu.memory_space<vmem>>
                %gather3A_643 = tpu.vector_load_idx %gather3A_642[%add3A_525, %add3A_638] : memref<128x64xf32, #tpu.memory_space<vmem>>[vector<16xi32>, vector<16xi32>], vector<16xf32>,
                %add3A_644 = vector.broadcast %add3A_636 : i32 to vector<16xi32>
                %add3A_645 = arith.addi %mul3A_521, %add3A_644 : vector<16xi32>
                %mul3A_646 = arith.mulf %get3A_513, %gather3A_643 : vector<16xf32>
                tpu.vector_store_idx %arg10[%add3A_645], %mul3A_646 {add = true} : memref<100352xf32, #tpu.memory_space<vmem>>[vector<16xi32>], vector<16xf32>,
                %scan3A_647 = arith.constant 0 : i32
                scf.yield %scan3A_647 : i32
              }
              %scan3A_532 = arith.constant 8 : i32
              %scan3A_533 = arith.constant 0 : i32
              scf.yield %scan3A_533 : i32
            }
            %scan3A_369 = arith.constant 8 : i32
            %add3A_370 = arith.constant 1 : i32
            %add3A_371 = arith.addi %add3A_188, %add3A_370 : i32
            %lt3A_372 = arith.cmpi slt, %add3A_371, %mul3A_110 : i32
            %convert_element_type3A_373 = arith.extui %lt3A_372 : i1 to i32
            %cond3A_374 = arith.constant 0 : i32
            %cond3A_375 = arith.cmpi ne, %convert_element_type3A_373, %cond3A_374 : i32
            scf.if %cond3A_375 {
              %add3A_508 = arith.constant 1 : i32
              %add3A_509 = arith.addi %add3A_188, %add3A_508 : i32
              %jit3A_510 = arith.constant 4 : i32
              %eq3A_511 = arith.constant 0 : i32
              %eq3A_512 = arith.cmpi eq, %jit3A_510, %eq3A_511 : i32
              %jit3A_513 = arith.constant 1 : i32
              %select_n3A_514 = arith.select %eq3A_512, %jit3A_513, %jit3A_510 : i32
              %rem3A_515 = arith.remsi %add3A_509, %select_n3A_514 : i32
              %ne3A_516 = arith.constant 0 : i32
              %ne3A_517 = arith.cmpi ne, %rem3A_515, %ne3A_516 : i32
              %lt3A_518 = arith.constant 0 : i32
              %lt3A_519 = arith.cmpi slt, %rem3A_515, %lt3A_518 : i32
              %lt3A_520 = arith.constant 0 : i32
              %lt3A_521 = arith.cmpi slt, %select_n3A_514, %lt3A_520 : i32
              %ne3A_522 = arith.xori %lt3A_519, %lt3A_521 : i1
              %and3A_523 = arith.andi %ne3A_522, %ne3A_517 : i1
              %add3A_524 = arith.addi %rem3A_515, %select_n3A_514 : i32
              %select_n3A_525 = arith.select %and3A_523, %add3A_524, %rem3A_515 : i32
              %mul3A_526 = arith.constant 1024 : i32
              %mul3A_527 = arith.muli %select_n3A_525, %mul3A_526 : i32
              %jit3A_528 = arith.constant 4 : i32
              %div3A_529 = arith.divsi %add3A_509, %jit3A_528 : i32
              %sign3A_530 = arith.constant 0 : i32
              %sign3A_531 = arith.cmpi sgt, %add3A_509, %sign3A_530 : i32
              %sign3A_532 = arith.extui %sign3A_531 : i1 to i32
              %sign3A_533 = arith.constant 0 : i32
              %sign3A_534 = arith.cmpi slt, %add3A_509, %sign3A_533 : i32
              %sign3A_535 = arith.extui %sign3A_534 : i1 to i32
              %sign3A_536 = arith.subi %sign3A_532, %sign3A_535 : i32
              %sign3A_537 = arith.constant 0 : i32
              %sign3A_538 = arith.cmpi sgt, %jit3A_528, %sign3A_537 : i32
              %sign3A_539 = arith.extui %sign3A_538 : i1 to i32
              %sign3A_540 = arith.constant 0 : i32
              %sign3A_541 = arith.cmpi slt, %jit3A_528, %sign3A_540 : i32
              %sign3A_542 = arith.extui %sign3A_541 : i1 to i32
              %sign3A_543 = arith.subi %sign3A_539, %sign3A_542 : i32
              %ne3A_544 = arith.cmpi ne, %sign3A_536, %sign3A_543 : i32
              %rem3A_545 = arith.remsi %add3A_509, %jit3A_528 : i32
              %ne3A_546 = arith.constant 0 : i32
              %ne3A_547 = arith.cmpi ne, %rem3A_545, %ne3A_546 : i32
              %and3A_548 = arith.andi %ne3A_544, %ne3A_547 : i1
              %sub3A_549 = arith.constant 1 : i32
              %sub3A_550 = arith.subi %div3A_529, %sub3A_549 : i32
              %select_n3A_551 = arith.select %and3A_548, %sub3A_550, %div3A_529 : i32
              %mul3A_552 = arith.constant 128 : i32
              %mul3A_553 = arith.muli %select_n3A_551, %mul3A_552 : i32
              %add3A_554 = arith.addi %mul3A_527, %mul3A_553 : i32
              %dma_start3A_555 = arith.constant 0 : i32
              %dma_start3A_556 = arith.constant 0 : i32
              %dma_start3A_557 = tpu.memref_slice %arg9[%cond3A_114, %dma_start3A_555, %dma_start3A_556] : memref<2x128x64xf32, #tpu.memory_space<vmem>> -> memref<1x128x64xf32, #tpu.memory_space<vmem>>
              %dma_start3A_558 = tpu.memref_squeeze %dma_start3A_557 : memref<1x128x64xf32, #tpu.memory_space<vmem>> -> memref<128x64xf32, #tpu.memory_space<vmem>>
              %dma_start3A_559 = tpu.memref_slice %arg6[%add3A_554] : memref<4096xi32, #tpu.memory_space<vmem>> -> memref<128xi32, #tpu.memory_space<vmem>>
              %dma_start3A_560 = arith.constant 0 : i32
              %dma_start3A_561 = arith.constant 0 : i32
              %dma_start3A_562 = tpu.memref_slice %arg3[%dma_start3A_560, %dma_start3A_561] : memref<1254400x64xf32, #tpu.memory_space<hbm>> -> memref<1254400x64xf32, #tpu.memory_space<hbm>>
              tpu.enqueue_indirect_dma source(%dma_start3A_562 : memref<1254400x64xf32, #tpu.memory_space<hbm>>) target(%dma_start3A_558 : memref<128x64xf32, #tpu.memory_space<vmem>>) offsets(%dma_start3A_559 : memref<128xi32, #tpu.memory_space<vmem>>) semaphore(%arg11 : memref<!tpu.dma_semaphore, #tpu.memory_space<semaphore_mem>>)
            } else {
            }
            %jit3A_376 = arith.constant 4 : i32
            %eq3A_377 = arith.constant 0 : i32
            %eq3A_378 = arith.cmpi eq, %jit3A_376, %eq3A_377 : i32
            %jit3A_379 = arith.constant 1 : i32
            %select_n3A_380 = arith.select %eq3A_378, %jit3A_379, %jit3A_376 : i32
            %rem3A_381 = arith.remsi %add3A_188, %select_n3A_380 : i32
            %ne3A_382 = arith.constant 0 : i32
            %ne3A_383 = arith.cmpi ne, %rem3A_381, %ne3A_382 : i32
            %lt3A_384 = arith.constant 0 : i32
            %lt3A_385 = arith.cmpi slt, %rem3A_381, %lt3A_384 : i32
            %lt3A_386 = arith.constant 0 : i32
            %lt3A_387 = arith.cmpi slt, %select_n3A_380, %lt3A_386 : i32
            %ne3A_388 = arith.xori %lt3A_385, %lt3A_387 : i1
            %and3A_389 = arith.andi %ne3A_388, %ne3A_383 : i1
            %add3A_390 = arith.addi %rem3A_381, %select_n3A_380 : i32
            %select_n3A_391 = arith.select %and3A_389, %add3A_390, %rem3A_381 : i32
            %mul3A_392 = arith.constant 1024 : i32
            %mul3A_393 = arith.muli %select_n3A_391, %mul3A_392 : i32
            %jit3A_394 = arith.constant 4 : i32
            %div3A_395 = arith.divsi %add3A_188, %jit3A_394 : i32
            %sign3A_396 = arith.constant 0 : i32
            %sign3A_397 = arith.cmpi sgt, %add3A_188, %sign3A_396 : i32
            %sign3A_398 = arith.extui %sign3A_397 : i1 to i32
            %sign3A_399 = arith.constant 0 : i32
            %sign3A_400 = arith.cmpi slt, %add3A_188, %sign3A_399 : i32
            %sign3A_401 = arith.extui %sign3A_400 : i1 to i32
            %sign3A_402 = arith.subi %sign3A_398, %sign3A_401 : i32
            %sign3A_403 = arith.constant 0 : i32
            %sign3A_404 = arith.cmpi sgt, %jit3A_394, %sign3A_403 : i32
            %sign3A_405 = arith.extui %sign3A_404 : i1 to i32
            %sign3A_406 = arith.constant 0 : i32
            %sign3A_407 = arith.cmpi slt, %jit3A_394, %sign3A_406 : i32
            %sign3A_408 = arith.extui %sign3A_407 : i1 to i32
            %sign3A_409 = arith.subi %sign3A_405, %sign3A_408 : i32
            %ne3A_410 = arith.cmpi ne, %sign3A_402, %sign3A_409 : i32
            %rem3A_411 = arith.remsi %add3A_188, %jit3A_394 : i32
            %ne3A_412 = arith.constant 0 : i32
            %ne3A_413 = arith.cmpi ne, %rem3A_411, %ne3A_412 : i32
            %and3A_414 = arith.andi %ne3A_410, %ne3A_413 : i1
            %sub3A_415 = arith.constant 1 : i32
            %sub3A_416 = arith.subi %div3A_395, %sub3A_415 : i32
            %select_n3A_417 = arith.select %and3A_414, %sub3A_416, %div3A_395 : i32
            %mul3A_418 = arith.constant 128 : i32
            %mul3A_419 = arith.muli %select_n3A_417, %mul3A_418 : i32
            %add3A_420 = arith.addi %mul3A_393, %mul3A_419 : i32
            %dma_wait3A_421 = arith.constant 0 : i32
            %dma_wait3A_422 = arith.constant 0 : i32
            %dma_wait3A_423 = tpu.memref_slice %arg9[%cond3A_115, %dma_wait3A_421, %dma_wait3A_422] : memref<2x128x64xf32, #tpu.memory_space<vmem>> -> memref<1x128x64xf32, #tpu.memory_space<vmem>>
            %dma_wait3A_424 = tpu.memref_squeeze %dma_wait3A_423 : memref<1x128x64xf32, #tpu.memory_space<vmem>> -> memref<128x64xf32, #tpu.memory_space<vmem>>
            %dma_wait3A_425 = tpu.memref_slice %arg6[%add3A_420] : memref<4096xi32, #tpu.memory_space<vmem>> -> memref<128xi32, #tpu.memory_space<vmem>>
            %dma_wait3A_426 = arith.constant 0 : i32
            %dma_wait3A_427 = arith.constant 0 : i32
            %dma_wait3A_428 = tpu.memref_slice %arg3[%dma_wait3A_426, %dma_wait3A_427] : memref<1254400x64xf32, #tpu.memory_space<hbm>> -> memref<1254400x64xf32, #tpu.memory_space<hbm>>
            tpu.wait_indirect_dma semaphore(%arg12 : memref<!tpu.dma_semaphore, #tpu.memory_space<semaphore_mem>>) src(%dma_wait3A_428 : memref<1254400x64xf32, #tpu.memory_space<hbm>>) dst(%dma_wait3A_424 : memref<128x64xf32, #tpu.memory_space<vmem>>)
            %jit3A_429 = arith.constant 4 : i32
            %eq3A_430 = arith.constant 0 : i32
            %eq3A_431 = arith.cmpi eq, %jit3A_429, %eq3A_430 : i32
            %jit3A_432 = arith.constant 1 : i32
            %select_n3A_433 = arith.select %eq3A_431, %jit3A_432, %jit3A_429 : i32
            %rem3A_434 = arith.remsi %add3A_188, %select_n3A_433 : i32
            %ne3A_435 = arith.constant 0 : i32
            %ne3A_436 = arith.cmpi ne, %rem3A_434, %ne3A_435 : i32
            %lt3A_437 = arith.constant 0 : i32
            %lt3A_438 = arith.cmpi slt, %rem3A_434, %lt3A_437 : i32
            %lt3A_439 = arith.constant 0 : i32
            %lt3A_440 = arith.cmpi slt, %select_n3A_433, %lt3A_439 : i32
            %ne3A_441 = arith.xori %lt3A_438, %lt3A_440 : i1
            %and3A_442 = arith.andi %ne3A_441, %ne3A_436 : i1
            %add3A_443 = arith.addi %rem3A_434, %select_n3A_433 : i32
            %select_n3A_444 = arith.select %and3A_442, %add3A_443, %rem3A_434 : i32
            %mul3A_445 = arith.constant 1024 : i32
            %mul3A_446 = arith.muli %select_n3A_444, %mul3A_445 : i32
            %jit3A_447 = arith.constant 4 : i32
            %div3A_448 = arith.divsi %add3A_188, %jit3A_447 : i32
            %sign3A_449 = arith.constant 0 : i32
            %sign3A_450 = arith.cmpi sgt, %add3A_188, %sign3A_449 : i32
            %sign3A_451 = arith.extui %sign3A_450 : i1 to i32
            %sign3A_452 = arith.constant 0 : i32
            %sign3A_453 = arith.cmpi slt, %add3A_188, %sign3A_452 : i32
            %sign3A_454 = arith.extui %sign3A_453 : i1 to i32
            %sign3A_455 = arith.subi %sign3A_451, %sign3A_454 : i32
            %sign3A_456 = arith.constant 0 : i32
            %sign3A_457 = arith.cmpi sgt, %jit3A_447, %sign3A_456 : i32
            %sign3A_458 = arith.extui %sign3A_457 : i1 to i32
            %sign3A_459 = arith.constant 0 : i32
            %sign3A_460 = arith.cmpi slt, %jit3A_447, %sign3A_459 : i32
            %sign3A_461 = arith.extui %sign3A_460 : i1 to i32
            %sign3A_462 = arith.subi %sign3A_458, %sign3A_461 : i32
            %ne3A_463 = arith.cmpi ne, %sign3A_455, %sign3A_462 : i32
            %rem3A_464 = arith.remsi %add3A_188, %jit3A_447 : i32
            %ne3A_465 = arith.constant 0 : i32
            %ne3A_466 = arith.cmpi ne, %rem3A_464, %ne3A_465 : i32
            %and3A_467 = arith.andi %ne3A_463, %ne3A_466 : i1
            %sub3A_468 = arith.constant 1 : i32
            %sub3A_469 = arith.subi %div3A_448, %sub3A_468 : i32
            %select_n3A_470 = arith.select %and3A_467, %sub3A_469, %div3A_448 : i32
            %mul3A_471 = arith.constant 128 : i32
            %mul3A_472 = arith.muli %select_n3A_470, %mul3A_471 : i32
            %add3A_473 = arith.addi %mul3A_446, %mul3A_472 : i32
            %jit3A_474 = arith.constant 4 : i32
            %div3A_475 = arith.divsi %add3A_188, %jit3A_474 : i32
            %sign3A_476 = arith.constant 0 : i32
            %sign3A_477 = arith.cmpi sgt, %add3A_188, %sign3A_476 : i32
            %sign3A_478 = arith.extui %sign3A_477 : i1 to i32
            %sign3A_479 = arith.constant 0 : i32
            %sign3A_480 = arith.cmpi slt, %add3A_188, %sign3A_479 : i32
            %sign3A_481 = arith.extui %sign3A_480 : i1 to i32
            %sign3A_482 = arith.subi %sign3A_478, %sign3A_481 : i32
            %sign3A_483 = arith.constant 0 : i32
            %sign3A_484 = arith.cmpi sgt, %jit3A_474, %sign3A_483 : i32
            %sign3A_485 = arith.extui %sign3A_484 : i1 to i32
            %sign3A_486 = arith.constant 0 : i32
            %sign3A_487 = arith.cmpi slt, %jit3A_474, %sign3A_486 : i32
            %sign3A_488 = arith.extui %sign3A_487 : i1 to i32
            %sign3A_489 = arith.subi %sign3A_485, %sign3A_488 : i32
            %ne3A_490 = arith.cmpi ne, %sign3A_482, %sign3A_489 : i32
            %rem3A_491 = arith.remsi %add3A_188, %jit3A_474 : i32
            %ne3A_492 = arith.constant 0 : i32
            %ne3A_493 = arith.cmpi ne, %rem3A_491, %ne3A_492 : i32
            %and3A_494 = arith.andi %ne3A_490, %ne3A_493 : i1
            %sub3A_495 = arith.constant 1 : i32
            %sub3A_496 = arith.subi %div3A_475, %sub3A_495 : i32
            %select_n3A_497 = arith.select %and3A_494, %sub3A_496, %div3A_475 : i32
            %mul3A_498 = arith.constant 128 : i32
            %mul3A_499 = arith.muli %select_n3A_497, %mul3A_498 : i32
            %scan3A_500 = arith.constant 0 : i32
            %scan3A_501 = arith.constant 0 : i32
            %scan3A_502 = arith.constant 8 : i32
            %scan3A_503 = arith.addi %scan3A_501, %scan3A_502 : i32
            %scan3A_504 = arith.constant 1 : i32
            %scan3A_505 = scf.for %scan3A_508 = %scan3A_501 to %scan3A_503 step %scan3A_504 iter_args(%scan3A_509 = %scan3A_500) -> (i32)  : i32 {
              %mul3A_510 = arith.constant 16 : i32
              %mul3A_511 = arith.muli %scan3A_508, %mul3A_510 : i32
              %add3A_512 = arith.addi %add3A_473, %mul3A_511 : i32
              %get3A = arith.index_cast %add3A_512 : i32 to index
              %get3A_513 = tpu.vector_load %arg7[%get3A] {strides = array<i32>} : memref<4096xf32, #tpu.memory_space<vmem>>, vector<16xf32>,
              %mul3A_514 = arith.constant 16 : i32
              %mul3A_515 = arith.muli %scan3A_508, %mul3A_514 : i32
              %add3A_516 = arith.addi %mul3A_499, %mul3A_515 : i32
              %get3A_517 = arith.index_cast %add3A_516 : i32 to index
              %get3A_518 = tpu.vector_load %arg8[%get3A_517] {strides = array<i32>} : memref<1024xi32, #tpu.memory_space<vmem>>, vector<16xi32>,
              %mul3A_519 = arith.constant 64 : i32
              %mul3A_520 = vector.broadcast %mul3A_519 : i32 to vector<16xi32>
              %mul3A_521 = arith.muli %get3A_518, %mul3A_520 : vector<16xi32>
              %mul3A_522 = arith.constant 16 : i32
              %mul3A_523 = arith.muli %scan3A_508, %mul3A_522 : i32
              %add3A_524 = vector.broadcast %mul3A_523 : i32 to vector<16xi32>
              %add3A_525 = arith.addi %add3A_524, %iota3A : vector<16xi32>
              %scan3A_526 = arith.constant 0 : i32
              %scan3A_527 = arith.constant 0 : i32
              %scan3A_528 = arith.constant 8 : i32
              %scan3A_529 = arith.addi %scan3A_527, %scan3A_528 : i32
              %scan3A_530 = arith.constant 1 : i32
              %scan3A_531 = scf.for %scan3A_534 = %scan3A_527 to %scan3A_529 step %scan3A_530 iter_args(%scan3A_535 = %scan3A_526) -> (i32)  : i32 {
                %mul3A_536 = arith.constant 8 : i32
                %mul3A_537 = arith.muli %scan3A_534, %mul3A_536 : i32
                %add3A_538 = arith.constant 0 : i32
                %add3A_539 = arith.addi %mul3A_537, %add3A_538 : i32
                %add3A_540 = vector.broadcast %add3A_539 : i32 to vector<16xi32>
                %add3A_541 = arith.addi %broadcast_in_dim3A_13, %add3A_540 : vector<16xi32>
                %gather3A = arith.constant 0 : i32
                %gather3A_542 = arith.constant 0 : i32
                %gather3A_543 = tpu.memref_slice %arg9[%cond3A_115, %gather3A, %gather3A_542] : memref<2x128x64xf32, #tpu.memory_space<vmem>> -> memref<1x128x64xf32, #tpu.memory_space<vmem>>
                %gather3A_544 = tpu.memref_squeeze %gather3A_543 : memref<1x128x64xf32, #tpu.memory_space<vmem>> -> memref<128x64xf32, #tpu.memory_space<vmem>>
                %gather3A_545 = tpu.vector_load_idx %gather3A_544[%add3A_525, %add3A_541] : memref<128x64xf32, #tpu.memory_space<vmem>>[vector<16xi32>, vector<16xi32>], vector<16xf32>,
                %add3A_546 = vector.broadcast %add3A_539 : i32 to vector<16xi32>
                %add3A_547 = arith.addi %mul3A_521, %add3A_546 : vector<16xi32>
                %mul3A_548 = arith.mulf %get3A_513, %gather3A_545 : vector<16xf32>
                tpu.vector_store_idx %arg10[%add3A_547], %mul3A_548 {add = true} : memref<100352xf32, #tpu.memory_space<vmem>>[vector<16xi32>], vector<16xf32>,
                %mul3A_549 = arith.constant 8 : i32
                %mul3A_550 = arith.muli %scan3A_534, %mul3A_549 : i32
                %add3A_551 = arith.constant 1 : i32
                %add3A_552 = arith.addi %mul3A_550, %add3A_551 : i32
                %add3A_553 = vector.broadcast %add3A_552 : i32 to vector<16xi32>
                %add3A_554 = arith.addi %broadcast_in_dim3A_13, %add3A_553 : vector<16xi32>
                %gather3A_555 = arith.constant 0 : i32
                %gather3A_556 = arith.constant 0 : i32
                %gather3A_557 = tpu.memref_slice %arg9[%cond3A_115, %gather3A_555, %gather3A_556] : memref<2x128x64xf32, #tpu.memory_space<vmem>> -> memref<1x128x64xf32, #tpu.memory_space<vmem>>
                %gather3A_558 = tpu.memref_squeeze %gather3A_557 : memref<1x128x64xf32, #tpu.memory_space<vmem>> -> memref<128x64xf32, #tpu.memory_space<vmem>>
                %gather3A_559 = tpu.vector_load_idx %gather3A_558[%add3A_525, %add3A_554] : memref<128x64xf32, #tpu.memory_space<vmem>>[vector<16xi32>, vector<16xi32>], vector<16xf32>,
                %add3A_560 = vector.broadcast %add3A_552 : i32 to vector<16xi32>
                %add3A_561 = arith.addi %mul3A_521, %add3A_560 : vector<16xi32>
                %mul3A_562 = arith.mulf %get3A_513, %gather3A_559 : vector<16xf32>
                tpu.vector_store_idx %arg10[%add3A_561], %mul3A_562 {add = true} : memref<100352xf32, #tpu.memory_space<vmem>>[vector<16xi32>], vector<16xf32>,
                %mul3A_563 = arith.constant 8 : i32
                %mul3A_564 = arith.muli %scan3A_534, %mul3A_563 : i32
                %add3A_565 = arith.constant 2 : i32
                %add3A_566 = arith.addi %mul3A_564, %add3A_565 : i32
                %add3A_567 = vector.broadcast %add3A_566 : i32 to vector<16xi32>
                %add3A_568 = arith.addi %broadcast_in_dim3A_13, %add3A_567 : vector<16xi32>
                %gather3A_569 = arith.constant 0 : i32
                %gather3A_570 = arith.constant 0 : i32
                %gather3A_571 = tpu.memref_slice %arg9[%cond3A_115, %gather3A_569, %gather3A_570] : memref<2x128x64xf32, #tpu.memory_space<vmem>> -> memref<1x128x64xf32, #tpu.memory_space<vmem>>
                %gather3A_572 = tpu.memref_squeeze %gather3A_571 : memref<1x128x64xf32, #tpu.memory_space<vmem>> -> memref<128x64xf32, #tpu.memory_space<vmem>>
                %gather3A_573 = tpu.vector_load_idx %gather3A_572[%add3A_525, %add3A_568] : memref<128x64xf32, #tpu.memory_space<vmem>>[vector<16xi32>, vector<16xi32>], vector<16xf32>,
                %add3A_574 = vector.broadcast %add3A_566 : i32 to vector<16xi32>
                %add3A_575 = arith.addi %mul3A_521, %add3A_574 : vector<16xi32>
                %mul3A_576 = arith.mulf %get3A_513, %gather3A_573 : vector<16xf32>
                tpu.vector_store_idx %arg10[%add3A_575], %mul3A_576 {add = true} : memref<100352xf32, #tpu.memory_space<vmem>>[vector<16xi32>], vector<16xf32>,
                %mul3A_577 = arith.constant 8 : i32
                %mul3A_578 = arith.muli %scan3A_534, %mul3A_577 : i32
                %add3A_579 = arith.constant 3 : i32
                %add3A_580 = arith.addi %mul3A_578, %add3A_579 : i32
                %add3A_581 = vector.broadcast %add3A_580 : i32 to vector<16xi32>
                %add3A_582 = arith.addi %broadcast_in_dim3A_13, %add3A_581 : vector<16xi32>
                %gather3A_583 = arith.constant 0 : i32
                %gather3A_584 = arith.constant 0 : i32
                %gather3A_585 = tpu.memref_slice %arg9[%cond3A_115, %gather3A_583, %gather3A_584] : memref<2x128x64xf32, #tpu.memory_space<vmem>> -> memref<1x128x64xf32, #tpu.memory_space<vmem>>
                %gather3A_586 = tpu.memref_squeeze %gather3A_585 : memref<1x128x64xf32, #tpu.memory_space<vmem>> -> memref<128x64xf32, #tpu.memory_space<vmem>>
                %gather3A_587 = tpu.vector_load_idx %gather3A_586[%add3A_525, %add3A_582] : memref<128x64xf32, #tpu.memory_space<vmem>>[vector<16xi32>, vector<16xi32>], vector<16xf32>,
                %add3A_588 = vector.broadcast %add3A_580 : i32 to vector<16xi32>
                %add3A_589 = arith.addi %mul3A_521, %add3A_588 : vector<16xi32>
                %mul3A_590 = arith.mulf %get3A_513, %gather3A_587 : vector<16xf32>
                tpu.vector_store_idx %arg10[%add3A_589], %mul3A_590 {add = true} : memref<100352xf32, #tpu.memory_space<vmem>>[vector<16xi32>], vector<16xf32>,
                %mul3A_591 = arith.constant 8 : i32
                %mul3A_592 = arith.muli %scan3A_534, %mul3A_591 : i32
                %add3A_593 = arith.constant 4 : i32
                %add3A_594 = arith.addi %mul3A_592, %add3A_593 : i32
                %add3A_595 = vector.broadcast %add3A_594 : i32 to vector<16xi32>
                %add3A_596 = arith.addi %broadcast_in_dim3A_13, %add3A_595 : vector<16xi32>
                %gather3A_597 = arith.constant 0 : i32
                %gather3A_598 = arith.constant 0 : i32
                %gather3A_599 = tpu.memref_slice %arg9[%cond3A_115, %gather3A_597, %gather3A_598] : memref<2x128x64xf32, #tpu.memory_space<vmem>> -> memref<1x128x64xf32, #tpu.memory_space<vmem>>
                %gather3A_600 = tpu.memref_squeeze %gather3A_599 : memref<1x128x64xf32, #tpu.memory_space<vmem>> -> memref<128x64xf32, #tpu.memory_space<vmem>>
                %gather3A_601 = tpu.vector_load_idx %gather3A_600[%add3A_525, %add3A_596] : memref<128x64xf32, #tpu.memory_space<vmem>>[vector<16xi32>, vector<16xi32>], vector<16xf32>,
                %add3A_602 = vector.broadcast %add3A_594 : i32 to vector<16xi32>
                %add3A_603 = arith.addi %mul3A_521, %add3A_602 : vector<16xi32>
                %mul3A_604 = arith.mulf %get3A_513, %gather3A_601 : vector<16xf32>
                tpu.vector_store_idx %arg10[%add3A_603], %mul3A_604 {add = true} : memref<100352xf32, #tpu.memory_space<vmem>>[vector<16xi32>], vector<16xf32>,
                %mul3A_605 = arith.constant 8 : i32
                %mul3A_606 = arith.muli %scan3A_534, %mul3A_605 : i32
                %add3A_607 = arith.constant 5 : i32
                %add3A_608 = arith.addi %mul3A_606, %add3A_607 : i32
                %add3A_609 = vector.broadcast %add3A_608 : i32 to vector<16xi32>
                %add3A_610 = arith.addi %broadcast_in_dim3A_13, %add3A_609 : vector<16xi32>
                %gather3A_611 = arith.constant 0 : i32
                %gather3A_612 = arith.constant 0 : i32
                %gather3A_613 = tpu.memref_slice %arg9[%cond3A_115, %gather3A_611, %gather3A_612] : memref<2x128x64xf32, #tpu.memory_space<vmem>> -> memref<1x128x64xf32, #tpu.memory_space<vmem>>
                %gather3A_614 = tpu.memref_squeeze %gather3A_613 : memref<1x128x64xf32, #tpu.memory_space<vmem>> -> memref<128x64xf32, #tpu.memory_space<vmem>>
                %gather3A_615 = tpu.vector_load_idx %gather3A_614[%add3A_525, %add3A_610] : memref<128x64xf32, #tpu.memory_space<vmem>>[vector<16xi32>, vector<16xi32>], vector<16xf32>,
                %add3A_616 = vector.broadcast %add3A_608 : i32 to vector<16xi32>
                %add3A_617 = arith.addi %mul3A_521, %add3A_616 : vector<16xi32>
                %mul3A_618 = arith.mulf %get3A_513, %gather3A_615 : vector<16xf32>
                tpu.vector_store_idx %arg10[%add3A_617], %mul3A_618 {add = true} : memref<100352xf32, #tpu.memory_space<vmem>>[vector<16xi32>], vector<16xf32>,
                %mul3A_619 = arith.constant 8 : i32
                %mul3A_620 = arith.muli %scan3A_534, %mul3A_619 : i32
                %add3A_621 = arith.constant 6 : i32
                %add3A_622 = arith.addi %mul3A_620, %add3A_621 : i32
                %add3A_623 = vector.broadcast %add3A_622 : i32 to vector<16xi32>
                %add3A_624 = arith.addi %broadcast_in_dim3A_13, %add3A_623 : vector<16xi32>
                %gather3A_625 = arith.constant 0 : i32
                %gather3A_626 = arith.constant 0 : i32
                %gather3A_627 = tpu.memref_slice %arg9[%cond3A_115, %gather3A_625, %gather3A_626] : memref<2x128x64xf32, #tpu.memory_space<vmem>> -> memref<1x128x64xf32, #tpu.memory_space<vmem>>
                %gather3A_628 = tpu.memref_squeeze %gather3A_627 : memref<1x128x64xf32, #tpu.memory_space<vmem>> -> memref<128x64xf32, #tpu.memory_space<vmem>>
                %gather3A_629 = tpu.vector_load_idx %gather3A_628[%add3A_525, %add3A_624] : memref<128x64xf32, #tpu.memory_space<vmem>>[vector<16xi32>, vector<16xi32>], vector<16xf32>,
                %add3A_630 = vector.broadcast %add3A_622 : i32 to vector<16xi32>
                %add3A_631 = arith.addi %mul3A_521, %add3A_630 : vector<16xi32>
                %mul3A_632 = arith.mulf %get3A_513, %gather3A_629 : vector<16xf32>
                tpu.vector_store_idx %arg10[%add3A_631], %mul3A_632 {add = true} : memref<100352xf32, #tpu.memory_space<vmem>>[vector<16xi32>], vector<16xf32>,
                %mul3A_633 = arith.constant 8 : i32
                %mul3A_634 = arith.muli %scan3A_534, %mul3A_633 : i32
                %add3A_635 = arith.constant 7 : i32
                %add3A_636 = arith.addi %mul3A_634, %add3A_635 : i32
                %add3A_637 = vector.broadcast %add3A_636 : i32 to vector<16xi32>
                %add3A_638 = arith.addi %broadcast_in_dim3A_13, %add3A_637 : vector<16xi32>
                %gather3A_639 = arith.constant 0 : i32
                %gather3A_640 = arith.constant 0 : i32
                %gather3A_641 = tpu.memref_slice %arg9[%cond3A_115, %gather3A_639, %gather3A_640] : memref<2x128x64xf32, #tpu.memory_space<vmem>> -> memref<1x128x64xf32, #tpu.memory_space<vmem>>
                %gather3A_642 = tpu.memref_squeeze %gather3A_641 : memref<1x128x64xf32, #tpu.memory_space<vmem>> -> memref<128x64xf32, #tpu.memory_space<vmem>>
                %gather3A_643 = tpu.vector_load_idx %gather3A_642[%add3A_525, %add3A_638] : memref<128x64xf32, #tpu.memory_space<vmem>>[vector<16xi32>, vector<16xi32>], vector<16xf32>,
                %add3A_644 = vector.broadcast %add3A_636 : i32 to vector<16xi32>
                %add3A_645 = arith.addi %mul3A_521, %add3A_644 : vector<16xi32>
                %mul3A_646 = arith.mulf %get3A_513, %gather3A_643 : vector<16xf32>
                tpu.vector_store_idx %arg10[%add3A_645], %mul3A_646 {add = true} : memref<100352xf32, #tpu.memory_space<vmem>>[vector<16xi32>], vector<16xf32>,
                %scan3A_647 = arith.constant 0 : i32
                scf.yield %scan3A_647 : i32
              }
              %scan3A_532 = arith.constant 8 : i32
              %scan3A_533 = arith.constant 0 : i32
              scf.yield %scan3A_533 : i32
            }
            %scan3A_506 = arith.constant 8 : i32
            %while3A_507 = arith.constant 0 : i32
            scf.yield %while3A_507 : i32
          }
          %while3A_181 = arith.constant 1 : i32
          %while3A_182 = scf.for %while3A_183 = %while3A_178 to %while3A_174 step %while3A_181 iter_args(%while3A_184 = %while3A_180) -> (i32)  : i32 {
            %mul3A_185 = arith.constant 2 : i32
            %mul3A_186 = arith.muli %mul3A_185, %while3A_183 : i32
            %add3A_187 = arith.constant 1 : i32
            %add3A_188 = arith.addi %mul3A_186, %add3A_187 : i32
            %jit3A_189 = arith.constant 4 : i32
            %eq3A = arith.constant 0 : i32
            %eq3A_190 = arith.cmpi eq, %jit3A_189, %eq3A : i32
            %jit3A_191 = arith.constant 1 : i32
            %select_n3A_192 = arith.select %eq3A_190, %jit3A_191, %jit3A_189 : i32
            %rem3A_193 = arith.remsi %add3A_188, %select_n3A_192 : i32
            %ne3A_194 = arith.constant 0 : i32
            %ne3A_195 = arith.cmpi ne, %rem3A_193, %ne3A_194 : i32
            %lt3A = arith.constant 0 : i32
            %lt3A_196 = arith.cmpi slt, %rem3A_193, %lt3A : i32
            %lt3A_197 = arith.constant 0 : i32
            %lt3A_198 = arith.cmpi slt, %select_n3A_192, %lt3A_197 : i32
            %ne3A_199 = arith.xori %lt3A_196, %lt3A_198 : i1
            %and3A_200 = arith.andi %ne3A_199, %ne3A_195 : i1
            %add3A_201 = arith.addi %rem3A_193, %select_n3A_192 : i32
            %select_n3A_202 = arith.select %and3A_200, %add3A_201, %rem3A_193 : i32
            %mul3A_203 = arith.constant 1024 : i32
            %mul3A_204 = arith.muli %select_n3A_202, %mul3A_203 : i32
            %jit3A_205 = arith.constant 4 : i32
            %div3A_206 = arith.divsi %add3A_188, %jit3A_205 : i32
            %sign3A_207 = arith.constant 0 : i32
            %sign3A_208 = arith.cmpi sgt, %add3A_188, %sign3A_207 : i32
            %sign3A_209 = arith.extui %sign3A_208 : i1 to i32
            %sign3A_210 = arith.constant 0 : i32
            %sign3A_211 = arith.cmpi slt, %add3A_188, %sign3A_210 : i32
            %sign3A_212 = arith.extui %sign3A_211 : i1 to i32
            %sign3A_213 = arith.subi %sign3A_209, %sign3A_212 : i32
            %sign3A_214 = arith.constant 0 : i32
            %sign3A_215 = arith.cmpi sgt, %jit3A_205, %sign3A_214 : i32
            %sign3A_216 = arith.extui %sign3A_215 : i1 to i32
            %sign3A_217 = arith.constant 0 : i32
            %sign3A_218 = arith.cmpi slt, %jit3A_205, %sign3A_217 : i32
            %sign3A_219 = arith.extui %sign3A_218 : i1 to i32
            %sign3A_220 = arith.subi %sign3A_216, %sign3A_219 : i32
            %ne3A_221 = arith.cmpi ne, %sign3A_213, %sign3A_220 : i32
            %rem3A_222 = arith.remsi %add3A_188, %jit3A_205 : i32
            %ne3A_223 = arith.constant 0 : i32
            %ne3A_224 = arith.cmpi ne, %rem3A_222, %ne3A_223 : i32
            %and3A_225 = arith.andi %ne3A_221, %ne3A_224 : i1
            %sub3A_226 = arith.constant 1 : i32
            %sub3A_227 = arith.subi %div3A_206, %sub3A_226 : i32
            %select_n3A_228 = arith.select %and3A_225, %sub3A_227, %div3A_206 : i32
            %mul3A_229 = arith.constant 128 : i32
            %mul3A_230 = arith.muli %select_n3A_228, %mul3A_229 : i32
            %add3A_231 = arith.addi %mul3A_204, %mul3A_230 : i32
            %dma_start3A_232 = arith.constant 0 : i32
            %dma_start3A_233 = arith.constant 0 : i32
            %dma_start3A_234 = tpu.memref_slice %arg9[%cond3A_115, %dma_start3A_232, %dma_start3A_233] : memref<2x128x64xf32, #tpu.memory_space<vmem>> -> memref<1x128x64xf32, #tpu.memory_space<vmem>>
            %dma_start3A_235 = tpu.memref_squeeze %dma_start3A_234 : memref<1x128x64xf32, #tpu.memory_space<vmem>> -> memref<128x64xf32, #tpu.memory_space<vmem>>
            %dma_start3A_236 = tpu.memref_slice %arg6[%add3A_231] : memref<4096xi32, #tpu.memory_space<vmem>> -> memref<128xi32, #tpu.memory_space<vmem>>
            %dma_start3A_237 = arith.constant 0 : i32
            %dma_start3A_238 = arith.constant 0 : i32
            %dma_start3A_239 = tpu.memref_slice %arg3[%dma_start3A_237, %dma_start3A_238] : memref<1254400x64xf32, #tpu.memory_space<hbm>> -> memref<1254400x64xf32, #tpu.memory_space<hbm>>
            tpu.enqueue_indirect_dma source(%dma_start3A_239 : memref<1254400x64xf32, #tpu.memory_space<hbm>>) target(%dma_start3A_235 : memref<128x64xf32, #tpu.memory_space<vmem>>) offsets(%dma_start3A_236 : memref<128xi32, #tpu.memory_space<vmem>>) semaphore(%arg12 : memref<!tpu.dma_semaphore, #tpu.memory_space<semaphore_mem>>)
            %jit3A_240 = arith.constant 4 : i32
            %eq3A_241 = arith.constant 0 : i32
            %eq3A_242 = arith.cmpi eq, %jit3A_240, %eq3A_241 : i32
            %jit3A_243 = arith.constant 1 : i32
            %select_n3A_244 = arith.select %eq3A_242, %jit3A_243, %jit3A_240 : i32
            %rem3A_245 = arith.remsi %mul3A_186, %select_n3A_244 : i32
            %ne3A_246 = arith.constant 0 : i32
            %ne3A_247 = arith.cmpi ne, %rem3A_245, %ne3A_246 : i32
            %lt3A_248 = arith.constant 0 : i32
            %lt3A_249 = arith.cmpi slt, %rem3A_245, %lt3A_248 : i32
            %lt3A_250 = arith.constant 0 : i32
            %lt3A_251 = arith.cmpi slt, %select_n3A_244, %lt3A_250 : i32
            %ne3A_252 = arith.xori %lt3A_249, %lt3A_251 : i1
            %and3A_253 = arith.andi %ne3A_252, %ne3A_247 : i1
            %add3A_254 = arith.addi %rem3A_245, %select_n3A_244 : i32
            %select_n3A_255 = arith.select %and3A_253, %add3A_254, %rem3A_245 : i32
            %mul3A_256 = arith.constant 1024 : i32
            %mul3A_257 = arith.muli %select_n3A_255, %mul3A_256 : i32
            %jit3A_258 = arith.constant 4 : i32
            %div3A_259 = arith.divsi %mul3A_186, %jit3A_258 : i32
            %sign3A_260 = arith.constant 0 : i32
            %sign3A_261 = arith.cmpi sgt, %mul3A_186, %sign3A_260 : i32
            %sign3A_262 = arith.extui %sign3A_261 : i1 to i32
            %sign3A_263 = arith.constant 0 : i32
            %sign3A_264 = arith.cmpi slt, %mul3A_186, %sign3A_263 : i32
            %sign3A_265 = arith.extui %sign3A_264 : i1 to i32
            %sign3A_266 = arith.subi %sign3A_262, %sign3A_265 : i32
            %sign3A_267 = arith.constant 0 : i32
            %sign3A_268 = arith.cmpi sgt, %jit3A_258, %sign3A_267 : i32
            %sign3A_269 = arith.extui %sign3A_268 : i1 to i32
            %sign3A_270 = arith.constant 0 : i32
            %sign3A_271 = arith.cmpi slt, %jit3A_258, %sign3A_270 : i32
            %sign3A_272 = arith.extui %sign3A_271 : i1 to i32
            %sign3A_273 = arith.subi %sign3A_269, %sign3A_272 : i32
            %ne3A_274 = arith.cmpi ne, %sign3A_266, %sign3A_273 : i32
            %rem3A_275 = arith.remsi %mul3A_186, %jit3A_258 : i32
            %ne3A_276 = arith.constant 0 : i32
            %ne3A_277 = arith.cmpi ne, %rem3A_275, %ne3A_276 : i32
            %and3A_278 = arith.andi %ne3A_274, %ne3A_277 : i1
            %sub3A_279 = arith.constant 1 : i32
            %sub3A_280 = arith.subi %div3A_259, %sub3A_279 : i32
            %select_n3A_281 = arith.select %and3A_278, %sub3A_280, %div3A_259 : i32
            %mul3A_282 = arith.constant 128 : i32
            %mul3A_283 = arith.muli %select_n3A_281, %mul3A_282 : i32
            %add3A_284 = arith.addi %mul3A_257, %mul3A_283 : i32
            %dma_wait3A = arith.constant 0 : i32
            %dma_wait3A_285 = arith.constant 0 : i32
            %dma_wait3A_286 = tpu.memref_slice %arg9[%cond3A_114, %dma_wait3A, %dma_wait3A_285] : memref<2x128x64xf32, #tpu.memory_space<vmem>> -> memref<1x128x64xf32, #tpu.memory_space<vmem>>
            %dma_wait3A_287 = tpu.memref_squeeze %dma_wait3A_286 : memref<1x128x64xf32, #tpu.memory_space<vmem>> -> memref<128x64xf32, #tpu.memory_space<vmem>>
            %dma_wait3A_288 = tpu.memref_slice %arg6[%add3A_284] : memref<4096xi32, #tpu.memory_space<vmem>> -> memref<128xi32, #tpu.memory_space<vmem>>
            %dma_wait3A_289 = arith.constant 0 : i32
            %dma_wait3A_290 = arith.constant 0 : i32
            %dma_wait3A_291 = tpu.memref_slice %arg3[%dma_wait3A_289, %dma_wait3A_290] : memref<1254400x64xf32, #tpu.memory_space<hbm>> -> memref<1254400x64xf32, #tpu.memory_space<hbm>>
            tpu.wait_indirect_dma semaphore(%arg11 : memref<!tpu.dma_semaphore, #tpu.memory_space<semaphore_mem>>) src(%dma_wait3A_291 : memref<1254400x64xf32, #tpu.memory_space<hbm>>) dst(%dma_wait3A_287 : memref<128x64xf32, #tpu.memory_space<vmem>>)
            %jit3A_292 = arith.constant 4 : i32
            %eq3A_293 = arith.constant 0 : i32
            %eq3A_294 = arith.cmpi eq, %jit3A_292, %eq3A_293 : i32
            %jit3A_295 = arith.constant 1 : i32
            %select_n3A_296 = arith.select %eq3A_294, %jit3A_295, %jit3A_292 : i32
            %rem3A_297 = arith.remsi %mul3A_186, %select_n3A_296 : i32
            %ne3A_298 = arith.constant 0 : i32
            %ne3A_299 = arith.cmpi ne, %rem3A_297, %ne3A_298 : i32
            %lt3A_300 = arith.constant 0 : i32
            %lt3A_301 = arith.cmpi slt, %rem3A_297, %lt3A_300 : i32
            %lt3A_302 = arith.constant 0 : i32
            %lt3A_303 = arith.cmpi slt, %select_n3A_296, %lt3A_302 : i32
            %ne3A_304 = arith.xori %lt3A_301, %lt3A_303 : i1
            %and3A_305 = arith.andi %ne3A_304, %ne3A_299 : i1
            %add3A_306 = arith.addi %rem3A_297, %select_n3A_296 : i32
            %select_n3A_307 = arith.select %and3A_305, %add3A_306, %rem3A_297 : i32
            %mul3A_308 = arith.constant 1024 : i32
            %mul3A_309 = arith.muli %select_n3A_307, %mul3A_308 : i32
            %jit3A_310 = arith.constant 4 : i32
            %div3A_311 = arith.divsi %mul3A_186, %jit3A_310 : i32
            %sign3A_312 = arith.constant 0 : i32
            %sign3A_313 = arith.cmpi sgt, %mul3A_186, %sign3A_312 : i32
            %sign3A_314 = arith.extui %sign3A_313 : i1 to i32
            %sign3A_315 = arith.constant 0 : i32
            %sign3A_316 = arith.cmpi slt, %mul3A_186, %sign3A_315 : i32
            %sign3A_317 = arith.extui %sign3A_316 : i1 to i32
            %sign3A_318 = arith.subi %sign3A_314, %sign3A_317 : i32
            %sign3A_319 = arith.constant 0 : i32
            %sign3A_320 = arith.cmpi sgt, %jit3A_310, %sign3A_319 : i32
            %sign3A_321 = arith.extui %sign3A_320 : i1 to i32
            %sign3A_322 = arith.constant 0 : i32
            %sign3A_323 = arith.cmpi slt, %jit3A_310, %sign3A_322 : i32
            %sign3A_324 = arith.extui %sign3A_323 : i1 to i32
            %sign3A_325 = arith.subi %sign3A_321, %sign3A_324 : i32
            %ne3A_326 = arith.cmpi ne, %sign3A_318, %sign3A_325 : i32
            %rem3A_327 = arith.remsi %mul3A_186, %jit3A_310 : i32
            %ne3A_328 = arith.constant 0 : i32
            %ne3A_329 = arith.cmpi ne, %rem3A_327, %ne3A_328 : i32
            %and3A_330 = arith.andi %ne3A_326, %ne3A_329 : i1
            %sub3A_331 = arith.constant 1 : i32
            %sub3A_332 = arith.subi %div3A_311, %sub3A_331 : i32
            %select_n3A_333 = arith.select %and3A_330, %sub3A_332, %div3A_311 : i32
            %mul3A_334 = arith.constant 128 : i32
            %mul3A_335 = arith.muli %select_n3A_333, %mul3A_334 : i32
            %add3A_336 = arith.addi %mul3A_309, %mul3A_335 : i32
            %jit3A_337 = arith.constant 4 : i32
            %div3A_338 = arith.divsi %mul3A_186, %jit3A_337 : i32
            %sign3A_339 = arith.constant 0 : i32
            %sign3A_340 = arith.cmpi sgt, %mul3A_186, %sign3A_339 : i32
            %sign3A_341 = arith.extui %sign3A_340 : i1 to i32
            %sign3A_342 = arith.constant 0 : i32
            %sign3A_343 = arith.cmpi slt, %mul3A_186, %sign3A_342 : i32
            %sign3A_344 = arith.extui %sign3A_343 : i1 to i32
            %sign3A_345 = arith.subi %sign3A_341, %sign3A_344 : i32
            %sign3A_346 = arith.constant 0 : i32
            %sign3A_347 = arith.cmpi sgt, %jit3A_337, %sign3A_346 : i32
            %sign3A_348 = arith.extui %sign3A_347 : i1 to i32
            %sign3A_349 = arith.constant 0 : i32
            %sign3A_350 = arith.cmpi slt, %jit3A_337, %sign3A_349 : i32
            %sign3A_351 = arith.extui %sign3A_350 : i1 to i32
            %sign3A_352 = arith.subi %sign3A_348, %sign3A_351 : i32
            %ne3A_353 = arith.cmpi ne, %sign3A_345, %sign3A_352 : i32
            %rem3A_354 = arith.remsi %mul3A_186, %jit3A_337 : i32
            %ne3A_355 = arith.constant 0 : i32
            %ne3A_356 = arith.cmpi ne, %rem3A_354, %ne3A_355 : i32
            %and3A_357 = arith.andi %ne3A_353, %ne3A_356 : i1
            %sub3A_358 = arith.constant 1 : i32
            %sub3A_359 = arith.subi %div3A_338, %sub3A_358 : i32
            %select_n3A_360 = arith.select %and3A_357, %sub3A_359, %div3A_338 : i32
            %mul3A_361 = arith.constant 128 : i32
            %mul3A_362 = arith.muli %select_n3A_360, %mul3A_361 : i32
            %scan3A_363 = arith.constant 0 : i32
            %scan3A_364 = arith.constant 0 : i32
            %scan3A_365 = arith.constant 8 : i32
            %scan3A_366 = arith.addi %scan3A_364, %scan3A_365 : i32
            %scan3A_367 = arith.constant 1 : i32
            %scan3A_368 = scf.for %scan3A_508 = %scan3A_364 to %scan3A_366 step %scan3A_367 iter_args(%scan3A_509 = %scan3A_363) -> (i32)  : i32 {
              %mul3A_510 = arith.constant 16 : i32
              %mul3A_511 = arith.muli %scan3A_508, %mul3A_510 : i32
              %add3A_512 = arith.addi %add3A_336, %mul3A_511 : i32
              %get3A = arith.index_cast %add3A_512 : i32 to index
              %get3A_513 = tpu.vector_load %arg7[%get3A] {strides = array<i32>} : memref<4096xf32, #tpu.memory_space<vmem>>, vector<16xf32>,
              %mul3A_514 = arith.constant 16 : i32
              %mul3A_515 = arith.muli %scan3A_508, %mul3A_514 : i32
              %add3A_516 = arith.addi %mul3A_362, %mul3A_515 : i32
              %get3A_517 = arith.index_cast %add3A_516 : i32 to index
              %get3A_518 = tpu.vector_load %arg8[%get3A_517] {strides = array<i32>} : memref<1024xi32, #tpu.memory_space<vmem>>, vector<16xi32>,
              %mul3A_519 = arith.constant 64 : i32
              %mul3A_520 = vector.broadcast %mul3A_519 : i32 to vector<16xi32>
              %mul3A_521 = arith.muli %get3A_518, %mul3A_520 : vector<16xi32>
              %mul3A_522 = arith.constant 16 : i32
              %mul3A_523 = arith.muli %scan3A_508, %mul3A_522 : i32
              %add3A_524 = vector.broadcast %mul3A_523 : i32 to vector<16xi32>
              %add3A_525 = arith.addi %add3A_524, %iota3A : vector<16xi32>
              %scan3A_526 = arith.constant 0 : i32
              %scan3A_527 = arith.constant 0 : i32
              %scan3A_528 = arith.constant 8 : i32
              %scan3A_529 = arith.addi %scan3A_527, %scan3A_528 : i32
              %scan3A_530 = arith.constant 1 : i32
              %scan3A_531 = scf.for %scan3A_534 = %scan3A_527 to %scan3A_529 step %scan3A_530 iter_args(%scan3A_535 = %scan3A_526) -> (i32)  : i32 {
                %mul3A_536 = arith.constant 8 : i32
                %mul3A_537 = arith.muli %scan3A_534, %mul3A_536 : i32
                %add3A_538 = arith.constant 0 : i32
                %add3A_539 = arith.addi %mul3A_537, %add3A_538 : i32
                %add3A_540 = vector.broadcast %add3A_539 : i32 to vector<16xi32>
                %add3A_541 = arith.addi %broadcast_in_dim3A_13, %add3A_540 : vector<16xi32>
                %gather3A = arith.constant 0 : i32
                %gather3A_542 = arith.constant 0 : i32
                %gather3A_543 = tpu.memref_slice %arg9[%cond3A_114, %gather3A, %gather3A_542] : memref<2x128x64xf32, #tpu.memory_space<vmem>> -> memref<1x128x64xf32, #tpu.memory_space<vmem>>
                %gather3A_544 = tpu.memref_squeeze %gather3A_543 : memref<1x128x64xf32, #tpu.memory_space<vmem>> -> memref<128x64xf32, #tpu.memory_space<vmem>>
                %gather3A_545 = tpu.vector_load_idx %gather3A_544[%add3A_525, %add3A_541] : memref<128x64xf32, #tpu.memory_space<vmem>>[vector<16xi32>, vector<16xi32>], vector<16xf32>,
                %add3A_546 = vector.broadcast %add3A_539 : i32 to vector<16xi32>
                %add3A_547 = arith.addi %mul3A_521, %add3A_546 : vector<16xi32>
                %mul3A_548 = arith.mulf %get3A_513, %gather3A_545 : vector<16xf32>
                tpu.vector_store_idx %arg10[%add3A_547], %mul3A_548 {add = true} : memref<100352xf32, #tpu.memory_space<vmem>>[vector<16xi32>], vector<16xf32>,
                %mul3A_549 = arith.constant 8 : i32
                %mul3A_550 = arith.muli %scan3A_534, %mul3A_549 : i32
                %add3A_551 = arith.constant 1 : i32
                %add3A_552 = arith.addi %mul3A_550, %add3A_551 : i32
                %add3A_553 = vector.broadcast %add3A_552 : i32 to vector<16xi32>
                %add3A_554 = arith.addi %broadcast_in_dim3A_13, %add3A_553 : vector<16xi32>
                %gather3A_555 = arith.constant 0 : i32
                %gather3A_556 = arith.constant 0 : i32
                %gather3A_557 = tpu.memref_slice %arg9[%cond3A_114, %gather3A_555, %gather3A_556] : memref<2x128x64xf32, #tpu.memory_space<vmem>> -> memref<1x128x64xf32, #tpu.memory_space<vmem>>
                %gather3A_558 = tpu.memref_squeeze %gather3A_557 : memref<1x128x64xf32, #tpu.memory_space<vmem>> -> memref<128x64xf32, #tpu.memory_space<vmem>>
                %gather3A_559 = tpu.vector_load_idx %gather3A_558[%add3A_525, %add3A_554] : memref<128x64xf32, #tpu.memory_space<vmem>>[vector<16xi32>, vector<16xi32>], vector<16xf32>,
                %add3A_560 = vector.broadcast %add3A_552 : i32 to vector<16xi32>
                %add3A_561 = arith.addi %mul3A_521, %add3A_560 : vector<16xi32>
                %mul3A_562 = arith.mulf %get3A_513, %gather3A_559 : vector<16xf32>
                tpu.vector_store_idx %arg10[%add3A_561], %mul3A_562 {add = true} : memref<100352xf32, #tpu.memory_space<vmem>>[vector<16xi32>], vector<16xf32>,
                %mul3A_563 = arith.constant 8 : i32
                %mul3A_564 = arith.muli %scan3A_534, %mul3A_563 : i32
                %add3A_565 = arith.constant 2 : i32
                %add3A_566 = arith.addi %mul3A_564, %add3A_565 : i32
                %add3A_567 = vector.broadcast %add3A_566 : i32 to vector<16xi32>
                %add3A_568 = arith.addi %broadcast_in_dim3A_13, %add3A_567 : vector<16xi32>
                %gather3A_569 = arith.constant 0 : i32
                %gather3A_570 = arith.constant 0 : i32
                %gather3A_571 = tpu.memref_slice %arg9[%cond3A_114, %gather3A_569, %gather3A_570] : memref<2x128x64xf32, #tpu.memory_space<vmem>> -> memref<1x128x64xf32, #tpu.memory_space<vmem>>
                %gather3A_572 = tpu.memref_squeeze %gather3A_571 : memref<1x128x64xf32, #tpu.memory_space<vmem>> -> memref<128x64xf32, #tpu.memory_space<vmem>>
                %gather3A_573 = tpu.vector_load_idx %gather3A_572[%add3A_525, %add3A_568] : memref<128x64xf32, #tpu.memory_space<vmem>>[vector<16xi32>, vector<16xi32>], vector<16xf32>,
                %add3A_574 = vector.broadcast %add3A_566 : i32 to vector<16xi32>
                %add3A_575 = arith.addi %mul3A_521, %add3A_574 : vector<16xi32>
                %mul3A_576 = arith.mulf %get3A_513, %gather3A_573 : vector<16xf32>
                tpu.vector_store_idx %arg10[%add3A_575], %mul3A_576 {add = true} : memref<100352xf32, #tpu.memory_space<vmem>>[vector<16xi32>], vector<16xf32>,
                %mul3A_577 = arith.constant 8 : i32
                %mul3A_578 = arith.muli %scan3A_534, %mul3A_577 : i32
                %add3A_579 = arith.constant 3 : i32
                %add3A_580 = arith.addi %mul3A_578, %add3A_579 : i32
                %add3A_581 = vector.broadcast %add3A_580 : i32 to vector<16xi32>
                %add3A_582 = arith.addi %broadcast_in_dim3A_13, %add3A_581 : vector<16xi32>
                %gather3A_583 = arith.constant 0 : i32
                %gather3A_584 = arith.constant 0 : i32
                %gather3A_585 = tpu.memref_slice %arg9[%cond3A_114, %gather3A_583, %gather3A_584] : memref<2x128x64xf32, #tpu.memory_space<vmem>> -> memref<1x128x64xf32, #tpu.memory_space<vmem>>
                %gather3A_586 = tpu.memref_squeeze %gather3A_585 : memref<1x128x64xf32, #tpu.memory_space<vmem>> -> memref<128x64xf32, #tpu.memory_space<vmem>>
                %gather3A_587 = tpu.vector_load_idx %gather3A_586[%add3A_525, %add3A_582] : memref<128x64xf32, #tpu.memory_space<vmem>>[vector<16xi32>, vector<16xi32>], vector<16xf32>,
                %add3A_588 = vector.broadcast %add3A_580 : i32 to vector<16xi32>
                %add3A_589 = arith.addi %mul3A_521, %add3A_588 : vector<16xi32>
                %mul3A_590 = arith.mulf %get3A_513, %gather3A_587 : vector<16xf32>
                tpu.vector_store_idx %arg10[%add3A_589], %mul3A_590 {add = true} : memref<100352xf32, #tpu.memory_space<vmem>>[vector<16xi32>], vector<16xf32>,
                %mul3A_591 = arith.constant 8 : i32
                %mul3A_592 = arith.muli %scan3A_534, %mul3A_591 : i32
                %add3A_593 = arith.constant 4 : i32
                %add3A_594 = arith.addi %mul3A_592, %add3A_593 : i32
                %add3A_595 = vector.broadcast %add3A_594 : i32 to vector<16xi32>
                %add3A_596 = arith.addi %broadcast_in_dim3A_13, %add3A_595 : vector<16xi32>
                %gather3A_597 = arith.constant 0 : i32
                %gather3A_598 = arith.constant 0 : i32
                %gather3A_599 = tpu.memref_slice %arg9[%cond3A_114, %gather3A_597, %gather3A_598] : memref<2x128x64xf32, #tpu.memory_space<vmem>> -> memref<1x128x64xf32, #tpu.memory_space<vmem>>
                %gather3A_600 = tpu.memref_squeeze %gather3A_599 : memref<1x128x64xf32, #tpu.memory_space<vmem>> -> memref<128x64xf32, #tpu.memory_space<vmem>>
                %gather3A_601 = tpu.vector_load_idx %gather3A_600[%add3A_525, %add3A_596] : memref<128x64xf32, #tpu.memory_space<vmem>>[vector<16xi32>, vector<16xi32>], vector<16xf32>,
                %add3A_602 = vector.broadcast %add3A_594 : i32 to vector<16xi32>
                %add3A_603 = arith.addi %mul3A_521, %add3A_602 : vector<16xi32>
                %mul3A_604 = arith.mulf %get3A_513, %gather3A_601 : vector<16xf32>
                tpu.vector_store_idx %arg10[%add3A_603], %mul3A_604 {add = true} : memref<100352xf32, #tpu.memory_space<vmem>>[vector<16xi32>], vector<16xf32>,
                %mul3A_605 = arith.constant 8 : i32
                %mul3A_606 = arith.muli %scan3A_534, %mul3A_605 : i32
                %add3A_607 = arith.constant 5 : i32
                %add3A_608 = arith.addi %mul3A_606, %add3A_607 : i32
                %add3A_609 = vector.broadcast %add3A_608 : i32 to vector<16xi32>
                %add3A_610 = arith.addi %broadcast_in_dim3A_13, %add3A_609 : vector<16xi32>
                %gather3A_611 = arith.constant 0 : i32
                %gather3A_612 = arith.constant 0 : i32
                %gather3A_613 = tpu.memref_slice %arg9[%cond3A_114, %gather3A_611, %gather3A_612] : memref<2x128x64xf32, #tpu.memory_space<vmem>> -> memref<1x128x64xf32, #tpu.memory_space<vmem>>
                %gather3A_614 = tpu.memref_squeeze %gather3A_613 : memref<1x128x64xf32, #tpu.memory_space<vmem>> -> memref<128x64xf32, #tpu.memory_space<vmem>>
                %gather3A_615 = tpu.vector_load_idx %gather3A_614[%add3A_525, %add3A_610] : memref<128x64xf32, #tpu.memory_space<vmem>>[vector<16xi32>, vector<16xi32>], vector<16xf32>,
                %add3A_616 = vector.broadcast %add3A_608 : i32 to vector<16xi32>
                %add3A_617 = arith.addi %mul3A_521, %add3A_616 : vector<16xi32>
                %mul3A_618 = arith.mulf %get3A_513, %gather3A_615 : vector<16xf32>
                tpu.vector_store_idx %arg10[%add3A_617], %mul3A_618 {add = true} : memref<100352xf32, #tpu.memory_space<vmem>>[vector<16xi32>], vector<16xf32>,
                %mul3A_619 = arith.constant 8 : i32
                %mul3A_620 = arith.muli %scan3A_534, %mul3A_619 : i32
                %add3A_621 = arith.constant 6 : i32
                %add3A_622 = arith.addi %mul3A_620, %add3A_621 : i32
                %add3A_623 = vector.broadcast %add3A_622 : i32 to vector<16xi32>
                %add3A_624 = arith.addi %broadcast_in_dim3A_13, %add3A_623 : vector<16xi32>
                %gather3A_625 = arith.constant 0 : i32
                %gather3A_626 = arith.constant 0 : i32
                %gather3A_627 = tpu.memref_slice %arg9[%cond3A_114, %gather3A_625, %gather3A_626] : memref<2x128x64xf32, #tpu.memory_space<vmem>> -> memref<1x128x64xf32, #tpu.memory_space<vmem>>
                %gather3A_628 = tpu.memref_squeeze %gather3A_627 : memref<1x128x64xf32, #tpu.memory_space<vmem>> -> memref<128x64xf32, #tpu.memory_space<vmem>>
                %gather3A_629 = tpu.vector_load_idx %gather3A_628[%add3A_525, %add3A_624] : memref<128x64xf32, #tpu.memory_space<vmem>>[vector<16xi32>, vector<16xi32>], vector<16xf32>,
                %add3A_630 = vector.broadcast %add3A_622 : i32 to vector<16xi32>
                %add3A_631 = arith.addi %mul3A_521, %add3A_630 : vector<16xi32>
                %mul3A_632 = arith.mulf %get3A_513, %gather3A_629 : vector<16xf32>
                tpu.vector_store_idx %arg10[%add3A_631], %mul3A_632 {add = true} : memref<100352xf32, #tpu.memory_space<vmem>>[vector<16xi32>], vector<16xf32>,
                %mul3A_633 = arith.constant 8 : i32
                %mul3A_634 = arith.muli %scan3A_534, %mul3A_633 : i32
                %add3A_635 = arith.constant 7 : i32
                %add3A_636 = arith.addi %mul3A_634, %add3A_635 : i32
                %add3A_637 = vector.broadcast %add3A_636 : i32 to vector<16xi32>
                %add3A_638 = arith.addi %broadcast_in_dim3A_13, %add3A_637 : vector<16xi32>
                %gather3A_639 = arith.constant 0 : i32
                %gather3A_640 = arith.constant 0 : i32
                %gather3A_641 = tpu.memref_slice %arg9[%cond3A_114, %gather3A_639, %gather3A_640] : memref<2x128x64xf32, #tpu.memory_space<vmem>> -> memref<1x128x64xf32, #tpu.memory_space<vmem>>
                %gather3A_642 = tpu.memref_squeeze %gather3A_641 : memref<1x128x64xf32, #tpu.memory_space<vmem>> -> memref<128x64xf32, #tpu.memory_space<vmem>>
                %gather3A_643 = tpu.vector_load_idx %gather3A_642[%add3A_525, %add3A_638] : memref<128x64xf32, #tpu.memory_space<vmem>>[vector<16xi32>, vector<16xi32>], vector<16xf32>,
                %add3A_644 = vector.broadcast %add3A_636 : i32 to vector<16xi32>
                %add3A_645 = arith.addi %mul3A_521, %add3A_644 : vector<16xi32>
                %mul3A_646 = arith.mulf %get3A_513, %gather3A_643 : vector<16xf32>
                tpu.vector_store_idx %arg10[%add3A_645], %mul3A_646 {add = true} : memref<100352xf32, #tpu.memory_space<vmem>>[vector<16xi32>], vector<16xf32>,
                %scan3A_647 = arith.constant 0 : i32
                scf.yield %scan3A_647 : i32
              }
              %scan3A_532 = arith.constant 8 : i32
              %scan3A_533 = arith.constant 0 : i32
              scf.yield %scan3A_533 : i32
            }
            %scan3A_369 = arith.constant 8 : i32
            %add3A_370 = arith.constant 1 : i32
            %add3A_371 = arith.addi %add3A_188, %add3A_370 : i32
            %lt3A_372 = arith.cmpi slt, %add3A_371, %mul3A_110 : i32
            %convert_element_type3A_373 = arith.extui %lt3A_372 : i1 to i32
            %cond3A_374 = arith.constant 0 : i32
            %cond3A_375 = arith.cmpi ne, %convert_element_type3A_373, %cond3A_374 : i32
            scf.if %cond3A_375 {
              %add3A_508 = arith.constant 1 : i32
              %add3A_509 = arith.addi %add3A_188, %add3A_508 : i32
              %jit3A_510 = arith.constant 4 : i32
              %eq3A_511 = arith.constant 0 : i32
              %eq3A_512 = arith.cmpi eq, %jit3A_510, %eq3A_511 : i32
              %jit3A_513 = arith.constant 1 : i32
              %select_n3A_514 = arith.select %eq3A_512, %jit3A_513, %jit3A_510 : i32
              %rem3A_515 = arith.remsi %add3A_509, %select_n3A_514 : i32
              %ne3A_516 = arith.constant 0 : i32
              %ne3A_517 = arith.cmpi ne, %rem3A_515, %ne3A_516 : i32
              %lt3A_518 = arith.constant 0 : i32
              %lt3A_519 = arith.cmpi slt, %rem3A_515, %lt3A_518 : i32
              %lt3A_520 = arith.constant 0 : i32
              %lt3A_521 = arith.cmpi slt, %select_n3A_514, %lt3A_520 : i32
              %ne3A_522 = arith.xori %lt3A_519, %lt3A_521 : i1
              %and3A_523 = arith.andi %ne3A_522, %ne3A_517 : i1
              %add3A_524 = arith.addi %rem3A_515, %select_n3A_514 : i32
              %select_n3A_525 = arith.select %and3A_523, %add3A_524, %rem3A_515 : i32
              %mul3A_526 = arith.constant 1024 : i32
              %mul3A_527 = arith.muli %select_n3A_525, %mul3A_526 : i32
              %jit3A_528 = arith.constant 4 : i32
              %div3A_529 = arith.divsi %add3A_509, %jit3A_528 : i32
              %sign3A_530 = arith.constant 0 : i32
              %sign3A_531 = arith.cmpi sgt, %add3A_509, %sign3A_530 : i32
              %sign3A_532 = arith.extui %sign3A_531 : i1 to i32
              %sign3A_533 = arith.constant 0 : i32
              %sign3A_534 = arith.cmpi slt, %add3A_509, %sign3A_533 : i32
              %sign3A_535 = arith.extui %sign3A_534 : i1 to i32
              %sign3A_536 = arith.subi %sign3A_532, %sign3A_535 : i32
              %sign3A_537 = arith.constant 0 : i32
              %sign3A_538 = arith.cmpi sgt, %jit3A_528, %sign3A_537 : i32
              %sign3A_539 = arith.extui %sign3A_538 : i1 to i32
              %sign3A_540 = arith.constant 0 : i32
              %sign3A_541 = arith.cmpi slt, %jit3A_528, %sign3A_540 : i32
              %sign3A_542 = arith.extui %sign3A_541 : i1 to i32
              %sign3A_543 = arith.subi %sign3A_539, %sign3A_542 : i32
              %ne3A_544 = arith.cmpi ne, %sign3A_536, %sign3A_543 : i32
              %rem3A_545 = arith.remsi %add3A_509, %jit3A_528 : i32
              %ne3A_546 = arith.constant 0 : i32
              %ne3A_547 = arith.cmpi ne, %rem3A_545, %ne3A_546 : i32
              %and3A_548 = arith.andi %ne3A_544, %ne3A_547 : i1
              %sub3A_549 = arith.constant 1 : i32
              %sub3A_550 = arith.subi %div3A_529, %sub3A_549 : i32
              %select_n3A_551 = arith.select %and3A_548, %sub3A_550, %div3A_529 : i32
              %mul3A_552 = arith.constant 128 : i32
              %mul3A_553 = arith.muli %select_n3A_551, %mul3A_552 : i32
              %add3A_554 = arith.addi %mul3A_527, %mul3A_553 : i32
              %dma_start3A_555 = arith.constant 0 : i32
              %dma_start3A_556 = arith.constant 0 : i32
              %dma_start3A_557 = tpu.memref_slice %arg9[%cond3A_114, %dma_start3A_555, %dma_start3A_556] : memref<2x128x64xf32, #tpu.memory_space<vmem>> -> memref<1x128x64xf32, #tpu.memory_space<vmem>>
              %dma_start3A_558 = tpu.memref_squeeze %dma_start3A_557 : memref<1x128x64xf32, #tpu.memory_space<vmem>> -> memref<128x64xf32, #tpu.memory_space<vmem>>
              %dma_start3A_559 = tpu.memref_slice %arg6[%add3A_554] : memref<4096xi32, #tpu.memory_space<vmem>> -> memref<128xi32, #tpu.memory_space<vmem>>
              %dma_start3A_560 = arith.constant 0 : i32
              %dma_start3A_561 = arith.constant 0 : i32
              %dma_start3A_562 = tpu.memref_slice %arg3[%dma_start3A_560, %dma_start3A_561] : memref<1254400x64xf32, #tpu.memory_space<hbm>> -> memref<1254400x64xf32, #tpu.memory_space<hbm>>
              tpu.enqueue_indirect_dma source(%dma_start3A_562 : memref<1254400x64xf32, #tpu.memory_space<hbm>>) target(%dma_start3A_558 : memref<128x64xf32, #tpu.memory_space<vmem>>) offsets(%dma_start3A_559 : memref<128xi32, #tpu.memory_space<vmem>>) semaphore(%arg11 : memref<!tpu.dma_semaphore, #tpu.memory_space<semaphore_mem>>)
            } else {
            }
            %jit3A_376 = arith.constant 4 : i32
            %eq3A_377 = arith.constant 0 : i32
            %eq3A_378 = arith.cmpi eq, %jit3A_376, %eq3A_377 : i32
            %jit3A_379 = arith.constant 1 : i32
            %select_n3A_380 = arith.select %eq3A_378, %jit3A_379, %jit3A_376 : i32
            %rem3A_381 = arith.remsi %add3A_188, %select_n3A_380 : i32
            %ne3A_382 = arith.constant 0 : i32
            %ne3A_383 = arith.cmpi ne, %rem3A_381, %ne3A_382 : i32
            %lt3A_384 = arith.constant 0 : i32
            %lt3A_385 = arith.cmpi slt, %rem3A_381, %lt3A_384 : i32
            %lt3A_386 = arith.constant 0 : i32
            %lt3A_387 = arith.cmpi slt, %select_n3A_380, %lt3A_386 : i32
            %ne3A_388 = arith.xori %lt3A_385, %lt3A_387 : i1
            %and3A_389 = arith.andi %ne3A_388, %ne3A_383 : i1
            %add3A_390 = arith.addi %rem3A_381, %select_n3A_380 : i32
            %select_n3A_391 = arith.select %and3A_389, %add3A_390, %rem3A_381 : i32
            %mul3A_392 = arith.constant 1024 : i32
            %mul3A_393 = arith.muli %select_n3A_391, %mul3A_392 : i32
            %jit3A_394 = arith.constant 4 : i32
            %div3A_395 = arith.divsi %add3A_188, %jit3A_394 : i32
            %sign3A_396 = arith.constant 0 : i32
            %sign3A_397 = arith.cmpi sgt, %add3A_188, %sign3A_396 : i32
            %sign3A_398 = arith.extui %sign3A_397 : i1 to i32
            %sign3A_399 = arith.constant 0 : i32
            %sign3A_400 = arith.cmpi slt, %add3A_188, %sign3A_399 : i32
            %sign3A_401 = arith.extui %sign3A_400 : i1 to i32
            %sign3A_402 = arith.subi %sign3A_398, %sign3A_401 : i32
            %sign3A_403 = arith.constant 0 : i32
            %sign3A_404 = arith.cmpi sgt, %jit3A_394, %sign3A_403 : i32
            %sign3A_405 = arith.extui %sign3A_404 : i1 to i32
            %sign3A_406 = arith.constant 0 : i32
            %sign3A_407 = arith.cmpi slt, %jit3A_394, %sign3A_406 : i32
            %sign3A_408 = arith.extui %sign3A_407 : i1 to i32
            %sign3A_409 = arith.subi %sign3A_405, %sign3A_408 : i32
            %ne3A_410 = arith.cmpi ne, %sign3A_402, %sign3A_409 : i32
            %rem3A_411 = arith.remsi %add3A_188, %jit3A_394 : i32
            %ne3A_412 = arith.constant 0 : i32
            %ne3A_413 = arith.cmpi ne, %rem3A_411, %ne3A_412 : i32
            %and3A_414 = arith.andi %ne3A_410, %ne3A_413 : i1
            %sub3A_415 = arith.constant 1 : i32
            %sub3A_416 = arith.subi %div3A_395, %sub3A_415 : i32
            %select_n3A_417 = arith.select %and3A_414, %sub3A_416, %div3A_395 : i32
            %mul3A_418 = arith.constant 128 : i32
            %mul3A_419 = arith.muli %select_n3A_417, %mul3A_418 : i32
            %add3A_420 = arith.addi %mul3A_393, %mul3A_419 : i32
            %dma_wait3A_421 = arith.constant 0 : i32
            %dma_wait3A_422 = arith.constant 0 : i32
            %dma_wait3A_423 = tpu.memref_slice %arg9[%cond3A_115, %dma_wait3A_421, %dma_wait3A_422] : memref<2x128x64xf32, #tpu.memory_space<vmem>> -> memref<1x128x64xf32, #tpu.memory_space<vmem>>
            %dma_wait3A_424 = tpu.memref_squeeze %dma_wait3A_423 : memref<1x128x64xf32, #tpu.memory_space<vmem>> -> memref<128x64xf32, #tpu.memory_space<vmem>>
            %dma_wait3A_425 = tpu.memref_slice %arg6[%add3A_420] : memref<4096xi32, #tpu.memory_space<vmem>> -> memref<128xi32, #tpu.memory_space<vmem>>
            %dma_wait3A_426 = arith.constant 0 : i32
            %dma_wait3A_427 = arith.constant 0 : i32
            %dma_wait3A_428 = tpu.memref_slice %arg3[%dma_wait3A_426, %dma_wait3A_427] : memref<1254400x64xf32, #tpu.memory_space<hbm>> -> memref<1254400x64xf32, #tpu.memory_space<hbm>>
            tpu.wait_indirect_dma semaphore(%arg12 : memref<!tpu.dma_semaphore, #tpu.memory_space<semaphore_mem>>) src(%dma_wait3A_428 : memref<1254400x64xf32, #tpu.memory_space<hbm>>) dst(%dma_wait3A_424 : memref<128x64xf32, #tpu.memory_space<vmem>>)
            %jit3A_429 = arith.constant 4 : i32
            %eq3A_430 = arith.constant 0 : i32
            %eq3A_431 = arith.cmpi eq, %jit3A_429, %eq3A_430 : i32
            %jit3A_432 = arith.constant 1 : i32
            %select_n3A_433 = arith.select %eq3A_431, %jit3A_432, %jit3A_429 : i32
            %rem3A_434 = arith.remsi %add3A_188, %select_n3A_433 : i32
            %ne3A_435 = arith.constant 0 : i32
            %ne3A_436 = arith.cmpi ne, %rem3A_434, %ne3A_435 : i32
            %lt3A_437 = arith.constant 0 : i32
            %lt3A_438 = arith.cmpi slt, %rem3A_434, %lt3A_437 : i32
            %lt3A_439 = arith.constant 0 : i32
            %lt3A_440 = arith.cmpi slt, %select_n3A_433, %lt3A_439 : i32
            %ne3A_441 = arith.xori %lt3A_438, %lt3A_440 : i1
            %and3A_442 = arith.andi %ne3A_441, %ne3A_436 : i1
            %add3A_443 = arith.addi %rem3A_434, %select_n3A_433 : i32
            %select_n3A_444 = arith.select %and3A_442, %add3A_443, %rem3A_434 : i32
            %mul3A_445 = arith.constant 1024 : i32
            %mul3A_446 = arith.muli %select_n3A_444, %mul3A_445 : i32
            %jit3A_447 = arith.constant 4 : i32
            %div3A_448 = arith.divsi %add3A_188, %jit3A_447 : i32
            %sign3A_449 = arith.constant 0 : i32
            %sign3A_450 = arith.cmpi sgt, %add3A_188, %sign3A_449 : i32
            %sign3A_451 = arith.extui %sign3A_450 : i1 to i32
            %sign3A_452 = arith.constant 0 : i32
            %sign3A_453 = arith.cmpi slt, %add3A_188, %sign3A_452 : i32
            %sign3A_454 = arith.extui %sign3A_453 : i1 to i32
            %sign3A_455 = arith.subi %sign3A_451, %sign3A_454 : i32
            %sign3A_456 = arith.constant 0 : i32
            %sign3A_457 = arith.cmpi sgt, %jit3A_447, %sign3A_456 : i32
            %sign3A_458 = arith.extui %sign3A_457 : i1 to i32
            %sign3A_459 = arith.constant 0 : i32
            %sign3A_460 = arith.cmpi slt, %jit3A_447, %sign3A_459 : i32
            %sign3A_461 = arith.extui %sign3A_460 : i1 to i32
            %sign3A_462 = arith.subi %sign3A_458, %sign3A_461 : i32
            %ne3A_463 = arith.cmpi ne, %sign3A_455, %sign3A_462 : i32
            %rem3A_464 = arith.remsi %add3A_188, %jit3A_447 : i32
            %ne3A_465 = arith.constant 0 : i32
            %ne3A_466 = arith.cmpi ne, %rem3A_464, %ne3A_465 : i32
            %and3A_467 = arith.andi %ne3A_463, %ne3A_466 : i1
            %sub3A_468 = arith.constant 1 : i32
            %sub3A_469 = arith.subi %div3A_448, %sub3A_468 : i32
            %select_n3A_470 = arith.select %and3A_467, %sub3A_469, %div3A_448 : i32
            %mul3A_471 = arith.constant 128 : i32
            %mul3A_472 = arith.muli %select_n3A_470, %mul3A_471 : i32
            %add3A_473 = arith.addi %mul3A_446, %mul3A_472 : i32
            %jit3A_474 = arith.constant 4 : i32
            %div3A_475 = arith.divsi %add3A_188, %jit3A_474 : i32
            %sign3A_476 = arith.constant 0 : i32
            %sign3A_477 = arith.cmpi sgt, %add3A_188, %sign3A_476 : i32
            %sign3A_478 = arith.extui %sign3A_477 : i1 to i32
            %sign3A_479 = arith.constant 0 : i32
            %sign3A_480 = arith.cmpi slt, %add3A_188, %sign3A_479 : i32
            %sign3A_481 = arith.extui %sign3A_480 : i1 to i32
            %sign3A_482 = arith.subi %sign3A_478, %sign3A_481 : i32
            %sign3A_483 = arith.constant 0 : i32
            %sign3A_484 = arith.cmpi sgt, %jit3A_474, %sign3A_483 : i32
            %sign3A_485 = arith.extui %sign3A_484 : i1 to i32
            %sign3A_486 = arith.constant 0 : i32
            %sign3A_487 = arith.cmpi slt, %jit3A_474, %sign3A_486 : i32
            %sign3A_488 = arith.extui %sign3A_487 : i1 to i32
            %sign3A_489 = arith.subi %sign3A_485, %sign3A_488 : i32
            %ne3A_490 = arith.cmpi ne, %sign3A_482, %sign3A_489 : i32
            %rem3A_491 = arith.remsi %add3A_188, %jit3A_474 : i32
            %ne3A_492 = arith.constant 0 : i32
            %ne3A_493 = arith.cmpi ne, %rem3A_491, %ne3A_492 : i32
            %and3A_494 = arith.andi %ne3A_490, %ne3A_493 : i1
            %sub3A_495 = arith.constant 1 : i32
            %sub3A_496 = arith.subi %div3A_475, %sub3A_495 : i32
            %select_n3A_497 = arith.select %and3A_494, %sub3A_496, %div3A_475 : i32
            %mul3A_498 = arith.constant 128 : i32
            %mul3A_499 = arith.muli %select_n3A_497, %mul3A_498 : i32
            %scan3A_500 = arith.constant 0 : i32
            %scan3A_501 = arith.constant 0 : i32
            %scan3A_502 = arith.constant 8 : i32
            %scan3A_503 = arith.addi %scan3A_501, %scan3A_502 : i32
            %scan3A_504 = arith.constant 1 : i32
            %scan3A_505 = scf.for %scan3A_508 = %scan3A_501 to %scan3A_503 step %scan3A_504 iter_args(%scan3A_509 = %scan3A_500) -> (i32)  : i32 {
              %mul3A_510 = arith.constant 16 : i32
              %mul3A_511 = arith.muli %scan3A_508, %mul3A_510 : i32
              %add3A_512 = arith.addi %add3A_473, %mul3A_511 : i32
              %get3A = arith.index_cast %add3A_512 : i32 to index
              %get3A_513 = tpu.vector_load %arg7[%get3A] {strides = array<i32>} : memref<4096xf32, #tpu.memory_space<vmem>>, vector<16xf32>,
              %mul3A_514 = arith.constant 16 : i32
              %mul3A_515 = arith.muli %scan3A_508, %mul3A_514 : i32
              %add3A_516 = arith.addi %mul3A_499, %mul3A_515 : i32
              %get3A_517 = arith.index_cast %add3A_516 : i32 to index
              %get3A_518 = tpu.vector_load %arg8[%get3A_517] {strides = array<i32>} : memref<1024xi32, #tpu.memory_space<vmem>>, vector<16xi32>,
              %mul3A_519 = arith.constant 64 : i32
              %mul3A_520 = vector.broadcast %mul3A_519 : i32 to vector<16xi32>
              %mul3A_521 = arith.muli %get3A_518, %mul3A_520 : vector<16xi32>
              %mul3A_522 = arith.constant 16 : i32
              %mul3A_523 = arith.muli %scan3A_508, %mul3A_522 : i32
              %add3A_524 = vector.broadcast %mul3A_523 : i32 to vector<16xi32>
              %add3A_525 = arith.addi %add3A_524, %iota3A : vector<16xi32>
              %scan3A_526 = arith.constant 0 : i32
              %scan3A_527 = arith.constant 0 : i32
              %scan3A_528 = arith.constant 8 : i32
              %scan3A_529 = arith.addi %scan3A_527, %scan3A_528 : i32
              %scan3A_530 = arith.constant 1 : i32
              %scan3A_531 = scf.for %scan3A_534 = %scan3A_527 to %scan3A_529 step %scan3A_530 iter_args(%scan3A_535 = %scan3A_526) -> (i32)  : i32 {
                %mul3A_536 = arith.constant 8 : i32
                %mul3A_537 = arith.muli %scan3A_534, %mul3A_536 : i32
                %add3A_538 = arith.constant 0 : i32
                %add3A_539 = arith.addi %mul3A_537, %add3A_538 : i32
                %add3A_540 = vector.broadcast %add3A_539 : i32 to vector<16xi32>
                %add3A_541 = arith.addi %broadcast_in_dim3A_13, %add3A_540 : vector<16xi32>
                %gather3A = arith.constant 0 : i32
                %gather3A_542 = arith.constant 0 : i32
                %gather3A_543 = tpu.memref_slice %arg9[%cond3A_115, %gather3A, %gather3A_542] : memref<2x128x64xf32, #tpu.memory_space<vmem>> -> memref<1x128x64xf32, #tpu.memory_space<vmem>>
                %gather3A_544 = tpu.memref_squeeze %gather3A_543 : memref<1x128x64xf32, #tpu.memory_space<vmem>> -> memref<128x64xf32, #tpu.memory_space<vmem>>
                %gather3A_545 = tpu.vector_load_idx %gather3A_544[%add3A_525, %add3A_541] : memref<128x64xf32, #tpu.memory_space<vmem>>[vector<16xi32>, vector<16xi32>], vector<16xf32>,
                %add3A_546 = vector.broadcast %add3A_539 : i32 to vector<16xi32>
                %add3A_547 = arith.addi %mul3A_521, %add3A_546 : vector<16xi32>
                %mul3A_548 = arith.mulf %get3A_513, %gather3A_545 : vector<16xf32>
                tpu.vector_store_idx %arg10[%add3A_547], %mul3A_548 {add = true} : memref<100352xf32, #tpu.memory_space<vmem>>[vector<16xi32>], vector<16xf32>,
                %mul3A_549 = arith.constant 8 : i32
                %mul3A_550 = arith.muli %scan3A_534, %mul3A_549 : i32
                %add3A_551 = arith.constant 1 : i32
                %add3A_552 = arith.addi %mul3A_550, %add3A_551 : i32
                %add3A_553 = vector.broadcast %add3A_552 : i32 to vector<16xi32>
                %add3A_554 = arith.addi %broadcast_in_dim3A_13, %add3A_553 : vector<16xi32>
                %gather3A_555 = arith.constant 0 : i32
                %gather3A_556 = arith.constant 0 : i32
                %gather3A_557 = tpu.memref_slice %arg9[%cond3A_115, %gather3A_555, %gather3A_556] : memref<2x128x64xf32, #tpu.memory_space<vmem>> -> memref<1x128x64xf32, #tpu.memory_space<vmem>>
                %gather3A_558 = tpu.memref_squeeze %gather3A_557 : memref<1x128x64xf32, #tpu.memory_space<vmem>> -> memref<128x64xf32, #tpu.memory_space<vmem>>
                %gather3A_559 = tpu.vector_load_idx %gather3A_558[%add3A_525, %add3A_554] : memref<128x64xf32, #tpu.memory_space<vmem>>[vector<16xi32>, vector<16xi32>], vector<16xf32>,
                %add3A_560 = vector.broadcast %add3A_552 : i32 to vector<16xi32>
                %add3A_561 = arith.addi %mul3A_521, %add3A_560 : vector<16xi32>
                %mul3A_562 = arith.mulf %get3A_513, %gather3A_559 : vector<16xf32>
                tpu.vector_store_idx %arg10[%add3A_561], %mul3A_562 {add = true} : memref<100352xf32, #tpu.memory_space<vmem>>[vector<16xi32>], vector<16xf32>,
                %mul3A_563 = arith.constant 8 : i32
                %mul3A_564 = arith.muli %scan3A_534, %mul3A_563 : i32
                %add3A_565 = arith.constant 2 : i32
                %add3A_566 = arith.addi %mul3A_564, %add3A_565 : i32
                %add3A_567 = vector.broadcast %add3A_566 : i32 to vector<16xi32>
                %add3A_568 = arith.addi %broadcast_in_dim3A_13, %add3A_567 : vector<16xi32>
                %gather3A_569 = arith.constant 0 : i32
                %gather3A_570 = arith.constant 0 : i32
                %gather3A_571 = tpu.memref_slice %arg9[%cond3A_115, %gather3A_569, %gather3A_570] : memref<2x128x64xf32, #tpu.memory_space<vmem>> -> memref<1x128x64xf32, #tpu.memory_space<vmem>>
                %gather3A_572 = tpu.memref_squeeze %gather3A_571 : memref<1x128x64xf32, #tpu.memory_space<vmem>> -> memref<128x64xf32, #tpu.memory_space<vmem>>
                %gather3A_573 = tpu.vector_load_idx %gather3A_572[%add3A_525, %add3A_568] : memref<128x64xf32, #tpu.memory_space<vmem>>[vector<16xi32>, vector<16xi32>], vector<16xf32>,
                %add3A_574 = vector.broadcast %add3A_566 : i32 to vector<16xi32>
                %add3A_575 = arith.addi %mul3A_521, %add3A_574 : vector<16xi32>
                %mul3A_576 = arith.mulf %get3A_513, %gather3A_573 : vector<16xf32>
                tpu.vector_store_idx %arg10[%add3A_575], %mul3A_576 {add = true} : memref<100352xf32, #tpu.memory_space<vmem>>[vector<16xi32>], vector<16xf32>,
                %mul3A_577 = arith.constant 8 : i32
                %mul3A_578 = arith.muli %scan3A_534, %mul3A_577 : i32
                %add3A_579 = arith.constant 3 : i32
                %add3A_580 = arith.addi %mul3A_578, %add3A_579 : i32
                %add3A_581 = vector.broadcast %add3A_580 : i32 to vector<16xi32>
                %add3A_582 = arith.addi %broadcast_in_dim3A_13, %add3A_581 : vector<16xi32>
                %gather3A_583 = arith.constant 0 : i32
                %gather3A_584 = arith.constant 0 : i32
                %gather3A_585 = tpu.memref_slice %arg9[%cond3A_115, %gather3A_583, %gather3A_584] : memref<2x128x64xf32, #tpu.memory_space<vmem>> -> memref<1x128x64xf32, #tpu.memory_space<vmem>>
                %gather3A_586 = tpu.memref_squeeze %gather3A_585 : memref<1x128x64xf32, #tpu.memory_space<vmem>> -> memref<128x64xf32, #tpu.memory_space<vmem>>
                %gather3A_587 = tpu.vector_load_idx %gather3A_586[%add3A_525, %add3A_582] : memref<128x64xf32, #tpu.memory_space<vmem>>[vector<16xi32>, vector<16xi32>], vector<16xf32>,
                %add3A_588 = vector.broadcast %add3A_580 : i32 to vector<16xi32>
                %add3A_589 = arith.addi %mul3A_521, %add3A_588 : vector<16xi32>
                %mul3A_590 = arith.mulf %get3A_513, %gather3A_587 : vector<16xf32>
                tpu.vector_store_idx %arg10[%add3A_589], %mul3A_590 {add = true} : memref<100352xf32, #tpu.memory_space<vmem>>[vector<16xi32>], vector<16xf32>,
                %mul3A_591 = arith.constant 8 : i32
                %mul3A_592 = arith.muli %scan3A_534, %mul3A_591 : i32
                %add3A_593 = arith.constant 4 : i32
                %add3A_594 = arith.addi %mul3A_592, %add3A_593 : i32
                %add3A_595 = vector.broadcast %add3A_594 : i32 to vector<16xi32>
                %add3A_596 = arith.addi %broadcast_in_dim3A_13, %add3A_595 : vector<16xi32>
                %gather3A_597 = arith.constant 0 : i32
                %gather3A_598 = arith.constant 0 : i32
                %gather3A_599 = tpu.memref_slice %arg9[%cond3A_115, %gather3A_597, %gather3A_598] : memref<2x128x64xf32, #tpu.memory_space<vmem>> -> memref<1x128x64xf32, #tpu.memory_space<vmem>>
                %gather3A_600 = tpu.memref_squeeze %gather3A_599 : memref<1x128x64xf32, #tpu.memory_space<vmem>> -> memref<128x64xf32, #tpu.memory_space<vmem>>
                %gather3A_601 = tpu.vector_load_idx %gather3A_600[%add3A_525, %add3A_596] : memref<128x64xf32, #tpu.memory_space<vmem>>[vector<16xi32>, vector<16xi32>], vector<16xf32>,
                %add3A_602 = vector.broadcast %add3A_594 : i32 to vector<16xi32>
                %add3A_603 = arith.addi %mul3A_521, %add3A_602 : vector<16xi32>
                %mul3A_604 = arith.mulf %get3A_513, %gather3A_601 : vector<16xf32>
                tpu.vector_store_idx %arg10[%add3A_603], %mul3A_604 {add = true} : memref<100352xf32, #tpu.memory_space<vmem>>[vector<16xi32>], vector<16xf32>,
                %mul3A_605 = arith.constant 8 : i32
                %mul3A_606 = arith.muli %scan3A_534, %mul3A_605 : i32
                %add3A_607 = arith.constant 5 : i32
                %add3A_608 = arith.addi %mul3A_606, %add3A_607 : i32
                %add3A_609 = vector.broadcast %add3A_608 : i32 to vector<16xi32>
                %add3A_610 = arith.addi %broadcast_in_dim3A_13, %add3A_609 : vector<16xi32>
                %gather3A_611 = arith.constant 0 : i32
                %gather3A_612 = arith.constant 0 : i32
                %gather3A_613 = tpu.memref_slice %arg9[%cond3A_115, %gather3A_611, %gather3A_612] : memref<2x128x64xf32, #tpu.memory_space<vmem>> -> memref<1x128x64xf32, #tpu.memory_space<vmem>>
                %gather3A_614 = tpu.memref_squeeze %gather3A_613 : memref<1x128x64xf32, #tpu.memory_space<vmem>> -> memref<128x64xf32, #tpu.memory_space<vmem>>
                %gather3A_615 = tpu.vector_load_idx %gather3A_614[%add3A_525, %add3A_610] : memref<128x64xf32, #tpu.memory_space<vmem>>[vector<16xi32>, vector<16xi32>], vector<16xf32>,
                %add3A_616 = vector.broadcast %add3A_608 : i32 to vector<16xi32>
                %add3A_617 = arith.addi %mul3A_521, %add3A_616 : vector<16xi32>
                %mul3A_618 = arith.mulf %get3A_513, %gather3A_615 : vector<16xf32>
                tpu.vector_store_idx %arg10[%add3A_617], %mul3A_618 {add = true} : memref<100352xf32, #tpu.memory_space<vmem>>[vector<16xi32>], vector<16xf32>,
                %mul3A_619 = arith.constant 8 : i32
                %mul3A_620 = arith.muli %scan3A_534, %mul3A_619 : i32
                %add3A_621 = arith.constant 6 : i32
                %add3A_622 = arith.addi %mul3A_620, %add3A_621 : i32
                %add3A_623 = vector.broadcast %add3A_622 : i32 to vector<16xi32>
                %add3A_624 = arith.addi %broadcast_in_dim3A_13, %add3A_623 : vector<16xi32>
                %gather3A_625 = arith.constant 0 : i32
                %gather3A_626 = arith.constant 0 : i32
                %gather3A_627 = tpu.memref_slice %arg9[%cond3A_115, %gather3A_625, %gather3A_626] : memref<2x128x64xf32, #tpu.memory_space<vmem>> -> memref<1x128x64xf32, #tpu.memory_space<vmem>>
                %gather3A_628 = tpu.memref_squeeze %gather3A_627 : memref<1x128x64xf32, #tpu.memory_space<vmem>> -> memref<128x64xf32, #tpu.memory_space<vmem>>
                %gather3A_629 = tpu.vector_load_idx %gather3A_628[%add3A_525, %add3A_624] : memref<128x64xf32, #tpu.memory_space<vmem>>[vector<16xi32>, vector<16xi32>], vector<16xf32>,
                %add3A_630 = vector.broadcast %add3A_622 : i32 to vector<16xi32>
                %add3A_631 = arith.addi %mul3A_521, %add3A_630 : vector<16xi32>
                %mul3A_632 = arith.mulf %get3A_513, %gather3A_629 : vector<16xf32>
                tpu.vector_store_idx %arg10[%add3A_631], %mul3A_632 {add = true} : memref<100352xf32, #tpu.memory_space<vmem>>[vector<16xi32>], vector<16xf32>,
                %mul3A_633 = arith.constant 8 : i32
                %mul3A_634 = arith.muli %scan3A_534, %mul3A_633 : i32
                %add3A_635 = arith.constant 7 : i32
                %add3A_636 = arith.addi %mul3A_634, %add3A_635 : i32
                %add3A_637 = vector.broadcast %add3A_636 : i32 to vector<16xi32>
                %add3A_638 = arith.addi %broadcast_in_dim3A_13, %add3A_637 : vector<16xi32>
                %gather3A_639 = arith.constant 0 : i32
                %gather3A_640 = arith.constant 0 : i32
                %gather3A_641 = tpu.memref_slice %arg9[%cond3A_115, %gather3A_639, %gather3A_640] : memref<2x128x64xf32, #tpu.memory_space<vmem>> -> memref<1x128x64xf32, #tpu.memory_space<vmem>>
                %gather3A_642 = tpu.memref_squeeze %gather3A_641 : memref<1x128x64xf32, #tpu.memory_space<vmem>> -> memref<128x64xf32, #tpu.memory_space<vmem>>
                %gather3A_643 = tpu.vector_load_idx %gather3A_642[%add3A_525, %add3A_638] : memref<128x64xf32, #tpu.memory_space<vmem>>[vector<16xi32>, vector<16xi32>], vector<16xf32>,
                %add3A_644 = vector.broadcast %add3A_636 : i32 to vector<16xi32>
                %add3A_645 = arith.addi %mul3A_521, %add3A_644 : vector<16xi32>
                %mul3A_646 = arith.mulf %get3A_513, %gather3A_643 : vector<16xf32>
                tpu.vector_store_idx %arg10[%add3A_645], %mul3A_646 {add = true} : memref<100352xf32, #tpu.memory_space<vmem>>[vector<16xi32>], vector<16xf32>,
                %scan3A_647 = arith.constant 0 : i32
                scf.yield %scan3A_647 : i32
              }
              %scan3A_532 = arith.constant 8 : i32
              %scan3A_533 = arith.constant 0 : i32
              scf.yield %scan3A_533 : i32
            }
            %scan3A_506 = arith.constant 8 : i32
            %while3A_507 = arith.constant 0 : i32
            scf.yield %while3A_507 : i32
          }
        } else {
        }
        %scan3A_118 = arith.constant 0 : i32
        %scan3A_119 = arith.constant 0 : i32
        %scan3A_120 = arith.constant 256 : i32
        %scan3A_121 = arith.addi %scan3A_119, %scan3A_120 : i32
        %scan3A_122 = arith.constant 1 : i32
        %scan3A_123 = scf.for %scan3A_140 = %scan3A_119 to %scan3A_121 step %scan3A_122 iter_args(%scan3A_141 = %scan3A_118) -> (i32)  : i32 {
          %mul3A_142 = arith.constant 16 : i32
          %mul3A_143 = arith.muli %scan3A_140, %mul3A_142 : i32
          %swap3A = arith.index_cast %mul3A_143 : i32 to index
          %swap3A_144 = tpu.vector_load %arg7[%swap3A] {strides = array<i32>} : memref<4096xf32, #tpu.memory_space<vmem>>, vector<16xf32>,
          tpu.vector_store %arg7[%swap3A], %broadcast_in_dim3A_11 {strides = array<i32>} : memref<4096xf32, #tpu.memory_space<vmem>>, vector<16xf32>,
          %scan3A_145 = arith.constant 0 : i32
          scf.yield %scan3A_145 : i32
        }
        %scan3A_124 = arith.constant 256 : i32
        %scan3A_125 = arith.constant 0 : i32
        %scan3A_126 = arith.constant 0 : i32
        %scan3A_127 = arith.constant 256 : i32
        %scan3A_128 = arith.addi %scan3A_126, %scan3A_127 : i32
        %scan3A_129 = arith.constant 1 : i32
        %scan3A_130 = scf.for %scan3A_140 = %scan3A_126 to %scan3A_128 step %scan3A_129 iter_args(%scan3A_141 = %scan3A_125) -> (i32)  : i32 {
          %mul3A_142 = arith.constant 16 : i32
          %mul3A_143 = arith.muli %scan3A_140, %mul3A_142 : i32
          %swap3A = arith.index_cast %mul3A_143 : i32 to index
          %swap3A_144 = tpu.vector_load %arg6[%swap3A] {strides = array<i32>} : memref<4096xi32, #tpu.memory_space<vmem>>, vector<16xi32>,
          tpu.vector_store %arg6[%swap3A], %broadcast_in_dim3A_13 {strides = array<i32>} : memref<4096xi32, #tpu.memory_space<vmem>>, vector<16xi32>,
          %scan3A_145 = arith.constant 0 : i32
          scf.yield %scan3A_145 : i32
        }
        %scan3A_131 = arith.constant 256 : i32
        %scan3A_132 = arith.constant 0 : i32
        %scan3A_133 = arith.constant 0 : i32
        %scan3A_134 = arith.constant 64 : i32
        %scan3A_135 = arith.addi %scan3A_133, %scan3A_134 : i32
        %scan3A_136 = arith.constant 1 : i32
        %scan3A_137 = scf.for %scan3A_140 = %scan3A_133 to %scan3A_135 step %scan3A_136 iter_args(%scan3A_141 = %scan3A_132) -> (i32)  : i32 {
          %mul3A_142 = arith.constant 16 : i32
          %mul3A_143 = arith.muli %scan3A_140, %mul3A_142 : i32
          %swap3A = arith.index_cast %mul3A_143 : i32 to index
          %swap3A_144 = tpu.vector_load %arg8[%swap3A] {strides = array<i32>} : memref<1024xi32, #tpu.memory_space<vmem>>, vector<16xi32>,
          tpu.vector_store %arg8[%swap3A], %broadcast_in_dim3A_13 {strides = array<i32>} : memref<1024xi32, #tpu.memory_space<vmem>>, vector<16xi32>,
          %scan3A_145 = arith.constant 0 : i32
          scf.yield %scan3A_145 : i32
        }
        %scan3A_138 = arith.constant 64 : i32
        %cond3A_139 = arith.constant 0 : i32
        scf.yield %cond3A_139 : i32
      } else {
        scf.yield %scan3A_74 : i32
      }
      scf.yield %cond3A_80 : i32
    }
    %scan3A_41 = arith.constant 1568 : i32
    %add3A_42 = arith.constant 128 : i32
    %add3A_43 = arith.addi %scan3A_40, %add3A_42 : i32
    %sub3A = arith.constant 1 : i32
    %sub3A_44 = arith.subi %add3A_43, %sub3A : i32
    %jit3A = arith.constant 128 : i32
    %div3A = arith.divsi %sub3A_44, %jit3A : i32
    %sign3A = arith.constant 0 : i32
    %sign3A_45 = arith.cmpi sgt, %sub3A_44, %sign3A : i32
    %sign3A_46 = arith.extui %sign3A_45 : i1 to i32
    %sign3A_47 = arith.constant 0 : i32
    %sign3A_48 = arith.cmpi slt, %sub3A_44, %sign3A_47 : i32
    %sign3A_49 = arith.extui %sign3A_48 : i1 to i32
    %sign3A_50 = arith.subi %sign3A_46, %sign3A_49 : i32
    %sign3A_51 = arith.constant 0 : i32
    %sign3A_52 = arith.cmpi sgt, %jit3A, %sign3A_51 : i32
    %sign3A_53 = arith.extui %sign3A_52 : i1 to i32
    %sign3A_54 = arith.constant 0 : i32
    %sign3A_55 = arith.cmpi slt, %jit3A, %sign3A_54 : i32
    %sign3A_56 = arith.extui %sign3A_55 : i1 to i32
    %sign3A_57 = arith.subi %sign3A_53, %sign3A_56 : i32
    %ne3A = arith.cmpi ne, %sign3A_50, %sign3A_57 : i32
    %rem3A = arith.remsi %sub3A_44, %jit3A : i32
    %ne3A_58 = arith.constant 0 : i32
    %ne3A_59 = arith.cmpi ne, %rem3A, %ne3A_58 : i32
    %and3A = arith.andi %ne3A, %ne3A_59 : i1
    %sub3A_60 = arith.constant 1 : i32
    %sub3A_61 = arith.subi %div3A, %sub3A_60 : i32
    %select_n3A = arith.select %and3A, %sub3A_61, %div3A : i32
    %mul3A_62 = arith.constant 4 : i32
    %mul3A_63 = arith.muli %select_n3A, %mul3A_62 : i32
    %gt3A = arith.constant 0 : i32
    %gt3A_64 = arith.cmpi sgt, %mul3A_63, %gt3A : i32
    %convert_element_type3A = arith.extui %gt3A_64 : i1 to i32
    %cond3A = arith.constant 0 : i32
    %cond3A_65 = arith.constant 1 : i32
    %cond3A_66 = arith.constant 0 : i32
    %cond3A_67 = arith.cmpi ne, %convert_element_type3A, %cond3A_66 : i32
    scf.if %cond3A_67 {
      %dma_start3A = arith.constant 0 : i32
      %dma_start3A_68 = arith.constant 0 : i32
      %dma_start3A_69 = tpu.memref_slice %arg9[%cond3A, %dma_start3A, %dma_start3A_68] : memref<2x128x64xf32, #tpu.memory_space<vmem>> -> memref<1x128x64xf32, #tpu.memory_space<vmem>>
      %dma_start3A_70 = tpu.memref_squeeze %dma_start3A_69 : memref<1x128x64xf32, #tpu.memory_space<vmem>> -> memref<128x64xf32, #tpu.memory_space<vmem>>
      %dma_start3A_71 = arith.constant 0 : i32
      %dma_start3A_72 = tpu.memref_slice %arg6[%dma_start3A_71] : memref<4096xi32, #tpu.memory_space<vmem>> -> memref<128xi32, #tpu.memory_space<vmem>>
      %dma_start3A_73 = arith.constant 0 : i32
      %dma_start3A_74 = arith.constant 0 : i32
      %dma_start3A_75 = tpu.memref_slice %arg3[%dma_start3A_73, %dma_start3A_74] : memref<1254400x64xf32, #tpu.memory_space<hbm>> -> memref<1254400x64xf32, #tpu.memory_space<hbm>>
      tpu.enqueue_indirect_dma source(%dma_start3A_75 : memref<1254400x64xf32, #tpu.memory_space<hbm>>) target(%dma_start3A_70 : memref<128x64xf32, #tpu.memory_space<vmem>>) offsets(%dma_start3A_72 : memref<128xi32, #tpu.memory_space<vmem>>) semaphore(%arg11 : memref<!tpu.dma_semaphore, #tpu.memory_space<semaphore_mem>>)
      %jit3A_76 = arith.constant 2 : i32
      %div3A_77 = arith.divsi %mul3A_63, %jit3A_76 : i32
      %sign3A_78 = arith.constant 0 : i32
      %sign3A_79 = arith.cmpi sgt, %mul3A_63, %sign3A_78 : i32
      %sign3A_80 = arith.extui %sign3A_79 : i1 to i32
      %sign3A_81 = arith.constant 0 : i32
      %sign3A_82 = arith.cmpi slt, %mul3A_63, %sign3A_81 : i32
      %sign3A_83 = arith.extui %sign3A_82 : i1 to i32
      %sign3A_84 = arith.subi %sign3A_80, %sign3A_83 : i32
      %sign3A_85 = arith.constant 0 : i32
      %sign3A_86 = arith.cmpi sgt, %jit3A_76, %sign3A_85 : i32
      %sign3A_87 = arith.extui %sign3A_86 : i1 to i32
      %sign3A_88 = arith.constant 0 : i32
      %sign3A_89 = arith.cmpi slt, %jit3A_76, %sign3A_88 : i32
      %sign3A_90 = arith.extui %sign3A_89 : i1 to i32
      %sign3A_91 = arith.subi %sign3A_87, %sign3A_90 : i32
      %ne3A_92 = arith.cmpi ne, %sign3A_84, %sign3A_91 : i32
      %rem3A_93 = arith.remsi %mul3A_63, %jit3A_76 : i32
      %ne3A_94 = arith.constant 0 : i32
      %ne3A_95 = arith.cmpi ne, %rem3A_93, %ne3A_94 : i32
      %and3A_96 = arith.andi %ne3A_92, %ne3A_95 : i1
      %sub3A_97 = arith.constant 1 : i32
      %sub3A_98 = arith.subi %div3A_77, %sub3A_97 : i32
      %select_n3A_99 = arith.select %and3A_96, %sub3A_98, %div3A_77 : i32
      %while3A = arith.constant 0 : i32
      %while3A_100 = arith.constant 0 : i32
      %while3A_101 = arith.subi %select_n3A_99, %while3A : i32
      %while3A_102 = arith.addi %while3A, %while3A_101 : i32
      %while3A_103 = arith.constant 1 : i32
      %while3A_104 = arith.divsi %while3A_101, %while3A_103 : i32
      %while3A_105 = arith.muli %while3A_104, %while3A_103 : i32
      %while3A_106 = arith.addi %while3A, %while3A_105 : i32
      %while3A_107 = arith.constant 1 : i32
      %while3A_108 = scf.for %while3A_111 = %while3A to %while3A_106 step %while3A_107 iter_args(%while3A_112 = %while3A_100) -> (i32)  : i32 {
        %mul3A_113 = arith.constant 2 : i32
        %mul3A_114 = arith.muli %mul3A_113, %while3A_111 : i32
        %add3A_115 = arith.constant 1 : i32
        %add3A_116 = arith.addi %mul3A_114, %add3A_115 : i32
        %jit3A_117 = arith.constant 4 : i32
        %eq3A = arith.constant 0 : i32
        %eq3A_118 = arith.cmpi eq, %jit3A_117, %eq3A : i32
        %jit3A_119 = arith.constant 1 : i32
        %select_n3A_120 = arith.select %eq3A_118, %jit3A_119, %jit3A_117 : i32
        %rem3A_121 = arith.remsi %add3A_116, %select_n3A_120 : i32
        %ne3A_122 = arith.constant 0 : i32
        %ne3A_123 = arith.cmpi ne, %rem3A_121, %ne3A_122 : i32
        %lt3A = arith.constant 0 : i32
        %lt3A_124 = arith.cmpi slt, %rem3A_121, %lt3A : i32
        %lt3A_125 = arith.constant 0 : i32
        %lt3A_126 = arith.cmpi slt, %select_n3A_120, %lt3A_125 : i32
        %ne3A_127 = arith.xori %lt3A_124, %lt3A_126 : i1
        %and3A_128 = arith.andi %ne3A_127, %ne3A_123 : i1
        %add3A_129 = arith.addi %rem3A_121, %select_n3A_120 : i32
        %select_n3A_130 = arith.select %and3A_128, %add3A_129, %rem3A_121 : i32
        %mul3A_131 = arith.constant 1024 : i32
        %mul3A_132 = arith.muli %select_n3A_130, %mul3A_131 : i32
        %jit3A_133 = arith.constant 4 : i32
        %div3A_134 = arith.divsi %add3A_116, %jit3A_133 : i32
        %sign3A_135 = arith.constant 0 : i32
        %sign3A_136 = arith.cmpi sgt, %add3A_116, %sign3A_135 : i32
        %sign3A_137 = arith.extui %sign3A_136 : i1 to i32
        %sign3A_138 = arith.constant 0 : i32
        %sign3A_139 = arith.cmpi slt, %add3A_116, %sign3A_138 : i32
        %sign3A_140 = arith.extui %sign3A_139 : i1 to i32
        %sign3A_141 = arith.subi %sign3A_137, %sign3A_140 : i32
        %sign3A_142 = arith.constant 0 : i32
        %sign3A_143 = arith.cmpi sgt, %jit3A_133, %sign3A_142 : i32
        %sign3A_144 = arith.extui %sign3A_143 : i1 to i32
        %sign3A_145 = arith.constant 0 : i32
        %sign3A_146 = arith.cmpi slt, %jit3A_133, %sign3A_145 : i32
        %sign3A_147 = arith.extui %sign3A_146 : i1 to i32
        %sign3A_148 = arith.subi %sign3A_144, %sign3A_147 : i32
        %ne3A_149 = arith.cmpi ne, %sign3A_141, %sign3A_148 : i32
        %rem3A_150 = arith.remsi %add3A_116, %jit3A_133 : i32
        %ne3A_151 = arith.constant 0 : i32
        %ne3A_152 = arith.cmpi ne, %rem3A_150, %ne3A_151 : i32
        %and3A_153 = arith.andi %ne3A_149, %ne3A_152 : i1
        %sub3A_154 = arith.constant 1 : i32
        %sub3A_155 = arith.subi %div3A_134, %sub3A_154 : i32
        %select_n3A_156 = arith.select %and3A_153, %sub3A_155, %div3A_134 : i32
        %mul3A_157 = arith.constant 128 : i32
        %mul3A_158 = arith.muli %select_n3A_156, %mul3A_157 : i32
        %add3A_159 = arith.addi %mul3A_132, %mul3A_158 : i32
        %dma_start3A_160 = arith.constant 0 : i32
        %dma_start3A_161 = arith.constant 0 : i32
        %dma_start3A_162 = tpu.memref_slice %arg9[%cond3A_65, %dma_start3A_160, %dma_start3A_161] : memref<2x128x64xf32, #tpu.memory_space<vmem>> -> memref<1x128x64xf32, #tpu.memory_space<vmem>>
        %dma_start3A_163 = tpu.memref_squeeze %dma_start3A_162 : memref<1x128x64xf32, #tpu.memory_space<vmem>> -> memref<128x64xf32, #tpu.memory_space<vmem>>
        %dma_start3A_164 = tpu.memref_slice %arg6[%add3A_159] : memref<4096xi32, #tpu.memory_space<vmem>> -> memref<128xi32, #tpu.memory_space<vmem>>
        %dma_start3A_165 = arith.constant 0 : i32
        %dma_start3A_166 = arith.constant 0 : i32
        %dma_start3A_167 = tpu.memref_slice %arg3[%dma_start3A_165, %dma_start3A_166] : memref<1254400x64xf32, #tpu.memory_space<hbm>> -> memref<1254400x64xf32, #tpu.memory_space<hbm>>
        tpu.enqueue_indirect_dma source(%dma_start3A_167 : memref<1254400x64xf32, #tpu.memory_space<hbm>>) target(%dma_start3A_163 : memref<128x64xf32, #tpu.memory_space<vmem>>) offsets(%dma_start3A_164 : memref<128xi32, #tpu.memory_space<vmem>>) semaphore(%arg12 : memref<!tpu.dma_semaphore, #tpu.memory_space<semaphore_mem>>)
        %jit3A_168 = arith.constant 4 : i32
        %eq3A_169 = arith.constant 0 : i32
        %eq3A_170 = arith.cmpi eq, %jit3A_168, %eq3A_169 : i32
        %jit3A_171 = arith.constant 1 : i32
        %select_n3A_172 = arith.select %eq3A_170, %jit3A_171, %jit3A_168 : i32
        %rem3A_173 = arith.remsi %mul3A_114, %select_n3A_172 : i32
        %ne3A_174 = arith.constant 0 : i32
        %ne3A_175 = arith.cmpi ne, %rem3A_173, %ne3A_174 : i32
        %lt3A_176 = arith.constant 0 : i32
        %lt3A_177 = arith.cmpi slt, %rem3A_173, %lt3A_176 : i32
        %lt3A_178 = arith.constant 0 : i32
        %lt3A_179 = arith.cmpi slt, %select_n3A_172, %lt3A_178 : i32
        %ne3A_180 = arith.xori %lt3A_177, %lt3A_179 : i1
        %and3A_181 = arith.andi %ne3A_180, %ne3A_175 : i1
        %add3A_182 = arith.addi %rem3A_173, %select_n3A_172 : i32
        %select_n3A_183 = arith.select %and3A_181, %add3A_182, %rem3A_173 : i32
        %mul3A_184 = arith.constant 1024 : i32
        %mul3A_185 = arith.muli %select_n3A_183, %mul3A_184 : i32
        %jit3A_186 = arith.constant 4 : i32
        %div3A_187 = arith.divsi %mul3A_114, %jit3A_186 : i32
        %sign3A_188 = arith.constant 0 : i32
        %sign3A_189 = arith.cmpi sgt, %mul3A_114, %sign3A_188 : i32
        %sign3A_190 = arith.extui %sign3A_189 : i1 to i32
        %sign3A_191 = arith.constant 0 : i32
        %sign3A_192 = arith.cmpi slt, %mul3A_114, %sign3A_191 : i32
        %sign3A_193 = arith.extui %sign3A_192 : i1 to i32
        %sign3A_194 = arith.subi %sign3A_190, %sign3A_193 : i32
        %sign3A_195 = arith.constant 0 : i32
        %sign3A_196 = arith.cmpi sgt, %jit3A_186, %sign3A_195 : i32
        %sign3A_197 = arith.extui %sign3A_196 : i1 to i32
        %sign3A_198 = arith.constant 0 : i32
        %sign3A_199 = arith.cmpi slt, %jit3A_186, %sign3A_198 : i32
        %sign3A_200 = arith.extui %sign3A_199 : i1 to i32
        %sign3A_201 = arith.subi %sign3A_197, %sign3A_200 : i32
        %ne3A_202 = arith.cmpi ne, %sign3A_194, %sign3A_201 : i32
        %rem3A_203 = arith.remsi %mul3A_114, %jit3A_186 : i32
        %ne3A_204 = arith.constant 0 : i32
        %ne3A_205 = arith.cmpi ne, %rem3A_203, %ne3A_204 : i32
        %and3A_206 = arith.andi %ne3A_202, %ne3A_205 : i1
        %sub3A_207 = arith.constant 1 : i32
        %sub3A_208 = arith.subi %div3A_187, %sub3A_207 : i32
        %select_n3A_209 = arith.select %and3A_206, %sub3A_208, %div3A_187 : i32
        %mul3A_210 = arith.constant 128 : i32
        %mul3A_211 = arith.muli %select_n3A_209, %mul3A_210 : i32
        %add3A_212 = arith.addi %mul3A_185, %mul3A_211 : i32
        %dma_wait3A = arith.constant 0 : i32
        %dma_wait3A_213 = arith.constant 0 : i32
        %dma_wait3A_214 = tpu.memref_slice %arg9[%cond3A, %dma_wait3A, %dma_wait3A_213] : memref<2x128x64xf32, #tpu.memory_space<vmem>> -> memref<1x128x64xf32, #tpu.memory_space<vmem>>
        %dma_wait3A_215 = tpu.memref_squeeze %dma_wait3A_214 : memref<1x128x64xf32, #tpu.memory_space<vmem>> -> memref<128x64xf32, #tpu.memory_space<vmem>>
        %dma_wait3A_216 = tpu.memref_slice %arg6[%add3A_212] : memref<4096xi32, #tpu.memory_space<vmem>> -> memref<128xi32, #tpu.memory_space<vmem>>
        %dma_wait3A_217 = arith.constant 0 : i32
        %dma_wait3A_218 = arith.constant 0 : i32
        %dma_wait3A_219 = tpu.memref_slice %arg3[%dma_wait3A_217, %dma_wait3A_218] : memref<1254400x64xf32, #tpu.memory_space<hbm>> -> memref<1254400x64xf32, #tpu.memory_space<hbm>>
        tpu.wait_indirect_dma semaphore(%arg11 : memref<!tpu.dma_semaphore, #tpu.memory_space<semaphore_mem>>) src(%dma_wait3A_219 : memref<1254400x64xf32, #tpu.memory_space<hbm>>) dst(%dma_wait3A_215 : memref<128x64xf32, #tpu.memory_space<vmem>>)
        %jit3A_220 = arith.constant 4 : i32
        %eq3A_221 = arith.constant 0 : i32
        %eq3A_222 = arith.cmpi eq, %jit3A_220, %eq3A_221 : i32
        %jit3A_223 = arith.constant 1 : i32
        %select_n3A_224 = arith.select %eq3A_222, %jit3A_223, %jit3A_220 : i32
        %rem3A_225 = arith.remsi %mul3A_114, %select_n3A_224 : i32
        %ne3A_226 = arith.constant 0 : i32
        %ne3A_227 = arith.cmpi ne, %rem3A_225, %ne3A_226 : i32
        %lt3A_228 = arith.constant 0 : i32
        %lt3A_229 = arith.cmpi slt, %rem3A_225, %lt3A_228 : i32
        %lt3A_230 = arith.constant 0 : i32
        %lt3A_231 = arith.cmpi slt, %select_n3A_224, %lt3A_230 : i32
        %ne3A_232 = arith.xori %lt3A_229, %lt3A_231 : i1
        %and3A_233 = arith.andi %ne3A_232, %ne3A_227 : i1
        %add3A_234 = arith.addi %rem3A_225, %select_n3A_224 : i32
        %select_n3A_235 = arith.select %and3A_233, %add3A_234, %rem3A_225 : i32
        %mul3A_236 = arith.constant 1024 : i32
        %mul3A_237 = arith.muli %select_n3A_235, %mul3A_236 : i32
        %jit3A_238 = arith.constant 4 : i32
        %div3A_239 = arith.divsi %mul3A_114, %jit3A_238 : i32
        %sign3A_240 = arith.constant 0 : i32
        %sign3A_241 = arith.cmpi sgt, %mul3A_114, %sign3A_240 : i32
        %sign3A_242 = arith.extui %sign3A_241 : i1 to i32
        %sign3A_243 = arith.constant 0 : i32
        %sign3A_244 = arith.cmpi slt, %mul3A_114, %sign3A_243 : i32
        %sign3A_245 = arith.extui %sign3A_244 : i1 to i32
        %sign3A_246 = arith.subi %sign3A_242, %sign3A_245 : i32
        %sign3A_247 = arith.constant 0 : i32
        %sign3A_248 = arith.cmpi sgt, %jit3A_238, %sign3A_247 : i32
        %sign3A_249 = arith.extui %sign3A_248 : i1 to i32
        %sign3A_250 = arith.constant 0 : i32
        %sign3A_251 = arith.cmpi slt, %jit3A_238, %sign3A_250 : i32
        %sign3A_252 = arith.extui %sign3A_251 : i1 to i32
        %sign3A_253 = arith.subi %sign3A_249, %sign3A_252 : i32
        %ne3A_254 = arith.cmpi ne, %sign3A_246, %sign3A_253 : i32
        %rem3A_255 = arith.remsi %mul3A_114, %jit3A_238 : i32
        %ne3A_256 = arith.constant 0 : i32
        %ne3A_257 = arith.cmpi ne, %rem3A_255, %ne3A_256 : i32
        %and3A_258 = arith.andi %ne3A_254, %ne3A_257 : i1
        %sub3A_259 = arith.constant 1 : i32
        %sub3A_260 = arith.subi %div3A_239, %sub3A_259 : i32
        %select_n3A_261 = arith.select %and3A_258, %sub3A_260, %div3A_239 : i32
        %mul3A_262 = arith.constant 128 : i32
        %mul3A_263 = arith.muli %select_n3A_261, %mul3A_262 : i32
        %add3A_264 = arith.addi %mul3A_237, %mul3A_263 : i32
        %jit3A_265 = arith.constant 4 : i32
        %div3A_266 = arith.divsi %mul3A_114, %jit3A_265 : i32
        %sign3A_267 = arith.constant 0 : i32
        %sign3A_268 = arith.cmpi sgt, %mul3A_114, %sign3A_267 : i32
        %sign3A_269 = arith.extui %sign3A_268 : i1 to i32
        %sign3A_270 = arith.constant 0 : i32
        %sign3A_271 = arith.cmpi slt, %mul3A_114, %sign3A_270 : i32
        %sign3A_272 = arith.extui %sign3A_271 : i1 to i32
        %sign3A_273 = arith.subi %sign3A_269, %sign3A_272 : i32
        %sign3A_274 = arith.constant 0 : i32
        %sign3A_275 = arith.cmpi sgt, %jit3A_265, %sign3A_274 : i32
        %sign3A_276 = arith.extui %sign3A_275 : i1 to i32
        %sign3A_277 = arith.constant 0 : i32
        %sign3A_278 = arith.cmpi slt, %jit3A_265, %sign3A_277 : i32
        %sign3A_279 = arith.extui %sign3A_278 : i1 to i32
        %sign3A_280 = arith.subi %sign3A_276, %sign3A_279 : i32
        %ne3A_281 = arith.cmpi ne, %sign3A_273, %sign3A_280 : i32
        %rem3A_282 = arith.remsi %mul3A_114, %jit3A_265 : i32
        %ne3A_283 = arith.constant 0 : i32
        %ne3A_284 = arith.cmpi ne, %rem3A_282, %ne3A_283 : i32
        %and3A_285 = arith.andi %ne3A_281, %ne3A_284 : i1
        %sub3A_286 = arith.constant 1 : i32
        %sub3A_287 = arith.subi %div3A_266, %sub3A_286 : i32
        %select_n3A_288 = arith.select %and3A_285, %sub3A_287, %div3A_266 : i32
        %mul3A_289 = arith.constant 128 : i32
        %mul3A_290 = arith.muli %select_n3A_288, %mul3A_289 : i32
        %scan3A_291 = arith.constant 0 : i32
        %scan3A_292 = arith.constant 0 : i32
        %scan3A_293 = arith.constant 8 : i32
        %scan3A_294 = arith.addi %scan3A_292, %scan3A_293 : i32
        %scan3A_295 = arith.constant 1 : i32
        %scan3A_296 = scf.for %scan3A_436 = %scan3A_292 to %scan3A_294 step %scan3A_295 iter_args(%scan3A_437 = %scan3A_291) -> (i32)  : i32 {
          %mul3A_438 = arith.constant 16 : i32
          %mul3A_439 = arith.muli %scan3A_436, %mul3A_438 : i32
          %add3A_440 = arith.addi %add3A_264, %mul3A_439 : i32
          %get3A = arith.index_cast %add3A_440 : i32 to index
          %get3A_441 = tpu.vector_load %arg7[%get3A] {strides = array<i32>} : memref<4096xf32, #tpu.memory_space<vmem>>, vector<16xf32>,
          %mul3A_442 = arith.constant 16 : i32
          %mul3A_443 = arith.muli %scan3A_436, %mul3A_442 : i32
          %add3A_444 = arith.addi %mul3A_290, %mul3A_443 : i32
          %get3A_445 = arith.index_cast %add3A_444 : i32 to index
          %get3A_446 = tpu.vector_load %arg8[%get3A_445] {strides = array<i32>} : memref<1024xi32, #tpu.memory_space<vmem>>, vector<16xi32>,
          %mul3A_447 = arith.constant 64 : i32
          %mul3A_448 = vector.broadcast %mul3A_447 : i32 to vector<16xi32>
          %mul3A_449 = arith.muli %get3A_446, %mul3A_448 : vector<16xi32>
          %mul3A_450 = arith.constant 16 : i32
          %mul3A_451 = arith.muli %scan3A_436, %mul3A_450 : i32
          %add3A_452 = vector.broadcast %mul3A_451 : i32 to vector<16xi32>
          %add3A_453 = arith.addi %add3A_452, %iota3A : vector<16xi32>
          %scan3A_454 = arith.constant 0 : i32
          %scan3A_455 = arith.constant 0 : i32
          %scan3A_456 = arith.constant 8 : i32
          %scan3A_457 = arith.addi %scan3A_455, %scan3A_456 : i32
          %scan3A_458 = arith.constant 1 : i32
          %scan3A_459 = scf.for %scan3A_462 = %scan3A_455 to %scan3A_457 step %scan3A_458 iter_args(%scan3A_463 = %scan3A_454) -> (i32)  : i32 {
            %mul3A_464 = arith.constant 8 : i32
            %mul3A_465 = arith.muli %scan3A_462, %mul3A_464 : i32
            %add3A_466 = arith.constant 0 : i32
            %add3A_467 = arith.addi %mul3A_465, %add3A_466 : i32
            %add3A_468 = vector.broadcast %add3A_467 : i32 to vector<16xi32>
            %add3A_469 = arith.addi %broadcast_in_dim3A_13, %add3A_468 : vector<16xi32>
            %gather3A = arith.constant 0 : i32
            %gather3A_470 = arith.constant 0 : i32
            %gather3A_471 = tpu.memref_slice %arg9[%cond3A, %gather3A, %gather3A_470] : memref<2x128x64xf32, #tpu.memory_space<vmem>> -> memref<1x128x64xf32, #tpu.memory_space<vmem>>
            %gather3A_472 = tpu.memref_squeeze %gather3A_471 : memref<1x128x64xf32, #tpu.memory_space<vmem>> -> memref<128x64xf32, #tpu.memory_space<vmem>>
            %gather3A_473 = tpu.vector_load_idx %gather3A_472[%add3A_453, %add3A_469] : memref<128x64xf32, #tpu.memory_space<vmem>>[vector<16xi32>, vector<16xi32>], vector<16xf32>,
            %add3A_474 = vector.broadcast %add3A_467 : i32 to vector<16xi32>
            %add3A_475 = arith.addi %mul3A_449, %add3A_474 : vector<16xi32>
            %mul3A_476 = arith.mulf %get3A_441, %gather3A_473 : vector<16xf32>
            tpu.vector_store_idx %arg10[%add3A_475], %mul3A_476 {add = true} : memref<100352xf32, #tpu.memory_space<vmem>>[vector<16xi32>], vector<16xf32>,
            %mul3A_477 = arith.constant 8 : i32
            %mul3A_478 = arith.muli %scan3A_462, %mul3A_477 : i32
            %add3A_479 = arith.constant 1 : i32
            %add3A_480 = arith.addi %mul3A_478, %add3A_479 : i32
            %add3A_481 = vector.broadcast %add3A_480 : i32 to vector<16xi32>
            %add3A_482 = arith.addi %broadcast_in_dim3A_13, %add3A_481 : vector<16xi32>
            %gather3A_483 = arith.constant 0 : i32
            %gather3A_484 = arith.constant 0 : i32
            %gather3A_485 = tpu.memref_slice %arg9[%cond3A, %gather3A_483, %gather3A_484] : memref<2x128x64xf32, #tpu.memory_space<vmem>> -> memref<1x128x64xf32, #tpu.memory_space<vmem>>
            %gather3A_486 = tpu.memref_squeeze %gather3A_485 : memref<1x128x64xf32, #tpu.memory_space<vmem>> -> memref<128x64xf32, #tpu.memory_space<vmem>>
            %gather3A_487 = tpu.vector_load_idx %gather3A_486[%add3A_453, %add3A_482] : memref<128x64xf32, #tpu.memory_space<vmem>>[vector<16xi32>, vector<16xi32>], vector<16xf32>,
            %add3A_488 = vector.broadcast %add3A_480 : i32 to vector<16xi32>
            %add3A_489 = arith.addi %mul3A_449, %add3A_488 : vector<16xi32>
            %mul3A_490 = arith.mulf %get3A_441, %gather3A_487 : vector<16xf32>
            tpu.vector_store_idx %arg10[%add3A_489], %mul3A_490 {add = true} : memref<100352xf32, #tpu.memory_space<vmem>>[vector<16xi32>], vector<16xf32>,
            %mul3A_491 = arith.constant 8 : i32
            %mul3A_492 = arith.muli %scan3A_462, %mul3A_491 : i32
            %add3A_493 = arith.constant 2 : i32
            %add3A_494 = arith.addi %mul3A_492, %add3A_493 : i32
            %add3A_495 = vector.broadcast %add3A_494 : i32 to vector<16xi32>
            %add3A_496 = arith.addi %broadcast_in_dim3A_13, %add3A_495 : vector<16xi32>
            %gather3A_497 = arith.constant 0 : i32
            %gather3A_498 = arith.constant 0 : i32
            %gather3A_499 = tpu.memref_slice %arg9[%cond3A, %gather3A_497, %gather3A_498] : memref<2x128x64xf32, #tpu.memory_space<vmem>> -> memref<1x128x64xf32, #tpu.memory_space<vmem>>
            %gather3A_500 = tpu.memref_squeeze %gather3A_499 : memref<1x128x64xf32, #tpu.memory_space<vmem>> -> memref<128x64xf32, #tpu.memory_space<vmem>>
            %gather3A_501 = tpu.vector_load_idx %gather3A_500[%add3A_453, %add3A_496] : memref<128x64xf32, #tpu.memory_space<vmem>>[vector<16xi32>, vector<16xi32>], vector<16xf32>,
            %add3A_502 = vector.broadcast %add3A_494 : i32 to vector<16xi32>
            %add3A_503 = arith.addi %mul3A_449, %add3A_502 : vector<16xi32>
            %mul3A_504 = arith.mulf %get3A_441, %gather3A_501 : vector<16xf32>
            tpu.vector_store_idx %arg10[%add3A_503], %mul3A_504 {add = true} : memref<100352xf32, #tpu.memory_space<vmem>>[vector<16xi32>], vector<16xf32>,
            %mul3A_505 = arith.constant 8 : i32
            %mul3A_506 = arith.muli %scan3A_462, %mul3A_505 : i32
            %add3A_507 = arith.constant 3 : i32
            %add3A_508 = arith.addi %mul3A_506, %add3A_507 : i32
            %add3A_509 = vector.broadcast %add3A_508 : i32 to vector<16xi32>
            %add3A_510 = arith.addi %broadcast_in_dim3A_13, %add3A_509 : vector<16xi32>
            %gather3A_511 = arith.constant 0 : i32
            %gather3A_512 = arith.constant 0 : i32
            %gather3A_513 = tpu.memref_slice %arg9[%cond3A, %gather3A_511, %gather3A_512] : memref<2x128x64xf32, #tpu.memory_space<vmem>> -> memref<1x128x64xf32, #tpu.memory_space<vmem>>
            %gather3A_514 = tpu.memref_squeeze %gather3A_513 : memref<1x128x64xf32, #tpu.memory_space<vmem>> -> memref<128x64xf32, #tpu.memory_space<vmem>>
            %gather3A_515 = tpu.vector_load_idx %gather3A_514[%add3A_453, %add3A_510] : memref<128x64xf32, #tpu.memory_space<vmem>>[vector<16xi32>, vector<16xi32>], vector<16xf32>,
            %add3A_516 = vector.broadcast %add3A_508 : i32 to vector<16xi32>
            %add3A_517 = arith.addi %mul3A_449, %add3A_516 : vector<16xi32>
            %mul3A_518 = arith.mulf %get3A_441, %gather3A_515 : vector<16xf32>
            tpu.vector_store_idx %arg10[%add3A_517], %mul3A_518 {add = true} : memref<100352xf32, #tpu.memory_space<vmem>>[vector<16xi32>], vector<16xf32>,
            %mul3A_519 = arith.constant 8 : i32
            %mul3A_520 = arith.muli %scan3A_462, %mul3A_519 : i32
            %add3A_521 = arith.constant 4 : i32
            %add3A_522 = arith.addi %mul3A_520, %add3A_521 : i32
            %add3A_523 = vector.broadcast %add3A_522 : i32 to vector<16xi32>
            %add3A_524 = arith.addi %broadcast_in_dim3A_13, %add3A_523 : vector<16xi32>
            %gather3A_525 = arith.constant 0 : i32
            %gather3A_526 = arith.constant 0 : i32
            %gather3A_527 = tpu.memref_slice %arg9[%cond3A, %gather3A_525, %gather3A_526] : memref<2x128x64xf32, #tpu.memory_space<vmem>> -> memref<1x128x64xf32, #tpu.memory_space<vmem>>
            %gather3A_528 = tpu.memref_squeeze %gather3A_527 : memref<1x128x64xf32, #tpu.memory_space<vmem>> -> memref<128x64xf32, #tpu.memory_space<vmem>>
            %gather3A_529 = tpu.vector_load_idx %gather3A_528[%add3A_453, %add3A_524] : memref<128x64xf32, #tpu.memory_space<vmem>>[vector<16xi32>, vector<16xi32>], vector<16xf32>,
            %add3A_530 = vector.broadcast %add3A_522 : i32 to vector<16xi32>
            %add3A_531 = arith.addi %mul3A_449, %add3A_530 : vector<16xi32>
            %mul3A_532 = arith.mulf %get3A_441, %gather3A_529 : vector<16xf32>
            tpu.vector_store_idx %arg10[%add3A_531], %mul3A_532 {add = true} : memref<100352xf32, #tpu.memory_space<vmem>>[vector<16xi32>], vector<16xf32>,
            %mul3A_533 = arith.constant 8 : i32
            %mul3A_534 = arith.muli %scan3A_462, %mul3A_533 : i32
            %add3A_535 = arith.constant 5 : i32
            %add3A_536 = arith.addi %mul3A_534, %add3A_535 : i32
            %add3A_537 = vector.broadcast %add3A_536 : i32 to vector<16xi32>
            %add3A_538 = arith.addi %broadcast_in_dim3A_13, %add3A_537 : vector<16xi32>
            %gather3A_539 = arith.constant 0 : i32
            %gather3A_540 = arith.constant 0 : i32
            %gather3A_541 = tpu.memref_slice %arg9[%cond3A, %gather3A_539, %gather3A_540] : memref<2x128x64xf32, #tpu.memory_space<vmem>> -> memref<1x128x64xf32, #tpu.memory_space<vmem>>
            %gather3A_542 = tpu.memref_squeeze %gather3A_541 : memref<1x128x64xf32, #tpu.memory_space<vmem>> -> memref<128x64xf32, #tpu.memory_space<vmem>>
            %gather3A_543 = tpu.vector_load_idx %gather3A_542[%add3A_453, %add3A_538] : memref<128x64xf32, #tpu.memory_space<vmem>>[vector<16xi32>, vector<16xi32>], vector<16xf32>,
            %add3A_544 = vector.broadcast %add3A_536 : i32 to vector<16xi32>
            %add3A_545 = arith.addi %mul3A_449, %add3A_544 : vector<16xi32>
            %mul3A_546 = arith.mulf %get3A_441, %gather3A_543 : vector<16xf32>
            tpu.vector_store_idx %arg10[%add3A_545], %mul3A_546 {add = true} : memref<100352xf32, #tpu.memory_space<vmem>>[vector<16xi32>], vector<16xf32>,
            %mul3A_547 = arith.constant 8 : i32
            %mul3A_548 = arith.muli %scan3A_462, %mul3A_547 : i32
            %add3A_549 = arith.constant 6 : i32
            %add3A_550 = arith.addi %mul3A_548, %add3A_549 : i32
            %add3A_551 = vector.broadcast %add3A_550 : i32 to vector<16xi32>
            %add3A_552 = arith.addi %broadcast_in_dim3A_13, %add3A_551 : vector<16xi32>
            %gather3A_553 = arith.constant 0 : i32
            %gather3A_554 = arith.constant 0 : i32
            %gather3A_555 = tpu.memref_slice %arg9[%cond3A, %gather3A_553, %gather3A_554] : memref<2x128x64xf32, #tpu.memory_space<vmem>> -> memref<1x128x64xf32, #tpu.memory_space<vmem>>
            %gather3A_556 = tpu.memref_squeeze %gather3A_555 : memref<1x128x64xf32, #tpu.memory_space<vmem>> -> memref<128x64xf32, #tpu.memory_space<vmem>>
            %gather3A_557 = tpu.vector_load_idx %gather3A_556[%add3A_453, %add3A_552] : memref<128x64xf32, #tpu.memory_space<vmem>>[vector<16xi32>, vector<16xi32>], vector<16xf32>,
            %add3A_558 = vector.broadcast %add3A_550 : i32 to vector<16xi32>
            %add3A_559 = arith.addi %mul3A_449, %add3A_558 : vector<16xi32>
            %mul3A_560 = arith.mulf %get3A_441, %gather3A_557 : vector<16xf32>
            tpu.vector_store_idx %arg10[%add3A_559], %mul3A_560 {add = true} : memref<100352xf32, #tpu.memory_space<vmem>>[vector<16xi32>], vector<16xf32>,
            %mul3A_561 = arith.constant 8 : i32
            %mul3A_562 = arith.muli %scan3A_462, %mul3A_561 : i32
            %add3A_563 = arith.constant 7 : i32
            %add3A_564 = arith.addi %mul3A_562, %add3A_563 : i32
            %add3A_565 = vector.broadcast %add3A_564 : i32 to vector<16xi32>
            %add3A_566 = arith.addi %broadcast_in_dim3A_13, %add3A_565 : vector<16xi32>
            %gather3A_567 = arith.constant 0 : i32
            %gather3A_568 = arith.constant 0 : i32
            %gather3A_569 = tpu.memref_slice %arg9[%cond3A, %gather3A_567, %gather3A_568] : memref<2x128x64xf32, #tpu.memory_space<vmem>> -> memref<1x128x64xf32, #tpu.memory_space<vmem>>
            %gather3A_570 = tpu.memref_squeeze %gather3A_569 : memref<1x128x64xf32, #tpu.memory_space<vmem>> -> memref<128x64xf32, #tpu.memory_space<vmem>>
            %gather3A_571 = tpu.vector_load_idx %gather3A_570[%add3A_453, %add3A_566] : memref<128x64xf32, #tpu.memory_space<vmem>>[vector<16xi32>, vector<16xi32>], vector<16xf32>,
            %add3A_572 = vector.broadcast %add3A_564 : i32 to vector<16xi32>
            %add3A_573 = arith.addi %mul3A_449, %add3A_572 : vector<16xi32>
            %mul3A_574 = arith.mulf %get3A_441, %gather3A_571 : vector<16xf32>
            tpu.vector_store_idx %arg10[%add3A_573], %mul3A_574 {add = true} : memref<100352xf32, #tpu.memory_space<vmem>>[vector<16xi32>], vector<16xf32>,
            %scan3A_575 = arith.constant 0 : i32
            scf.yield %scan3A_575 : i32
          }
          %scan3A_460 = arith.constant 8 : i32
          %scan3A_461 = arith.constant 0 : i32
          scf.yield %scan3A_461 : i32
        }
        %scan3A_297 = arith.constant 8 : i32
        %add3A_298 = arith.constant 1 : i32
        %add3A_299 = arith.addi %add3A_116, %add3A_298 : i32
        %lt3A_300 = arith.cmpi slt, %add3A_299, %mul3A_63 : i32
        %convert_element_type3A_301 = arith.extui %lt3A_300 : i1 to i32
        %cond3A_302 = arith.constant 0 : i32
        %cond3A_303 = arith.cmpi ne, %convert_element_type3A_301, %cond3A_302 : i32
        scf.if %cond3A_303 {
          %add3A_436 = arith.constant 1 : i32
          %add3A_437 = arith.addi %add3A_116, %add3A_436 : i32
          %jit3A_438 = arith.constant 4 : i32
          %eq3A_439 = arith.constant 0 : i32
          %eq3A_440 = arith.cmpi eq, %jit3A_438, %eq3A_439 : i32
          %jit3A_441 = arith.constant 1 : i32
          %select_n3A_442 = arith.select %eq3A_440, %jit3A_441, %jit3A_438 : i32
          %rem3A_443 = arith.remsi %add3A_437, %select_n3A_442 : i32
          %ne3A_444 = arith.constant 0 : i32
          %ne3A_445 = arith.cmpi ne, %rem3A_443, %ne3A_444 : i32
          %lt3A_446 = arith.constant 0 : i32
          %lt3A_447 = arith.cmpi slt, %rem3A_443, %lt3A_446 : i32
          %lt3A_448 = arith.constant 0 : i32
          %lt3A_449 = arith.cmpi slt, %select_n3A_442, %lt3A_448 : i32
          %ne3A_450 = arith.xori %lt3A_447, %lt3A_449 : i1
          %and3A_451 = arith.andi %ne3A_450, %ne3A_445 : i1
          %add3A_452 = arith.addi %rem3A_443, %select_n3A_442 : i32
          %select_n3A_453 = arith.select %and3A_451, %add3A_452, %rem3A_443 : i32
          %mul3A_454 = arith.constant 1024 : i32
          %mul3A_455 = arith.muli %select_n3A_453, %mul3A_454 : i32
          %jit3A_456 = arith.constant 4 : i32
          %div3A_457 = arith.divsi %add3A_437, %jit3A_456 : i32
          %sign3A_458 = arith.constant 0 : i32
          %sign3A_459 = arith.cmpi sgt, %add3A_437, %sign3A_458 : i32
          %sign3A_460 = arith.extui %sign3A_459 : i1 to i32
          %sign3A_461 = arith.constant 0 : i32
          %sign3A_462 = arith.cmpi slt, %add3A_437, %sign3A_461 : i32
          %sign3A_463 = arith.extui %sign3A_462 : i1 to i32
          %sign3A_464 = arith.subi %sign3A_460, %sign3A_463 : i32
          %sign3A_465 = arith.constant 0 : i32
          %sign3A_466 = arith.cmpi sgt, %jit3A_456, %sign3A_465 : i32
          %sign3A_467 = arith.extui %sign3A_466 : i1 to i32
          %sign3A_468 = arith.constant 0 : i32
          %sign3A_469 = arith.cmpi slt, %jit3A_456, %sign3A_468 : i32
          %sign3A_470 = arith.extui %sign3A_469 : i1 to i32
          %sign3A_471 = arith.subi %sign3A_467, %sign3A_470 : i32
          %ne3A_472 = arith.cmpi ne, %sign3A_464, %sign3A_471 : i32
          %rem3A_473 = arith.remsi %add3A_437, %jit3A_456 : i32
          %ne3A_474 = arith.constant 0 : i32
          %ne3A_475 = arith.cmpi ne, %rem3A_473, %ne3A_474 : i32
          %and3A_476 = arith.andi %ne3A_472, %ne3A_475 : i1
          %sub3A_477 = arith.constant 1 : i32
          %sub3A_478 = arith.subi %div3A_457, %sub3A_477 : i32
          %select_n3A_479 = arith.select %and3A_476, %sub3A_478, %div3A_457 : i32
          %mul3A_480 = arith.constant 128 : i32
          %mul3A_481 = arith.muli %select_n3A_479, %mul3A_480 : i32
          %add3A_482 = arith.addi %mul3A_455, %mul3A_481 : i32
          %dma_start3A_483 = arith.constant 0 : i32
          %dma_start3A_484 = arith.constant 0 : i32
          %dma_start3A_485 = tpu.memref_slice %arg9[%cond3A, %dma_start3A_483, %dma_start3A_484] : memref<2x128x64xf32, #tpu.memory_space<vmem>> -> memref<1x128x64xf32, #tpu.memory_space<vmem>>
          %dma_start3A_486 = tpu.memref_squeeze %dma_start3A_485 : memref<1x128x64xf32, #tpu.memory_space<vmem>> -> memref<128x64xf32, #tpu.memory_space<vmem>>
          %dma_start3A_487 = tpu.memref_slice %arg6[%add3A_482] : memref<4096xi32, #tpu.memory_space<vmem>> -> memref<128xi32, #tpu.memory_space<vmem>>
          %dma_start3A_488 = arith.constant 0 : i32
          %dma_start3A_489 = arith.constant 0 : i32
          %dma_start3A_490 = tpu.memref_slice %arg3[%dma_start3A_488, %dma_start3A_489] : memref<1254400x64xf32, #tpu.memory_space<hbm>> -> memref<1254400x64xf32, #tpu.memory_space<hbm>>
          tpu.enqueue_indirect_dma source(%dma_start3A_490 : memref<1254400x64xf32, #tpu.memory_space<hbm>>) target(%dma_start3A_486 : memref<128x64xf32, #tpu.memory_space<vmem>>) offsets(%dma_start3A_487 : memref<128xi32, #tpu.memory_space<vmem>>) semaphore(%arg11 : memref<!tpu.dma_semaphore, #tpu.memory_space<semaphore_mem>>)
        } else {
        }
        %jit3A_304 = arith.constant 4 : i32
        %eq3A_305 = arith.constant 0 : i32
        %eq3A_306 = arith.cmpi eq, %jit3A_304, %eq3A_305 : i32
        %jit3A_307 = arith.constant 1 : i32
        %select_n3A_308 = arith.select %eq3A_306, %jit3A_307, %jit3A_304 : i32
        %rem3A_309 = arith.remsi %add3A_116, %select_n3A_308 : i32
        %ne3A_310 = arith.constant 0 : i32
        %ne3A_311 = arith.cmpi ne, %rem3A_309, %ne3A_310 : i32
        %lt3A_312 = arith.constant 0 : i32
        %lt3A_313 = arith.cmpi slt, %rem3A_309, %lt3A_312 : i32
        %lt3A_314 = arith.constant 0 : i32
        %lt3A_315 = arith.cmpi slt, %select_n3A_308, %lt3A_314 : i32
        %ne3A_316 = arith.xori %lt3A_313, %lt3A_315 : i1
        %and3A_317 = arith.andi %ne3A_316, %ne3A_311 : i1
        %add3A_318 = arith.addi %rem3A_309, %select_n3A_308 : i32
        %select_n3A_319 = arith.select %and3A_317, %add3A_318, %rem3A_309 : i32
        %mul3A_320 = arith.constant 1024 : i32
        %mul3A_321 = arith.muli %select_n3A_319, %mul3A_320 : i32
        %jit3A_322 = arith.constant 4 : i32
        %div3A_323 = arith.divsi %add3A_116, %jit3A_322 : i32
        %sign3A_324 = arith.constant 0 : i32
        %sign3A_325 = arith.cmpi sgt, %add3A_116, %sign3A_324 : i32
        %sign3A_326 = arith.extui %sign3A_325 : i1 to i32
        %sign3A_327 = arith.constant 0 : i32
        %sign3A_328 = arith.cmpi slt, %add3A_116, %sign3A_327 : i32
        %sign3A_329 = arith.extui %sign3A_328 : i1 to i32
        %sign3A_330 = arith.subi %sign3A_326, %sign3A_329 : i32
        %sign3A_331 = arith.constant 0 : i32
        %sign3A_332 = arith.cmpi sgt, %jit3A_322, %sign3A_331 : i32
        %sign3A_333 = arith.extui %sign3A_332 : i1 to i32
        %sign3A_334 = arith.constant 0 : i32
        %sign3A_335 = arith.cmpi slt, %jit3A_322, %sign3A_334 : i32
        %sign3A_336 = arith.extui %sign3A_335 : i1 to i32
        %sign3A_337 = arith.subi %sign3A_333, %sign3A_336 : i32
        %ne3A_338 = arith.cmpi ne, %sign3A_330, %sign3A_337 : i32
        %rem3A_339 = arith.remsi %add3A_116, %jit3A_322 : i32
        %ne3A_340 = arith.constant 0 : i32
        %ne3A_341 = arith.cmpi ne, %rem3A_339, %ne3A_340 : i32
        %and3A_342 = arith.andi %ne3A_338, %ne3A_341 : i1
        %sub3A_343 = arith.constant 1 : i32
        %sub3A_344 = arith.subi %div3A_323, %sub3A_343 : i32
        %select_n3A_345 = arith.select %and3A_342, %sub3A_344, %div3A_323 : i32
        %mul3A_346 = arith.constant 128 : i32
        %mul3A_347 = arith.muli %select_n3A_345, %mul3A_346 : i32
        %add3A_348 = arith.addi %mul3A_321, %mul3A_347 : i32
        %dma_wait3A_349 = arith.constant 0 : i32
        %dma_wait3A_350 = arith.constant 0 : i32
        %dma_wait3A_351 = tpu.memref_slice %arg9[%cond3A_65, %dma_wait3A_349, %dma_wait3A_350] : memref<2x128x64xf32, #tpu.memory_space<vmem>> -> memref<1x128x64xf32, #tpu.memory_space<vmem>>
        %dma_wait3A_352 = tpu.memref_squeeze %dma_wait3A_351 : memref<1x128x64xf32, #tpu.memory_space<vmem>> -> memref<128x64xf32, #tpu.memory_space<vmem>>
        %dma_wait3A_353 = tpu.memref_slice %arg6[%add3A_348] : memref<4096xi32, #tpu.memory_space<vmem>> -> memref<128xi32, #tpu.memory_space<vmem>>
        %dma_wait3A_354 = arith.constant 0 : i32
        %dma_wait3A_355 = arith.constant 0 : i32
        %dma_wait3A_356 = tpu.memref_slice %arg3[%dma_wait3A_354, %dma_wait3A_355] : memref<1254400x64xf32, #tpu.memory_space<hbm>> -> memref<1254400x64xf32, #tpu.memory_space<hbm>>
        tpu.wait_indirect_dma semaphore(%arg12 : memref<!tpu.dma_semaphore, #tpu.memory_space<semaphore_mem>>) src(%dma_wait3A_356 : memref<1254400x64xf32, #tpu.memory_space<hbm>>) dst(%dma_wait3A_352 : memref<128x64xf32, #tpu.memory_space<vmem>>)
        %jit3A_357 = arith.constant 4 : i32
        %eq3A_358 = arith.constant 0 : i32
        %eq3A_359 = arith.cmpi eq, %jit3A_357, %eq3A_358 : i32
        %jit3A_360 = arith.constant 1 : i32
        %select_n3A_361 = arith.select %eq3A_359, %jit3A_360, %jit3A_357 : i32
        %rem3A_362 = arith.remsi %add3A_116, %select_n3A_361 : i32
        %ne3A_363 = arith.constant 0 : i32
        %ne3A_364 = arith.cmpi ne, %rem3A_362, %ne3A_363 : i32
        %lt3A_365 = arith.constant 0 : i32
        %lt3A_366 = arith.cmpi slt, %rem3A_362, %lt3A_365 : i32
        %lt3A_367 = arith.constant 0 : i32
        %lt3A_368 = arith.cmpi slt, %select_n3A_361, %lt3A_367 : i32
        %ne3A_369 = arith.xori %lt3A_366, %lt3A_368 : i1
        %and3A_370 = arith.andi %ne3A_369, %ne3A_364 : i1
        %add3A_371 = arith.addi %rem3A_362, %select_n3A_361 : i32
        %select_n3A_372 = arith.select %and3A_370, %add3A_371, %rem3A_362 : i32
        %mul3A_373 = arith.constant 1024 : i32
        %mul3A_374 = arith.muli %select_n3A_372, %mul3A_373 : i32
        %jit3A_375 = arith.constant 4 : i32
        %div3A_376 = arith.divsi %add3A_116, %jit3A_375 : i32
        %sign3A_377 = arith.constant 0 : i32
        %sign3A_378 = arith.cmpi sgt, %add3A_116, %sign3A_377 : i32
        %sign3A_379 = arith.extui %sign3A_378 : i1 to i32
        %sign3A_380 = arith.constant 0 : i32
        %sign3A_381 = arith.cmpi slt, %add3A_116, %sign3A_380 : i32
        %sign3A_382 = arith.extui %sign3A_381 : i1 to i32
        %sign3A_383 = arith.subi %sign3A_379, %sign3A_382 : i32
        %sign3A_384 = arith.constant 0 : i32
        %sign3A_385 = arith.cmpi sgt, %jit3A_375, %sign3A_384 : i32
        %sign3A_386 = arith.extui %sign3A_385 : i1 to i32
        %sign3A_387 = arith.constant 0 : i32
        %sign3A_388 = arith.cmpi slt, %jit3A_375, %sign3A_387 : i32
        %sign3A_389 = arith.extui %sign3A_388 : i1 to i32
        %sign3A_390 = arith.subi %sign3A_386, %sign3A_389 : i32
        %ne3A_391 = arith.cmpi ne, %sign3A_383, %sign3A_390 : i32
        %rem3A_392 = arith.remsi %add3A_116, %jit3A_375 : i32
        %ne3A_393 = arith.constant 0 : i32
        %ne3A_394 = arith.cmpi ne, %rem3A_392, %ne3A_393 : i32
        %and3A_395 = arith.andi %ne3A_391, %ne3A_394 : i1
        %sub3A_396 = arith.constant 1 : i32
        %sub3A_397 = arith.subi %div3A_376, %sub3A_396 : i32
        %select_n3A_398 = arith.select %and3A_395, %sub3A_397, %div3A_376 : i32
        %mul3A_399 = arith.constant 128 : i32
        %mul3A_400 = arith.muli %select_n3A_398, %mul3A_399 : i32
        %add3A_401 = arith.addi %mul3A_374, %mul3A_400 : i32
        %jit3A_402 = arith.constant 4 : i32
        %div3A_403 = arith.divsi %add3A_116, %jit3A_402 : i32
        %sign3A_404 = arith.constant 0 : i32
        %sign3A_405 = arith.cmpi sgt, %add3A_116, %sign3A_404 : i32
        %sign3A_406 = arith.extui %sign3A_405 : i1 to i32
        %sign3A_407 = arith.constant 0 : i32
        %sign3A_408 = arith.cmpi slt, %add3A_116, %sign3A_407 : i32
        %sign3A_409 = arith.extui %sign3A_408 : i1 to i32
        %sign3A_410 = arith.subi %sign3A_406, %sign3A_409 : i32
        %sign3A_411 = arith.constant 0 : i32
        %sign3A_412 = arith.cmpi sgt, %jit3A_402, %sign3A_411 : i32
        %sign3A_413 = arith.extui %sign3A_412 : i1 to i32
        %sign3A_414 = arith.constant 0 : i32
        %sign3A_415 = arith.cmpi slt, %jit3A_402, %sign3A_414 : i32
        %sign3A_416 = arith.extui %sign3A_415 : i1 to i32
        %sign3A_417 = arith.subi %sign3A_413, %sign3A_416 : i32
        %ne3A_418 = arith.cmpi ne, %sign3A_410, %sign3A_417 : i32
        %rem3A_419 = arith.remsi %add3A_116, %jit3A_402 : i32
        %ne3A_420 = arith.constant 0 : i32
        %ne3A_421 = arith.cmpi ne, %rem3A_419, %ne3A_420 : i32
        %and3A_422 = arith.andi %ne3A_418, %ne3A_421 : i1
        %sub3A_423 = arith.constant 1 : i32
        %sub3A_424 = arith.subi %div3A_403, %sub3A_423 : i32
        %select_n3A_425 = arith.select %and3A_422, %sub3A_424, %div3A_403 : i32
        %mul3A_426 = arith.constant 128 : i32
        %mul3A_427 = arith.muli %select_n3A_425, %mul3A_426 : i32
        %scan3A_428 = arith.constant 0 : i32
        %scan3A_429 = arith.constant 0 : i32
        %scan3A_430 = arith.constant 8 : i32
        %scan3A_431 = arith.addi %scan3A_429, %scan3A_430 : i32
        %scan3A_432 = arith.constant 1 : i32
        %scan3A_433 = scf.for %scan3A_436 = %scan3A_429 to %scan3A_431 step %scan3A_432 iter_args(%scan3A_437 = %scan3A_428) -> (i32)  : i32 {
          %mul3A_438 = arith.constant 16 : i32
          %mul3A_439 = arith.muli %scan3A_436, %mul3A_438 : i32
          %add3A_440 = arith.addi %add3A_401, %mul3A_439 : i32
          %get3A = arith.index_cast %add3A_440 : i32 to index
          %get3A_441 = tpu.vector_load %arg7[%get3A] {strides = array<i32>} : memref<4096xf32, #tpu.memory_space<vmem>>, vector<16xf32>,
          %mul3A_442 = arith.constant 16 : i32
          %mul3A_443 = arith.muli %scan3A_436, %mul3A_442 : i32
          %add3A_444 = arith.addi %mul3A_427, %mul3A_443 : i32
          %get3A_445 = arith.index_cast %add3A_444 : i32 to index
          %get3A_446 = tpu.vector_load %arg8[%get3A_445] {strides = array<i32>} : memref<1024xi32, #tpu.memory_space<vmem>>, vector<16xi32>,
          %mul3A_447 = arith.constant 64 : i32
          %mul3A_448 = vector.broadcast %mul3A_447 : i32 to vector<16xi32>
          %mul3A_449 = arith.muli %get3A_446, %mul3A_448 : vector<16xi32>
          %mul3A_450 = arith.constant 16 : i32
          %mul3A_451 = arith.muli %scan3A_436, %mul3A_450 : i32
          %add3A_452 = vector.broadcast %mul3A_451 : i32 to vector<16xi32>
          %add3A_453 = arith.addi %add3A_452, %iota3A : vector<16xi32>
          %scan3A_454 = arith.constant 0 : i32
          %scan3A_455 = arith.constant 0 : i32
          %scan3A_456 = arith.constant 8 : i32
          %scan3A_457 = arith.addi %scan3A_455, %scan3A_456 : i32
          %scan3A_458 = arith.constant 1 : i32
          %scan3A_459 = scf.for %scan3A_462 = %scan3A_455 to %scan3A_457 step %scan3A_458 iter_args(%scan3A_463 = %scan3A_454) -> (i32)  : i32 {
            %mul3A_464 = arith.constant 8 : i32
            %mul3A_465 = arith.muli %scan3A_462, %mul3A_464 : i32
            %add3A_466 = arith.constant 0 : i32
            %add3A_467 = arith.addi %mul3A_465, %add3A_466 : i32
            %add3A_468 = vector.broadcast %add3A_467 : i32 to vector<16xi32>
            %add3A_469 = arith.addi %broadcast_in_dim3A_13, %add3A_468 : vector<16xi32>
            %gather3A = arith.constant 0 : i32
            %gather3A_470 = arith.constant 0 : i32
            %gather3A_471 = tpu.memref_slice %arg9[%cond3A_65, %gather3A, %gather3A_470] : memref<2x128x64xf32, #tpu.memory_space<vmem>> -> memref<1x128x64xf32, #tpu.memory_space<vmem>>
            %gather3A_472 = tpu.memref_squeeze %gather3A_471 : memref<1x128x64xf32, #tpu.memory_space<vmem>> -> memref<128x64xf32, #tpu.memory_space<vmem>>
            %gather3A_473 = tpu.vector_load_idx %gather3A_472[%add3A_453, %add3A_469] : memref<128x64xf32, #tpu.memory_space<vmem>>[vector<16xi32>, vector<16xi32>], vector<16xf32>,
            %add3A_474 = vector.broadcast %add3A_467 : i32 to vector<16xi32>
            %add3A_475 = arith.addi %mul3A_449, %add3A_474 : vector<16xi32>
            %mul3A_476 = arith.mulf %get3A_441, %gather3A_473 : vector<16xf32>
            tpu.vector_store_idx %arg10[%add3A_475], %mul3A_476 {add = true} : memref<100352xf32, #tpu.memory_space<vmem>>[vector<16xi32>], vector<16xf32>,
            %mul3A_477 = arith.constant 8 : i32
            %mul3A_478 = arith.muli %scan3A_462, %mul3A_477 : i32
            %add3A_479 = arith.constant 1 : i32
            %add3A_480 = arith.addi %mul3A_478, %add3A_479 : i32
            %add3A_481 = vector.broadcast %add3A_480 : i32 to vector<16xi32>
            %add3A_482 = arith.addi %broadcast_in_dim3A_13, %add3A_481 : vector<16xi32>
            %gather3A_483 = arith.constant 0 : i32
            %gather3A_484 = arith.constant 0 : i32
            %gather3A_485 = tpu.memref_slice %arg9[%cond3A_65, %gather3A_483, %gather3A_484] : memref<2x128x64xf32, #tpu.memory_space<vmem>> -> memref<1x128x64xf32, #tpu.memory_space<vmem>>
            %gather3A_486 = tpu.memref_squeeze %gather3A_485 : memref<1x128x64xf32, #tpu.memory_space<vmem>> -> memref<128x64xf32, #tpu.memory_space<vmem>>
            %gather3A_487 = tpu.vector_load_idx %gather3A_486[%add3A_453, %add3A_482] : memref<128x64xf32, #tpu.memory_space<vmem>>[vector<16xi32>, vector<16xi32>], vector<16xf32>,
            %add3A_488 = vector.broadcast %add3A_480 : i32 to vector<16xi32>
            %add3A_489 = arith.addi %mul3A_449, %add3A_488 : vector<16xi32>
            %mul3A_490 = arith.mulf %get3A_441, %gather3A_487 : vector<16xf32>
            tpu.vector_store_idx %arg10[%add3A_489], %mul3A_490 {add = true} : memref<100352xf32, #tpu.memory_space<vmem>>[vector<16xi32>], vector<16xf32>,
            %mul3A_491 = arith.constant 8 : i32
            %mul3A_492 = arith.muli %scan3A_462, %mul3A_491 : i32
            %add3A_493 = arith.constant 2 : i32
            %add3A_494 = arith.addi %mul3A_492, %add3A_493 : i32
            %add3A_495 = vector.broadcast %add3A_494 : i32 to vector<16xi32>
            %add3A_496 = arith.addi %broadcast_in_dim3A_13, %add3A_495 : vector<16xi32>
            %gather3A_497 = arith.constant 0 : i32
            %gather3A_498 = arith.constant 0 : i32
            %gather3A_499 = tpu.memref_slice %arg9[%cond3A_65, %gather3A_497, %gather3A_498] : memref<2x128x64xf32, #tpu.memory_space<vmem>> -> memref<1x128x64xf32, #tpu.memory_space<vmem>>
            %gather3A_500 = tpu.memref_squeeze %gather3A_499 : memref<1x128x64xf32, #tpu.memory_space<vmem>> -> memref<128x64xf32, #tpu.memory_space<vmem>>
            %gather3A_501 = tpu.vector_load_idx %gather3A_500[%add3A_453, %add3A_496] : memref<128x64xf32, #tpu.memory_space<vmem>>[vector<16xi32>, vector<16xi32>], vector<16xf32>,
            %add3A_502 = vector.broadcast %add3A_494 : i32 to vector<16xi32>
            %add3A_503 = arith.addi %mul3A_449, %add3A_502 : vector<16xi32>
            %mul3A_504 = arith.mulf %get3A_441, %gather3A_501 : vector<16xf32>
            tpu.vector_store_idx %arg10[%add3A_503], %mul3A_504 {add = true} : memref<100352xf32, #tpu.memory_space<vmem>>[vector<16xi32>], vector<16xf32>,
            %mul3A_505 = arith.constant 8 : i32
            %mul3A_506 = arith.muli %scan3A_462, %mul3A_505 : i32
            %add3A_507 = arith.constant 3 : i32
            %add3A_508 = arith.addi %mul3A_506, %add3A_507 : i32
            %add3A_509 = vector.broadcast %add3A_508 : i32 to vector<16xi32>
            %add3A_510 = arith.addi %broadcast_in_dim3A_13, %add3A_509 : vector<16xi32>
            %gather3A_511 = arith.constant 0 : i32
            %gather3A_512 = arith.constant 0 : i32
            %gather3A_513 = tpu.memref_slice %arg9[%cond3A_65, %gather3A_511, %gather3A_512] : memref<2x128x64xf32, #tpu.memory_space<vmem>> -> memref<1x128x64xf32, #tpu.memory_space<vmem>>
            %gather3A_514 = tpu.memref_squeeze %gather3A_513 : memref<1x128x64xf32, #tpu.memory_space<vmem>> -> memref<128x64xf32, #tpu.memory_space<vmem>>
            %gather3A_515 = tpu.vector_load_idx %gather3A_514[%add3A_453, %add3A_510] : memref<128x64xf32, #tpu.memory_space<vmem>>[vector<16xi32>, vector<16xi32>], vector<16xf32>,
            %add3A_516 = vector.broadcast %add3A_508 : i32 to vector<16xi32>
            %add3A_517 = arith.addi %mul3A_449, %add3A_516 : vector<16xi32>
            %mul3A_518 = arith.mulf %get3A_441, %gather3A_515 : vector<16xf32>
            tpu.vector_store_idx %arg10[%add3A_517], %mul3A_518 {add = true} : memref<100352xf32, #tpu.memory_space<vmem>>[vector<16xi32>], vector<16xf32>,
            %mul3A_519 = arith.constant 8 : i32
            %mul3A_520 = arith.muli %scan3A_462, %mul3A_519 : i32
            %add3A_521 = arith.constant 4 : i32
            %add3A_522 = arith.addi %mul3A_520, %add3A_521 : i32
            %add3A_523 = vector.broadcast %add3A_522 : i32 to vector<16xi32>
            %add3A_524 = arith.addi %broadcast_in_dim3A_13, %add3A_523 : vector<16xi32>
            %gather3A_525 = arith.constant 0 : i32
            %gather3A_526 = arith.constant 0 : i32
            %gather3A_527 = tpu.memref_slice %arg9[%cond3A_65, %gather3A_525, %gather3A_526] : memref<2x128x64xf32, #tpu.memory_space<vmem>> -> memref<1x128x64xf32, #tpu.memory_space<vmem>>
            %gather3A_528 = tpu.memref_squeeze %gather3A_527 : memref<1x128x64xf32, #tpu.memory_space<vmem>> -> memref<128x64xf32, #tpu.memory_space<vmem>>
            %gather3A_529 = tpu.vector_load_idx %gather3A_528[%add3A_453, %add3A_524] : memref<128x64xf32, #tpu.memory_space<vmem>>[vector<16xi32>, vector<16xi32>], vector<16xf32>,
            %add3A_530 = vector.broadcast %add3A_522 : i32 to vector<16xi32>
            %add3A_531 = arith.addi %mul3A_449, %add3A_530 : vector<16xi32>
            %mul3A_532 = arith.mulf %get3A_441, %gather3A_529 : vector<16xf32>
            tpu.vector_store_idx %arg10[%add3A_531], %mul3A_532 {add = true} : memref<100352xf32, #tpu.memory_space<vmem>>[vector<16xi32>], vector<16xf32>,
            %mul3A_533 = arith.constant 8 : i32
            %mul3A_534 = arith.muli %scan3A_462, %mul3A_533 : i32
            %add3A_535 = arith.constant 5 : i32
            %add3A_536 = arith.addi %mul3A_534, %add3A_535 : i32
            %add3A_537 = vector.broadcast %add3A_536 : i32 to vector<16xi32>
            %add3A_538 = arith.addi %broadcast_in_dim3A_13, %add3A_537 : vector<16xi32>
            %gather3A_539 = arith.constant 0 : i32
            %gather3A_540 = arith.constant 0 : i32
            %gather3A_541 = tpu.memref_slice %arg9[%cond3A_65, %gather3A_539, %gather3A_540] : memref<2x128x64xf32, #tpu.memory_space<vmem>> -> memref<1x128x64xf32, #tpu.memory_space<vmem>>
            %gather3A_542 = tpu.memref_squeeze %gather3A_541 : memref<1x128x64xf32, #tpu.memory_space<vmem>> -> memref<128x64xf32, #tpu.memory_space<vmem>>
            %gather3A_543 = tpu.vector_load_idx %gather3A_542[%add3A_453, %add3A_538] : memref<128x64xf32, #tpu.memory_space<vmem>>[vector<16xi32>, vector<16xi32>], vector<16xf32>,
            %add3A_544 = vector.broadcast %add3A_536 : i32 to vector<16xi32>
            %add3A_545 = arith.addi %mul3A_449, %add3A_544 : vector<16xi32>
            %mul3A_546 = arith.mulf %get3A_441, %gather3A_543 : vector<16xf32>
            tpu.vector_store_idx %arg10[%add3A_545], %mul3A_546 {add = true} : memref<100352xf32, #tpu.memory_space<vmem>>[vector<16xi32>], vector<16xf32>,
            %mul3A_547 = arith.constant 8 : i32
            %mul3A_548 = arith.muli %scan3A_462, %mul3A_547 : i32
            %add3A_549 = arith.constant 6 : i32
            %add3A_550 = arith.addi %mul3A_548, %add3A_549 : i32
            %add3A_551 = vector.broadcast %add3A_550 : i32 to vector<16xi32>
            %add3A_552 = arith.addi %broadcast_in_dim3A_13, %add3A_551 : vector<16xi32>
            %gather3A_553 = arith.constant 0 : i32
            %gather3A_554 = arith.constant 0 : i32
            %gather3A_555 = tpu.memref_slice %arg9[%cond3A_65, %gather3A_553, %gather3A_554] : memref<2x128x64xf32, #tpu.memory_space<vmem>> -> memref<1x128x64xf32, #tpu.memory_space<vmem>>
            %gather3A_556 = tpu.memref_squeeze %gather3A_555 : memref<1x128x64xf32, #tpu.memory_space<vmem>> -> memref<128x64xf32, #tpu.memory_space<vmem>>
            %gather3A_557 = tpu.vector_load_idx %gather3A_556[%add3A_453, %add3A_552] : memref<128x64xf32, #tpu.memory_space<vmem>>[vector<16xi32>, vector<16xi32>], vector<16xf32>,
            %add3A_558 = vector.broadcast %add3A_550 : i32 to vector<16xi32>
            %add3A_559 = arith.addi %mul3A_449, %add3A_558 : vector<16xi32>
            %mul3A_560 = arith.mulf %get3A_441, %gather3A_557 : vector<16xf32>
            tpu.vector_store_idx %arg10[%add3A_559], %mul3A_560 {add = true} : memref<100352xf32, #tpu.memory_space<vmem>>[vector<16xi32>], vector<16xf32>,
            %mul3A_561 = arith.constant 8 : i32
            %mul3A_562 = arith.muli %scan3A_462, %mul3A_561 : i32
            %add3A_563 = arith.constant 7 : i32
            %add3A_564 = arith.addi %mul3A_562, %add3A_563 : i32
            %add3A_565 = vector.broadcast %add3A_564 : i32 to vector<16xi32>
            %add3A_566 = arith.addi %broadcast_in_dim3A_13, %add3A_565 : vector<16xi32>
            %gather3A_567 = arith.constant 0 : i32
            %gather3A_568 = arith.constant 0 : i32
            %gather3A_569 = tpu.memref_slice %arg9[%cond3A_65, %gather3A_567, %gather3A_568] : memref<2x128x64xf32, #tpu.memory_space<vmem>> -> memref<1x128x64xf32, #tpu.memory_space<vmem>>
            %gather3A_570 = tpu.memref_squeeze %gather3A_569 : memref<1x128x64xf32, #tpu.memory_space<vmem>> -> memref<128x64xf32, #tpu.memory_space<vmem>>
            %gather3A_571 = tpu.vector_load_idx %gather3A_570[%add3A_453, %add3A_566] : memref<128x64xf32, #tpu.memory_space<vmem>>[vector<16xi32>, vector<16xi32>], vector<16xf32>,
            %add3A_572 = vector.broadcast %add3A_564 : i32 to vector<16xi32>
            %add3A_573 = arith.addi %mul3A_449, %add3A_572 : vector<16xi32>
            %mul3A_574 = arith.mulf %get3A_441, %gather3A_571 : vector<16xf32>
            tpu.vector_store_idx %arg10[%add3A_573], %mul3A_574 {add = true} : memref<100352xf32, #tpu.memory_space<vmem>>[vector<16xi32>], vector<16xf32>,
            %scan3A_575 = arith.constant 0 : i32
            scf.yield %scan3A_575 : i32
          }
          %scan3A_460 = arith.constant 8 : i32
          %scan3A_461 = arith.constant 0 : i32
          scf.yield %scan3A_461 : i32
        }
        %scan3A_434 = arith.constant 8 : i32
        %while3A_435 = arith.constant 0 : i32
        scf.yield %while3A_435 : i32
      }
      %while3A_109 = arith.constant 1 : i32
      %while3A_110 = scf.for %while3A_111 = %while3A_106 to %while3A_102 step %while3A_109 iter_args(%while3A_112 = %while3A_108) -> (i32)  : i32 {
        %mul3A_113 = arith.constant 2 : i32
        %mul3A_114 = arith.muli %mul3A_113, %while3A_111 : i32
        %add3A_115 = arith.constant 1 : i32
        %add3A_116 = arith.addi %mul3A_114, %add3A_115 : i32
        %jit3A_117 = arith.constant 4 : i32
        %eq3A = arith.constant 0 : i32
        %eq3A_118 = arith.cmpi eq, %jit3A_117, %eq3A : i32
        %jit3A_119 = arith.constant 1 : i32
        %select_n3A_120 = arith.select %eq3A_118, %jit3A_119, %jit3A_117 : i32
        %rem3A_121 = arith.remsi %add3A_116, %select_n3A_120 : i32
        %ne3A_122 = arith.constant 0 : i32
        %ne3A_123 = arith.cmpi ne, %rem3A_121, %ne3A_122 : i32
        %lt3A = arith.constant 0 : i32
        %lt3A_124 = arith.cmpi slt, %rem3A_121, %lt3A : i32
        %lt3A_125 = arith.constant 0 : i32
        %lt3A_126 = arith.cmpi slt, %select_n3A_120, %lt3A_125 : i32
        %ne3A_127 = arith.xori %lt3A_124, %lt3A_126 : i1
        %and3A_128 = arith.andi %ne3A_127, %ne3A_123 : i1
        %add3A_129 = arith.addi %rem3A_121, %select_n3A_120 : i32
        %select_n3A_130 = arith.select %and3A_128, %add3A_129, %rem3A_121 : i32
        %mul3A_131 = arith.constant 1024 : i32
        %mul3A_132 = arith.muli %select_n3A_130, %mul3A_131 : i32
        %jit3A_133 = arith.constant 4 : i32
        %div3A_134 = arith.divsi %add3A_116, %jit3A_133 : i32
        %sign3A_135 = arith.constant 0 : i32
        %sign3A_136 = arith.cmpi sgt, %add3A_116, %sign3A_135 : i32
        %sign3A_137 = arith.extui %sign3A_136 : i1 to i32
        %sign3A_138 = arith.constant 0 : i32
        %sign3A_139 = arith.cmpi slt, %add3A_116, %sign3A_138 : i32
        %sign3A_140 = arith.extui %sign3A_139 : i1 to i32
        %sign3A_141 = arith.subi %sign3A_137, %sign3A_140 : i32
        %sign3A_142 = arith.constant 0 : i32
        %sign3A_143 = arith.cmpi sgt, %jit3A_133, %sign3A_142 : i32
        %sign3A_144 = arith.extui %sign3A_143 : i1 to i32
        %sign3A_145 = arith.constant 0 : i32
        %sign3A_146 = arith.cmpi slt, %jit3A_133, %sign3A_145 : i32
        %sign3A_147 = arith.extui %sign3A_146 : i1 to i32
        %sign3A_148 = arith.subi %sign3A_144, %sign3A_147 : i32
        %ne3A_149 = arith.cmpi ne, %sign3A_141, %sign3A_148 : i32
        %rem3A_150 = arith.remsi %add3A_116, %jit3A_133 : i32
        %ne3A_151 = arith.constant 0 : i32
        %ne3A_152 = arith.cmpi ne, %rem3A_150, %ne3A_151 : i32
        %and3A_153 = arith.andi %ne3A_149, %ne3A_152 : i1
        %sub3A_154 = arith.constant 1 : i32
        %sub3A_155 = arith.subi %div3A_134, %sub3A_154 : i32
        %select_n3A_156 = arith.select %and3A_153, %sub3A_155, %div3A_134 : i32
        %mul3A_157 = arith.constant 128 : i32
        %mul3A_158 = arith.muli %select_n3A_156, %mul3A_157 : i32
        %add3A_159 = arith.addi %mul3A_132, %mul3A_158 : i32
        %dma_start3A_160 = arith.constant 0 : i32
        %dma_start3A_161 = arith.constant 0 : i32
        %dma_start3A_162 = tpu.memref_slice %arg9[%cond3A_65, %dma_start3A_160, %dma_start3A_161] : memref<2x128x64xf32, #tpu.memory_space<vmem>> -> memref<1x128x64xf32, #tpu.memory_space<vmem>>
        %dma_start3A_163 = tpu.memref_squeeze %dma_start3A_162 : memref<1x128x64xf32, #tpu.memory_space<vmem>> -> memref<128x64xf32, #tpu.memory_space<vmem>>
        %dma_start3A_164 = tpu.memref_slice %arg6[%add3A_159] : memref<4096xi32, #tpu.memory_space<vmem>> -> memref<128xi32, #tpu.memory_space<vmem>>
        %dma_start3A_165 = arith.constant 0 : i32
        %dma_start3A_166 = arith.constant 0 : i32
        %dma_start3A_167 = tpu.memref_slice %arg3[%dma_start3A_165, %dma_start3A_166] : memref<1254400x64xf32, #tpu.memory_space<hbm>> -> memref<1254400x64xf32, #tpu.memory_space<hbm>>
        tpu.enqueue_indirect_dma source(%dma_start3A_167 : memref<1254400x64xf32, #tpu.memory_space<hbm>>) target(%dma_start3A_163 : memref<128x64xf32, #tpu.memory_space<vmem>>) offsets(%dma_start3A_164 : memref<128xi32, #tpu.memory_space<vmem>>) semaphore(%arg12 : memref<!tpu.dma_semaphore, #tpu.memory_space<semaphore_mem>>)
        %jit3A_168 = arith.constant 4 : i32
        %eq3A_169 = arith.constant 0 : i32
        %eq3A_170 = arith.cmpi eq, %jit3A_168, %eq3A_169 : i32
        %jit3A_171 = arith.constant 1 : i32
        %select_n3A_172 = arith.select %eq3A_170, %jit3A_171, %jit3A_168 : i32
        %rem3A_173 = arith.remsi %mul3A_114, %select_n3A_172 : i32
        %ne3A_174 = arith.constant 0 : i32
        %ne3A_175 = arith.cmpi ne, %rem3A_173, %ne3A_174 : i32
        %lt3A_176 = arith.constant 0 : i32
        %lt3A_177 = arith.cmpi slt, %rem3A_173, %lt3A_176 : i32
        %lt3A_178 = arith.constant 0 : i32
        %lt3A_179 = arith.cmpi slt, %select_n3A_172, %lt3A_178 : i32
        %ne3A_180 = arith.xori %lt3A_177, %lt3A_179 : i1
        %and3A_181 = arith.andi %ne3A_180, %ne3A_175 : i1
        %add3A_182 = arith.addi %rem3A_173, %select_n3A_172 : i32
        %select_n3A_183 = arith.select %and3A_181, %add3A_182, %rem3A_173 : i32
        %mul3A_184 = arith.constant 1024 : i32
        %mul3A_185 = arith.muli %select_n3A_183, %mul3A_184 : i32
        %jit3A_186 = arith.constant 4 : i32
        %div3A_187 = arith.divsi %mul3A_114, %jit3A_186 : i32
        %sign3A_188 = arith.constant 0 : i32
        %sign3A_189 = arith.cmpi sgt, %mul3A_114, %sign3A_188 : i32
        %sign3A_190 = arith.extui %sign3A_189 : i1 to i32
        %sign3A_191 = arith.constant 0 : i32
        %sign3A_192 = arith.cmpi slt, %mul3A_114, %sign3A_191 : i32
        %sign3A_193 = arith.extui %sign3A_192 : i1 to i32
        %sign3A_194 = arith.subi %sign3A_190, %sign3A_193 : i32
        %sign3A_195 = arith.constant 0 : i32
        %sign3A_196 = arith.cmpi sgt, %jit3A_186, %sign3A_195 : i32
        %sign3A_197 = arith.extui %sign3A_196 : i1 to i32
        %sign3A_198 = arith.constant 0 : i32
        %sign3A_199 = arith.cmpi slt, %jit3A_186, %sign3A_198 : i32
        %sign3A_200 = arith.extui %sign3A_199 : i1 to i32
        %sign3A_201 = arith.subi %sign3A_197, %sign3A_200 : i32
        %ne3A_202 = arith.cmpi ne, %sign3A_194, %sign3A_201 : i32
        %rem3A_203 = arith.remsi %mul3A_114, %jit3A_186 : i32
        %ne3A_204 = arith.constant 0 : i32
        %ne3A_205 = arith.cmpi ne, %rem3A_203, %ne3A_204 : i32
        %and3A_206 = arith.andi %ne3A_202, %ne3A_205 : i1
        %sub3A_207 = arith.constant 1 : i32
        %sub3A_208 = arith.subi %div3A_187, %sub3A_207 : i32
        %select_n3A_209 = arith.select %and3A_206, %sub3A_208, %div3A_187 : i32
        %mul3A_210 = arith.constant 128 : i32
        %mul3A_211 = arith.muli %select_n3A_209, %mul3A_210 : i32
        %add3A_212 = arith.addi %mul3A_185, %mul3A_211 : i32
        %dma_wait3A = arith.constant 0 : i32
        %dma_wait3A_213 = arith.constant 0 : i32
        %dma_wait3A_214 = tpu.memref_slice %arg9[%cond3A, %dma_wait3A, %dma_wait3A_213] : memref<2x128x64xf32, #tpu.memory_space<vmem>> -> memref<1x128x64xf32, #tpu.memory_space<vmem>>
        %dma_wait3A_215 = tpu.memref_squeeze %dma_wait3A_214 : memref<1x128x64xf32, #tpu.memory_space<vmem>> -> memref<128x64xf32, #tpu.memory_space<vmem>>
        %dma_wait3A_216 = tpu.memref_slice %arg6[%add3A_212] : memref<4096xi32, #tpu.memory_space<vmem>> -> memref<128xi32, #tpu.memory_space<vmem>>
        %dma_wait3A_217 = arith.constant 0 : i32
        %dma_wait3A_218 = arith.constant 0 : i32
        %dma_wait3A_219 = tpu.memref_slice %arg3[%dma_wait3A_217, %dma_wait3A_218] : memref<1254400x64xf32, #tpu.memory_space<hbm>> -> memref<1254400x64xf32, #tpu.memory_space<hbm>>
        tpu.wait_indirect_dma semaphore(%arg11 : memref<!tpu.dma_semaphore, #tpu.memory_space<semaphore_mem>>) src(%dma_wait3A_219 : memref<1254400x64xf32, #tpu.memory_space<hbm>>) dst(%dma_wait3A_215 : memref<128x64xf32, #tpu.memory_space<vmem>>)
        %jit3A_220 = arith.constant 4 : i32
        %eq3A_221 = arith.constant 0 : i32
        %eq3A_222 = arith.cmpi eq, %jit3A_220, %eq3A_221 : i32
        %jit3A_223 = arith.constant 1 : i32
        %select_n3A_224 = arith.select %eq3A_222, %jit3A_223, %jit3A_220 : i32
        %rem3A_225 = arith.remsi %mul3A_114, %select_n3A_224 : i32
        %ne3A_226 = arith.constant 0 : i32
        %ne3A_227 = arith.cmpi ne, %rem3A_225, %ne3A_226 : i32
        %lt3A_228 = arith.constant 0 : i32
        %lt3A_229 = arith.cmpi slt, %rem3A_225, %lt3A_228 : i32
        %lt3A_230 = arith.constant 0 : i32
        %lt3A_231 = arith.cmpi slt, %select_n3A_224, %lt3A_230 : i32
        %ne3A_232 = arith.xori %lt3A_229, %lt3A_231 : i1
        %and3A_233 = arith.andi %ne3A_232, %ne3A_227 : i1
        %add3A_234 = arith.addi %rem3A_225, %select_n3A_224 : i32
        %select_n3A_235 = arith.select %and3A_233, %add3A_234, %rem3A_225 : i32
        %mul3A_236 = arith.constant 1024 : i32
        %mul3A_237 = arith.muli %select_n3A_235, %mul3A_236 : i32
        %jit3A_238 = arith.constant 4 : i32
        %div3A_239 = arith.divsi %mul3A_114, %jit3A_238 : i32
        %sign3A_240 = arith.constant 0 : i32
        %sign3A_241 = arith.cmpi sgt, %mul3A_114, %sign3A_240 : i32
        %sign3A_242 = arith.extui %sign3A_241 : i1 to i32
        %sign3A_243 = arith.constant 0 : i32
        %sign3A_244 = arith.cmpi slt, %mul3A_114, %sign3A_243 : i32
        %sign3A_245 = arith.extui %sign3A_244 : i1 to i32
        %sign3A_246 = arith.subi %sign3A_242, %sign3A_245 : i32
        %sign3A_247 = arith.constant 0 : i32
        %sign3A_248 = arith.cmpi sgt, %jit3A_238, %sign3A_247 : i32
        %sign3A_249 = arith.extui %sign3A_248 : i1 to i32
        %sign3A_250 = arith.constant 0 : i32
        %sign3A_251 = arith.cmpi slt, %jit3A_238, %sign3A_250 : i32
        %sign3A_252 = arith.extui %sign3A_251 : i1 to i32
        %sign3A_253 = arith.subi %sign3A_249, %sign3A_252 : i32
        %ne3A_254 = arith.cmpi ne, %sign3A_246, %sign3A_253 : i32
        %rem3A_255 = arith.remsi %mul3A_114, %jit3A_238 : i32
        %ne3A_256 = arith.constant 0 : i32
        %ne3A_257 = arith.cmpi ne, %rem3A_255, %ne3A_256 : i32
        %and3A_258 = arith.andi %ne3A_254, %ne3A_257 : i1
        %sub3A_259 = arith.constant 1 : i32
        %sub3A_260 = arith.subi %div3A_239, %sub3A_259 : i32
        %select_n3A_261 = arith.select %and3A_258, %sub3A_260, %div3A_239 : i32
        %mul3A_262 = arith.constant 128 : i32
        %mul3A_263 = arith.muli %select_n3A_261, %mul3A_262 : i32
        %add3A_264 = arith.addi %mul3A_237, %mul3A_263 : i32
        %jit3A_265 = arith.constant 4 : i32
        %div3A_266 = arith.divsi %mul3A_114, %jit3A_265 : i32
        %sign3A_267 = arith.constant 0 : i32
        %sign3A_268 = arith.cmpi sgt, %mul3A_114, %sign3A_267 : i32
        %sign3A_269 = arith.extui %sign3A_268 : i1 to i32
        %sign3A_270 = arith.constant 0 : i32
        %sign3A_271 = arith.cmpi slt, %mul3A_114, %sign3A_270 : i32
        %sign3A_272 = arith.extui %sign3A_271 : i1 to i32
        %sign3A_273 = arith.subi %sign3A_269, %sign3A_272 : i32
        %sign3A_274 = arith.constant 0 : i32
        %sign3A_275 = arith.cmpi sgt, %jit3A_265, %sign3A_274 : i32
        %sign3A_276 = arith.extui %sign3A_275 : i1 to i32
        %sign3A_277 = arith.constant 0 : i32
        %sign3A_278 = arith.cmpi slt, %jit3A_265, %sign3A_277 : i32
        %sign3A_279 = arith.extui %sign3A_278 : i1 to i32
        %sign3A_280 = arith.subi %sign3A_276, %sign3A_279 : i32
        %ne3A_281 = arith.cmpi ne, %sign3A_273, %sign3A_280 : i32
        %rem3A_282 = arith.remsi %mul3A_114, %jit3A_265 : i32
        %ne3A_283 = arith.constant 0 : i32
        %ne3A_284 = arith.cmpi ne, %rem3A_282, %ne3A_283 : i32
        %and3A_285 = arith.andi %ne3A_281, %ne3A_284 : i1
        %sub3A_286 = arith.constant 1 : i32
        %sub3A_287 = arith.subi %div3A_266, %sub3A_286 : i32
        %select_n3A_288 = arith.select %and3A_285, %sub3A_287, %div3A_266 : i32
        %mul3A_289 = arith.constant 128 : i32
        %mul3A_290 = arith.muli %select_n3A_288, %mul3A_289 : i32
        %scan3A_291 = arith.constant 0 : i32
        %scan3A_292 = arith.constant 0 : i32
        %scan3A_293 = arith.constant 8 : i32
        %scan3A_294 = arith.addi %scan3A_292, %scan3A_293 : i32
        %scan3A_295 = arith.constant 1 : i32
        %scan3A_296 = scf.for %scan3A_436 = %scan3A_292 to %scan3A_294 step %scan3A_295 iter_args(%scan3A_437 = %scan3A_291) -> (i32)  : i32 {
          %mul3A_438 = arith.constant 16 : i32
          %mul3A_439 = arith.muli %scan3A_436, %mul3A_438 : i32
          %add3A_440 = arith.addi %add3A_264, %mul3A_439 : i32
          %get3A = arith.index_cast %add3A_440 : i32 to index
          %get3A_441 = tpu.vector_load %arg7[%get3A] {strides = array<i32>} : memref<4096xf32, #tpu.memory_space<vmem>>, vector<16xf32>,
          %mul3A_442 = arith.constant 16 : i32
          %mul3A_443 = arith.muli %scan3A_436, %mul3A_442 : i32
          %add3A_444 = arith.addi %mul3A_290, %mul3A_443 : i32
          %get3A_445 = arith.index_cast %add3A_444 : i32 to index
          %get3A_446 = tpu.vector_load %arg8[%get3A_445] {strides = array<i32>} : memref<1024xi32, #tpu.memory_space<vmem>>, vector<16xi32>,
          %mul3A_447 = arith.constant 64 : i32
          %mul3A_448 = vector.broadcast %mul3A_447 : i32 to vector<16xi32>
          %mul3A_449 = arith.muli %get3A_446, %mul3A_448 : vector<16xi32>
          %mul3A_450 = arith.constant 16 : i32
          %mul3A_451 = arith.muli %scan3A_436, %mul3A_450 : i32
          %add3A_452 = vector.broadcast %mul3A_451 : i32 to vector<16xi32>
          %add3A_453 = arith.addi %add3A_452, %iota3A : vector<16xi32>
          %scan3A_454 = arith.constant 0 : i32
          %scan3A_455 = arith.constant 0 : i32
          %scan3A_456 = arith.constant 8 : i32
          %scan3A_457 = arith.addi %scan3A_455, %scan3A_456 : i32
          %scan3A_458 = arith.constant 1 : i32
          %scan3A_459 = scf.for %scan3A_462 = %scan3A_455 to %scan3A_457 step %scan3A_458 iter_args(%scan3A_463 = %scan3A_454) -> (i32)  : i32 {
            %mul3A_464 = arith.constant 8 : i32
            %mul3A_465 = arith.muli %scan3A_462, %mul3A_464 : i32
            %add3A_466 = arith.constant 0 : i32
            %add3A_467 = arith.addi %mul3A_465, %add3A_466 : i32
            %add3A_468 = vector.broadcast %add3A_467 : i32 to vector<16xi32>
            %add3A_469 = arith.addi %broadcast_in_dim3A_13, %add3A_468 : vector<16xi32>
            %gather3A = arith.constant 0 : i32
            %gather3A_470 = arith.constant 0 : i32
            %gather3A_471 = tpu.memref_slice %arg9[%cond3A, %gather3A, %gather3A_470] : memref<2x128x64xf32, #tpu.memory_space<vmem>> -> memref<1x128x64xf32, #tpu.memory_space<vmem>>
            %gather3A_472 = tpu.memref_squeeze %gather3A_471 : memref<1x128x64xf32, #tpu.memory_space<vmem>> -> memref<128x64xf32, #tpu.memory_space<vmem>>
            %gather3A_473 = tpu.vector_load_idx %gather3A_472[%add3A_453, %add3A_469] : memref<128x64xf32, #tpu.memory_space<vmem>>[vector<16xi32>, vector<16xi32>], vector<16xf32>,
            %add3A_474 = vector.broadcast %add3A_467 : i32 to vector<16xi32>
            %add3A_475 = arith.addi %mul3A_449, %add3A_474 : vector<16xi32>
            %mul3A_476 = arith.mulf %get3A_441, %gather3A_473 : vector<16xf32>
            tpu.vector_store_idx %arg10[%add3A_475], %mul3A_476 {add = true} : memref<100352xf32, #tpu.memory_space<vmem>>[vector<16xi32>], vector<16xf32>,
            %mul3A_477 = arith.constant 8 : i32
            %mul3A_478 = arith.muli %scan3A_462, %mul3A_477 : i32
            %add3A_479 = arith.constant 1 : i32
            %add3A_480 = arith.addi %mul3A_478, %add3A_479 : i32
            %add3A_481 = vector.broadcast %add3A_480 : i32 to vector<16xi32>
            %add3A_482 = arith.addi %broadcast_in_dim3A_13, %add3A_481 : vector<16xi32>
            %gather3A_483 = arith.constant 0 : i32
            %gather3A_484 = arith.constant 0 : i32
            %gather3A_485 = tpu.memref_slice %arg9[%cond3A, %gather3A_483, %gather3A_484] : memref<2x128x64xf32, #tpu.memory_space<vmem>> -> memref<1x128x64xf32, #tpu.memory_space<vmem>>
            %gather3A_486 = tpu.memref_squeeze %gather3A_485 : memref<1x128x64xf32, #tpu.memory_space<vmem>> -> memref<128x64xf32, #tpu.memory_space<vmem>>
            %gather3A_487 = tpu.vector_load_idx %gather3A_486[%add3A_453, %add3A_482] : memref<128x64xf32, #tpu.memory_space<vmem>>[vector<16xi32>, vector<16xi32>], vector<16xf32>,
            %add3A_488 = vector.broadcast %add3A_480 : i32 to vector<16xi32>
            %add3A_489 = arith.addi %mul3A_449, %add3A_488 : vector<16xi32>
            %mul3A_490 = arith.mulf %get3A_441, %gather3A_487 : vector<16xf32>
            tpu.vector_store_idx %arg10[%add3A_489], %mul3A_490 {add = true} : memref<100352xf32, #tpu.memory_space<vmem>>[vector<16xi32>], vector<16xf32>,
            %mul3A_491 = arith.constant 8 : i32
            %mul3A_492 = arith.muli %scan3A_462, %mul3A_491 : i32
            %add3A_493 = arith.constant 2 : i32
            %add3A_494 = arith.addi %mul3A_492, %add3A_493 : i32
            %add3A_495 = vector.broadcast %add3A_494 : i32 to vector<16xi32>
            %add3A_496 = arith.addi %broadcast_in_dim3A_13, %add3A_495 : vector<16xi32>
            %gather3A_497 = arith.constant 0 : i32
            %gather3A_498 = arith.constant 0 : i32
            %gather3A_499 = tpu.memref_slice %arg9[%cond3A, %gather3A_497, %gather3A_498] : memref<2x128x64xf32, #tpu.memory_space<vmem>> -> memref<1x128x64xf32, #tpu.memory_space<vmem>>
            %gather3A_500 = tpu.memref_squeeze %gather3A_499 : memref<1x128x64xf32, #tpu.memory_space<vmem>> -> memref<128x64xf32, #tpu.memory_space<vmem>>
            %gather3A_501 = tpu.vector_load_idx %gather3A_500[%add3A_453, %add3A_496] : memref<128x64xf32, #tpu.memory_space<vmem>>[vector<16xi32>, vector<16xi32>], vector<16xf32>,
            %add3A_502 = vector.broadcast %add3A_494 : i32 to vector<16xi32>
            %add3A_503 = arith.addi %mul3A_449, %add3A_502 : vector<16xi32>
            %mul3A_504 = arith.mulf %get3A_441, %gather3A_501 : vector<16xf32>
            tpu.vector_store_idx %arg10[%add3A_503], %mul3A_504 {add = true} : memref<100352xf32, #tpu.memory_space<vmem>>[vector<16xi32>], vector<16xf32>,
            %mul3A_505 = arith.constant 8 : i32
            %mul3A_506 = arith.muli %scan3A_462, %mul3A_505 : i32
            %add3A_507 = arith.constant 3 : i32
            %add3A_508 = arith.addi %mul3A_506, %add3A_507 : i32
            %add3A_509 = vector.broadcast %add3A_508 : i32 to vector<16xi32>
            %add3A_510 = arith.addi %broadcast_in_dim3A_13, %add3A_509 : vector<16xi32>
            %gather3A_511 = arith.constant 0 : i32
            %gather3A_512 = arith.constant 0 : i32
            %gather3A_513 = tpu.memref_slice %arg9[%cond3A, %gather3A_511, %gather3A_512] : memref<2x128x64xf32, #tpu.memory_space<vmem>> -> memref<1x128x64xf32, #tpu.memory_space<vmem>>
            %gather3A_514 = tpu.memref_squeeze %gather3A_513 : memref<1x128x64xf32, #tpu.memory_space<vmem>> -> memref<128x64xf32, #tpu.memory_space<vmem>>
            %gather3A_515 = tpu.vector_load_idx %gather3A_514[%add3A_453, %add3A_510] : memref<128x64xf32, #tpu.memory_space<vmem>>[vector<16xi32>, vector<16xi32>], vector<16xf32>,
            %add3A_516 = vector.broadcast %add3A_508 : i32 to vector<16xi32>
            %add3A_517 = arith.addi %mul3A_449, %add3A_516 : vector<16xi32>
            %mul3A_518 = arith.mulf %get3A_441, %gather3A_515 : vector<16xf32>
            tpu.vector_store_idx %arg10[%add3A_517], %mul3A_518 {add = true} : memref<100352xf32, #tpu.memory_space<vmem>>[vector<16xi32>], vector<16xf32>,
            %mul3A_519 = arith.constant 8 : i32
            %mul3A_520 = arith.muli %scan3A_462, %mul3A_519 : i32
            %add3A_521 = arith.constant 4 : i32
            %add3A_522 = arith.addi %mul3A_520, %add3A_521 : i32
            %add3A_523 = vector.broadcast %add3A_522 : i32 to vector<16xi32>
            %add3A_524 = arith.addi %broadcast_in_dim3A_13, %add3A_523 : vector<16xi32>
            %gather3A_525 = arith.constant 0 : i32
            %gather3A_526 = arith.constant 0 : i32
            %gather3A_527 = tpu.memref_slice %arg9[%cond3A, %gather3A_525, %gather3A_526] : memref<2x128x64xf32, #tpu.memory_space<vmem>> -> memref<1x128x64xf32, #tpu.memory_space<vmem>>
            %gather3A_528 = tpu.memref_squeeze %gather3A_527 : memref<1x128x64xf32, #tpu.memory_space<vmem>> -> memref<128x64xf32, #tpu.memory_space<vmem>>
            %gather3A_529 = tpu.vector_load_idx %gather3A_528[%add3A_453, %add3A_524] : memref<128x64xf32, #tpu.memory_space<vmem>>[vector<16xi32>, vector<16xi32>], vector<16xf32>,
            %add3A_530 = vector.broadcast %add3A_522 : i32 to vector<16xi32>
            %add3A_531 = arith.addi %mul3A_449, %add3A_530 : vector<16xi32>
            %mul3A_532 = arith.mulf %get3A_441, %gather3A_529 : vector<16xf32>
            tpu.vector_store_idx %arg10[%add3A_531], %mul3A_532 {add = true} : memref<100352xf32, #tpu.memory_space<vmem>>[vector<16xi32>], vector<16xf32>,
            %mul3A_533 = arith.constant 8 : i32
            %mul3A_534 = arith.muli %scan3A_462, %mul3A_533 : i32
            %add3A_535 = arith.constant 5 : i32
            %add3A_536 = arith.addi %mul3A_534, %add3A_535 : i32
            %add3A_537 = vector.broadcast %add3A_536 : i32 to vector<16xi32>
            %add3A_538 = arith.addi %broadcast_in_dim3A_13, %add3A_537 : vector<16xi32>
            %gather3A_539 = arith.constant 0 : i32
            %gather3A_540 = arith.constant 0 : i32
            %gather3A_541 = tpu.memref_slice %arg9[%cond3A, %gather3A_539, %gather3A_540] : memref<2x128x64xf32, #tpu.memory_space<vmem>> -> memref<1x128x64xf32, #tpu.memory_space<vmem>>
            %gather3A_542 = tpu.memref_squeeze %gather3A_541 : memref<1x128x64xf32, #tpu.memory_space<vmem>> -> memref<128x64xf32, #tpu.memory_space<vmem>>
            %gather3A_543 = tpu.vector_load_idx %gather3A_542[%add3A_453, %add3A_538] : memref<128x64xf32, #tpu.memory_space<vmem>>[vector<16xi32>, vector<16xi32>], vector<16xf32>,
            %add3A_544 = vector.broadcast %add3A_536 : i32 to vector<16xi32>
            %add3A_545 = arith.addi %mul3A_449, %add3A_544 : vector<16xi32>
            %mul3A_546 = arith.mulf %get3A_441, %gather3A_543 : vector<16xf32>
            tpu.vector_store_idx %arg10[%add3A_545], %mul3A_546 {add = true} : memref<100352xf32, #tpu.memory_space<vmem>>[vector<16xi32>], vector<16xf32>,
            %mul3A_547 = arith.constant 8 : i32
            %mul3A_548 = arith.muli %scan3A_462, %mul3A_547 : i32
            %add3A_549 = arith.constant 6 : i32
            %add3A_550 = arith.addi %mul3A_548, %add3A_549 : i32
            %add3A_551 = vector.broadcast %add3A_550 : i32 to vector<16xi32>
            %add3A_552 = arith.addi %broadcast_in_dim3A_13, %add3A_551 : vector<16xi32>
            %gather3A_553 = arith.constant 0 : i32
            %gather3A_554 = arith.constant 0 : i32
            %gather3A_555 = tpu.memref_slice %arg9[%cond3A, %gather3A_553, %gather3A_554] : memref<2x128x64xf32, #tpu.memory_space<vmem>> -> memref<1x128x64xf32, #tpu.memory_space<vmem>>
            %gather3A_556 = tpu.memref_squeeze %gather3A_555 : memref<1x128x64xf32, #tpu.memory_space<vmem>> -> memref<128x64xf32, #tpu.memory_space<vmem>>
            %gather3A_557 = tpu.vector_load_idx %gather3A_556[%add3A_453, %add3A_552] : memref<128x64xf32, #tpu.memory_space<vmem>>[vector<16xi32>, vector<16xi32>], vector<16xf32>,
            %add3A_558 = vector.broadcast %add3A_550 : i32 to vector<16xi32>
            %add3A_559 = arith.addi %mul3A_449, %add3A_558 : vector<16xi32>
            %mul3A_560 = arith.mulf %get3A_441, %gather3A_557 : vector<16xf32>
            tpu.vector_store_idx %arg10[%add3A_559], %mul3A_560 {add = true} : memref<100352xf32, #tpu.memory_space<vmem>>[vector<16xi32>], vector<16xf32>,
            %mul3A_561 = arith.constant 8 : i32
            %mul3A_562 = arith.muli %scan3A_462, %mul3A_561 : i32
            %add3A_563 = arith.constant 7 : i32
            %add3A_564 = arith.addi %mul3A_562, %add3A_563 : i32
            %add3A_565 = vector.broadcast %add3A_564 : i32 to vector<16xi32>
            %add3A_566 = arith.addi %broadcast_in_dim3A_13, %add3A_565 : vector<16xi32>
            %gather3A_567 = arith.constant 0 : i32
            %gather3A_568 = arith.constant 0 : i32
            %gather3A_569 = tpu.memref_slice %arg9[%cond3A, %gather3A_567, %gather3A_568] : memref<2x128x64xf32, #tpu.memory_space<vmem>> -> memref<1x128x64xf32, #tpu.memory_space<vmem>>
            %gather3A_570 = tpu.memref_squeeze %gather3A_569 : memref<1x128x64xf32, #tpu.memory_space<vmem>> -> memref<128x64xf32, #tpu.memory_space<vmem>>
            %gather3A_571 = tpu.vector_load_idx %gather3A_570[%add3A_453, %add3A_566] : memref<128x64xf32, #tpu.memory_space<vmem>>[vector<16xi32>, vector<16xi32>], vector<16xf32>,
            %add3A_572 = vector.broadcast %add3A_564 : i32 to vector<16xi32>
            %add3A_573 = arith.addi %mul3A_449, %add3A_572 : vector<16xi32>
            %mul3A_574 = arith.mulf %get3A_441, %gather3A_571 : vector<16xf32>
            tpu.vector_store_idx %arg10[%add3A_573], %mul3A_574 {add = true} : memref<100352xf32, #tpu.memory_space<vmem>>[vector<16xi32>], vector<16xf32>,
            %scan3A_575 = arith.constant 0 : i32
            scf.yield %scan3A_575 : i32
          }
          %scan3A_460 = arith.constant 8 : i32
          %scan3A_461 = arith.constant 0 : i32
          scf.yield %scan3A_461 : i32
        }
        %scan3A_297 = arith.constant 8 : i32
        %add3A_298 = arith.constant 1 : i32
        %add3A_299 = arith.addi %add3A_116, %add3A_298 : i32
        %lt3A_300 = arith.cmpi slt, %add3A_299, %mul3A_63 : i32
        %convert_element_type3A_301 = arith.extui %lt3A_300 : i1 to i32
        %cond3A_302 = arith.constant 0 : i32
        %cond3A_303 = arith.cmpi ne, %convert_element_type3A_301, %cond3A_302 : i32
        scf.if %cond3A_303 {
          %add3A_436 = arith.constant 1 : i32
          %add3A_437 = arith.addi %add3A_116, %add3A_436 : i32
          %jit3A_438 = arith.constant 4 : i32
          %eq3A_439 = arith.constant 0 : i32
          %eq3A_440 = arith.cmpi eq, %jit3A_438, %eq3A_439 : i32
          %jit3A_441 = arith.constant 1 : i32
          %select_n3A_442 = arith.select %eq3A_440, %jit3A_441, %jit3A_438 : i32
          %rem3A_443 = arith.remsi %add3A_437, %select_n3A_442 : i32
          %ne3A_444 = arith.constant 0 : i32
          %ne3A_445 = arith.cmpi ne, %rem3A_443, %ne3A_444 : i32
          %lt3A_446 = arith.constant 0 : i32
          %lt3A_447 = arith.cmpi slt, %rem3A_443, %lt3A_446 : i32
          %lt3A_448 = arith.constant 0 : i32
          %lt3A_449 = arith.cmpi slt, %select_n3A_442, %lt3A_448 : i32
          %ne3A_450 = arith.xori %lt3A_447, %lt3A_449 : i1
          %and3A_451 = arith.andi %ne3A_450, %ne3A_445 : i1
          %add3A_452 = arith.addi %rem3A_443, %select_n3A_442 : i32
          %select_n3A_453 = arith.select %and3A_451, %add3A_452, %rem3A_443 : i32
          %mul3A_454 = arith.constant 1024 : i32
          %mul3A_455 = arith.muli %select_n3A_453, %mul3A_454 : i32
          %jit3A_456 = arith.constant 4 : i32
          %div3A_457 = arith.divsi %add3A_437, %jit3A_456 : i32
          %sign3A_458 = arith.constant 0 : i32
          %sign3A_459 = arith.cmpi sgt, %add3A_437, %sign3A_458 : i32
          %sign3A_460 = arith.extui %sign3A_459 : i1 to i32
          %sign3A_461 = arith.constant 0 : i32
          %sign3A_462 = arith.cmpi slt, %add3A_437, %sign3A_461 : i32
          %sign3A_463 = arith.extui %sign3A_462 : i1 to i32
          %sign3A_464 = arith.subi %sign3A_460, %sign3A_463 : i32
          %sign3A_465 = arith.constant 0 : i32
          %sign3A_466 = arith.cmpi sgt, %jit3A_456, %sign3A_465 : i32
          %sign3A_467 = arith.extui %sign3A_466 : i1 to i32
          %sign3A_468 = arith.constant 0 : i32
          %sign3A_469 = arith.cmpi slt, %jit3A_456, %sign3A_468 : i32
          %sign3A_470 = arith.extui %sign3A_469 : i1 to i32
          %sign3A_471 = arith.subi %sign3A_467, %sign3A_470 : i32
          %ne3A_472 = arith.cmpi ne, %sign3A_464, %sign3A_471 : i32
          %rem3A_473 = arith.remsi %add3A_437, %jit3A_456 : i32
          %ne3A_474 = arith.constant 0 : i32
          %ne3A_475 = arith.cmpi ne, %rem3A_473, %ne3A_474 : i32
          %and3A_476 = arith.andi %ne3A_472, %ne3A_475 : i1
          %sub3A_477 = arith.constant 1 : i32
          %sub3A_478 = arith.subi %div3A_457, %sub3A_477 : i32
          %select_n3A_479 = arith.select %and3A_476, %sub3A_478, %div3A_457 : i32
          %mul3A_480 = arith.constant 128 : i32
          %mul3A_481 = arith.muli %select_n3A_479, %mul3A_480 : i32
          %add3A_482 = arith.addi %mul3A_455, %mul3A_481 : i32
          %dma_start3A_483 = arith.constant 0 : i32
          %dma_start3A_484 = arith.constant 0 : i32
          %dma_start3A_485 = tpu.memref_slice %arg9[%cond3A, %dma_start3A_483, %dma_start3A_484] : memref<2x128x64xf32, #tpu.memory_space<vmem>> -> memref<1x128x64xf32, #tpu.memory_space<vmem>>
          %dma_start3A_486 = tpu.memref_squeeze %dma_start3A_485 : memref<1x128x64xf32, #tpu.memory_space<vmem>> -> memref<128x64xf32, #tpu.memory_space<vmem>>
          %dma_start3A_487 = tpu.memref_slice %arg6[%add3A_482] : memref<4096xi32, #tpu.memory_space<vmem>> -> memref<128xi32, #tpu.memory_space<vmem>>
          %dma_start3A_488 = arith.constant 0 : i32
          %dma_start3A_489 = arith.constant 0 : i32
          %dma_start3A_490 = tpu.memref_slice %arg3[%dma_start3A_488, %dma_start3A_489] : memref<1254400x64xf32, #tpu.memory_space<hbm>> -> memref<1254400x64xf32, #tpu.memory_space<hbm>>
          tpu.enqueue_indirect_dma source(%dma_start3A_490 : memref<1254400x64xf32, #tpu.memory_space<hbm>>) target(%dma_start3A_486 : memref<128x64xf32, #tpu.memory_space<vmem>>) offsets(%dma_start3A_487 : memref<128xi32, #tpu.memory_space<vmem>>) semaphore(%arg11 : memref<!tpu.dma_semaphore, #tpu.memory_space<semaphore_mem>>)
        } else {
        }
        %jit3A_304 = arith.constant 4 : i32
        %eq3A_305 = arith.constant 0 : i32
        %eq3A_306 = arith.cmpi eq, %jit3A_304, %eq3A_305 : i32
        %jit3A_307 = arith.constant 1 : i32
        %select_n3A_308 = arith.select %eq3A_306, %jit3A_307, %jit3A_304 : i32
        %rem3A_309 = arith.remsi %add3A_116, %select_n3A_308 : i32
        %ne3A_310 = arith.constant 0 : i32
        %ne3A_311 = arith.cmpi ne, %rem3A_309, %ne3A_310 : i32
        %lt3A_312 = arith.constant 0 : i32
        %lt3A_313 = arith.cmpi slt, %rem3A_309, %lt3A_312 : i32
        %lt3A_314 = arith.constant 0 : i32
        %lt3A_315 = arith.cmpi slt, %select_n3A_308, %lt3A_314 : i32
        %ne3A_316 = arith.xori %lt3A_313, %lt3A_315 : i1
        %and3A_317 = arith.andi %ne3A_316, %ne3A_311 : i1
        %add3A_318 = arith.addi %rem3A_309, %select_n3A_308 : i32
        %select_n3A_319 = arith.select %and3A_317, %add3A_318, %rem3A_309 : i32
        %mul3A_320 = arith.constant 1024 : i32
        %mul3A_321 = arith.muli %select_n3A_319, %mul3A_320 : i32
        %jit3A_322 = arith.constant 4 : i32
        %div3A_323 = arith.divsi %add3A_116, %jit3A_322 : i32
        %sign3A_324 = arith.constant 0 : i32
        %sign3A_325 = arith.cmpi sgt, %add3A_116, %sign3A_324 : i32
        %sign3A_326 = arith.extui %sign3A_325 : i1 to i32
        %sign3A_327 = arith.constant 0 : i32
        %sign3A_328 = arith.cmpi slt, %add3A_116, %sign3A_327 : i32
        %sign3A_329 = arith.extui %sign3A_328 : i1 to i32
        %sign3A_330 = arith.subi %sign3A_326, %sign3A_329 : i32
        %sign3A_331 = arith.constant 0 : i32
        %sign3A_332 = arith.cmpi sgt, %jit3A_322, %sign3A_331 : i32
        %sign3A_333 = arith.extui %sign3A_332 : i1 to i32
        %sign3A_334 = arith.constant 0 : i32
        %sign3A_335 = arith.cmpi slt, %jit3A_322, %sign3A_334 : i32
        %sign3A_336 = arith.extui %sign3A_335 : i1 to i32
        %sign3A_337 = arith.subi %sign3A_333, %sign3A_336 : i32
        %ne3A_338 = arith.cmpi ne, %sign3A_330, %sign3A_337 : i32
        %rem3A_339 = arith.remsi %add3A_116, %jit3A_322 : i32
        %ne3A_340 = arith.constant 0 : i32
        %ne3A_341 = arith.cmpi ne, %rem3A_339, %ne3A_340 : i32
        %and3A_342 = arith.andi %ne3A_338, %ne3A_341 : i1
        %sub3A_343 = arith.constant 1 : i32
        %sub3A_344 = arith.subi %div3A_323, %sub3A_343 : i32
        %select_n3A_345 = arith.select %and3A_342, %sub3A_344, %div3A_323 : i32
        %mul3A_346 = arith.constant 128 : i32
        %mul3A_347 = arith.muli %select_n3A_345, %mul3A_346 : i32
        %add3A_348 = arith.addi %mul3A_321, %mul3A_347 : i32
        %dma_wait3A_349 = arith.constant 0 : i32
        %dma_wait3A_350 = arith.constant 0 : i32
        %dma_wait3A_351 = tpu.memref_slice %arg9[%cond3A_65, %dma_wait3A_349, %dma_wait3A_350] : memref<2x128x64xf32, #tpu.memory_space<vmem>> -> memref<1x128x64xf32, #tpu.memory_space<vmem>>
        %dma_wait3A_352 = tpu.memref_squeeze %dma_wait3A_351 : memref<1x128x64xf32, #tpu.memory_space<vmem>> -> memref<128x64xf32, #tpu.memory_space<vmem>>
        %dma_wait3A_353 = tpu.memref_slice %arg6[%add3A_348] : memref<4096xi32, #tpu.memory_space<vmem>> -> memref<128xi32, #tpu.memory_space<vmem>>
        %dma_wait3A_354 = arith.constant 0 : i32
        %dma_wait3A_355 = arith.constant 0 : i32
        %dma_wait3A_356 = tpu.memref_slice %arg3[%dma_wait3A_354, %dma_wait3A_355] : memref<1254400x64xf32, #tpu.memory_space<hbm>> -> memref<1254400x64xf32, #tpu.memory_space<hbm>>
        tpu.wait_indirect_dma semaphore(%arg12 : memref<!tpu.dma_semaphore, #tpu.memory_space<semaphore_mem>>) src(%dma_wait3A_356 : memref<1254400x64xf32, #tpu.memory_space<hbm>>) dst(%dma_wait3A_352 : memref<128x64xf32, #tpu.memory_space<vmem>>)
        %jit3A_357 = arith.constant 4 : i32
        %eq3A_358 = arith.constant 0 : i32
        %eq3A_359 = arith.cmpi eq, %jit3A_357, %eq3A_358 : i32
        %jit3A_360 = arith.constant 1 : i32
        %select_n3A_361 = arith.select %eq3A_359, %jit3A_360, %jit3A_357 : i32
        %rem3A_362 = arith.remsi %add3A_116, %select_n3A_361 : i32
        %ne3A_363 = arith.constant 0 : i32
        %ne3A_364 = arith.cmpi ne, %rem3A_362, %ne3A_363 : i32
        %lt3A_365 = arith.constant 0 : i32
        %lt3A_366 = arith.cmpi slt, %rem3A_362, %lt3A_365 : i32
        %lt3A_367 = arith.constant 0 : i32
        %lt3A_368 = arith.cmpi slt, %select_n3A_361, %lt3A_367 : i32
        %ne3A_369 = arith.xori %lt3A_366, %lt3A_368 : i1
        %and3A_370 = arith.andi %ne3A_369, %ne3A_364 : i1
        %add3A_371 = arith.addi %rem3A_362, %select_n3A_361 : i32
        %select_n3A_372 = arith.select %and3A_370, %add3A_371, %rem3A_362 : i32
        %mul3A_373 = arith.constant 1024 : i32
        %mul3A_374 = arith.muli %select_n3A_372, %mul3A_373 : i32
        %jit3A_375 = arith.constant 4 : i32
        %div3A_376 = arith.divsi %add3A_116, %jit3A_375 : i32
        %sign3A_377 = arith.constant 0 : i32
        %sign3A_378 = arith.cmpi sgt, %add3A_116, %sign3A_377 : i32
        %sign3A_379 = arith.extui %sign3A_378 : i1 to i32
        %sign3A_380 = arith.constant 0 : i32
        %sign3A_381 = arith.cmpi slt, %add3A_116, %sign3A_380 : i32
        %sign3A_382 = arith.extui %sign3A_381 : i1 to i32
        %sign3A_383 = arith.subi %sign3A_379, %sign3A_382 : i32
        %sign3A_384 = arith.constant 0 : i32
        %sign3A_385 = arith.cmpi sgt, %jit3A_375, %sign3A_384 : i32
        %sign3A_386 = arith.extui %sign3A_385 : i1 to i32
        %sign3A_387 = arith.constant 0 : i32
        %sign3A_388 = arith.cmpi slt, %jit3A_375, %sign3A_387 : i32
        %sign3A_389 = arith.extui %sign3A_388 : i1 to i32
        %sign3A_390 = arith.subi %sign3A_386, %sign3A_389 : i32
        %ne3A_391 = arith.cmpi ne, %sign3A_383, %sign3A_390 : i32
        %rem3A_392 = arith.remsi %add3A_116, %jit3A_375 : i32
        %ne3A_393 = arith.constant 0 : i32
        %ne3A_394 = arith.cmpi ne, %rem3A_392, %ne3A_393 : i32
        %and3A_395 = arith.andi %ne3A_391, %ne3A_394 : i1
        %sub3A_396 = arith.constant 1 : i32
        %sub3A_397 = arith.subi %div3A_376, %sub3A_396 : i32
        %select_n3A_398 = arith.select %and3A_395, %sub3A_397, %div3A_376 : i32
        %mul3A_399 = arith.constant 128 : i32
        %mul3A_400 = arith.muli %select_n3A_398, %mul3A_399 : i32
        %add3A_401 = arith.addi %mul3A_374, %mul3A_400 : i32
        %jit3A_402 = arith.constant 4 : i32
        %div3A_403 = arith.divsi %add3A_116, %jit3A_402 : i32
        %sign3A_404 = arith.constant 0 : i32
        %sign3A_405 = arith.cmpi sgt, %add3A_116, %sign3A_404 : i32
        %sign3A_406 = arith.extui %sign3A_405 : i1 to i32
        %sign3A_407 = arith.constant 0 : i32
        %sign3A_408 = arith.cmpi slt, %add3A_116, %sign3A_407 : i32
        %sign3A_409 = arith.extui %sign3A_408 : i1 to i32
        %sign3A_410 = arith.subi %sign3A_406, %sign3A_409 : i32
        %sign3A_411 = arith.constant 0 : i32
        %sign3A_412 = arith.cmpi sgt, %jit3A_402, %sign3A_411 : i32
        %sign3A_413 = arith.extui %sign3A_412 : i1 to i32
        %sign3A_414 = arith.constant 0 : i32
        %sign3A_415 = arith.cmpi slt, %jit3A_402, %sign3A_414 : i32
        %sign3A_416 = arith.extui %sign3A_415 : i1 to i32
        %sign3A_417 = arith.subi %sign3A_413, %sign3A_416 : i32
        %ne3A_418 = arith.cmpi ne, %sign3A_410, %sign3A_417 : i32
        %rem3A_419 = arith.remsi %add3A_116, %jit3A_402 : i32
        %ne3A_420 = arith.constant 0 : i32
        %ne3A_421 = arith.cmpi ne, %rem3A_419, %ne3A_420 : i32
        %and3A_422 = arith.andi %ne3A_418, %ne3A_421 : i1
        %sub3A_423 = arith.constant 1 : i32
        %sub3A_424 = arith.subi %div3A_403, %sub3A_423 : i32
        %select_n3A_425 = arith.select %and3A_422, %sub3A_424, %div3A_403 : i32
        %mul3A_426 = arith.constant 128 : i32
        %mul3A_427 = arith.muli %select_n3A_425, %mul3A_426 : i32
        %scan3A_428 = arith.constant 0 : i32
        %scan3A_429 = arith.constant 0 : i32
        %scan3A_430 = arith.constant 8 : i32
        %scan3A_431 = arith.addi %scan3A_429, %scan3A_430 : i32
        %scan3A_432 = arith.constant 1 : i32
        %scan3A_433 = scf.for %scan3A_436 = %scan3A_429 to %scan3A_431 step %scan3A_432 iter_args(%scan3A_437 = %scan3A_428) -> (i32)  : i32 {
          %mul3A_438 = arith.constant 16 : i32
          %mul3A_439 = arith.muli %scan3A_436, %mul3A_438 : i32
          %add3A_440 = arith.addi %add3A_401, %mul3A_439 : i32
          %get3A = arith.index_cast %add3A_440 : i32 to index
          %get3A_441 = tpu.vector_load %arg7[%get3A] {strides = array<i32>} : memref<4096xf32, #tpu.memory_space<vmem>>, vector<16xf32>,
          %mul3A_442 = arith.constant 16 : i32
          %mul3A_443 = arith.muli %scan3A_436, %mul3A_442 : i32
          %add3A_444 = arith.addi %mul3A_427, %mul3A_443 : i32
          %get3A_445 = arith.index_cast %add3A_444 : i32 to index
          %get3A_446 = tpu.vector_load %arg8[%get3A_445] {strides = array<i32>} : memref<1024xi32, #tpu.memory_space<vmem>>, vector<16xi32>,
          %mul3A_447 = arith.constant 64 : i32
          %mul3A_448 = vector.broadcast %mul3A_447 : i32 to vector<16xi32>
          %mul3A_449 = arith.muli %get3A_446, %mul3A_448 : vector<16xi32>
          %mul3A_450 = arith.constant 16 : i32
          %mul3A_451 = arith.muli %scan3A_436, %mul3A_450 : i32
          %add3A_452 = vector.broadcast %mul3A_451 : i32 to vector<16xi32>
          %add3A_453 = arith.addi %add3A_452, %iota3A : vector<16xi32>
          %scan3A_454 = arith.constant 0 : i32
          %scan3A_455 = arith.constant 0 : i32
          %scan3A_456 = arith.constant 8 : i32
          %scan3A_457 = arith.addi %scan3A_455, %scan3A_456 : i32
          %scan3A_458 = arith.constant 1 : i32
          %scan3A_459 = scf.for %scan3A_462 = %scan3A_455 to %scan3A_457 step %scan3A_458 iter_args(%scan3A_463 = %scan3A_454) -> (i32)  : i32 {
            %mul3A_464 = arith.constant 8 : i32
            %mul3A_465 = arith.muli %scan3A_462, %mul3A_464 : i32
            %add3A_466 = arith.constant 0 : i32
            %add3A_467 = arith.addi %mul3A_465, %add3A_466 : i32
            %add3A_468 = vector.broadcast %add3A_467 : i32 to vector<16xi32>
            %add3A_469 = arith.addi %broadcast_in_dim3A_13, %add3A_468 : vector<16xi32>
            %gather3A = arith.constant 0 : i32
            %gather3A_470 = arith.constant 0 : i32
            %gather3A_471 = tpu.memref_slice %arg9[%cond3A_65, %gather3A, %gather3A_470] : memref<2x128x64xf32, #tpu.memory_space<vmem>> -> memref<1x128x64xf32, #tpu.memory_space<vmem>>
            %gather3A_472 = tpu.memref_squeeze %gather3A_471 : memref<1x128x64xf32, #tpu.memory_space<vmem>> -> memref<128x64xf32, #tpu.memory_space<vmem>>
            %gather3A_473 = tpu.vector_load_idx %gather3A_472[%add3A_453, %add3A_469] : memref<128x64xf32, #tpu.memory_space<vmem>>[vector<16xi32>, vector<16xi32>], vector<16xf32>,
            %add3A_474 = vector.broadcast %add3A_467 : i32 to vector<16xi32>
            %add3A_475 = arith.addi %mul3A_449, %add3A_474 : vector<16xi32>
            %mul3A_476 = arith.mulf %get3A_441, %gather3A_473 : vector<16xf32>
            tpu.vector_store_idx %arg10[%add3A_475], %mul3A_476 {add = true} : memref<100352xf32, #tpu.memory_space<vmem>>[vector<16xi32>], vector<16xf32>,
            %mul3A_477 = arith.constant 8 : i32
            %mul3A_478 = arith.muli %scan3A_462, %mul3A_477 : i32
            %add3A_479 = arith.constant 1 : i32
            %add3A_480 = arith.addi %mul3A_478, %add3A_479 : i32
            %add3A_481 = vector.broadcast %add3A_480 : i32 to vector<16xi32>
            %add3A_482 = arith.addi %broadcast_in_dim3A_13, %add3A_481 : vector<16xi32>
            %gather3A_483 = arith.constant 0 : i32
            %gather3A_484 = arith.constant 0 : i32
            %gather3A_485 = tpu.memref_slice %arg9[%cond3A_65, %gather3A_483, %gather3A_484] : memref<2x128x64xf32, #tpu.memory_space<vmem>> -> memref<1x128x64xf32, #tpu.memory_space<vmem>>
            %gather3A_486 = tpu.memref_squeeze %gather3A_485 : memref<1x128x64xf32, #tpu.memory_space<vmem>> -> memref<128x64xf32, #tpu.memory_space<vmem>>
            %gather3A_487 = tpu.vector_load_idx %gather3A_486[%add3A_453, %add3A_482] : memref<128x64xf32, #tpu.memory_space<vmem>>[vector<16xi32>, vector<16xi32>], vector<16xf32>,
            %add3A_488 = vector.broadcast %add3A_480 : i32 to vector<16xi32>
            %add3A_489 = arith.addi %mul3A_449, %add3A_488 : vector<16xi32>
            %mul3A_490 = arith.mulf %get3A_441, %gather3A_487 : vector<16xf32>
            tpu.vector_store_idx %arg10[%add3A_489], %mul3A_490 {add = true} : memref<100352xf32, #tpu.memory_space<vmem>>[vector<16xi32>], vector<16xf32>,
            %mul3A_491 = arith.constant 8 : i32
            %mul3A_492 = arith.muli %scan3A_462, %mul3A_491 : i32
            %add3A_493 = arith.constant 2 : i32
            %add3A_494 = arith.addi %mul3A_492, %add3A_493 : i32
            %add3A_495 = vector.broadcast %add3A_494 : i32 to vector<16xi32>
            %add3A_496 = arith.addi %broadcast_in_dim3A_13, %add3A_495 : vector<16xi32>
            %gather3A_497 = arith.constant 0 : i32
            %gather3A_498 = arith.constant 0 : i32
            %gather3A_499 = tpu.memref_slice %arg9[%cond3A_65, %gather3A_497, %gather3A_498] : memref<2x128x64xf32, #tpu.memory_space<vmem>> -> memref<1x128x64xf32, #tpu.memory_space<vmem>>
            %gather3A_500 = tpu.memref_squeeze %gather3A_499 : memref<1x128x64xf32, #tpu.memory_space<vmem>> -> memref<128x64xf32, #tpu.memory_space<vmem>>
            %gather3A_501 = tpu.vector_load_idx %gather3A_500[%add3A_453, %add3A_496] : memref<128x64xf32, #tpu.memory_space<vmem>>[vector<16xi32>, vector<16xi32>], vector<16xf32>,
            %add3A_502 = vector.broadcast %add3A_494 : i32 to vector<16xi32>
            %add3A_503 = arith.addi %mul3A_449, %add3A_502 : vector<16xi32>
            %mul3A_504 = arith.mulf %get3A_441, %gather3A_501 : vector<16xf32>
            tpu.vector_store_idx %arg10[%add3A_503], %mul3A_504 {add = true} : memref<100352xf32, #tpu.memory_space<vmem>>[vector<16xi32>], vector<16xf32>,
            %mul3A_505 = arith.constant 8 : i32
            %mul3A_506 = arith.muli %scan3A_462, %mul3A_505 : i32
            %add3A_507 = arith.constant 3 : i32
            %add3A_508 = arith.addi %mul3A_506, %add3A_507 : i32
            %add3A_509 = vector.broadcast %add3A_508 : i32 to vector<16xi32>
            %add3A_510 = arith.addi %broadcast_in_dim3A_13, %add3A_509 : vector<16xi32>
            %gather3A_511 = arith.constant 0 : i32
            %gather3A_512 = arith.constant 0 : i32
            %gather3A_513 = tpu.memref_slice %arg9[%cond3A_65, %gather3A_511, %gather3A_512] : memref<2x128x64xf32, #tpu.memory_space<vmem>> -> memref<1x128x64xf32, #tpu.memory_space<vmem>>
            %gather3A_514 = tpu.memref_squeeze %gather3A_513 : memref<1x128x64xf32, #tpu.memory_space<vmem>> -> memref<128x64xf32, #tpu.memory_space<vmem>>
            %gather3A_515 = tpu.vector_load_idx %gather3A_514[%add3A_453, %add3A_510] : memref<128x64xf32, #tpu.memory_space<vmem>>[vector<16xi32>, vector<16xi32>], vector<16xf32>,
            %add3A_516 = vector.broadcast %add3A_508 : i32 to vector<16xi32>
            %add3A_517 = arith.addi %mul3A_449, %add3A_516 : vector<16xi32>
            %mul3A_518 = arith.mulf %get3A_441, %gather3A_515 : vector<16xf32>
            tpu.vector_store_idx %arg10[%add3A_517], %mul3A_518 {add = true} : memref<100352xf32, #tpu.memory_space<vmem>>[vector<16xi32>], vector<16xf32>,
            %mul3A_519 = arith.constant 8 : i32
            %mul3A_520 = arith.muli %scan3A_462, %mul3A_519 : i32
            %add3A_521 = arith.constant 4 : i32
            %add3A_522 = arith.addi %mul3A_520, %add3A_521 : i32
            %add3A_523 = vector.broadcast %add3A_522 : i32 to vector<16xi32>
            %add3A_524 = arith.addi %broadcast_in_dim3A_13, %add3A_523 : vector<16xi32>
            %gather3A_525 = arith.constant 0 : i32
            %gather3A_526 = arith.constant 0 : i32
            %gather3A_527 = tpu.memref_slice %arg9[%cond3A_65, %gather3A_525, %gather3A_526] : memref<2x128x64xf32, #tpu.memory_space<vmem>> -> memref<1x128x64xf32, #tpu.memory_space<vmem>>
            %gather3A_528 = tpu.memref_squeeze %gather3A_527 : memref<1x128x64xf32, #tpu.memory_space<vmem>> -> memref<128x64xf32, #tpu.memory_space<vmem>>
            %gather3A_529 = tpu.vector_load_idx %gather3A_528[%add3A_453, %add3A_524] : memref<128x64xf32, #tpu.memory_space<vmem>>[vector<16xi32>, vector<16xi32>], vector<16xf32>,
            %add3A_530 = vector.broadcast %add3A_522 : i32 to vector<16xi32>
            %add3A_531 = arith.addi %mul3A_449, %add3A_530 : vector<16xi32>
            %mul3A_532 = arith.mulf %get3A_441, %gather3A_529 : vector<16xf32>
            tpu.vector_store_idx %arg10[%add3A_531], %mul3A_532 {add = true} : memref<100352xf32, #tpu.memory_space<vmem>>[vector<16xi32>], vector<16xf32>,
            %mul3A_533 = arith.constant 8 : i32
            %mul3A_534 = arith.muli %scan3A_462, %mul3A_533 : i32
            %add3A_535 = arith.constant 5 : i32
            %add3A_536 = arith.addi %mul3A_534, %add3A_535 : i32
            %add3A_537 = vector.broadcast %add3A_536 : i32 to vector<16xi32>
            %add3A_538 = arith.addi %broadcast_in_dim3A_13, %add3A_537 : vector<16xi32>
            %gather3A_539 = arith.constant 0 : i32
            %gather3A_540 = arith.constant 0 : i32
            %gather3A_541 = tpu.memref_slice %arg9[%cond3A_65, %gather3A_539, %gather3A_540] : memref<2x128x64xf32, #tpu.memory_space<vmem>> -> memref<1x128x64xf32, #tpu.memory_space<vmem>>
            %gather3A_542 = tpu.memref_squeeze %gather3A_541 : memref<1x128x64xf32, #tpu.memory_space<vmem>> -> memref<128x64xf32, #tpu.memory_space<vmem>>
            %gather3A_543 = tpu.vector_load_idx %gather3A_542[%add3A_453, %add3A_538] : memref<128x64xf32, #tpu.memory_space<vmem>>[vector<16xi32>, vector<16xi32>], vector<16xf32>,
            %add3A_544 = vector.broadcast %add3A_536 : i32 to vector<16xi32>
            %add3A_545 = arith.addi %mul3A_449, %add3A_544 : vector<16xi32>
            %mul3A_546 = arith.mulf %get3A_441, %gather3A_543 : vector<16xf32>
            tpu.vector_store_idx %arg10[%add3A_545], %mul3A_546 {add = true} : memref<100352xf32, #tpu.memory_space<vmem>>[vector<16xi32>], vector<16xf32>,
            %mul3A_547 = arith.constant 8 : i32
            %mul3A_548 = arith.muli %scan3A_462, %mul3A_547 : i32
            %add3A_549 = arith.constant 6 : i32
            %add3A_550 = arith.addi %mul3A_548, %add3A_549 : i32
            %add3A_551 = vector.broadcast %add3A_550 : i32 to vector<16xi32>
            %add3A_552 = arith.addi %broadcast_in_dim3A_13, %add3A_551 : vector<16xi32>
            %gather3A_553 = arith.constant 0 : i32
            %gather3A_554 = arith.constant 0 : i32
            %gather3A_555 = tpu.memref_slice %arg9[%cond3A_65, %gather3A_553, %gather3A_554] : memref<2x128x64xf32, #tpu.memory_space<vmem>> -> memref<1x128x64xf32, #tpu.memory_space<vmem>>
            %gather3A_556 = tpu.memref_squeeze %gather3A_555 : memref<1x128x64xf32, #tpu.memory_space<vmem>> -> memref<128x64xf32, #tpu.memory_space<vmem>>
            %gather3A_557 = tpu.vector_load_idx %gather3A_556[%add3A_453, %add3A_552] : memref<128x64xf32, #tpu.memory_space<vmem>>[vector<16xi32>, vector<16xi32>], vector<16xf32>,
            %add3A_558 = vector.broadcast %add3A_550 : i32 to vector<16xi32>
            %add3A_559 = arith.addi %mul3A_449, %add3A_558 : vector<16xi32>
            %mul3A_560 = arith.mulf %get3A_441, %gather3A_557 : vector<16xf32>
            tpu.vector_store_idx %arg10[%add3A_559], %mul3A_560 {add = true} : memref<100352xf32, #tpu.memory_space<vmem>>[vector<16xi32>], vector<16xf32>,
            %mul3A_561 = arith.constant 8 : i32
            %mul3A_562 = arith.muli %scan3A_462, %mul3A_561 : i32
            %add3A_563 = arith.constant 7 : i32
            %add3A_564 = arith.addi %mul3A_562, %add3A_563 : i32
            %add3A_565 = vector.broadcast %add3A_564 : i32 to vector<16xi32>
            %add3A_566 = arith.addi %broadcast_in_dim3A_13, %add3A_565 : vector<16xi32>
            %gather3A_567 = arith.constant 0 : i32
            %gather3A_568 = arith.constant 0 : i32
            %gather3A_569 = tpu.memref_slice %arg9[%cond3A_65, %gather3A_567, %gather3A_568] : memref<2x128x64xf32, #tpu.memory_space<vmem>> -> memref<1x128x64xf32, #tpu.memory_space<vmem>>
            %gather3A_570 = tpu.memref_squeeze %gather3A_569 : memref<1x128x64xf32, #tpu.memory_space<vmem>> -> memref<128x64xf32, #tpu.memory_space<vmem>>
            %gather3A_571 = tpu.vector_load_idx %gather3A_570[%add3A_453, %add3A_566] : memref<128x64xf32, #tpu.memory_space<vmem>>[vector<16xi32>, vector<16xi32>], vector<16xf32>,
            %add3A_572 = vector.broadcast %add3A_564 : i32 to vector<16xi32>
            %add3A_573 = arith.addi %mul3A_449, %add3A_572 : vector<16xi32>
            %mul3A_574 = arith.mulf %get3A_441, %gather3A_571 : vector<16xf32>
            tpu.vector_store_idx %arg10[%add3A_573], %mul3A_574 {add = true} : memref<100352xf32, #tpu.memory_space<vmem>>[vector<16xi32>], vector<16xf32>,
            %scan3A_575 = arith.constant 0 : i32
            scf.yield %scan3A_575 : i32
          }
          %scan3A_460 = arith.constant 8 : i32
          %scan3A_461 = arith.constant 0 : i32
          scf.yield %scan3A_461 : i32
        }
        %scan3A_434 = arith.constant 8 : i32
        %while3A_435 = arith.constant 0 : i32
        scf.yield %while3A_435 : i32
      }
    } else {
    }
    "tpu.region"() ({
      %run_scoped3A = tpu.sem_alloc : memref<!tpu.dma_semaphore, #tpu.memory_space<semaphore_mem>>
      %dma_start3A = arith.constant 0 : i32
      %dma_start3A_68 = tpu.memref_slice %arg4[%add3A, %dma_start3A] : memref<32x100352xf32, #tpu.memory_space<hbm>> -> memref<1x100352xf32, #tpu.memory_space<hbm>>
      %dma_start3A_69 = tpu.memref_squeeze %dma_start3A_68 : memref<1x100352xf32, #tpu.memory_space<hbm>> -> memref<100352xf32, #tpu.memory_space<hbm>>
      %dma_start3A_70 = arith.constant 0 : i32
      %dma_start3A_71 = tpu.memref_slice %arg4[%add3A, %dma_start3A_70] : memref<32x100352xf32, #tpu.memory_space<hbm>> -> memref<1x100352xf32, #tpu.memory_space<hbm>>
      %dma_start3A_72 = tpu.memref_squeeze %dma_start3A_71 : memref<1x100352xf32, #tpu.memory_space<hbm>> -> memref<100352xf32, #tpu.memory_space<hbm>>
      tpu.enqueue_dma source(%arg10 : memref<100352xf32, #tpu.memory_space<vmem>>) target(%dma_start3A_72 : memref<100352xf32, #tpu.memory_space<hbm>>) target_semaphore(%run_scoped3A : memref<!tpu.dma_semaphore, #tpu.memory_space<semaphore_mem>>)
      %dma_wait3A = arith.constant 0 : i32
      %dma_wait3A_73 = tpu.memref_slice %arg4[%add3A, %dma_wait3A] : memref<32x100352xf32, #tpu.memory_space<hbm>> -> memref<1x100352xf32, #tpu.memory_space<hbm>>
      %dma_wait3A_74 = tpu.memref_squeeze %dma_wait3A_73 : memref<1x100352xf32, #tpu.memory_space<hbm>> -> memref<100352xf32, #tpu.memory_space<hbm>>
      %dma_wait3A_75 = arith.constant 0 : i32
      %dma_wait3A_76 = tpu.memref_slice %arg4[%add3A, %dma_wait3A_75] : memref<32x100352xf32, #tpu.memory_space<hbm>> -> memref<1x100352xf32, #tpu.memory_space<hbm>>
      %dma_wait3A_77 = tpu.memref_squeeze %dma_wait3A_76 : memref<1x100352xf32, #tpu.memory_space<hbm>> -> memref<100352xf32, #tpu.memory_space<hbm>>
      tpu.wait_dma2 semaphore(%run_scoped3A : memref<!tpu.dma_semaphore, #tpu.memory_space<semaphore_mem>>) src(%arg10 : memref<100352xf32, #tpu.memory_space<vmem>>) dst(%dma_wait3A_77 : memref<100352xf32, #tpu.memory_space<hbm>>)
      tpu.yield
    }) : () -> ()
    return
  }
}

module attributes {stable_mosaic.version = 14 : i64} {
  func.func @_tc1_kernel(%arg0: i32, %arg1: memref<512x25xf32, #tpu.memory_space<vmem>>, %arg2: memref<512x1xf32, #tpu.memory_space<vmem>>, %arg3: memref<512x1xf32, #tpu.memory_space<vmem>>, %arg4: memref<25x32xf32, #tpu.memory_space<vmem>>, %arg5: memref<1x32xf32, #tpu.memory_space<vmem>>, %arg6: memref<1x32xf32, #tpu.memory_space<vmem>>, %arg7: memref<32x1600xf32, #tpu.memory_space<vmem>>, %arg8: memref<32x64xf32, #tpu.memory_space<vmem>>, %arg9: memref<512x1600xf32, #tpu.memory_space<vmem>>, %arg10: memref<512x64xf32, #tpu.memory_space<vmem>>) attributes {dimension_semantics = [#tpu.dimension_semantics<arbitrary>], iteration_bounds = array<i64: 98>, scalar_prefetch = 0 : i64, scratch_operands = 0 : i64, tpu.core_type = #tpu.core_type<tc>, window_params = [{transform_indices = @transform_0, window_bounds = array<i64: 512, 25>}, {transform_indices = @transform_1, window_bounds = array<i64: 512, 1>}, {transform_indices = @transform_2, window_bounds = array<i64: 512, 1>}, {pipeline_mode = #tpu.pipeline_mode<synchronous>, transform_indices = @transform_3, window_bounds = array<i64: 25, 32>}, {pipeline_mode = #tpu.pipeline_mode<synchronous>, transform_indices = @transform_4, window_bounds = array<i64: 1, 32>}, {pipeline_mode = #tpu.pipeline_mode<synchronous>, transform_indices = @transform_5, window_bounds = array<i64: 1, 32>}, {pipeline_mode = #tpu.pipeline_mode<synchronous>, transform_indices = @transform_6, window_bounds = array<i64: 32, 1600>}, {pipeline_mode = #tpu.pipeline_mode<synchronous>, transform_indices = @transform_7, window_bounds = array<i64: 32, 64>}, {transform_indices = @transform_8, window_bounds = array<i64: 512, 1600>}, {transform_indices = @transform_9, window_bounds = array<i64: 512, 64>}]} {
    %get3A = arith.constant 0 : index
    %get3A_0 = arith.constant 0 : index
    %get3A_1 = vector.load %arg1[%get3A, %get3A_0] : memref<512x25xf32, #tpu.memory_space<vmem>>, vector<512x25xf32>
    %get3A_2 = arith.constant 0 : index
    %get3A_3 = arith.constant 0 : index
    %get3A_4 = vector.load %arg2[%get3A_2, %get3A_3] : memref<512x1xf32, #tpu.memory_space<vmem>>, vector<512x1xf32>
    %max3A = arith.constant 1.000000e+00 : f32
    %max3A_5 = vector.broadcast %max3A : f32 to vector<512x1xf32>
    %max3A_6 = arith.maximumf %get3A_4, %max3A_5 : vector<512x1xf32>
    %get3A_7 = arith.constant 0 : index
    %get3A_8 = arith.constant 0 : index
    %get3A_9 = vector.load %arg4[%get3A_7, %get3A_8] : memref<25x32xf32, #tpu.memory_space<vmem>>, vector<25x32xf32>
    %dot_general3A = arith.constant dense<0.000000e+00> : vector<512x32xf32>
    %dot_general3A_10 = tpu.matmul %get3A_1, %get3A_9, %dot_general3A {dimension_numbers = #tpu.dot_dimension_numbers<[1], [0], [0], [1], [0, 0, 1, 1], [], []>, transpose_lhs_hint = false} : vector<512x25xf32>, vector<25x32xf32>, vector<512x32xf32> -> vector<512x32xf32>
    %div3A = vector.broadcast %max3A_6 : vector<512x1xf32> to vector<512x32xf32>
    %div3A_11 = arith.divf %dot_general3A_10, %div3A : vector<512x32xf32>
    %get3A_12 = arith.constant 0 : index
    %get3A_13 = arith.constant 0 : index
    %get3A_14 = vector.load %arg3[%get3A_12, %get3A_13] : memref<512x1xf32, #tpu.memory_space<vmem>>, vector<512x1xf32>
    %get3A_15 = arith.constant 0 : index
    %get3A_16 = arith.constant 0 : index
    %get3A_17 = vector.load %arg5[%get3A_15, %get3A_16] : memref<1x32xf32, #tpu.memory_space<vmem>>, vector<1x32xf32>
    %dot_general3A_18 = arith.constant dense<0.000000e+00> : vector<512x32xf32>
    %dot_general3A_19 = tpu.matmul %get3A_14, %get3A_17, %dot_general3A_18 {dimension_numbers = #tpu.dot_dimension_numbers<[1], [0], [0], [1], [0, 0, 1, 1], [], []>, transpose_lhs_hint = false} : vector<512x1xf32>, vector<1x32xf32>, vector<512x32xf32> -> vector<512x32xf32>
    %add3A = arith.addf %div3A_11, %dot_general3A_19 : vector<512x32xf32>
    %get3A_20 = arith.constant 0 : index
    %get3A_21 = arith.constant 0 : index
    %get3A_22 = vector.load %arg6[%get3A_20, %get3A_21] : memref<1x32xf32, #tpu.memory_space<vmem>>, vector<1x32xf32>
    %add3A_23 = vector.broadcast %get3A_22 : vector<1x32xf32> to vector<512x32xf32>
    %add3A_24 = arith.addf %add3A, %add3A_23 : vector<512x32xf32>
    %gt3A = arith.constant 0.000000e+00 : f32
    %gt3A_25 = vector.broadcast %gt3A : f32 to vector<512x32xf32>
    %gt3A_26 = arith.cmpf ogt, %add3A_24, %gt3A_25 : vector<512x32xf32>
    %min3A = arith.constant 0.000000e+00 : f32
    %min3A_27 = vector.broadcast %min3A : f32 to vector<512x32xf32>
    %min3A_28 = arith.minimumf %add3A_24, %min3A_27 : vector<512x32xf32>
    %exp3A = math.exp %min3A_28 : vector<512x32xf32>
    %sub3A = arith.constant 1.000000e+00 : f32
    %sub3A_29 = vector.broadcast %sub3A : f32 to vector<512x32xf32>
    %sub3A_30 = arith.subf %exp3A, %sub3A_29 : vector<512x32xf32>
    %select_n3A = arith.select %gt3A_26, %add3A_24, %sub3A_30 : vector<512x32xi1>, vector<512x32xf32>
    %get3A_31 = arith.constant 0 : index
    %get3A_32 = arith.constant 0 : index
    %get3A_33 = vector.load %arg7[%get3A_31, %get3A_32] : memref<32x1600xf32, #tpu.memory_space<vmem>>, vector<32x1600xf32>
    %dot_general3A_34 = arith.constant dense<0.000000e+00> : vector<512x1600xf32>
    %dot_general3A_35 = tpu.matmul %select_n3A, %get3A_33, %dot_general3A_34 {dimension_numbers = #tpu.dot_dimension_numbers<[1], [0], [0], [1], [0, 0, 1, 1], [], []>, transpose_lhs_hint = false} : vector<512x32xf32>, vector<32x1600xf32>, vector<512x1600xf32> -> vector<512x1600xf32>
    %swap3A = arith.constant 0 : index
    %swap3A_36 = arith.constant 0 : index
    %swap3A_37 = vector.load %arg9[%swap3A, %swap3A_36] : memref<512x1600xf32, #tpu.memory_space<vmem>>, vector<512x1600xf32>
    tpu.vector_store %arg9[%swap3A, %swap3A_36], %dot_general3A_35 {strides = array<i32>} : memref<512x1600xf32, #tpu.memory_space<vmem>>, vector<512x1600xf32>,
    %get3A_38 = arith.constant 0 : index
    %get3A_39 = arith.constant 0 : index
    %get3A_40 = vector.load %arg8[%get3A_38, %get3A_39] : memref<32x64xf32, #tpu.memory_space<vmem>>, vector<32x64xf32>
    %dot_general3A_41 = arith.constant dense<0.000000e+00> : vector<512x64xf32>
    %dot_general3A_42 = tpu.matmul %select_n3A, %get3A_40, %dot_general3A_41 {dimension_numbers = #tpu.dot_dimension_numbers<[1], [0], [0], [1], [0, 0, 1, 1], [], []>, transpose_lhs_hint = false} : vector<512x32xf32>, vector<32x64xf32>, vector<512x64xf32> -> vector<512x64xf32>
    %swap3A_43 = arith.constant 0 : index
    %swap3A_44 = arith.constant 0 : index
    %swap3A_45 = vector.load %arg10[%swap3A_43, %swap3A_44] : memref<512x64xf32, #tpu.memory_space<vmem>>, vector<512x64xf32>
    tpu.vector_store %arg10[%swap3A_43, %swap3A_44], %dot_general3A_42 {strides = array<i32>} : memref<512x64xf32, #tpu.memory_space<vmem>>, vector<512x64xf32>,
    return
  }
  func.func @transform_0(%arg0: i32) -> (i32, i32) {
    %c0_i32 = arith.constant 0 : i32
    %c0_i32_0 = arith.constant 0 : i32
    return %arg0, %c0_i32 : i32, i32
  }
  func.func @transform_1(%arg0: i32) -> (i32, i32) {
    %c0_i32 = arith.constant 0 : i32
    %c0_i32_0 = arith.constant 0 : i32
    return %arg0, %c0_i32 : i32, i32
  }
  func.func @transform_2(%arg0: i32) -> (i32, i32) {
    %c0_i32 = arith.constant 0 : i32
    %c0_i32_0 = arith.constant 0 : i32
    return %arg0, %c0_i32 : i32, i32
  }
  func.func @transform_3(%arg0: i32) -> (i32, i32) {
    %c0_i32 = arith.constant 0 : i32
    %c0_i32_0 = arith.constant 0 : i32
    %c0_i32_1 = arith.constant 0 : i32
    return %c0_i32, %c0_i32_0 : i32, i32
  }
  func.func @transform_4(%arg0: i32) -> (i32, i32) {
    %c0_i32 = arith.constant 0 : i32
    %c0_i32_0 = arith.constant 0 : i32
    %c0_i32_1 = arith.constant 0 : i32
    return %c0_i32, %c0_i32_0 : i32, i32
  }
  func.func @transform_5(%arg0: i32) -> (i32, i32) {
    %c0_i32 = arith.constant 0 : i32
    %c0_i32_0 = arith.constant 0 : i32
    %c0_i32_1 = arith.constant 0 : i32
    return %c0_i32, %c0_i32_0 : i32, i32
  }
  func.func @transform_6(%arg0: i32) -> (i32, i32) {
    %c0_i32 = arith.constant 0 : i32
    %c0_i32_0 = arith.constant 0 : i32
    %c0_i32_1 = arith.constant 0 : i32
    return %c0_i32, %c0_i32_0 : i32, i32
  }
  func.func @transform_7(%arg0: i32) -> (i32, i32) {
    %c0_i32 = arith.constant 0 : i32
    %c0_i32_0 = arith.constant 0 : i32
    %c0_i32_1 = arith.constant 0 : i32
    return %c0_i32, %c0_i32_0 : i32, i32
  }
  func.func @transform_8(%arg0: i32) -> (i32, i32) {
    %c0_i32 = arith.constant 0 : i32
    %c0_i32_0 = arith.constant 0 : i32
    return %arg0, %c0_i32 : i32, i32
  }
  func.func @transform_9(%arg0: i32) -> (i32, i32) {
    %c0_i32 = arith.constant 0 : i32
    %c0_i32_0 = arith.constant 0 : i32
    return %arg0, %c0_i32 : i32, i32
  }
}

module attributes {stable_mosaic.version = 14 : i64} {
  func.func @_tc2_kernel(%arg0: i32, %arg1: memref<512x64xf32, #tpu.memory_space<vmem>>, %arg2: memref<512x1xf32, #tpu.memory_space<vmem>>, %arg3: memref<512x64xf32, #tpu.memory_space<vmem>>, %arg4: memref<1x64xf32, #tpu.memory_space<vmem>>, %arg5: memref<64x512xf32, #tpu.memory_space<vmem>>, %arg6: memref<64x128xf32, #tpu.memory_space<vmem>>, %arg7: memref<1x128xf32, #tpu.memory_space<vmem>>, %arg8: memref<128x10xf32, #tpu.memory_space<vmem>>, %arg9: memref<1x10xf32, #tpu.memory_space<vmem>>, %arg10: memref<64x10xf32, #tpu.memory_space<vmem>>, %arg11: memref<64x64xf32, #tpu.memory_space<vmem>>, %arg12: memref<64x64xf32, #tpu.memory_space<vmem>>) attributes {dimension_semantics = [#tpu.dimension_semantics<arbitrary>], iteration_bounds = array<i64: 98>, scalar_prefetch = 0 : i64, scratch_operands = 2 : i64, tpu.core_type = #tpu.core_type<tc>, window_params = [{transform_indices = @transform_0, window_bounds = array<i64: 512, 64>}, {transform_indices = @transform_1, window_bounds = array<i64: 512, 1>}, {transform_indices = @transform_2, window_bounds = array<i64: 512, 64>}, {pipeline_mode = #tpu.pipeline_mode<synchronous>, transform_indices = @transform_3, window_bounds = array<i64: 1, 64>}, {transform_indices = @transform_4, window_bounds = array<i64: 64, 512>}, {pipeline_mode = #tpu.pipeline_mode<synchronous>, transform_indices = @transform_5, window_bounds = array<i64: 64, 128>}, {pipeline_mode = #tpu.pipeline_mode<synchronous>, transform_indices = @transform_6, window_bounds = array<i64: 1, 128>}, {pipeline_mode = #tpu.pipeline_mode<synchronous>, transform_indices = @transform_7, window_bounds = array<i64: 128, 10>}, {pipeline_mode = #tpu.pipeline_mode<synchronous>, transform_indices = @transform_8, window_bounds = array<i64: 1, 10>}, {pipeline_mode = #tpu.pipeline_mode<synchronous>, transform_indices = @transform_9, window_bounds = array<i64: 64, 10>}]} {
    %eq3A = arith.constant 0 : i32
    %eq3A_0 = arith.cmpi eq, %arg0, %eq3A : i32
    %convert_element_type3A = arith.extui %eq3A_0 : i1 to i32
    %cond3A = arith.constant 0 : i32
    %cond3A_1 = arith.cmpi ne, %convert_element_type3A, %cond3A : i32
    scf.if %cond3A_1 {
      %broadcast_in_dim3A_49 = arith.constant 0.000000e+00 : f32
      %broadcast_in_dim3A_50 = vector.broadcast %broadcast_in_dim3A_49 : f32 to vector<64x64xf32>
      %swap3A_51 = arith.constant 0 : index
      %swap3A_52 = arith.constant 0 : index
      %swap3A_53 = vector.load %arg11[%swap3A_51, %swap3A_52] : memref<64x64xf32, #tpu.memory_space<vmem>>, vector<64x64xf32>
      tpu.vector_store %arg11[%swap3A_51, %swap3A_52], %broadcast_in_dim3A_50 {strides = array<i32>} : memref<64x64xf32, #tpu.memory_space<vmem>>, vector<64x64xf32>,
      %broadcast_in_dim3A_54 = arith.constant 0.000000e+00 : f32
      %broadcast_in_dim3A_55 = vector.broadcast %broadcast_in_dim3A_54 : f32 to vector<64x64xf32>
      %swap3A_56 = arith.constant 0 : index
      %swap3A_57 = arith.constant 0 : index
      %swap3A_58 = vector.load %arg12[%swap3A_56, %swap3A_57] : memref<64x64xf32, #tpu.memory_space<vmem>>, vector<64x64xf32>
      tpu.vector_store %arg12[%swap3A_56, %swap3A_57], %broadcast_in_dim3A_55 {strides = array<i32>} : memref<64x64xf32, #tpu.memory_space<vmem>>, vector<64x64xf32>,
    } else {
    }
    %get3A = arith.constant 0 : index
    %get3A_2 = arith.constant 0 : index
    %get3A_3 = vector.load %arg2[%get3A, %get3A_2] : memref<512x1xf32, #tpu.memory_space<vmem>>, vector<512x1xf32>
    %max3A = arith.constant 1.000000e+00 : f32
    %max3A_4 = vector.broadcast %max3A : f32 to vector<512x1xf32>
    %max3A_5 = arith.maximumf %get3A_3, %max3A_4 : vector<512x1xf32>
    %get3A_6 = arith.constant 0 : index
    %get3A_7 = arith.constant 0 : index
    %get3A_8 = vector.load %arg1[%get3A_6, %get3A_7] : memref<512x64xf32, #tpu.memory_space<vmem>>, vector<512x64xf32>
    %div3A = vector.broadcast %max3A_5 : vector<512x1xf32> to vector<512x64xf32>
    %div3A_9 = arith.divf %get3A_8, %div3A : vector<512x64xf32>
    %get3A_10 = arith.constant 0 : index
    %get3A_11 = arith.constant 0 : index
    %get3A_12 = vector.load %arg3[%get3A_10, %get3A_11] : memref<512x64xf32, #tpu.memory_space<vmem>>, vector<512x64xf32>
    %add3A = arith.addf %div3A_9, %get3A_12 : vector<512x64xf32>
    %get3A_13 = arith.constant 0 : index
    %get3A_14 = arith.constant 0 : index
    %get3A_15 = vector.load %arg4[%get3A_13, %get3A_14] : memref<1x64xf32, #tpu.memory_space<vmem>>, vector<1x64xf32>
    %add3A_16 = vector.broadcast %get3A_15 : vector<1x64xf32> to vector<512x64xf32>
    %add3A_17 = arith.addf %add3A, %add3A_16 : vector<512x64xf32>
    %gt3A = arith.constant 0.000000e+00 : f32
    %gt3A_18 = vector.broadcast %gt3A : f32 to vector<512x64xf32>
    %gt3A_19 = arith.cmpf ogt, %add3A_17, %gt3A_18 : vector<512x64xf32>
    %min3A = arith.constant 0.000000e+00 : f32
    %min3A_20 = vector.broadcast %min3A : f32 to vector<512x64xf32>
    %min3A_21 = arith.minimumf %add3A_17, %min3A_20 : vector<512x64xf32>
    %exp3A = math.exp %min3A_21 : vector<512x64xf32>
    %sub3A = arith.constant 1.000000e+00 : f32
    %sub3A_22 = vector.broadcast %sub3A : f32 to vector<512x64xf32>
    %sub3A_23 = arith.subf %exp3A, %sub3A_22 : vector<512x64xf32>
    %select_n3A = arith.select %gt3A_19, %add3A_17, %sub3A_23 : vector<512x64xi1>, vector<512x64xf32>
    %get3A_24 = arith.constant 0 : index
    %get3A_25 = arith.constant 0 : index
    %get3A_26 = vector.load %arg5[%get3A_24, %get3A_25] : memref<64x512xf32, #tpu.memory_space<vmem>>, vector<64x512xf32>
    %get3A_27 = arith.constant 0 : index
    %get3A_28 = arith.constant 0 : index
    %get3A_29 = vector.load %arg11[%get3A_27, %get3A_28] : memref<64x64xf32, #tpu.memory_space<vmem>>, vector<64x64xf32>
    %dot_general3A = arith.constant dense<0.000000e+00> : vector<64x64xf32>
    %dot_general3A_30 = tpu.matmul %get3A_26, %select_n3A, %dot_general3A {dimension_numbers = #tpu.dot_dimension_numbers<[1], [0], [0], [1], [0, 0, 1, 1], [], []>, transpose_lhs_hint = false} : vector<64x512xf32>, vector<512x64xf32>, vector<64x64xf32> -> vector<64x64xf32>
    %add3A_31 = arith.addf %get3A_29, %dot_general3A_30 : vector<64x64xf32>
    %swap3A = arith.constant 0 : index
    %swap3A_32 = arith.constant 0 : index
    %swap3A_33 = vector.load %arg11[%swap3A, %swap3A_32] : memref<64x64xf32, #tpu.memory_space<vmem>>, vector<64x64xf32>
    tpu.vector_store %arg11[%swap3A, %swap3A_32], %add3A_31 {strides = array<i32>} : memref<64x64xf32, #tpu.memory_space<vmem>>, vector<64x64xf32>,
    %get3A_34 = arith.constant 0 : index
    %get3A_35 = arith.constant 0 : index
    %get3A_36 = vector.load %arg12[%get3A_34, %get3A_35] : memref<64x64xf32, #tpu.memory_space<vmem>>, vector<64x64xf32>
    %broadcast_in_dim3A = arith.constant 1.000000e+00 : f32
    %broadcast_in_dim3A_37 = vector.broadcast %broadcast_in_dim3A : f32 to vector<512x64xf32>
    %dot_general3A_38 = arith.constant dense<0.000000e+00> : vector<64x64xf32>
    %dot_general3A_39 = tpu.matmul %get3A_26, %broadcast_in_dim3A_37, %dot_general3A_38 {dimension_numbers = #tpu.dot_dimension_numbers<[1], [0], [0], [1], [0, 0, 1, 1], [], []>, transpose_lhs_hint = false} : vector<64x512xf32>, vector<512x64xf32>, vector<64x64xf32> -> vector<64x64xf32>
    %add3A_40 = arith.addf %get3A_36, %dot_general3A_39 : vector<64x64xf32>
    %swap3A_41 = arith.constant 0 : index
    %swap3A_42 = arith.constant 0 : index
    %swap3A_43 = vector.load %arg12[%swap3A_41, %swap3A_42] : memref<64x64xf32, #tpu.memory_space<vmem>>, vector<64x64xf32>
    tpu.vector_store %arg12[%swap3A_41, %swap3A_42], %add3A_40 {strides = array<i32>} : memref<64x64xf32, #tpu.memory_space<vmem>>, vector<64x64xf32>,
    %eq3A_44 = arith.constant 97 : i32
    %eq3A_45 = arith.cmpi eq, %arg0, %eq3A_44 : i32
    %convert_element_type3A_46 = arith.extui %eq3A_45 : i1 to i32
    %cond3A_47 = arith.constant 0 : i32
    %cond3A_48 = arith.cmpi ne, %convert_element_type3A_46, %cond3A_47 : i32
    scf.if %cond3A_48 {
      %get3A_49 = arith.constant 0 : index
      %get3A_50 = arith.constant 0 : index
      %get3A_51 = vector.load %arg11[%get3A_49, %get3A_50] : memref<64x64xf32, #tpu.memory_space<vmem>>, vector<64x64xf32>
      %get3A_52 = arith.constant 0 : index
      %get3A_53 = arith.constant 0 : index
      %get3A_54 = vector.load %arg12[%get3A_52, %get3A_53] : memref<64x64xf32, #tpu.memory_space<vmem>>, vector<64x64xf32>
      %max3A_55 = arith.constant 1.000000e+00 : f32
      %max3A_56 = vector.broadcast %max3A_55 : f32 to vector<64x64xf32>
      %max3A_57 = arith.maximumf %get3A_54, %max3A_56 : vector<64x64xf32>
      %div3A_58 = arith.divf %get3A_51, %max3A_57 : vector<64x64xf32>
      %get3A_59 = arith.constant 0 : index
      %get3A_60 = arith.constant 0 : index
      %get3A_61 = vector.load %arg6[%get3A_59, %get3A_60] : memref<64x128xf32, #tpu.memory_space<vmem>>, vector<64x128xf32>
      %dot_general3A_62 = arith.constant dense<0.000000e+00> : vector<64x128xf32>
      %dot_general3A_63 = tpu.matmul %div3A_58, %get3A_61, %dot_general3A_62 {dimension_numbers = #tpu.dot_dimension_numbers<[1], [0], [0], [1], [0, 0, 1, 1], [], []>, transpose_lhs_hint = false} : vector<64x64xf32>, vector<64x128xf32>, vector<64x128xf32> -> vector<64x128xf32>
      %get3A_64 = arith.constant 0 : index
      %get3A_65 = arith.constant 0 : index
      %get3A_66 = vector.load %arg7[%get3A_64, %get3A_65] : memref<1x128xf32, #tpu.memory_space<vmem>>, vector<1x128xf32>
      %add3A_67 = vector.broadcast %get3A_66 : vector<1x128xf32> to vector<64x128xf32>
      %add3A_68 = arith.addf %dot_general3A_63, %add3A_67 : vector<64x128xf32>
      %gt3A_69 = arith.constant 0.000000e+00 : f32
      %gt3A_70 = vector.broadcast %gt3A_69 : f32 to vector<64x128xf32>
      %gt3A_71 = arith.cmpf ogt, %add3A_68, %gt3A_70 : vector<64x128xf32>
      %min3A_72 = arith.constant 0.000000e+00 : f32
      %min3A_73 = vector.broadcast %min3A_72 : f32 to vector<64x128xf32>
      %min3A_74 = arith.minimumf %add3A_68, %min3A_73 : vector<64x128xf32>
      %exp3A_75 = math.exp %min3A_74 : vector<64x128xf32>
      %sub3A_76 = arith.constant 1.000000e+00 : f32
      %sub3A_77 = vector.broadcast %sub3A_76 : f32 to vector<64x128xf32>
      %sub3A_78 = arith.subf %exp3A_75, %sub3A_77 : vector<64x128xf32>
      %select_n3A_79 = arith.select %gt3A_71, %add3A_68, %sub3A_78 : vector<64x128xi1>, vector<64x128xf32>
      %get3A_80 = arith.constant 0 : index
      %get3A_81 = arith.constant 0 : index
      %get3A_82 = vector.load %arg8[%get3A_80, %get3A_81] : memref<128x10xf32, #tpu.memory_space<vmem>>, vector<128x10xf32>
      %dot_general3A_83 = arith.constant dense<0.000000e+00> : vector<64x10xf32>
      %dot_general3A_84 = tpu.matmul %select_n3A_79, %get3A_82, %dot_general3A_83 {dimension_numbers = #tpu.dot_dimension_numbers<[1], [0], [0], [1], [0, 0, 1, 1], [], []>, transpose_lhs_hint = false} : vector<64x128xf32>, vector<128x10xf32>, vector<64x10xf32> -> vector<64x10xf32>
      %get3A_85 = arith.constant 0 : index
      %get3A_86 = arith.constant 0 : index
      %get3A_87 = vector.load %arg9[%get3A_85, %get3A_86] : memref<1x10xf32, #tpu.memory_space<vmem>>, vector<1x10xf32>
      %add3A_88 = vector.broadcast %get3A_87 : vector<1x10xf32> to vector<64x10xf32>
      %add3A_89 = arith.addf %dot_general3A_84, %add3A_88 : vector<64x10xf32>
      %reduce_max3A = arith.constant dense<0xFF800000> : vector<64xf32>
      %reduce_max3A_90 = vector.multi_reduction <maximumf>, %add3A_89, %reduce_max3A [1] : vector<64x10xf32> to vector<64xf32>
      %broadcast_in_dim3A_91 = vector.shape_cast %reduce_max3A_90 : vector<64xf32> to vector<64x1xf32>
      %sub3A_92 = vector.broadcast %broadcast_in_dim3A_91 : vector<64x1xf32> to vector<64x10xf32>
      %sub3A_93 = arith.subf %add3A_89, %sub3A_92 : vector<64x10xf32>
      %exp3A_94 = math.exp %sub3A_93 : vector<64x10xf32>
      %reduce_sum3A = arith.constant dense<0.000000e+00> : vector<64xf32>
      %reduce_sum3A_95 = vector.multi_reduction <add>, %exp3A_94, %reduce_sum3A [1] : vector<64x10xf32> to vector<64xf32>
      %broadcast_in_dim3A_96 = vector.shape_cast %reduce_sum3A_95 : vector<64xf32> to vector<64x1xf32>
      %log3A = math.log %broadcast_in_dim3A_96 : vector<64x1xf32>
      %sub3A_97 = vector.broadcast %log3A : vector<64x1xf32> to vector<64x10xf32>
      %sub3A_98 = arith.subf %sub3A_93, %sub3A_97 : vector<64x10xf32>
      %swap3A_99 = arith.constant 0 : index
      %swap3A_100 = arith.constant 0 : index
      %swap3A_101 = vector.load %arg10[%swap3A_99, %swap3A_100] : memref<64x10xf32, #tpu.memory_space<vmem>>, vector<64x10xf32>
      tpu.vector_store %arg10[%swap3A_99, %swap3A_100], %sub3A_98 {strides = array<i32>} : memref<64x10xf32, #tpu.memory_space<vmem>>, vector<64x10xf32>,
    } else {
    }
    return
  }
  func.func @transform_0(%arg0: i32) -> (i32, i32) {
    %c0_i32 = arith.constant 0 : i32
    %c0_i32_0 = arith.constant 0 : i32
    return %arg0, %c0_i32 : i32, i32
  }
  func.func @transform_1(%arg0: i32) -> (i32, i32) {
    %c0_i32 = arith.constant 0 : i32
    %c0_i32_0 = arith.constant 0 : i32
    return %arg0, %c0_i32 : i32, i32
  }
  func.func @transform_2(%arg0: i32) -> (i32, i32) {
    %c0_i32 = arith.constant 0 : i32
    %c0_i32_0 = arith.constant 0 : i32
    return %arg0, %c0_i32 : i32, i32
  }
  func.func @transform_3(%arg0: i32) -> (i32, i32) {
    %c0_i32 = arith.constant 0 : i32
    %c0_i32_0 = arith.constant 0 : i32
    %c0_i32_1 = arith.constant 0 : i32
    return %c0_i32, %c0_i32_0 : i32, i32
  }
  func.func @transform_4(%arg0: i32) -> (i32, i32) {
    %c0_i32 = arith.constant 0 : i32
    %c0_i32_0 = arith.constant 0 : i32
    return %c0_i32, %arg0 : i32, i32
  }
  func.func @transform_5(%arg0: i32) -> (i32, i32) {
    %c0_i32 = arith.constant 0 : i32
    %c0_i32_0 = arith.constant 0 : i32
    %c0_i32_1 = arith.constant 0 : i32
    return %c0_i32, %c0_i32_0 : i32, i32
  }
  func.func @transform_6(%arg0: i32) -> (i32, i32) {
    %c0_i32 = arith.constant 0 : i32
    %c0_i32_0 = arith.constant 0 : i32
    %c0_i32_1 = arith.constant 0 : i32
    return %c0_i32, %c0_i32_0 : i32, i32
  }
  func.func @transform_7(%arg0: i32) -> (i32, i32) {
    %c0_i32 = arith.constant 0 : i32
    %c0_i32_0 = arith.constant 0 : i32
    %c0_i32_1 = arith.constant 0 : i32
    return %c0_i32, %c0_i32_0 : i32, i32
  }
  func.func @transform_8(%arg0: i32) -> (i32, i32) {
    %c0_i32 = arith.constant 0 : i32
    %c0_i32_0 = arith.constant 0 : i32
    %c0_i32_1 = arith.constant 0 : i32
    return %c0_i32, %c0_i32_0 : i32, i32
  }
  func.func @transform_9(%arg0: i32) -> (i32, i32) {
    %c0_i32 = arith.constant 0 : i32
    %c0_i32_0 = arith.constant 0 : i32
    %c0_i32_1 = arith.constant 0 : i32
    return %c0_i32, %c0_i32_0 : i32, i32
  }
}

</mosaic_0001>

<sc_bundles>
// kernel: kernel.6.cloned.1.call-start
scs
__scs_entry_jumppad:
0x0: {  	(pc) =	sbr.rel $0x88, $3  }
0x1: {  	(tag) =	ssettag $0x0;
	lr =	simm.s32 $0x1  }
0x2: {  	[smem:$0x3F93] =	sst lr;
	_ =	strace $0xD0000000  }
0x3: {  	_ = 	snop  }
0x4: {  	_ = 	snop  }
0x5: {  	_ = 	snop  }
0x6: {  	_ = 	snop  }
0x7: {  	_ = 	snop  }
__scs_overlays_trampoline_lowered:
0x8: {  	[smem:$0x3FA2] =	sst s0  }
0x9: {  	[smem:$0x3FA3] =	sst s1  }
0xa: {  	[smem:$0x3FA4] =	sst s2  }
0xb: {  	[smem:$0x3FA5] =	sst s3  }
0xc: {  	[smem:$0x3FA6] =	sst s4  }
0xd: {  	[smem:$0x3FA7] =	sst s5  }
0xe: {  	[smem:$0x3FA8] =	sst s6  }
0xf: {  	[smem:$0x3FA9] =	sst s7  }
0x10: {  	[smem:$0x3FAA] =	sst s8  }
0x11: {  	[smem:$0x3FAB] =	sst s9;
	s0 =	simm.s32 @!p0 $0x0  }
0x12: {  	s1 =	sld [smem:$0x3F91];
	s0 =	simm.s32 @p0 $0x1  }
0x13: {  	[smem:$0x3FAC] =	sst s0;
	s0 =	simm.s32 @!p1 $0x0  }
0x14: {  	s2 =	sld [smem:$0x3F90];
	s0 =	simm.s32 @p1 $0x1  }
0x15: {  	[smem:$0x3FAD] =	sst s0;
	s0 =	simm.s32 @!p2 $0x0  }
0x16: {  	s3 =	sld [smem:$0x3FDB];
	s0 =	simm.s32 @p2 $0x1  }
0x17: {  	s4 =	simm.s32 $0x1BF5;
	[smem:$0x3FAF] =	sst s0  }
0x18: {  	s0 =	sld [smem:$0x3F92];
	_ =	swait.ge [sflag:s4], $0x0  }
0x19: {  	s7 =	sld [smem:$0x3F93]  }
0x1a: {  	s8 =	sadd.s32 $0xFFFFE003, lr  }
0x1b: {  	s9 =	sadd.s32 $0xFFFFFEF7, lr;
	s5 =	simm.s32 $0xFFFFFFFF;
	p2 =	slt.u32 s8, $0xFFFFF086  }
0x1c: {  	p1 =	slt.u32 s9, $0xF7A;
	s5 =	simm.s32 @!p2 $0x0  }
0x1d: {  	s5 =	simm.s32 @p1 $0x1;
	p0 =	seq.s32 s7, s2  }
0x1e: {  	s7 =	smul.u32 @!p0 $0xF7A, s2;
	p2 =	seq.s32 @!p0 s5, $0x0  }
0x1f: {  	s9 =	smul.u32 $0xF7A, s1;
	s8 =	simm.s32 @!p0 $0x1BF5;
	p2 =	por !p2, p0  }
0x20: {  	[sflag:s8] =	ssyncset.s32 @!p0 $0xFFFFF086;
	s6 =	sadd.s32 @!p0 s3, s7;
	s7 =	simm.s32 @!p0 $0x108  }
0x21: {  	s3 =	sadd.s32 s3, s9;
	s6 =	sadd.s32 @!p0 $0x88, s6;
	s7 =	simm.s32 @p2 $0x1082  }
0x22: {  	[simem:s7], [sflag:s8] =	dma.local @!p0 [hbm:s6], $0xF7A  }
0x23: {  	s9 =	sor.u32 $0xD0000000, s2;
	s6 =	simm.s32 $0x108;
	_ =	swait.ge @!p0 [sflag:s8], $0x0  }
0x24: {  	s3 =	sadd.s32 $0x88, s3;
	s6 =	simm.s32 @!p1 $0x1082;
	[sflag:s4] =	ssyncset.s32 $0xFFFFF086  }
0x25: {  	[simem:s6], [sflag:s4] =	dma.local [hbm:s3], $0xF7A  }
0x26: {  	[smem:$0x3F93] =	sst s1;
	(tag) =	ssettag s2;
	_ =	strace s9  }
0x27: {  	s1 =	sld [smem:$0x3FA3]  }
0x28: {  	s2 =	sld [smem:$0x3FA4]  }
0x29: {  	s4 =	sld [smem:$0x3FA6]  }
0x2a: {  	p0 =	seq.s32 s5, $0x0;
	s5 =	sld [smem:$0x3FA7]  }
0x2b: {  	s6 =	sld [smem:$0x3FA8]  }
0x2c: {  	s7 =	sld [smem:$0x3FA9]  }
0x2d: {  	s3 =	simm.s32 $0x108;
	s8 =	sld [smem:$0x3FAA]  }
0x2e: {  	s3 =	simm.s32 @!p0 $0x1082;
	s9 =	sld [smem:$0x3FAB]  }
0x2f: {  	lr =	sadd.s32 s0, s3;
	s0 =	sld [smem:$0x3FA2]  }
0x30: {  	s3 =	sld [smem:$0x3FA5]  }
0x31: {  	[smem:$0x3FAE] =	sst s10  }
0x32: {  	s10 =	sld [smem:$0x3FAC];
	_ =	sdelay $0x3  }
0x33: {  	p0 =	seq.s32 s10, $0x1;
	s10 =	sld [smem:$0x3FAE];
	_ =	sdelay $0x3  }
0x34: {  	[smem:$0x3FAE] =	sst s10  }
0x35: {  	s10 =	sld [smem:$0x3FAD];
	_ =	sdelay $0x3  }
0x36: {  	p1 =	seq.s32 s10, $0x1;
	s10 =	sld [smem:$0x3FAE];
	_ =	sdelay $0x3  }
0x37: {  	[smem:$0x3FAE] =	sst s10  }
0x38: {  	s10 =	sld [smem:$0x3FAF]  }
0x39: {  	_ = 	snop;
	(pc) =	sbr.ind lr, $3  }
0x3a: {  	_ = 	snop  }
0x3b: {  	_ = 	snop  }
0x3c: {  	p2 =	seq.s32 s10, $0x1;
	s10 =	sld [smem:$0x3FAE]  }
0x3d: {  	_ =	shalt  }
0x3e: {  	_ =	shalt  }
0x3f: {  	_ =	shalt  }
0x40: {  	_ =	shalt  }
0x41: {  	_ =	shalt  }
0x42: {  	_ =	shalt  }
0x43: {  	_ =	shalt  }
0x44: {  	_ =	shalt  }
0x45: {  	_ =	shalt  }
0x46: {  	_ =	shalt  }
0x47: {  	_ =	shalt  }
0x48: {  	_ =	shalt  }
0x49: {  	_ =	shalt  }
0x4a: {  	_ =	shalt  }
0x4b: {  	_ =	shalt  }
0x4c: {  	_ =	shalt  }
0x4d: {  	_ =	shalt  }
0x4e: {  	_ =	shalt  }
0x4f: {  	_ =	shalt  }
0x50: {  	_ =	shalt  }
0x51: {  	_ =	shalt  }
0x52: {  	_ =	shalt  }
0x53: {  	_ =	shalt  }
0x54: {  	_ =	shalt  }
0x55: {  	_ =	shalt  }
0x56: {  	_ =	shalt  }
0x57: {  	_ =	shalt  }
0x58: {  	_ =	shalt  }
0x59: {  	_ =	shalt  }
0x5a: {  	_ =	shalt  }
0x5b: {  	_ =	shalt  }
0x5c: {  	_ =	shalt  }
0x5d: {  	_ =	shalt  }
0x5e: {  	_ =	shalt  }
0x5f: {  	_ =	shalt  }
0x60: {  	_ =	shalt  }
0x61: {  	_ =	shalt  }
0x62: {  	_ =	shalt  }
0x63: {  	_ =	shalt  }
0x64: {  	_ =	shalt  }
0x65: {  	_ =	shalt  }
0x66: {  	_ =	shalt  }
0x67: {  	_ =	shalt  }
0x68: {  	_ =	shalt  }
0x69: {  	_ =	shalt  }
0x6a: {  	_ =	shalt  }
0x6b: {  	_ =	shalt  }
0x6c: {  	_ =	shalt  }
0x6d: {  	_ =	shalt  }
0x6e: {  	_ =	shalt  }
0x6f: {  	_ =	shalt  }
0x70: {  	_ =	shalt  }
0x71: {  	_ =	shalt  }
0x72: {  	_ =	shalt  }
0x73: {  	_ =	shalt  }
0x74: {  	_ =	shalt  }
0x75: {  	_ =	shalt  }
0x76: {  	_ =	shalt  }
0x77: {  	_ =	shalt  }
0x78: {  	_ =	shalt  }
0x79: {  	_ =	shalt  }
0x7a: {  	_ =	shalt  }
0x7b: {  	_ =	shalt  }
0x7c: {  	_ =	shalt  }
0x7d: {  	_ =	shalt  }
0x7e: {  	_ =	shalt  }
0x7f: {  	_ =	shalt  }
0x80: {  	_ =	shalt  }
0x81: {  	_ =	shalt  }
0x82: {  	_ =	shalt  }
0x83: {  	_ =	shalt  }
0x84: {  	_ =	shalt  }
0x85: {  	_ =	shalt  }
0x86: {  	_ =	shalt  }
0x87: {  	_ =	shalt  }
.Lfunc_end0:
.L_simem_size_0:
called_computation_lowered:
.L_overlay_start_0:
0x88: {  	s2 =	sld [smem:$0x3FD9]  }
0x89: {  	s3 =	sld [smem:$0x3FFE];
	_ =	sdelay $0x1  }
0x8a: {  	s1 =	srdreg.scid  }
0x8b: {  	s0 =	sand.u32 $0x1, s1  }
0x8c: {  	s16 =	sshll.u32 s0, $0xA;
	s2 =	sadd.s32 s3, s2  }
0x8d: {  	s2 =	sadd.s32 s2, s16  }
0x8e: {  	[smem:$0x3FBA] =	sst s2  }
0x8f: {  	_ = 	snop  }
0x90: {  	(tm) =	ssettm $0x1  }
0x91: {  	s17 =	sld [smem:$0x3FFB];
	_ =	sdelay $0x3  }
0x92: {  	_ =	strace s17  }
0x93: {  	s2 =	sld [smem:$0x3FFC];
	_ =	sdelay $0x3  }
0x94: {  	_ =	strace s2  }
0x95: {  	s2 =	sld [smem:$0x3FFD];
	_ =	sdelay $0x3  }
0x96: {  	_ =	strace s2  }
0x97: {  	_ =	strace $0x8FFFFFFF  }
0x98: {  	s18 =	sld [smem:$0x3FDB];
	_ =	sdelay $0x1  }
0x99: {  	s19 =	simm.s32 $_scs_section_size  }
0x9a: {  	s4 =	simm.s32 $_size__tile_overlayer_lowered;
	s5 =	simm.s32 $_tile_overlayer_lowered  }
0x9b: {  	s22 =	simm.s32 $0x1BFF;
	s21 =	sshll.u32 s5, $0x1;
	s2 =	sadd.s32 s19, s18  }
0x9c: {  	s6 =	simm.s32 $0x0;
	s20 =	sshll.u32 s4, $0x1;
	s4 =	sadd.s32 s21, s2  }
0x9d: {  	[timem:s6], [sflag:s22] =	dma.local [hbm:s4], s20  }
0x9e: {  	_ =	swait.ge [sflag:s22], s20  }
0x9f: {  	s3 =	ssub.s32 $0x0, s20;
	[sflag:s22] =	ssyncset.done $0x0  }
0xa0: {  	[sflag:s22] =	ssyncadd.s32 s3;
	_ =	sdelay $0x1  }
0xa1: {  	s23 =	simm.s32 $0x1B8B  }
0xa2: {  	_ =	swait.ge [sflag:s23], $0x1  }
0xa3: {  	[sflag:s23] =	ssyncset.done $0x0  }
0xa4: {  	s25 =	simm.s32 $0x1B8E;
	s24 =	sld [smem:$0x3FFE];
	[sflag:s23] =	ssyncadd.s32 $0xFFFFFFFF  }
0xa5: {  	s26 =	simm.s32 $execute0_lowered;
	[smem:$0x3FD2] =	sst s25  }
0xa6: {  	s4 =	sshll.u32 s26, $0x1;
	_ =	strace $0x80000046;
	[dreg:$0x1] =	wrdreg $0xFFFFFFFF  }
0xa7: {  	s28 =	simm.s32 $_size_execute0_lowered;
	s2 =	sadd.s32 s2, s4;
	[dreg:$0x0] =	wrdreg $0x0  }
0xa8: {  	s4 =	sshll.u32 s28, $0x1;
	[dreg:$0x2] =	wrdreg s2  }
0xa9: {  	[dreg:$0x3] =	wrdreg s4  }
0xaa: {  	[dreg:$0x4] =	wrdreg $0xC0  }
0xab: {  	_ =	task [dreg:s6], $0x5FFFF  }
0xac: {  	[dreg:$0x1] =	wrdreg $0xFFFFFFFF  }
0xad: {  	[dreg:$0x0] =	wrdreg $0x60  }
0xae: {  	[dreg:$0x2] =	wrdreg s24  }
0xaf: {  	[dreg:$0x3] =	wrdreg $0x9  }
0xb0: {  	_ =	task.clear_ibuf [dreg:s6], $0x4FFFF;
	_ =	strace $0x90000046  }
0xb1: {  	s29 =	simm.s32 $0x9;
	_ =	strace $0x80000048  }
0xb2: {  	_ =	swait.ge [sflag:s29], $0x1  }
0xb3: {  	[sflag:s29] =	ssyncadd.s32 $0xFFFFFFFF  }
0xb4: {  	_ =	strace $0x90000048  }
0xb5: {  	_ =	sfence  }
0xb6: {  	s30 =	sld [smem:$0x0];
	_ =	sdelay $0x2  }
0xb7: {  	s31 =	sshll.u32 s1, $0xD;
	s1 =	sshrl.u32 s1, $0x2  }
0xb8: {  	s3 =	sand.u32 $0x4000, s31;
	s1 =	sadd.s32 s1, s30  }
0xb9: {  	s0 =	sor.u32 s3, s0;
	s1 =	sshll.u32 s1, $0x11  }
0xba: {  	s0 =	sor.u32 s1, s0  }
0xbb: {  	s0 =	sadd.s32 $0x8F2B, s0  }
0xbc: {  	[sflag:s0] =	ssyncadd.remote.s32 $0x1  }
0xbd: {  	_ =	sfence.sel $0xFFFF  }
0xbe: {  	[dreg:$0x0] =	wrdreg $0xFFFFFFFF;
	(pc) =	sbr.abs _section_cstart, $3  }
0xbf: {  	[dreg:$0x1] =	wrdreg $0xFFFFFFFF  }
0xc0: {  	_ =	task.clear_ibuf [dreg:s6], $0x2FFFF;
	_ =	strace $0x9FFFFFFF  }
0xc1: {  	(tm) =	ssettm $0x7FFFFFFF  }
tec
execute0_lowered:
.L_overlay_start_1:
0x0: {  	(tag) =	ssettag $0x1  }
0x1: {  	s5 =	rddreg [dreg:$0x0]  }
0x2: {  	s0 =	rddreg [dreg:$0x1]  }
0x3: {  	s3 =	srdreg.scid;
	s1 =	stileid.u32;
	s2 =	simm.s32 $0x0  }
0x4: {  	s11 =	simm.s32 $0x17D20;
	s4 =	sand.u32 $0x1, s3;
	s30 =	sshll.u32 s1, $0x1  }
0x5: {  	s12 =	simm.s32 $0x0;
	[smem:$0x7FF] =	sst s2;
	s6 =	sor.u32 s4, s30  }
0x6: {  	s3 =	sadd.s32 $0x1600, s5;
	s8 =	ssub.s32 $0x2, s4;
	s7 =	smul.u32 $0x620, s6  }
0x7: {  	_ =	strace $0x80000047;
	s6 =	smul.u32 $0x1324, s6;
	s10 =	sshrl.u32 s8, $0x1  }
0x8: {  	s4 =	sadd.s32 $0x63600, s5;
	s8 =	ssub.s32 s8, s10;
	s10 =	simm.s32 $0xE400  }
0x9: {  	s9 =	sshrl.u32 s7, $0x3;
	s6 =	sadd.s32 s6, s5;
	s31 =	sadd.s32 $0x620, s7  }
0xa: {  	v0 =	vmov s7;
	s7 =	smax.u32 s8, $0x1;
	s8 =	simm.s32 $0x1;
	s9 =	sadd.s32 s9, s5  }
0xb: {  	v2 =	vimm.f32 $0.0e+00;
	v3 =	vimm.f32 $1.000000000e+00;
	s5 =	sadd.s32 $0x66A00, s6;
	v1 =	vmov s31;
	s6 =	sadd.s32 $0x65000, s9;
	s9 =	simm.s32 $0xC400  }
.LBB2_1:
0xc: {  	[tilespmem:s2], [sflag:$0x1] =	stream.linear.gather [hbm4b:s4+s2], $0xC400, $0x38;
	[tilespmem:$0x18340] =	vst v63  }
0xd: {  	_ =	swait.ge [sflag:s8], $0xC400  }
0xe: {  	[sflag:s8] =	ssyncset.done $0x0  }
0xf: {  	s13 =	simm.s32 $0x40;
	s14 =	simm.s32 $0x0;
	[sflag:s8] =	ssyncadd.s32 $0xFFFF3C00  }
.LBB2_2:
0x10: {  	p0 =	sne.s32 s13, $0x26440;
	[tilespmem:s14+$0xE400] =	vst v2;
	s14 =	smov.u32 s13;
	s13 =	sadd.s32 $0x40, s13  }
.Ltmp0:
0x11: {  	(pc) =	sbr.rel @p0 .LBB2_2-.Ltmp0, $2  }
0x12: {  	_ =	sdelay $0x2  }
0x13: {  	s14 =	sshra.s32 s14, $0x2  }
0x14: {  	[tilespmem:s14+$0xE400] =	vst v2;
	s13 =	simm.s32 $0x0;
	s14 =	simm.s32 $0x40;
	s15 =	simm.s32 $0x0  }
.LBB2_4:
0x15: {  	p0 =	sne.s32 s14, $0x1840;
	[tilespmem:s15+$0x17D20] =	vst v2;
	s15 =	smov.u32 s14;
	s14 =	sadd.s32 $0x40, s14  }
.Ltmp1:
0x16: {  	(pc) =	sbr.rel @p0 .LBB2_4-.Ltmp1, $2  }
0x17: {  	_ =	sdelay $0x2  }
0x18: {  	s15 =	sshra.s32 s15, $0x2  }
0x19: {  	[tilespmem:s15+$0x17D20] =	vst v2  }
.LBB2_6:
0x1a: {  	s14 =	sshll.u32 s13, $0xA  }
0x1b: {  	s15 =	simm.s32 $0x0;
	s14 =	sadd.s32 s3, s14  }
0x1c: {  	[tilespmem:s9], [sflag:$0x1] =	stream.linear.gather [hbm4b:s14+s15], $0x2000, $0x38;
	[tilespmem:$0x18340] =	vst v63  }
0x1d: {  	_ =	swait.ge [sflag:s8], $0x2000  }
0x1e: {  	[sflag:s8] =	ssyncset.done $0x0  }
0x1f: {  	s31 =	simm.s32 $0x0;
	[sflag:s8] =	ssyncadd.s32 $0xFFFFE000  }
0x20: {  	v4 =	vld [tilespmem:s31+$0xD400]  }
0x21: {  	v5 =	vld [tilespmem:s31+$0xDC00];
	_ =	sdelay $0x3  }
0x22: {  	v6 =	vmul.f32 $4.000000000e+00, v4  }
0x23: {  	v5 =	vmul.f32 $4.000000000e+00, v5  }
0x24: {  	v4 =	vld [tilespmem:s31+$0xCC00];
	v7 =	vtrunc.f32 v6  }
0x25: {  	v8 =	vtrunc.f32 v5;
	v7 =	vcvt.f32.s32 v7  }
0x26: {  	v9 =	vld [tilespmem:s31+$0xC400];
	v8 =	vcvt.f32.s32 v8  }
0x27: {  	vm0 =	vgt.s32 v7, $0x0  }
0x28: {  	v7 =	vnsel vm0, $0x0, v7;
	vm0 =	vgt.s32 v8, $0x0  }
0x29: {  	vm1 =	vlt.s32 v4, v1;
	v7 =	vmin.u32 v7, $0x3;
	v8 =	vnsel vm0, $0x0, v8  }
0x2a: {  	vm0 =	vge.s32 v4, v0;
	v4 =	vsub.s32 v4, v0;
	v8 =	vmin.u32 v8, $0x3  }
0x2b: {  	v10 =	vcvt.s32.f32 v7;
	vm0 =	vmand vm0, vm1;
	v11 =	vcvt.s32.f32 v8  }
0x2c: {  	v4 =	vnsel vm0, $0x0, v4  }
0x2d: {  	v6 =	vsub.f32 v6, v10;
	v61 =	vmul.u32 $0x19, v4;
	v5 =	vsub.f32 v5, v11  }
0x2e: {  	v9 =	vld.idx.msk [tilespmem:v9+s2+$0x0], $0xffff;
	v8 =	vmul.u32 $0x5, v8  }
0x2f: {  	v62 =	vsub.f32 $1.000000000e+00, v6;
	v7 =	vadd.s32 v61, v7;
	v12 =	vsub.f32 $1.000000000e+00, v5  }
0x30: {  	v7 =	vadd.s32 v8, v7  }
0x31: {  	v63 =	vadd.s32 $0x1, v7;
	v8 =	vmul.f32 v12, v62  }
0x32: {  	v13 =	vadd.s32 $0x5, v7;
	v11 =	vmul.f32 v5, v62;
	v12 =	vmul.f32 v12, v6  }
0x33: {  	v6 =	vmul.f32 v5, v6;
	v5 =	vadd.s32 $0x6, v7;
	v8 =	vmul.f32 v8, v9  }
0x34: {  	v12 =	vmul.f32 v12, v9  }
0x35: {  	v11 =	vmul.f32 v11, v9;
	[tilespmem:v7+s10+$0x0] =	vst.idx.add.f32.msk vm0, v8  }
0x36: {  	v6 =	vmul.f32 v6, v9;
	[tilespmem:v63+s10+$0x0] =	vst.idx.add.f32.msk vm0, v12  }
0x37: {  	s14 =	simm.s32 $0x40;
	[tilespmem:v13+s10+$0x0] =	vst.idx.add.f32.msk vm0, v11  }
.LBB2_7:
0x38: {  	p0 =	sne.s32 s14, $0x1FC0;
	[tilespmem:v5+s10+$0x0] =	vst.idx.add.f32.msk vm0, v6;
	s15 =	smov.u32 s14;
	s14 =	sadd.s32 $0x40, s14  }
0x39: {  	s15 =	sshra.s32 s15, $0x2;
	[tilespmem:v4+s11+$0x0] =	vst.idx.add.f32.msk vm0, v3  }
0x3a: {  	v4 =	vld [tilespmem:s15+$0xD400]  }
0x3b: {  	v5 =	vld [tilespmem:s15+$0xDC00];
	_ =	sdelay $0x3  }
0x3c: {  	v4 =	vmul.f32 $4.000000000e+00, v4  }
0x3d: {  	v6 =	vld [tilespmem:s15+$0xCC00];
	v5 =	vmul.f32 $4.000000000e+00, v5  }
0x3e: {  	v7 =	vld [tilespmem:s15+$0xC400];
	v8 =	vtrunc.f32 v4  }
0x3f: {  	v8 =	vcvt.f32.s32 v8;
	v9 =	vtrunc.f32 v5  }
0x40: {  	v9 =	vcvt.f32.s32 v9  }
0x41: {  	vm0 =	vgt.s32 v8, $0x0  }
0x42: {  	v8 =	vnsel vm0, $0x0, v8;
	vm0 =	vgt.s32 v9, $0x0;
	vm1 =	vlt.s32 v6, v1  }
0x43: {  	v8 =	vmin.u32 v8, $0x3;
	v9 =	vnsel vm0, $0x0, v9;
	vm0 =	vge.s32 v6, v0  }
0x44: {  	v9 =	vmin.u32 v9, $0x3;
	v10 =	vcvt.s32.f32 v8;
	vm0 =	vmand vm0, vm1  }
0x45: {  	v6 =	vsub.s32 v6, v0;
	v11 =	vcvt.s32.f32 v9;
	v9 =	vmul.u32 $0x5, v9  }
0x46: {  	v10 =	vsub.f32 v4, v10;
	v4 =	vnsel vm0, $0x0, v6;
	v6 =	vld.idx.msk [tilespmem:v7+s2+$0x0], $0xffff  }
0x47: {  	v5 =	vsub.f32 v5, v11;
	v7 =	vmul.u32 $0x19, v4;
	_ =	sdelay $0x1  }
0x48: {  	v11 =	vsub.f32 $1.000000000e+00, v10;
	v12 =	vsub.f32 $1.000000000e+00, v5;
	v7 =	vadd.s32 v7, v8  }
0x49: {  	v8 =	vmul.f32 v5, v10;
	v7 =	vadd.s32 v9, v7  }
0x4a: {  	v9 =	vmul.f32 v12, v11;
	v10 =	vmul.f32 v12, v10;
	v12 =	vadd.s32 $0x1, v7  }
0x4b: {  	v11 =	vmul.f32 v5, v11;
	v13 =	vadd.s32 $0x5, v7  }
.Ltmp2:
0x4c: {  	v5 =	vadd.s32 $0x6, v7;
	v9 =	vmul.f32 v9, v6;
	v10 =	vmul.f32 v10, v6;
	(pc) =	sbr.rel @p0 .LBB2_7-.Ltmp2, $4  }
0x4d: {  	v11 =	vmul.f32 v11, v6  }
0x4e: {  	[tilespmem:v7+s10+$0x0] =	vst.idx.add.f32.msk vm0, v9  }
0x4f: {  	v6 =	vmul.f32 v8, v6;
	[tilespmem:v12+s10+$0x0] =	vst.idx.add.f32.msk vm0, v10  }
0x50: {  	[tilespmem:v13+s10+$0x0] =	vst.idx.add.f32.msk vm0, v11  }
0x51: {  	s13 =	sadd.s32 $0x1, s13  }
0x52: {  	p0 =	sne.s32 s13, $0x188  }
.Ltmp3:
0x53: {  	_ = 	snop;
	(pc) =	sbr.rel @p0 .LBB2_6-.Ltmp3, $3  }
0x54: {  	_ =	sdelay $0x1  }
0x55: {  	[tilespmem:v5+s10+$0x0] =	vst.idx.add.f32.msk vm0, v6  }
0x56: {  	[tilespmem:v4+s11+$0x0] =	vst.idx.add.f32.msk vm0, v3  }
0x57: {  	[hbm4b:s5+s2] =	stream.linear.scatter [tilespmem:s10], [sflag:$0x1], $0x9920, $0x38;
	[tilespmem:$0x18340] =	vst v63  }
0x58: {  	s12 =	sadd.s32 $0x1, s12;
	_ =	swait.ge [sflag:s8], $0x9920  }
0x59: {  	p0 =	sne.s32 s12, s7;
	[sflag:s8] =	ssyncset.done $0x0  }
.Ltmp4:
0x5a: {  	[sflag:s8] =	ssyncadd.s32 $0xFFFF66E0;
	(pc) =	sbr.rel @p0 .LBB2_1-.Ltmp4, $4  }
0x5b: {  	[hbm4b:s6+s2] =	stream.linear.scatter [tilespmem:s11], [sflag:$0x1], $0x620, $0x38;
	[tilespmem:$0x18340] =	vst v63  }
0x5c: {  	_ =	swait.ge [sflag:s8], $0x620  }
0x5d: {  	[sflag:s8] =	ssyncset.done $0x0  }
0x5e: {  	[sflag:s8] =	ssyncadd.s32 $0xFFFFF9E0  }
0x5f: {  	_ =	sfence.sel $0x180000  }
0x60: {  	[bflag:$0x0] =	sbarrier.arrive $0xFFFF  }
0x61: {  	p0 =	sne.s32 s1, $0x0;
	_ =	strace $0x90000047  }
0x62: {  	s0 =	sadd.s32 @!p0 $0x100000, s0;
	[bflag:$0x2] =	sbarrier.arrive $0xFFFF  }
0x63: {  	[sflag:s0] =	ssyncadd.tile.s32 @!p0 $0x1;
	_ =	shalt  }
.Lfunc_end2:
_tile_overlayer_lowered:
.L_overlay_start_2:
0x64: {  	(tag) =	ssettag $0x2  }
0x65: {  	s0 =	rddreg [dreg:$0x0];
	s2 =	stileid.u32  }
0x66: {  	s1 =	rddreg [dreg:$0x1];
	p0 =	sne.s32 s2, $0x0  }
0x67: {  	s3 =	rddreg [dreg:$0x2];
	[bflag:$0x3] =	sbarrier.arrive $0xFFFF;
	s2 =	simm.s32 @!p0 $0x1C01  }
0x68: {  	[timem:s3], [sflag:s2] =	dma.local @!p0 [hbm:s0], s1  }
0x69: {  	s0 =	simm.s32 @!p0 $0x1  }
0x6a: {  	_ =	swait.ge @!p0 [sflag:s0], s1  }
0x6b: {  	s1 =	ssub.s32 @!p0 $0x0, s1;
	[sflag:s0] =	ssyncset.done @!p0 $0x0  }
0x6c: {  	[sflag:s0] =	ssyncadd.s32 @!p0 s1  }
0x6d: {  	[bflag:$0x3] =	sbarrier.arrive $0xFFFF  }
0x6e: {  	_ =	shalt  }

// kernel: kernel.9.cloned.1.call-start
scs
__scs_entry_jumppad:
0x0: {  	(pc) =	sbr.rel $0x88, $3  }
0x1: {  	(tag) =	ssettag $0x0;
	lr =	simm.s32 $0x1  }
0x2: {  	[smem:$0x3F93] =	sst lr;
	_ =	strace $0xD0000000  }
0x3: {  	_ = 	snop  }
0x4: {  	_ = 	snop  }
0x5: {  	_ = 	snop  }
0x6: {  	_ = 	snop  }
0x7: {  	_ = 	snop  }
__scs_overlays_trampoline_lowered:
0x8: {  	[smem:$0x3FA2] =	sst s0  }
0x9: {  	[smem:$0x3FA3] =	sst s1  }
0xa: {  	[smem:$0x3FA4] =	sst s2  }
0xb: {  	[smem:$0x3FA5] =	sst s3  }
0xc: {  	[smem:$0x3FA6] =	sst s4  }
0xd: {  	[smem:$0x3FA7] =	sst s5  }
0xe: {  	[smem:$0x3FA8] =	sst s6  }
0xf: {  	[smem:$0x3FA9] =	sst s7  }
0x10: {  	[smem:$0x3FAA] =	sst s8  }
0x11: {  	[smem:$0x3FAB] =	sst s9;
	s0 =	simm.s32 @!p0 $0x0  }
0x12: {  	s1 =	sld [smem:$0x3F91];
	s0 =	simm.s32 @p0 $0x1  }
0x13: {  	[smem:$0x3FAC] =	sst s0;
	s0 =	simm.s32 @!p1 $0x0  }
0x14: {  	s2 =	sld [smem:$0x3F90];
	s0 =	simm.s32 @p1 $0x1  }
0x15: {  	[smem:$0x3FAD] =	sst s0;
	s0 =	simm.s32 @!p2 $0x0  }
0x16: {  	s3 =	sld [smem:$0x3FDB];
	s0 =	simm.s32 @p2 $0x1  }
0x17: {  	s4 =	simm.s32 $0x1BF5;
	[smem:$0x3FAF] =	sst s0  }
0x18: {  	s0 =	sld [smem:$0x3F92];
	_ =	swait.ge [sflag:s4], $0x0  }
0x19: {  	s7 =	sld [smem:$0x3F93]  }
0x1a: {  	s8 =	sadd.s32 $0xFFFFE003, lr  }
0x1b: {  	s9 =	sadd.s32 $0xFFFFFEF7, lr;
	s5 =	simm.s32 $0xFFFFFFFF;
	p2 =	slt.u32 s8, $0xFFFFF086  }
0x1c: {  	p1 =	slt.u32 s9, $0xF7A;
	s5 =	simm.s32 @!p2 $0x0  }
0x1d: {  	s5 =	simm.s32 @p1 $0x1;
	p0 =	seq.s32 s7, s2  }
0x1e: {  	s7 =	smul.u32 @!p0 $0xF7A, s2;
	p2 =	seq.s32 @!p0 s5, $0x0  }
0x1f: {  	s9 =	smul.u32 $0xF7A, s1;
	s8 =	simm.s32 @!p0 $0x1BF5;
	p2 =	por !p2, p0  }
0x20: {  	[sflag:s8] =	ssyncset.s32 @!p0 $0xFFFFF086;
	s6 =	sadd.s32 @!p0 s3, s7;
	s7 =	simm.s32 @!p0 $0x108  }
0x21: {  	s3 =	sadd.s32 s3, s9;
	s6 =	sadd.s32 @!p0 $0x88, s6;
	s7 =	simm.s32 @p2 $0x1082  }
0x22: {  	[simem:s7], [sflag:s8] =	dma.local @!p0 [hbm:s6], $0xF7A  }
0x23: {  	s9 =	sor.u32 $0xD0000000, s2;
	s6 =	simm.s32 $0x108;
	_ =	swait.ge @!p0 [sflag:s8], $0x0  }
0x24: {  	s3 =	sadd.s32 $0x88, s3;
	s6 =	simm.s32 @!p1 $0x1082;
	[sflag:s4] =	ssyncset.s32 $0xFFFFF086  }
0x25: {  	[simem:s6], [sflag:s4] =	dma.local [hbm:s3], $0xF7A  }
0x26: {  	[smem:$0x3F93] =	sst s1;
	(tag) =	ssettag s2;
	_ =	strace s9  }
0x27: {  	s1 =	sld [smem:$0x3FA3]  }
0x28: {  	s2 =	sld [smem:$0x3FA4]  }
0x29: {  	s4 =	sld [smem:$0x3FA6]  }
0x2a: {  	p0 =	seq.s32 s5, $0x0;
	s5 =	sld [smem:$0x3FA7]  }
0x2b: {  	s6 =	sld [smem:$0x3FA8]  }
0x2c: {  	s7 =	sld [smem:$0x3FA9]  }
0x2d: {  	s3 =	simm.s32 $0x108;
	s8 =	sld [smem:$0x3FAA]  }
0x2e: {  	s3 =	simm.s32 @!p0 $0x1082;
	s9 =	sld [smem:$0x3FAB]  }
0x2f: {  	lr =	sadd.s32 s0, s3;
	s0 =	sld [smem:$0x3FA2]  }
0x30: {  	s3 =	sld [smem:$0x3FA5]  }
0x31: {  	[smem:$0x3FAE] =	sst s10  }
0x32: {  	s10 =	sld [smem:$0x3FAC];
	_ =	sdelay $0x3  }
0x33: {  	p0 =	seq.s32 s10, $0x1;
	s10 =	sld [smem:$0x3FAE];
	_ =	sdelay $0x3  }
0x34: {  	[smem:$0x3FAE] =	sst s10  }
0x35: {  	s10 =	sld [smem:$0x3FAD];
	_ =	sdelay $0x3  }
0x36: {  	p1 =	seq.s32 s10, $0x1;
	s10 =	sld [smem:$0x3FAE];
	_ =	sdelay $0x3  }
0x37: {  	[smem:$0x3FAE] =	sst s10  }
0x38: {  	s10 =	sld [smem:$0x3FAF]  }
0x39: {  	_ = 	snop;
	(pc) =	sbr.ind lr, $3  }
0x3a: {  	_ = 	snop  }
0x3b: {  	_ = 	snop  }
0x3c: {  	p2 =	seq.s32 s10, $0x1;
	s10 =	sld [smem:$0x3FAE]  }
0x3d: {  	_ =	shalt  }
0x3e: {  	_ =	shalt  }
0x3f: {  	_ =	shalt  }
0x40: {  	_ =	shalt  }
0x41: {  	_ =	shalt  }
0x42: {  	_ =	shalt  }
0x43: {  	_ =	shalt  }
0x44: {  	_ =	shalt  }
0x45: {  	_ =	shalt  }
0x46: {  	_ =	shalt  }
0x47: {  	_ =	shalt  }
0x48: {  	_ =	shalt  }
0x49: {  	_ =	shalt  }
0x4a: {  	_ =	shalt  }
0x4b: {  	_ =	shalt  }
0x4c: {  	_ =	shalt  }
0x4d: {  	_ =	shalt  }
0x4e: {  	_ =	shalt  }
0x4f: {  	_ =	shalt  }
0x50: {  	_ =	shalt  }
0x51: {  	_ =	shalt  }
0x52: {  	_ =	shalt  }
0x53: {  	_ =	shalt  }
0x54: {  	_ =	shalt  }
0x55: {  	_ =	shalt  }
0x56: {  	_ =	shalt  }
0x57: {  	_ =	shalt  }
0x58: {  	_ =	shalt  }
0x59: {  	_ =	shalt  }
0x5a: {  	_ =	shalt  }
0x5b: {  	_ =	shalt  }
0x5c: {  	_ =	shalt  }
0x5d: {  	_ =	shalt  }
0x5e: {  	_ =	shalt  }
0x5f: {  	_ =	shalt  }
0x60: {  	_ =	shalt  }
0x61: {  	_ =	shalt  }
0x62: {  	_ =	shalt  }
0x63: {  	_ =	shalt  }
0x64: {  	_ =	shalt  }
0x65: {  	_ =	shalt  }
0x66: {  	_ =	shalt  }
0x67: {  	_ =	shalt  }
0x68: {  	_ =	shalt  }
0x69: {  	_ =	shalt  }
0x6a: {  	_ =	shalt  }
0x6b: {  	_ =	shalt  }
0x6c: {  	_ =	shalt  }
0x6d: {  	_ =	shalt  }
0x6e: {  	_ =	shalt  }
0x6f: {  	_ =	shalt  }
0x70: {  	_ =	shalt  }
0x71: {  	_ =	shalt  }
0x72: {  	_ =	shalt  }
0x73: {  	_ =	shalt  }
0x74: {  	_ =	shalt  }
0x75: {  	_ =	shalt  }
0x76: {  	_ =	shalt  }
0x77: {  	_ =	shalt  }
0x78: {  	_ =	shalt  }
0x79: {  	_ =	shalt  }
0x7a: {  	_ =	shalt  }
0x7b: {  	_ =	shalt  }
0x7c: {  	_ =	shalt  }
0x7d: {  	_ =	shalt  }
0x7e: {  	_ =	shalt  }
0x7f: {  	_ =	shalt  }
0x80: {  	_ =	shalt  }
0x81: {  	_ =	shalt  }
0x82: {  	_ =	shalt  }
0x83: {  	_ =	shalt  }
0x84: {  	_ =	shalt  }
0x85: {  	_ =	shalt  }
0x86: {  	_ =	shalt  }
0x87: {  	_ =	shalt  }
.Lfunc_end0:
.L_simem_size_0:
called_computation.1_lowered:
.L_overlay_start_0:
0x88: {  	s2 =	sld [smem:$0x3FD9]  }
0x89: {  	s3 =	sld [smem:$0x3FFE];
	_ =	sdelay $0x1  }
0x8a: {  	s1 =	srdreg.scid  }
0x8b: {  	s0 =	sand.u32 $0x1, s1  }
0x8c: {  	s16 =	sshll.u32 s0, $0xA;
	s2 =	sadd.s32 s3, s2  }
0x8d: {  	s2 =	sadd.s32 s2, s16  }
0x8e: {  	[smem:$0x3FBA] =	sst s2  }
0x8f: {  	_ = 	snop  }
0x90: {  	(tm) =	ssettm $0x1  }
0x91: {  	s17 =	sld [smem:$0x3FFB];
	_ =	sdelay $0x3  }
0x92: {  	_ =	strace s17  }
0x93: {  	s2 =	sld [smem:$0x3FFC];
	_ =	sdelay $0x3  }
0x94: {  	_ =	strace s2  }
0x95: {  	s2 =	sld [smem:$0x3FFD];
	_ =	sdelay $0x3  }
0x96: {  	_ =	strace s2  }
0x97: {  	_ =	strace $0x8FFFFFFF  }
0x98: {  	s18 =	sld [smem:$0x3FDB];
	_ =	sdelay $0x1  }
0x99: {  	s19 =	simm.s32 $_scs_section_size  }
0x9a: {  	s4 =	simm.s32 $_size__tile_overlayer_lowered;
	s5 =	simm.s32 $_tile_overlayer_lowered  }
0x9b: {  	s22 =	simm.s32 $0x1BFF;
	s21 =	sshll.u32 s5, $0x1;
	s2 =	sadd.s32 s19, s18  }
0x9c: {  	s6 =	simm.s32 $0x0;
	s20 =	sshll.u32 s4, $0x1;
	s4 =	sadd.s32 s21, s2  }
0x9d: {  	[timem:s6], [sflag:s22] =	dma.local [hbm:s4], s20  }
0x9e: {  	_ =	swait.ge [sflag:s22], s20  }
0x9f: {  	s3 =	ssub.s32 $0x0, s20;
	[sflag:s22] =	ssyncset.done $0x0  }
0xa0: {  	[sflag:s22] =	ssyncadd.s32 s3;
	_ =	sdelay $0x1  }
0xa1: {  	s23 =	simm.s32 $0x1B8B  }
0xa2: {  	_ =	swait.ge [sflag:s23], $0x1  }
0xa3: {  	[sflag:s23] =	ssyncset.done $0x0  }
0xa4: {  	s25 =	simm.s32 $0x1B8E;
	s24 =	sld [smem:$0x3FFE];
	[sflag:s23] =	ssyncadd.s32 $0xFFFFFFFF  }
0xa5: {  	s26 =	simm.s32 $execute0_lowered;
	[smem:$0x3FD2] =	sst s25  }
0xa6: {  	s4 =	sshll.u32 s26, $0x1;
	_ =	strace $0x80000049;
	[dreg:$0x1] =	wrdreg $0xFFFFFFFF  }
0xa7: {  	s28 =	simm.s32 $_size_execute0_lowered;
	s2 =	sadd.s32 s2, s4;
	[dreg:$0x0] =	wrdreg $0x0  }
0xa8: {  	s4 =	sshll.u32 s28, $0x1;
	[dreg:$0x2] =	wrdreg s2  }
0xa9: {  	[dreg:$0x3] =	wrdreg s4  }
0xaa: {  	[dreg:$0x4] =	wrdreg $0xC0  }
0xab: {  	_ =	task [dreg:s6], $0x5FFFF  }
0xac: {  	[dreg:$0x1] =	wrdreg $0xFFFFFFFF  }
0xad: {  	[dreg:$0x0] =	wrdreg $0x60  }
0xae: {  	[dreg:$0x2] =	wrdreg s24  }
0xaf: {  	[dreg:$0x3] =	wrdreg $0x9  }
0xb0: {  	_ =	task.clear_ibuf [dreg:s6], $0x4FFFF;
	_ =	strace $0x90000049  }
0xb1: {  	s29 =	simm.s32 $0x9;
	_ =	strace $0x8000004B  }
0xb2: {  	_ =	swait.ge [sflag:s29], $0x1  }
0xb3: {  	[sflag:s29] =	ssyncadd.s32 $0xFFFFFFFF  }
0xb4: {  	_ =	strace $0x9000004B  }
0xb5: {  	_ =	sfence  }
0xb6: {  	s30 =	sld [smem:$0x0];
	_ =	sdelay $0x2  }
0xb7: {  	s31 =	sshll.u32 s1, $0xD;
	s1 =	sshrl.u32 s1, $0x2  }
0xb8: {  	s3 =	sand.u32 $0x4000, s31;
	s1 =	sadd.s32 s1, s30  }
0xb9: {  	s0 =	sor.u32 s3, s0;
	s1 =	sshll.u32 s1, $0x11  }
0xba: {  	s0 =	sor.u32 s1, s0  }
0xbb: {  	s0 =	sadd.s32 $0x8F2B, s0  }
0xbc: {  	[sflag:s0] =	ssyncadd.remote.s32 $0x1  }
0xbd: {  	_ =	sfence.sel $0xFFFF  }
0xbe: {  	[dreg:$0x0] =	wrdreg $0xFFFFFFFF;
	(pc) =	sbr.abs _section_cstart, $3  }
0xbf: {  	[dreg:$0x1] =	wrdreg $0xFFFFFFFF  }
0xc0: {  	_ =	task.clear_ibuf [dreg:s6], $0x2FFFF;
	_ =	strace $0x9FFFFFFF  }
0xc1: {  	(tm) =	ssettm $0x7FFFFFFF  }
tec
execute0_lowered:
.L_overlay_start_1:
0x0: {  	(tag) =	ssettag $0x1  }
0x1: {  	s5 =	rddreg [dreg:$0x0]  }
0x2: {  	s0 =	rddreg [dreg:$0x1]  }
0x3: {  	s3 =	srdreg.scid;
	s1 =	stileid.u32  }
0x4: {  	s2 =	simm.s32 $0x0;
	s9 =	simm.s32 $0x80;
	s12 =	simm.s32 $0x4C00  }
0x5: {  	s13 =	simm.s32 $0x6C00;
	s3 =	sand.u32 $0x1, s3;
	s4 =	sshll.u32 s1, $0x1  }
0x6: {  	s14 =	simm.s32 $0x2;
	[smem:$0x7FF] =	sst s2;
	s4 =	sor.u32 s3, s4  }
0x7: {  	s15 =	simm.s32 $0x0;
	_ =	strace $0x8000004A;
	s6 =	smul.u32 $0x3100, s4  }
.Ltmp0:
0x8: {  	s7 =	ssub.s32 $0x2, s3;
	s3 =	sadd.s32 $0x151000, s5;
	(pc) =	sbr.rel .LBB2_1-.Ltmp0, $4  }
0x9: {  	s8 =	sshrl.u32 s7, $0x1;
	s10 =	smul.u32 $0x620, s4;
	s4 =	sadd.s32 $0xDF3000, s5  }
0xa: {  	s31 =	ssub.s32 s7, s8;
	s7 =	simm.s32 $0x3;
	s8 =	simm.s32 $0x1  }
0xb: {  	v4 =	vlaneseq.u32;
	v2 =	vimm.f32 $0.0e+00;
	v3 =	vimm.s32 $0x0;
	s5 =	sadd.s32 s6, s5;
	s11 =	sadd.s32 $0x620, s10;
	s6 =	smax.u32 s31, $0x1  }
0xc: {  	v4 =	vmul.u32 $0x40, v4;
	v0 =	vmov s10;
	s10 =	simm.s32 $0x800;
	s5 =	sadd.s32 $0x1600, s5;
	v1 =	vmov s11;
	s11 =	simm.s32 $0x2C00  }
.LBB2_43:
0xd: {  	s15 =	sadd.s32 $0x1, s15  }
0xe: {  	p0 =	sne.s32 s15, s6  }
.Ltmp1:
0xf: {  	_ = 	snop;
	(pc) =	sbr.rel @!p0 .LBB2_44-.Ltmp1, $4  }
0x10: {  	[hbm4b:s5+s2] =	stream.linear.scatter [tilespmem:s13], [sflag:$0x3], $0x18800, $0x38;
	[tilespmem:$0x1F400] =	vst v63  }
0x11: {  	_ =	swait.ge [sflag:s7], $0x18800  }
0x12: {  	[sflag:s7] =	ssyncset.done $0x0  }
0x13: {  	[sflag:s7] =	ssyncadd.s32 $0xFFFE7800  }
.LBB2_1:
0x14: {  	s16 =	simm.s32 $0x40;
	s17 =	simm.s32 $0x0  }
.LBB2_2:
0x15: {  	p0 =	sne.s32 s16, $0x61FC0;
	[tilespmem:s17+$0x6C00] =	vst v2;
	s17 =	smov.u32 s16;
	s16 =	sadd.s32 $0x40, s16  }
.Ltmp2:
0x16: {  	(pc) =	sbr.rel @p0 .LBB2_2-.Ltmp2, $2  }
0x17: {  	_ =	sdelay $0x2  }
0x18: {  	s17 =	sshra.s32 s17, $0x2  }
0x19: {  	[tilespmem:s17+$0x6C00] =	vst v2;
	s16 =	simm.s32 $0x40;
	s17 =	simm.s32 $0x0  }
.LBB2_4:
0x1a: {  	p0 =	sne.s32 s16, $0x3FC0;
	[tilespmem:s17+$0x1800] =	vst v2;
	s17 =	smov.u32 s16;
	s16 =	sadd.s32 $0x40, s16  }
.Ltmp3:
0x1b: {  	(pc) =	sbr.rel @p0 .LBB2_4-.Ltmp3, $2  }
0x1c: {  	_ =	sdelay $0x2  }
0x1d: {  	s17 =	sshra.s32 s17, $0x2  }
0x1e: {  	[tilespmem:s17+$0x1800] =	vst v2;
	s16 =	simm.s32 $0x40;
	s17 =	simm.s32 $0x0  }
.LBB2_6:
0x1f: {  	p0 =	sne.s32 s16, $0x3FC0;
	[tilespmem:s17+$0x800] =	vst v3;
	s17 =	smov.u32 s16;
	s16 =	sadd.s32 $0x40, s16  }
.Ltmp4:
0x20: {  	(pc) =	sbr.rel @p0 .LBB2_6-.Ltmp4, $2  }
0x21: {  	_ =	sdelay $0x2  }
0x22: {  	s17 =	sshra.s32 s17, $0x2  }
0x23: {  	[tilespmem:s17+$0x800] =	vst v3;
	s16 =	simm.s32 $0x0;
	s17 =	simm.s32 $0x40;
	s18 =	simm.s32 $0x0  }
.LBB2_8:
0x24: {  	p0 =	sne.s32 s17, $0xFC0;
	[tilespmem:s18+$0x2800] =	vst v3;
	s18 =	smov.u32 s17;
	s17 =	sadd.s32 $0x40, s17  }
.Ltmp5:
0x25: {  	(pc) =	sbr.rel @p0 .LBB2_8-.Ltmp5, $2  }
0x26: {  	_ =	sdelay $0x2  }
0x27: {  	s18 =	sshra.s32 s18, $0x2  }
.Ltmp6:
0x28: {  	(pc) =	sbr.rel .LBB2_10-.Ltmp6, $2  }
0x29: {  	_ =	sdelay $0x2  }
0x2a: {  	[tilespmem:s18+$0x2800] =	vst v3;
	s17 =	simm.s32 $0x0  }
.LBB2_31:
0x2b: {  	s17 =	sadd.s32 $0x1, s17  }
0x2c: {  	p1 =	sne.s32 s17, $0x620  }
.Ltmp7:
0x2d: {  	_ = 	snop;
	(pc) =	sbr.rel @!p1 .LBB2_32-.Ltmp7, $3  }
0x2e: {  	_ =	sdelay $0x1  }
0x2f: {  	p0 =	sgt.s32 s16, $0x1FF  }
0x30: {  	s16 =	simm.s32 @p0 $0x0  }
.LBB2_10:
0x31: {  	s18 =	sshll.u32 s17, $0x8  }
0x32: {  	s19 =	simm.s32 $0x0;
	s18 =	sadd.s32 s3, s18  }
0x33: {  	[tilespmem:s19], [sflag:$0x3] =	stream.linear.gather [hbm4b:s18+s19], $0x800, $0x38;
	[tilespmem:$0x1F400] =	vst v63  }
0x34: {  	_ =	swait.ge [sflag:s7], $0x800  }
0x35: {  	[sflag:s7] =	ssyncset.done $0x0  }
0x36: {  	s31 =	simm.s32 $0x0;
	[sflag:s7] =	ssyncadd.s32 $0xFFFFF800  }
0x37: {  	v5 =	vld [tilespmem:s31+$0x600]  }
0x38: {  	v6 =	vld [tilespmem:s31+$0x400];
	_ =	sdelay $0x4  }
0x39: {  	v5 =	vmul.f32 $4.000000000e+00, v5;
	v6 =	vmul.f32 $4.000000000e+00, v6;
	_ =	sdelay $0x1  }
0x3a: {  	v7 =	vtrunc.f32 v5;
	v8 =	vtrunc.f32 v6  }
0x3b: {  	v7 =	vcvt.f32.s32 v7;
	v8 =	vcvt.f32.s32 v8;
	_ =	sdelay $0x1  }
0x3c: {  	v9 =	vld [tilespmem:s31+$0x0];
	vm0 =	vgt.s32 v7, $0x0;
	vm1 =	vgt.s32 v8, $0x0  }
0x3d: {  	v10 =	vld [tilespmem:s31+$0x200];
	v7 =	vnsel vm0, $0x0, v7;
	v8 =	vnsel vm1, $0x0, v8  }
0x3e: {  	v7 =	vmin.u32 v7, $0x3;
	v8 =	vmin.u32 v8, $0x3  }
0x3f: {  	v11 =	vcvt.s32.f32 v7;
	v12 =	vcvt.s32.f32 v8;
	_ =	sdelay $0x1  }
0x40: {  	v5 =	vsub.f32 v5, v11;
	v6 =	vsub.f32 v6, v12  }
0x41: {  	v9 =	vmul.u32 $0x19, v9;
	vm14 =	vge.s32 v10, v0;
	vm15 =	vlt.s32 v10, v1  }
0x42: {  	v7 =	vmul.u32 $0x5, v7;
	v56 =	vsub.f32 $1.000000000e+00, v6;
	v57 =	vsub.f32 $1.000000000e+00, v5  }
0x43: {  	vm0 =	vmand vm14, vm15;
	v8 =	vadd.s32 v9, v8  }
0x44: {  	v59 =	vsel vm0, $0x1, v3;
	v7 =	vadd.s32 v7, v8;
	v58 =	vmul.f32 v57, v56  }
0x45: {  	(xrf0) =	vadd.scan.msk.s32 $0xffff, v59;
	[tilespmem:s16+$0x800] =	vst.msk vm0, v7  }
0x46: {  	v61 =	vadd.s32 $0x1, v7;
	v60 =	vmul.f32 v57, v6;
	[tilespmem:s16+$0x1800] =	vst.msk vm0, v58  }
0x47: {  	v63 =	vadd.s32 $0x5, v7;
	[tilespmem:s16+$0xC00] =	vst.msk vm0, v61  }
0x48: {  	v62 =	vmul.f32 v5, v56;
	v5 =	vmul.f32 v5, v6;
	v6 =	vadd.s32 $0x6, v7;
	[tilespmem:s16+$0x1C00] =	vst.msk vm0, v60  }
0x49: {  	[tilespmem:s16+$0x1000] =	vst.msk vm0, v63  }
0x4a: {  	[tilespmem:s16+$0x2000] =	vst.msk vm0, v62  }
0x4b: {  	[tilespmem:s16+$0x1400] =	vst.msk vm0, v6;
	v6, _, _ =	vpop (xrf0)  }
0x4c: {  	(v2sf) =	vpush v6, $0xF;
	_ =	sdelay $0x9  }
0x4d: {  	v7 =	vsub.s32 v10, v0  }
0x4e: {  	v7 =	vnsel vm0, $0x0, v7;
	[tilespmem:s16+$0x2400] =	vst.msk vm0, v5  }
0x4f: {  	s20 =	simm.s32 $0x10;
	s18 =	simm.s32 $0x80;
	[tilespmem:s16+$0x2800] =	vst.msk vm0, v7  }
.LBB2_11:
0x50: {  	p0 =	sne.s32 s18, $0x7C0;
	v5 =	vld [tilespmem:s20+$0x600];
	s19 =	smov.u32 s18;
	s18 =	sadd.s32 $0x40, s18  }
0x51: {  	v6 =	vld [tilespmem:s20+$0x400]  }
0x52: {  	v7 =	vld [tilespmem:s20+$0x200];
	s21 =	spop (v2sf)  }
0x53: {  	s16 =	sadd.s32 s16, s21;
	_ =	sdelay $0x1  }
0x54: {  	v5 =	vmul.f32 $4.000000000e+00, v5  }
0x55: {  	v6 =	vmul.f32 $4.000000000e+00, v6  }
0x56: {  	v8 =	vld [tilespmem:s20+$0x0];
	v9 =	vtrunc.f32 v5;
	vm0 =	vge.s32 v7, v0;
	vm1 =	vlt.s32 v7, v1  }
0x57: {  	v10 =	vtrunc.f32 v6;
	v9 =	vcvt.f32.s32 v9;
	vm0 =	vmand vm0, vm1  }
0x58: {  	v10 =	vcvt.f32.s32 v10;
	v11 =	vsel vm0, $0x1, v3  }
0x59: {  	vm1 =	vgt.s32 v9, $0x0;
	(xrf0) =	vadd.scan.msk.s32 $0xffff, v11  }
0x5a: {  	vm2 =	vgt.s32 v10, $0x0;
	v9 =	vnsel vm1, $0x0, v9  }
0x5b: {  	v10 =	vnsel vm2, $0x0, v10;
	v9 =	vmin.u32 v9, $0x3;
	v8 =	vmul.u32 $0x19, v8  }
0x5c: {  	v10 =	vmin.u32 v10, $0x3;
	v11 =	vcvt.s32.f32 v9;
	v13 =	vmul.u32 $0x5, v9  }
0x5d: {  	v12 =	vcvt.s32.f32 v10;
	v8 =	vadd.s32 v8, v10  }
0x5e: {  	v5 =	vsub.f32 v5, v11;
	v8 =	vadd.s32 v13, v8  }
0x5f: {  	v6 =	vsub.f32 v6, v12;
	v9, _, _ =	vpop (xrf0)  }
0x60: {  	(v2sf) =	vpush v9, $0xF  }
0x61: {  	v10 =	vsub.f32 $1.000000000e+00, v5;
	v9 =	vsub.f32 $1.000000000e+00, v6;
	v11 =	vmul.f32 v5, v6;
	_ =	sdelay $0x1  }
0x62: {  	v6 =	vmul.f32 v10, v6;
	v12 =	vmul.f32 v10, v9  }
0x63: {  	v5 =	vmul.f32 v5, v9;
	[tilespmem:s16+$0x800] =	vst.msk vm0, v8  }
0x64: {  	v9 =	vadd.s32 $0x1, v8;
	[tilespmem:s16+$0x1800] =	vst.msk vm0, v12  }
0x65: {  	[tilespmem:s16+$0xC00] =	vst.msk vm0, v9  }
0x66: {  	[tilespmem:s16+$0x1C00] =	vst.msk vm0, v6;
	v6 =	vadd.s32 $0x5, v8  }
.Ltmp8:
0x67: {  	[tilespmem:s16+$0x1000] =	vst.msk vm0, v6;
	(pc) =	sbr.rel @p0 .LBB2_11-.Ltmp8, $4  }
0x68: {  	[tilespmem:s16+$0x2000] =	vst.msk vm0, v5;
	v5 =	vadd.s32 $0x6, v8  }
0x69: {  	v6 =	vsub.s32 v7, v0;
	[tilespmem:s16+$0x1400] =	vst.msk vm0, v5  }
0x6a: {  	s20 =	sshra.s32 s19, $0x2;
	v5 =	vnsel vm0, $0x0, v6;
	[tilespmem:s16+$0x2400] =	vst.msk vm0, v11  }
0x6b: {  	[tilespmem:s16+$0x2800] =	vst.msk vm0, v5  }
0x6c: {  	v5 =	vld [tilespmem:s20+$0x200];
	_ =	sdelay $0x4  }
0x6d: {  	vm0 =	vge.s32 v5, v0;
	vm1 =	vlt.s32 v5, v1  }
0x6e: {  	vm0 =	vmand vm0, vm1  }
0x6f: {  	v8 =	vsel vm0, $0x1, v3  }
0x70: {  	v6 =	vld [tilespmem:s20+$0x600];
	(xrf0) =	vadd.scan.msk.s32 $0xffff, v8  }
0x71: {  	v7 =	vld [tilespmem:s20+$0x400];
	_ =	sdelay $0x4  }
0x72: {  	v6 =	vmul.f32 $4.000000000e+00, v6;
	v7 =	vmul.f32 $4.000000000e+00, v7;
	v10, _, _ =	vpop (xrf0)  }
0x73: {  	(v2sf) =	vpush v10, $0xF  }
0x74: {  	v55 =	vtrunc.f32 v6;
	v9 =	vtrunc.f32 v7  }
0x75: {  	v8 =	vcvt.f32.s32 v55;
	v9 =	vcvt.f32.s32 v9;
	_ =	sdelay $0x1  }
0x76: {  	vm15 =	vgt.s32 v8, $0x0;
	vm2 =	vgt.s32 v9, $0x0  }
0x77: {  	v56 =	vld [tilespmem:s20+$0x0];
	v8 =	vnsel vm15, $0x0, v8;
	v9 =	vnsel vm2, $0x0, v9  }
0x78: {  	v8 =	vmin.u32 v8, $0x3;
	v9 =	vmin.u32 v9, $0x3  }
0x79: {  	v11 =	vcvt.s32.f32 v8;
	v12 =	vcvt.s32.f32 v9;
	_ =	sdelay $0x1  }
0x7a: {  	v6 =	vsub.f32 v6, v11;
	v7 =	vsub.f32 v7, v12  }
0x7b: {  	v10 =	vmul.u32 $0x19, v56  }
0x7c: {  	v8 =	vmul.u32 $0x5, v8;
	v57 =	vsub.f32 $1.000000000e+00, v7;
	v58 =	vsub.f32 $1.000000000e+00, v6  }
0x7d: {  	s18 =	spop (v2sf);
	v9 =	vadd.s32 v10, v9  }
0x7e: {  	s18 =	sadd.s32 s16, s18;
	v8 =	vadd.s32 v8, v9;
	v59 =	vmul.f32 v58, v57  }
0x7f: {  	[tilespmem:s18+$0x800] =	vst.msk vm0, v8  }
0x80: {  	v60 =	vmul.f32 v58, v7;
	v61 =	vadd.s32 $0x1, v8;
	[tilespmem:s18+$0x1800] =	vst.msk vm0, v59;
	s31 =	spop (v2sf)  }
0x81: {  	[tilespmem:s18+$0xC00] =	vst.msk vm0, v61;
	s16 =	sadd.s32 s18, s31  }
0x82: {  	v62 =	vmul.f32 v6, v57;
	v63 =	vadd.s32 $0x5, v8;
	[tilespmem:s18+$0x1C00] =	vst.msk vm0, v60;
	p0 =	slt.s32 s16, $0x200  }
.Ltmp9:
0x83: {  	[tilespmem:s18+$0x1000] =	vst.msk vm0, v63;
	(pc) =	sbr.rel @p0 .LBB2_31-.Ltmp9, $4  }
0x84: {  	v6 =	vmul.f32 v6, v7;
	v7 =	vadd.s32 $0x6, v8;
	[tilespmem:s18+$0x2000] =	vst.msk vm0, v62  }
0x85: {  	v5 =	vsub.s32 v5, v0;
	[tilespmem:s18+$0x1400] =	vst.msk vm0, v7  }
0x86: {  	v5 =	vnsel vm0, $0x0, v5;
	[tilespmem:s18+$0x2400] =	vst.msk vm0, v6  }
0x87: {  	[tilespmem:s18+$0x2800] =	vst.msk vm0, v5  }
0x88: {  	s18 =	sadd.s32 $0x7F, s16  }
0x89: {  	s19 =	sand.u32 $0x7F, s18  }
0x8a: {  	s20 =	sshra.s32 s18, $0x1F;
	p0 =	slt.s32 s18, $0x0;
	p1 =	sne.s32 s19, $0x0  }
0x8b: {  	s31 =	sshrl.u32 s20, $0x19;
	p0 =	por !p0, !p1  }
0x8c: {  	s19 =	simm.s32 $0x1;
	s18 =	sadd.s32 s31, s18;
	p0 =	por !p0, !p0  }
0x8d: {  	s18 =	sshra.s32 s18, $0x7;
	s19 =	simm.s32 @!p0 $0x0  }
0x8e: {  	s19 =	ssub.s32 s18, s19  }
0x8f: {  	p0 =	slt.s32 s19, $0x1  }
.Ltmp10:
0x90: {  	_ = 	snop;
	(pc) =	sbr.rel @p0 .LBB2_24-.Ltmp10, $1  }
0x91: {  	_ =	sdelay $0x3  }
0x92: {  	[tilespmem:s11], [sflag:$0x1] =	stream.indirect.gather [hbm4b:s4+s9], $0x40, s10, s9, $0xb8;
	[tilespmem:$0x1F400] =	vst v63  }
0x93: {  	s18 =	sshll.u32 s19, $0x2;
	s19 =	sshll.u32 s19, $0x1;
	s20 =	simm.s32 $0x0  }
.LBB2_15:
0x94: {  	s23 =	sshll.u32 s20, $0x1  }
0x95: {  	s21 =	sxor.u32 $0xFFFFFFFF, s23;
	s22 =	sshra.s32 s23, $0x1F  }
0x96: {  	s24 =	sshllo.u32 s20, $0x1;
	s21 =	sshrl.u32 s21, $0x1F;
	s25 =	sshrl.u32 s22, $0x1E  }
0x97: {  	p1 =	slt.s32 s23, $0x1;
	s21 =	sadd.s32 s21, s22;
	s26 =	sadd.s32 s25, s24  }
0x98: {  	s24 =	sshll.u32 s24, $0xA;
	s30 =	sadd.s32 s25, s23;
	p0 =	sne.s32 s21, $0x1  }
0x99: {  	s21 =	simm.s32 $0x1;
	s22 =	sshrl.u32 s26, $0x2;
	s25 =	sand.u32 $0xFFFFFFFC, s30  }
0x9a: {  	s28 =	sand.u32 $0xC00, s24;
	s21 =	simm.s32 @!p0 $0x0;
	p6 =	sne.s32 s23, s25  }
0x9b: {  	s24 =	sshrl.u32 s30, $0x2;
	s21 =	ssub.s32 s22, s21;
	p0 =	por !p1, !p6  }
0x9c: {  	s25 =	simm.s32 $0x1;
	s21 =	sshll.u32 s21, $0x7;
	p0 =	por !p0, !p0  }
0x9d: {  	s26 =	sshll.u32 s20, $0xB;
	s22 =	sadd.s32 s28, s21;
	s25 =	simm.s32 @!p0 $0x0  }
0x9e: {  	s26 =	sadd.s32 $0x1000, s26;
	s29 =	sadd.s32 $0x800, s22;
	s24 =	ssub.s32 s24, s25  }
0x9f: {  	[tilespmem:s12], [sflag:$0x2] =	stream.indirect.gather [hbm4b:s4+s9], $0x40, s29, s9, $0xb8;
	[tilespmem:$0x1F400] =	vst v63  }
0xa0: {  	s31 =	sand.u32 $0x800, s26;
	s24 =	sshll.u32 s24, $0x7  }
0xa1: {  	_ =	swait.ge [sflag:s8], $0x2000;
	s25 =	sadd.s32 s24, s31  }
0xa2: {  	s24 =	sadd.s32 $0x2800, s24;
	[sflag:s8] =	ssyncset.done $0x0;
	s25 =	sadd.s32 $0x1800, s25  }
0xa3: {  	v6 =	vmov s24;
	s24 =	simm.s32 $0x0;
	[sflag:s8] =	ssyncadd.s32 $0xFFFFE000;
	v5 =	vmov s25  }
.LBB2_16:
0xa4: {  	s25 =	sshll.u32 s24, $0x4  }
0xa5: {  	v7 =	vmov s25  }
0xa6: {  	v7 =	vshll.u32 v7, $0x6  }
0xa7: {  	s26 =	simm.s32 $0x0;
	v9 =	vor.u32 v4, v7  }
0xa8: {  	v8 =	vor.u32 s26, v9  }
0xa9: {  	v10 =	vld.idx.msk [tilespmem:v6+s25+$0x0 ss:$0x1], $0xffff;
	_ =	sdelay $0x2  }
0xaa: {  	v7 =	vld.idx.msk [tilespmem:v5+s25+$0x0 ss:$0x1], $0xffff  }
0xab: {  	s28 =	simm.s32 $0x1;
	v11 =	vld.idx.msk [tilespmem:v8+s11+$0x0], $0xffff  }
0xac: {  	v12 =	vmov s28;
	v8 =	vshll.u32 v10, $0x6  }
0xad: {  	v12 =	vand.u32 $0x38, v12;
	v10 =	vor.u32 $0x1, v9;
	v13 =	vor.u32 s26, v8  }
0xae: {  	v12 =	vor.u32 v12, v10;
	_ =	sdelay $0x1  }
0xaf: {  	v11 =	vmul.f32 v11, v7;
	_ =	sdelay $0x1  }
0xb0: {  	[tilespmem:v13+s13+$0x0] =	vst.idx.add.f32.msk $0xffff, v11  }
0xb1: {  	s30 =	simm.s32 $0x2;
	v12 =	vld.idx.msk [tilespmem:v12+s11+$0x0], $0xffff  }
0xb2: {  	v13 =	vmov s30  }
0xb3: {  	v14 =	vor.u32 s28, v8;
	v11 =	vor.u32 $0x2, v9;
	v13 =	vand.u32 $0x38, v13  }
0xb4: {  	v13 =	vor.u32 v13, v11;
	_ =	sdelay $0x1  }
0xb5: {  	v12 =	vmul.f32 v12, v7;
	_ =	sdelay $0x1  }
0xb6: {  	[tilespmem:v14+s13+$0x0] =	vst.idx.add.f32.msk $0xffff, v12  }
0xb7: {  	s31 =	simm.s32 $0x3;
	v13 =	vld.idx.msk [tilespmem:v13+s11+$0x0], $0xffff  }
0xb8: {  	v14 =	vmov s31  }
0xb9: {  	v15 =	vor.u32 s30, v8;
	v12 =	vor.u32 $0x3, v9;
	v14 =	vand.u32 $0x38, v14  }
0xba: {  	v14 =	vor.u32 v14, v12;
	_ =	sdelay $0x1  }
0xbb: {  	v13 =	vmul.f32 v13, v7;
	_ =	sdelay $0x1  }
0xbc: {  	[tilespmem:v15+s13+$0x0] =	vst.idx.add.f32.msk $0xffff, v13  }
0xbd: {  	s28 =	simm.s32 $0x4;
	v14 =	vld.idx.msk [tilespmem:v14+s11+$0x0], $0xffff  }
0xbe: {  	v15 =	vmov s28  }
0xbf: {  	v16 =	vor.u32 s31, v8;
	v13 =	vor.u32 $0x4, v9;
	v15 =	vand.u32 $0x38, v15  }
0xc0: {  	v15 =	vor.u32 v15, v13;
	_ =	sdelay $0x1  }
0xc1: {  	v14 =	vmul.f32 v14, v7;
	_ =	sdelay $0x1  }
0xc2: {  	[tilespmem:v16+s13+$0x0] =	vst.idx.add.f32.msk $0xffff, v14  }
0xc3: {  	s30 =	simm.s32 $0x5;
	v15 =	vld.idx.msk [tilespmem:v15+s11+$0x0], $0xffff  }
0xc4: {  	v16 =	vmov s30  }
0xc5: {  	v17 =	vor.u32 s28, v8;
	v14 =	vor.u32 $0x5, v9;
	v16 =	vand.u32 $0x38, v16  }
0xc6: {  	v16 =	vor.u32 v16, v14;
	_ =	sdelay $0x1  }
0xc7: {  	v15 =	vmul.f32 v15, v7;
	_ =	sdelay $0x1  }
0xc8: {  	[tilespmem:v17+s13+$0x0] =	vst.idx.add.f32.msk $0xffff, v15  }
0xc9: {  	s31 =	simm.s32 $0x6;
	v16 =	vld.idx.msk [tilespmem:v16+s11+$0x0], $0xffff  }
0xca: {  	v17 =	vmov s31  }
0xcb: {  	v18 =	vor.u32 s30, v8;
	v15 =	vor.u32 $0x6, v9;
	v17 =	vand.u32 $0x38, v17  }
0xcc: {  	v17 =	vor.u32 v17, v15;
	_ =	sdelay $0x1  }
0xcd: {  	v16 =	vmul.f32 v16, v7;
	_ =	sdelay $0x1  }
0xce: {  	[tilespmem:v18+s13+$0x0] =	vst.idx.add.f32.msk $0xffff, v16  }
0xcf: {  	s28 =	simm.s32 $0x7;
	v17 =	vld.idx.msk [tilespmem:v17+s11+$0x0], $0xffff  }
0xd0: {  	v18 =	vmov s28  }
0xd1: {  	v19 =	vor.u32 s31, v8;
	v16 =	vor.u32 $0x7, v9;
	v18 =	vand.u32 $0x38, v18  }
0xd2: {  	v18 =	vor.u32 v18, v16;
	_ =	sdelay $0x1  }
0xd3: {  	v17 =	vmul.f32 v17, v7;
	_ =	sdelay $0x1  }
0xd4: {  	[tilespmem:v19+s13+$0x0] =	vst.idx.add.f32.msk $0xffff, v17  }
0xd5: {  	v19 =	vld.idx.msk [tilespmem:v18+s11+$0x0], $0xffff;
	_ =	sdelay $0x1  }
0xd6: {  	s29 =	simm.s32 $0x8;
	v18 =	vor.u32 s28, v8  }
0xd7: {  	v17 =	vor.u32 s29, v9;
	_ =	sdelay $0x1  }
0xd8: {  	s25 =	simm.s32 $0xF;
	s26 =	simm.s32 $0x17;
	v19 =	vmul.f32 v19, v7  }
.LBB2_17:
0xd9: {  	_ = 	snop  }
0xda: {  	p0 =	sne.s32 s26, $0x3F;
	s28 =	smov.u32 s26;
	s26 =	sadd.s32 $0x8, s26;
	[tilespmem:v18+s13+$0x0] =	vst.idx.add.f32.msk $0xffff, v19  }
0xdb: {  	v17 =	vld.idx.msk [tilespmem:v17+s11+$0x0], $0xffff  }
0xdc: {  	s30 =	sadd.s32 $0xFFFFFFFA, s25  }
0xdd: {  	v18 =	vmov s30  }
0xde: {  	v19 =	vor.u32 s29, v8;
	v18 =	vand.u32 $0x38, v18  }
0xdf: {  	v18 =	vor.u32 v18, v10;
	_ =	sdelay $0x1  }
0xe0: {  	v17 =	vmul.f32 v17, v7;
	_ =	sdelay $0x1  }
0xe1: {  	[tilespmem:v19+s13+$0x0] =	vst.idx.add.f32.msk $0xffff, v17  }
0xe2: {  	v17 =	vld.idx.msk [tilespmem:v18+s11+$0x0], $0xffff  }
0xe3: {  	s29 =	sadd.s32 $0xFFFFFFFB, s25  }
0xe4: {  	v18 =	vmov s29  }
0xe5: {  	v19 =	vor.u32 s30, v8;
	v18 =	vand.u32 $0x38, v18  }
0xe6: {  	v18 =	vor.u32 v18, v11;
	_ =	sdelay $0x1  }
0xe7: {  	v17 =	vmul.f32 v17, v7;
	_ =	sdelay $0x1  }
0xe8: {  	[tilespmem:v19+s13+$0x0] =	vst.idx.add.f32.msk $0xffff, v17  }
0xe9: {  	v17 =	vld.idx.msk [tilespmem:v18+s11+$0x0], $0xffff  }
0xea: {  	s30 =	sadd.s32 $0xFFFFFFFC, s25  }
0xeb: {  	v18 =	vmov s30  }
0xec: {  	v19 =	vor.u32 s29, v8;
	v18 =	vand.u32 $0x38, v18  }
0xed: {  	v18 =	vor.u32 v18, v12;
	_ =	sdelay $0x1  }
0xee: {  	v17 =	vmul.f32 v17, v7;
	_ =	sdelay $0x1  }
0xef: {  	[tilespmem:v19+s13+$0x0] =	vst.idx.add.f32.msk $0xffff, v17  }
0xf0: {  	v17 =	vld.idx.msk [tilespmem:v18+s11+$0x0], $0xffff  }
0xf1: {  	s29 =	sadd.s32 $0xFFFFFFFD, s25  }
0xf2: {  	v18 =	vmov s29  }
0xf3: {  	v19 =	vor.u32 s30, v8;
	v18 =	vand.u32 $0x38, v18  }
0xf4: {  	v18 =	vor.u32 v18, v13;
	_ =	sdelay $0x1  }
0xf5: {  	v17 =	vmul.f32 v17, v7;
	_ =	sdelay $0x1  }
0xf6: {  	[tilespmem:v19+s13+$0x0] =	vst.idx.add.f32.msk $0xffff, v17  }
0xf7: {  	v17 =	vld.idx.msk [tilespmem:v18+s11+$0x0], $0xffff  }
0xf8: {  	s30 =	sadd.s32 $0xFFFFFFFE, s25  }
0xf9: {  	v18 =	vmov s30  }
0xfa: {  	v19 =	vor.u32 s29, v8;
	v18 =	vand.u32 $0x38, v18  }
0xfb: {  	v18 =	vor.u32 v18, v14;
	_ =	sdelay $0x1  }
0xfc: {  	v17 =	vmul.f32 v17, v7;
	_ =	sdelay $0x1  }
0xfd: {  	[tilespmem:v19+s13+$0x0] =	vst.idx.add.f32.msk $0xffff, v17  }
0xfe: {  	v17 =	vld.idx.msk [tilespmem:v18+s11+$0x0], $0xffff  }
0xff: {  	s29 =	sadd.s32 $0xFFFFFFFF, s25  }
0x100: {  	v18 =	vmov s29  }
0x101: {  	v19 =	vor.u32 s30, v8;
	v18 =	vand.u32 $0x38, v18  }
0x102: {  	v18 =	vor.u32 v18, v15;
	_ =	sdelay $0x1  }
0x103: {  	v17 =	vmul.f32 v17, v7;
	_ =	sdelay $0x1  }
0x104: {  	[tilespmem:v19+s13+$0x0] =	vst.idx.add.f32.msk $0xffff, v17  }
0x105: {  	v17 =	vld.idx.msk [tilespmem:v18+s11+$0x0], $0xffff;
	_ =	sdelay $0x1  }
0x106: {  	v18 =	vmov s25  }
0x107: {  	v19 =	vor.u32 s29, v8;
	v18 =	vand.u32 $0x38, v18  }
0x108: {  	v18 =	vor.u32 v18, v16;
	_ =	sdelay $0x1  }
0x109: {  	v17 =	vmul.f32 v17, v7;
	_ =	sdelay $0x1  }
0x10a: {  	[tilespmem:v19+s13+$0x0] =	vst.idx.add.f32.msk $0xffff, v17  }
0x10b: {  	v19 =	vld.idx.msk [tilespmem:v18+s11+$0x0], $0xffff;
	_ =	sdelay $0x1  }
.Ltmp11:
0x10c: {  	(pc) =	sbr.rel @p0 .LBB2_17-.Ltmp11, $3  }
0x10d: {  	s29 =	sadd.s32 $0xFFFFFFF9, s28;
	v18 =	vor.u32 s25, v8;
	s25 =	smov.u32 s28  }
0x10e: {  	v17 =	vor.u32 s29, v9;
	_ =	sdelay $0x1  }
0x10f: {  	v19 =	vmul.f32 v19, v7  }
0x110: {  	_ =	sdelay $0x3  }
0x111: {  	[tilespmem:v18+s13+$0x0] =	vst.idx.add.f32.msk $0xffff, v19  }
0x112: {  	s26 =	sadd.s32 $0xFFFFFFFA, s25;
	v9 =	vld.idx.msk [tilespmem:v17+s11+$0x0], $0xffff  }
0x113: {  	v50 =	vmov s26  }
0x114: {  	v51 =	vor.u32 s29, v8;
	v17 =	vand.u32 $0x38, v50  }
0x115: {  	v10 =	vor.u32 v17, v10;
	_ =	sdelay $0x1  }
0x116: {  	v9 =	vmul.f32 v9, v7;
	_ =	sdelay $0x1  }
0x117: {  	[tilespmem:v51+s13+$0x0] =	vst.idx.add.f32.msk $0xffff, v9  }
0x118: {  	s28 =	sadd.s32 $0xFFFFFFFB, s25;
	v9 =	vld.idx.msk [tilespmem:v10+s11+$0x0], $0xffff  }
0x119: {  	v52 =	vmov s28  }
0x11a: {  	v53 =	vor.u32 s26, v8;
	v10 =	vand.u32 $0x38, v52  }
0x11b: {  	v10 =	vor.u32 v10, v11;
	_ =	sdelay $0x1  }
0x11c: {  	v9 =	vmul.f32 v9, v7;
	_ =	sdelay $0x1  }
0x11d: {  	[tilespmem:v53+s13+$0x0] =	vst.idx.add.f32.msk $0xffff, v9  }
0x11e: {  	s31 =	sadd.s32 $0xFFFFFFFC, s25;
	v9 =	vld.idx.msk [tilespmem:v10+s11+$0x0], $0xffff  }
0x11f: {  	v54 =	vmov s31  }
0x120: {  	v55 =	vor.u32 s28, v8;
	v10 =	vand.u32 $0x38, v54  }
0x121: {  	v10 =	vor.u32 v10, v12;
	_ =	sdelay $0x1  }
0x122: {  	v9 =	vmul.f32 v9, v7;
	_ =	sdelay $0x1  }
0x123: {  	[tilespmem:v55+s13+$0x0] =	vst.idx.add.f32.msk $0xffff, v9  }
0x124: {  	s29 =	sadd.s32 $0xFFFFFFFD, s25;
	v9 =	vld.idx.msk [tilespmem:v10+s11+$0x0], $0xffff  }
0x125: {  	v56 =	vmov s29  }
0x126: {  	v57 =	vor.u32 s31, v8;
	v10 =	vand.u32 $0x38, v56  }
0x127: {  	v10 =	vor.u32 v10, v13;
	_ =	sdelay $0x1  }
0x128: {  	v9 =	vmul.f32 v9, v7;
	_ =	sdelay $0x1  }
0x129: {  	[tilespmem:v57+s13+$0x0] =	vst.idx.add.f32.msk $0xffff, v9  }
0x12a: {  	s30 =	sadd.s32 $0xFFFFFFFE, s25;
	v9 =	vld.idx.msk [tilespmem:v10+s11+$0x0], $0xffff  }
0x12b: {  	v58 =	vmov s30  }
0x12c: {  	v59 =	vor.u32 s29, v8;
	v10 =	vand.u32 $0x38, v58  }
0x12d: {  	v10 =	vor.u32 v10, v14;
	_ =	sdelay $0x1  }
0x12e: {  	v9 =	vmul.f32 v9, v7;
	_ =	sdelay $0x1  }
0x12f: {  	[tilespmem:v59+s13+$0x0] =	vst.idx.add.f32.msk $0xffff, v9  }
0x130: {  	s31 =	sadd.s32 $0xFFFFFFFF, s25;
	v9 =	vld.idx.msk [tilespmem:v10+s11+$0x0], $0xffff  }
0x131: {  	v60 =	vmov s31  }
0x132: {  	v61 =	vor.u32 s30, v8;
	v10 =	vand.u32 $0x38, v60  }
0x133: {  	v10 =	vor.u32 v10, v15;
	_ =	sdelay $0x1  }
0x134: {  	v9 =	vmul.f32 v9, v7;
	_ =	sdelay $0x1  }
0x135: {  	[tilespmem:v61+s13+$0x0] =	vst.idx.add.f32.msk $0xffff, v9  }
0x136: {  	v9 =	vld.idx.msk [tilespmem:v10+s11+$0x0], $0xffff  }
0x137: {  	v62 =	vmov s25  }
0x138: {  	v63 =	vor.u32 s31, v8;
	v10 =	vand.u32 $0x38, v62  }
0x139: {  	v10 =	vor.u32 v10, v16;
	_ =	sdelay $0x1  }
0x13a: {  	v9 =	vmul.f32 v9, v7;
	_ =	sdelay $0x1  }
0x13b: {  	[tilespmem:v63+s13+$0x0] =	vst.idx.add.f32.msk $0xffff, v9  }
0x13c: {  	v9 =	vld.idx.msk [tilespmem:v10+s11+$0x0], $0xffff  }
0x13d: {  	s24 =	sadd.s32 $0x1, s24  }
0x13e: {  	p0 =	sne.s32 s24, $0x8;
	v8 =	vor.u32 s25, v8  }
.Ltmp12:
0x13f: {  	_ = 	snop;
	(pc) =	sbr.rel @p0 .LBB2_16-.Ltmp12, $3  }
0x140: {  	_ = 	snop  }
0x141: {  	v7 =	vmul.f32 v9, v7;
	_ =	sdelay $0x1  }
0x142: {  	[tilespmem:v8+s13+$0x0] =	vst.idx.add.f32.msk $0xffff, v7  }
0x143: {  	s23 =	sadd.s32 $0x2, s23  }
0x144: {  	p0 =	sge.s32 s23, s18  }
0x145: {  	s24 =	sshra.s32 @!p0 s23, $0x1F  }
0x146: {  	s24 =	sshrl.u32 @!p0 s24, $0x1E  }
0x147: {  	s24 =	sadd.s32 @!p0 s24, s23  }
0x148: {  	s25 =	sand.u32 @!p0 $0xFFFFFFFC, s24  }
0x149: {  	p2 =	slt.s32 @!p0 s23, $0x1;
	p1 =	sne.s32 @!p0 s23, s25  }
0x14a: {  	p1 =	por @!p0 !p2, !p1  }
0x14b: {  	p1 =	por @!p0 !p1, !p1  }
0x14c: {  	s25 =	simm.s32 @!p0 $0x1;
	p1 =	por !p1, p0  }
0x14d: {  	s24 =	sshrl.u32 @!p0 s24, $0x2;
	s25 =	simm.s32 @p1 $0x0  }
0x14e: {  	s23 =	sshll.u32 @!p0 s23, $0xA;
	s24 =	ssub.s32 @!p0 s24, s25  }
0x14f: {  	s23 =	sadd.s32 @!p0 $0x1000, s23;
	s24 =	sshll.u32 @!p0 s24, $0x9  }
0x150: {  	s23 =	sand.u32 @!p0 $0x800, s23;
	s24 =	sshra.s32 @!p0 s24, $0x2  }
0x151: {  	s23 =	sadd.s32 @!p0 s24, s23  }
0x152: {  	s25 =	simm.s32 @!p0 $0x2C00;
	s24 =	simm.s32 @!p0 $0x80;
	s23 =	sadd.s32 @!p0 $0x800, s23  }
0x153: {  	[tilespmem:s25], [sflag:$0x1] =	stream.indirect.gather @!p0 [hbm4b:s4+s24], $0x40, s23, s24, $0xb8;
	[tilespmem:$0x1F400] =	vst v63  }
0x154: {  	_ =	swait.ge [sflag:s14], $0x2000  }
0x155: {  	s22 =	sadd.s32 $0x1800, s22;
	s31 =	sadd.s32 $0x2800, s21;
	[sflag:s14] =	ssyncset.done $0x0  }
0x156: {  	s21 =	simm.s32 $0x0;
	v5 =	vmov s22;
	v6 =	vmov s31;
	[sflag:s14] =	ssyncadd.s32 $0xFFFFE000  }
.LBB2_20:
0x157: {  	s22 =	sshll.u32 s21, $0x4  }
0x158: {  	v7 =	vmov s22  }
0x159: {  	v7 =	vshll.u32 v7, $0x6  }
0x15a: {  	s23 =	simm.s32 $0x0;
	v9 =	vor.u32 v4, v7  }
0x15b: {  	v8 =	vor.u32 s23, v9  }
0x15c: {  	v10 =	vld.idx.msk [tilespmem:v6+s22+$0x0 ss:$0x1], $0xffff;
	_ =	sdelay $0x2  }
0x15d: {  	v7 =	vld.idx.msk [tilespmem:v5+s22+$0x0 ss:$0x1], $0xffff  }
0x15e: {  	s25 =	simm.s32 $0x1;
	v11 =	vld.idx.msk [tilespmem:v8+s12+$0x0], $0xffff  }
0x15f: {  	v12 =	vmov s25;
	v8 =	vshll.u32 v10, $0x6  }
0x160: {  	v12 =	vand.u32 $0x38, v12;
	v10 =	vor.u32 $0x1, v9;
	v13 =	vor.u32 s23, v8  }
0x161: {  	v12 =	vor.u32 v12, v10;
	_ =	sdelay $0x1  }
0x162: {  	v11 =	vmul.f32 v11, v7;
	_ =	sdelay $0x1  }
0x163: {  	[tilespmem:v13+s13+$0x0] =	vst.idx.add.f32.msk $0xffff, v11  }
0x164: {  	s26 =	simm.s32 $0x2;
	v12 =	vld.idx.msk [tilespmem:v12+s12+$0x0], $0xffff  }
0x165: {  	v13 =	vmov s26  }
0x166: {  	v14 =	vor.u32 s25, v8;
	v11 =	vor.u32 $0x2, v9;
	v13 =	vand.u32 $0x38, v13  }
0x167: {  	v13 =	vor.u32 v13, v11;
	_ =	sdelay $0x1  }
0x168: {  	v12 =	vmul.f32 v12, v7;
	_ =	sdelay $0x1  }
0x169: {  	[tilespmem:v14+s13+$0x0] =	vst.idx.add.f32.msk $0xffff, v12  }
0x16a: {  	s28 =	simm.s32 $0x3;
	v13 =	vld.idx.msk [tilespmem:v13+s12+$0x0], $0xffff  }
0x16b: {  	v14 =	vmov s28  }
0x16c: {  	v15 =	vor.u32 s26, v8;
	v12 =	vor.u32 $0x3, v9;
	v14 =	vand.u32 $0x38, v14  }
0x16d: {  	v14 =	vor.u32 v14, v12;
	_ =	sdelay $0x1  }
0x16e: {  	v13 =	vmul.f32 v13, v7;
	_ =	sdelay $0x1  }
0x16f: {  	[tilespmem:v15+s13+$0x0] =	vst.idx.add.f32.msk $0xffff, v13  }
0x170: {  	s29 =	simm.s32 $0x4;
	v14 =	vld.idx.msk [tilespmem:v14+s12+$0x0], $0xffff  }
0x171: {  	v15 =	vmov s29  }
0x172: {  	v16 =	vor.u32 s28, v8;
	v13 =	vor.u32 $0x4, v9;
	v15 =	vand.u32 $0x38, v15  }
0x173: {  	v15 =	vor.u32 v15, v13;
	_ =	sdelay $0x1  }
0x174: {  	v14 =	vmul.f32 v14, v7;
	_ =	sdelay $0x1  }
0x175: {  	[tilespmem:v16+s13+$0x0] =	vst.idx.add.f32.msk $0xffff, v14  }
0x176: {  	s30 =	simm.s32 $0x5;
	v15 =	vld.idx.msk [tilespmem:v15+s12+$0x0], $0xffff  }
0x177: {  	v16 =	vmov s30  }
0x178: {  	v17 =	vor.u32 s29, v8;
	v14 =	vor.u32 $0x5, v9;
	v16 =	vand.u32 $0x38, v16  }
0x179: {  	v16 =	vor.u32 v16, v14;
	_ =	sdelay $0x1  }
0x17a: {  	v15 =	vmul.f32 v15, v7;
	_ =	sdelay $0x1  }
0x17b: {  	[tilespmem:v17+s13+$0x0] =	vst.idx.add.f32.msk $0xffff, v15  }
0x17c: {  	s31 =	simm.s32 $0x6;
	v16 =	vld.idx.msk [tilespmem:v16+s12+$0x0], $0xffff  }
0x17d: {  	v17 =	vmov s31  }
0x17e: {  	v18 =	vor.u32 s30, v8;
	v15 =	vor.u32 $0x6, v9;
	v17 =	vand.u32 $0x38, v17  }
0x17f: {  	v17 =	vor.u32 v17, v15;
	_ =	sdelay $0x1  }
0x180: {  	v16 =	vmul.f32 v16, v7;
	_ =	sdelay $0x1  }
0x181: {  	[tilespmem:v18+s13+$0x0] =	vst.idx.add.f32.msk $0xffff, v16  }
0x182: {  	s24 =	simm.s32 $0x7;
	v17 =	vld.idx.msk [tilespmem:v17+s12+$0x0], $0xffff  }
0x183: {  	v18 =	vmov s24  }
0x184: {  	v19 =	vor.u32 s31, v8;
	v16 =	vor.u32 $0x7, v9;
	v18 =	vand.u32 $0x38, v18  }
0x185: {  	v18 =	vor.u32 v18, v16;
	_ =	sdelay $0x1  }
0x186: {  	v17 =	vmul.f32 v17, v7;
	_ =	sdelay $0x1  }
0x187: {  	[tilespmem:v19+s13+$0x0] =	vst.idx.add.f32.msk $0xffff, v17  }
0x188: {  	v19 =	vld.idx.msk [tilespmem:v18+s12+$0x0], $0xffff;
	_ =	sdelay $0x1  }
0x189: {  	s25 =	simm.s32 $0x8;
	v18 =	vor.u32 s24, v8  }
0x18a: {  	v17 =	vor.u32 s25, v9;
	_ =	sdelay $0x1  }
0x18b: {  	s22 =	simm.s32 $0xF;
	s23 =	simm.s32 $0x17;
	v19 =	vmul.f32 v19, v7  }
.LBB2_21:
0x18c: {  	_ = 	snop  }
0x18d: {  	p0 =	sne.s32 s23, $0x3F;
	s24 =	smov.u32 s23;
	s23 =	sadd.s32 $0x8, s23;
	[tilespmem:v18+s13+$0x0] =	vst.idx.add.f32.msk $0xffff, v19  }
0x18e: {  	v17 =	vld.idx.msk [tilespmem:v17+s12+$0x0], $0xffff  }
0x18f: {  	s26 =	sadd.s32 $0xFFFFFFFA, s22  }
0x190: {  	v18 =	vmov s26  }
0x191: {  	v19 =	vor.u32 s25, v8;
	v18 =	vand.u32 $0x38, v18  }
0x192: {  	v18 =	vor.u32 v18, v10;
	_ =	sdelay $0x1  }
0x193: {  	v17 =	vmul.f32 v17, v7;
	_ =	sdelay $0x1  }
0x194: {  	[tilespmem:v19+s13+$0x0] =	vst.idx.add.f32.msk $0xffff, v17  }
0x195: {  	v17 =	vld.idx.msk [tilespmem:v18+s12+$0x0], $0xffff  }
0x196: {  	s25 =	sadd.s32 $0xFFFFFFFB, s22  }
0x197: {  	v18 =	vmov s25  }
0x198: {  	v19 =	vor.u32 s26, v8;
	v18 =	vand.u32 $0x38, v18  }
0x199: {  	v18 =	vor.u32 v18, v11;
	_ =	sdelay $0x1  }
0x19a: {  	v17 =	vmul.f32 v17, v7;
	_ =	sdelay $0x1  }
0x19b: {  	[tilespmem:v19+s13+$0x0] =	vst.idx.add.f32.msk $0xffff, v17  }
0x19c: {  	v17 =	vld.idx.msk [tilespmem:v18+s12+$0x0], $0xffff  }
0x19d: {  	s26 =	sadd.s32 $0xFFFFFFFC, s22  }
0x19e: {  	v18 =	vmov s26  }
0x19f: {  	v19 =	vor.u32 s25, v8;
	v18 =	vand.u32 $0x38, v18  }
0x1a0: {  	v18 =	vor.u32 v18, v12;
	_ =	sdelay $0x1  }
0x1a1: {  	v17 =	vmul.f32 v17, v7;
	_ =	sdelay $0x1  }
0x1a2: {  	[tilespmem:v19+s13+$0x0] =	vst.idx.add.f32.msk $0xffff, v17  }
0x1a3: {  	v17 =	vld.idx.msk [tilespmem:v18+s12+$0x0], $0xffff  }
0x1a4: {  	s25 =	sadd.s32 $0xFFFFFFFD, s22  }
0x1a5: {  	v18 =	vmov s25  }
0x1a6: {  	v19 =	vor.u32 s26, v8;
	v18 =	vand.u32 $0x38, v18  }
0x1a7: {  	v18 =	vor.u32 v18, v13;
	_ =	sdelay $0x1  }
0x1a8: {  	v17 =	vmul.f32 v17, v7;
	_ =	sdelay $0x1  }
0x1a9: {  	[tilespmem:v19+s13+$0x0] =	vst.idx.add.f32.msk $0xffff, v17  }
0x1aa: {  	v17 =	vld.idx.msk [tilespmem:v18+s12+$0x0], $0xffff  }
0x1ab: {  	s26 =	sadd.s32 $0xFFFFFFFE, s22  }
0x1ac: {  	v18 =	vmov s26  }
0x1ad: {  	v19 =	vor.u32 s25, v8;
	v18 =	vand.u32 $0x38, v18  }
0x1ae: {  	v18 =	vor.u32 v18, v14;
	_ =	sdelay $0x1  }
0x1af: {  	v17 =	vmul.f32 v17, v7;
	_ =	sdelay $0x1  }
0x1b0: {  	[tilespmem:v19+s13+$0x0] =	vst.idx.add.f32.msk $0xffff, v17  }
0x1b1: {  	v17 =	vld.idx.msk [tilespmem:v18+s12+$0x0], $0xffff  }
0x1b2: {  	s25 =	sadd.s32 $0xFFFFFFFF, s22  }
0x1b3: {  	v18 =	vmov s25  }
0x1b4: {  	v19 =	vor.u32 s26, v8;
	v18 =	vand.u32 $0x38, v18  }
0x1b5: {  	v18 =	vor.u32 v18, v15;
	_ =	sdelay $0x1  }
0x1b6: {  	v17 =	vmul.f32 v17, v7;
	_ =	sdelay $0x1  }
0x1b7: {  	[tilespmem:v19+s13+$0x0] =	vst.idx.add.f32.msk $0xffff, v17  }
0x1b8: {  	v17 =	vld.idx.msk [tilespmem:v18+s12+$0x0], $0xffff;
	_ =	sdelay $0x1  }
0x1b9: {  	v18 =	vmov s22  }
0x1ba: {  	v19 =	vor.u32 s25, v8;
	v18 =	vand.u32 $0x38, v18  }
0x1bb: {  	v18 =	vor.u32 v18, v16;
	_ =	sdelay $0x1  }
0x1bc: {  	v17 =	vmul.f32 v17, v7;
	_ =	sdelay $0x1  }
0x1bd: {  	[tilespmem:v19+s13+$0x0] =	vst.idx.add.f32.msk $0xffff, v17  }
0x1be: {  	v19 =	vld.idx.msk [tilespmem:v18+s12+$0x0], $0xffff;
	_ =	sdelay $0x1  }
.Ltmp13:
0x1bf: {  	(pc) =	sbr.rel @p0 .LBB2_21-.Ltmp13, $3  }
0x1c0: {  	s25 =	sadd.s32 $0xFFFFFFF9, s24;
	v18 =	vor.u32 s22, v8;
	s22 =	smov.u32 s24  }
0x1c1: {  	v17 =	vor.u32 s25, v9;
	_ =	sdelay $0x1  }
0x1c2: {  	v19 =	vmul.f32 v19, v7  }
0x1c3: {  	_ =	sdelay $0x3  }
0x1c4: {  	[tilespmem:v18+s13+$0x0] =	vst.idx.add.f32.msk $0xffff, v19  }
0x1c5: {  	s23 =	sadd.s32 $0xFFFFFFFA, s22;
	v9 =	vld.idx.msk [tilespmem:v17+s12+$0x0], $0xffff  }
0x1c6: {  	v50 =	vmov s23  }
0x1c7: {  	v51 =	vor.u32 s25, v8;
	v17 =	vand.u32 $0x38, v50  }
0x1c8: {  	v10 =	vor.u32 v17, v10;
	_ =	sdelay $0x1  }
0x1c9: {  	v9 =	vmul.f32 v9, v7;
	_ =	sdelay $0x1  }
0x1ca: {  	[tilespmem:v51+s13+$0x0] =	vst.idx.add.f32.msk $0xffff, v9  }
0x1cb: {  	s24 =	sadd.s32 $0xFFFFFFFB, s22;
	v9 =	vld.idx.msk [tilespmem:v10+s12+$0x0], $0xffff  }
0x1cc: {  	v52 =	vmov s24  }
0x1cd: {  	v53 =	vor.u32 s23, v8;
	v10 =	vand.u32 $0x38, v52  }
0x1ce: {  	v10 =	vor.u32 v10, v11;
	_ =	sdelay $0x1  }
0x1cf: {  	v9 =	vmul.f32 v9, v7;
	_ =	sdelay $0x1  }
0x1d0: {  	[tilespmem:v53+s13+$0x0] =	vst.idx.add.f32.msk $0xffff, v9  }
0x1d1: {  	s28 =	sadd.s32 $0xFFFFFFFC, s22;
	v9 =	vld.idx.msk [tilespmem:v10+s12+$0x0], $0xffff  }
0x1d2: {  	v54 =	vmov s28  }
0x1d3: {  	v55 =	vor.u32 s24, v8;
	v10 =	vand.u32 $0x38, v54  }
0x1d4: {  	v10 =	vor.u32 v10, v12;
	_ =	sdelay $0x1  }
0x1d5: {  	v9 =	vmul.f32 v9, v7;
	_ =	sdelay $0x1  }
0x1d6: {  	[tilespmem:v55+s13+$0x0] =	vst.idx.add.f32.msk $0xffff, v9  }
0x1d7: {  	s29 =	sadd.s32 $0xFFFFFFFD, s22;
	v9 =	vld.idx.msk [tilespmem:v10+s12+$0x0], $0xffff  }
0x1d8: {  	v56 =	vmov s29  }
0x1d9: {  	v57 =	vor.u32 s28, v8;
	v10 =	vand.u32 $0x38, v56  }
0x1da: {  	v10 =	vor.u32 v10, v13;
	_ =	sdelay $0x1  }
0x1db: {  	v9 =	vmul.f32 v9, v7;
	_ =	sdelay $0x1  }
0x1dc: {  	[tilespmem:v57+s13+$0x0] =	vst.idx.add.f32.msk $0xffff, v9  }
0x1dd: {  	s30 =	sadd.s32 $0xFFFFFFFE, s22;
	v9 =	vld.idx.msk [tilespmem:v10+s12+$0x0], $0xffff  }
0x1de: {  	v58 =	vmov s30  }
0x1df: {  	v59 =	vor.u32 s29, v8;
	v10 =	vand.u32 $0x38, v58  }
0x1e0: {  	v10 =	vor.u32 v10, v14;
	_ =	sdelay $0x1  }
0x1e1: {  	v9 =	vmul.f32 v9, v7;
	_ =	sdelay $0x1  }
0x1e2: {  	[tilespmem:v59+s13+$0x0] =	vst.idx.add.f32.msk $0xffff, v9  }
0x1e3: {  	s31 =	sadd.s32 $0xFFFFFFFF, s22;
	v9 =	vld.idx.msk [tilespmem:v10+s12+$0x0], $0xffff  }
0x1e4: {  	v60 =	vmov s31  }
0x1e5: {  	v61 =	vor.u32 s30, v8;
	v10 =	vand.u32 $0x38, v60  }
0x1e6: {  	v10 =	vor.u32 v10, v15;
	_ =	sdelay $0x1  }
0x1e7: {  	v9 =	vmul.f32 v9, v7;
	_ =	sdelay $0x1  }
0x1e8: {  	[tilespmem:v61+s13+$0x0] =	vst.idx.add.f32.msk $0xffff, v9  }
0x1e9: {  	v9 =	vld.idx.msk [tilespmem:v10+s12+$0x0], $0xffff  }
0x1ea: {  	v62 =	vmov s22  }
0x1eb: {  	v63 =	vor.u32 s31, v8;
	v10 =	vand.u32 $0x38, v62  }
0x1ec: {  	v10 =	vor.u32 v10, v16;
	_ =	sdelay $0x1  }
0x1ed: {  	v9 =	vmul.f32 v9, v7;
	_ =	sdelay $0x1  }
0x1ee: {  	[tilespmem:v63+s13+$0x0] =	vst.idx.add.f32.msk $0xffff, v9  }
0x1ef: {  	v9 =	vld.idx.msk [tilespmem:v10+s12+$0x0], $0xffff  }
0x1f0: {  	s21 =	sadd.s32 $0x1, s21  }
0x1f1: {  	v8 =	vor.u32 s22, v8;
	p0 =	sne.s32 s21, $0x8  }
.Ltmp14:
0x1f2: {  	_ = 	snop;
	(pc) =	sbr.rel @p0 .LBB2_20-.Ltmp14, $3  }
0x1f3: {  	_ = 	snop  }
0x1f4: {  	v7 =	vmul.f32 v9, v7;
	_ =	sdelay $0x1  }
0x1f5: {  	[tilespmem:v8+s13+$0x0] =	vst.idx.add.f32.msk $0xffff, v7  }
0x1f6: {  	s20 =	sadd.s32 $0x1, s20  }
0x1f7: {  	p0 =	sne.s32 s20, s19  }
.Ltmp15:
0x1f8: {  	_ = 	snop;
	(pc) =	sbr.rel @p0 .LBB2_15-.Ltmp15, $1  }
0x1f9: {  	_ =	sdelay $0x3  }
.LBB2_24:
0x1fa: {  	s18 =	simm.s32 $0x0;
	s19 =	simm.s32 $0x40;
	s20 =	simm.s32 $0x0  }
.LBB2_25:
0x1fb: {  	p0 =	sne.s32 s19, $0x3FC0;
	[tilespmem:s20+$0x1800] =	vst v2;
	s20 =	smov.u32 s19;
	s19 =	sadd.s32 $0x40, s19  }
.Ltmp16:
0x1fc: {  	(pc) =	sbr.rel @p0 .LBB2_25-.Ltmp16, $2  }
0x1fd: {  	_ =	sdelay $0x2  }
0x1fe: {  	s20 =	sshra.s32 s20, $0x2  }
0x1ff: {  	[tilespmem:s20+$0x1800] =	vst v2  }
.LBB2_27:
0x200: {  	p0 =	sne.s32 s18, $0x3FC0  }
.Ltmp17:
0x201: {  	_ = 	snop;
	(pc) =	sbr.rel @p0 .LBB2_27-.Ltmp17, $3  }
0x202: {  	_ =	sdelay $0x1  }
0x203: {  	s19 =	sshra.s32 s18, $0x2  }
0x204: {  	s18 =	sadd.s32 $0x40, s18;
	[tilespmem:s19+$0x800] =	vst v3  }
0x205: {  	s18 =	simm.s32 $0x40;
	s19 =	simm.s32 $0x0  }
.LBB2_29:
0x206: {  	p0 =	sne.s32 s18, $0xFC0;
	[tilespmem:s19+$0x2800] =	vst v3;
	s19 =	smov.u32 s18;
	s18 =	sadd.s32 $0x40, s18  }
.Ltmp18:
0x207: {  	(pc) =	sbr.rel @p0 .LBB2_29-.Ltmp18, $2  }
0x208: {  	_ =	sdelay $0x2  }
0x209: {  	s19 =	sshra.s32 s19, $0x2  }
.Ltmp19:
0x20a: {  	(pc) =	sbr.rel .LBB2_31-.Ltmp19, $2  }
0x20b: {  	_ =	sdelay $0x2  }
0x20c: {  	[tilespmem:s19+$0x2800] =	vst v3  }
.LBB2_32:
0x20d: {  	s16 =	sadd.s32 $0x7F, s16  }
0x20e: {  	s17 =	sand.u32 $0x7F, s16  }
0x20f: {  	s18 =	sshra.s32 s16, $0x1F;
	p0 =	slt.s32 s16, $0x1;
	p1 =	sne.s32 s17, $0x0  }
0x210: {  	s31 =	sshrl.u32 s18, $0x19;
	p0 =	por !p0, !p1  }
0x211: {  	s17 =	simm.s32 $0x1;
	s16 =	sadd.s32 s31, s16;
	p0 =	por !p0, !p0  }
0x212: {  	s16 =	sshra.s32 s16, $0x7;
	s17 =	simm.s32 @!p0 $0x0  }
0x213: {  	s17 =	ssub.s32 s16, s17  }
0x214: {  	p0 =	slt.s32 s17, $0x1  }
.Ltmp20:
0x215: {  	_ = 	snop;
	(pc) =	sbr.rel @p0 .LBB2_43-.Ltmp20, $1  }
0x216: {  	_ =	sdelay $0x3  }
0x217: {  	[tilespmem:s11], [sflag:$0x1] =	stream.indirect.gather [hbm4b:s4+s9], $0x40, s10, s9, $0xb8;
	[tilespmem:$0x1F400] =	vst v63  }
0x218: {  	s16 =	sshll.u32 s17, $0x2;
	s17 =	sshll.u32 s17, $0x1;
	s18 =	simm.s32 $0x0  }
.LBB2_34:
0x219: {  	s21 =	sshll.u32 s18, $0x1  }
0x21a: {  	s22 =	sshllo.u32 s18, $0x1;
	s19 =	sxor.u32 $0xFFFFFFFF, s21  }
0x21b: {  	s24 =	sshll.u32 s18, $0xB;
	s20 =	sshra.s32 s21, $0x1F;
	s19 =	sshrl.u32 s19, $0x1F  }
0x21c: {  	p1 =	slt.s32 s21, $0x1;
	s23 =	sshrl.u32 s20, $0x1E;
	s19 =	sadd.s32 s19, s20  }
0x21d: {  	s26 =	sadd.s32 s23, s22;
	s22 =	sshll.u32 s22, $0xA;
	s30 =	sadd.s32 s23, s21  }
0x21e: {  	p0 =	sne.s32 s19, $0x1;
	s19 =	simm.s32 $0x1;
	s23 =	sand.u32 $0xFFFFFFFC, s30  }
0x21f: {  	s20 =	sshrl.u32 s26, $0x2;
	s19 =	simm.s32 @!p0 $0x0;
	p6 =	sne.s32 s21, s23  }
0x220: {  	s28 =	sand.u32 $0xC00, s22;
	s19 =	ssub.s32 s20, s19;
	p0 =	por !p1, !p6  }
0x221: {  	s23 =	simm.s32 $0x1;
	s19 =	sshll.u32 s19, $0x7;
	p0 =	por !p0, !p0  }
0x222: {  	s22 =	sshrl.u32 s30, $0x2;
	s20 =	sadd.s32 s28, s19;
	s23 =	simm.s32 @!p0 $0x0  }
0x223: {  	s24 =	sadd.s32 $0x1000, s24;
	s29 =	sadd.s32 $0x800, s20;
	s22 =	ssub.s32 s22, s23  }
0x224: {  	[tilespmem:s12], [sflag:$0x2] =	stream.indirect.gather [hbm4b:s4+s9], $0x40, s29, s9, $0xb8;
	[tilespmem:$0x1F400] =	vst v63  }
0x225: {  	s31 =	sand.u32 $0x800, s24;
	s22 =	sshll.u32 s22, $0x7  }
0x226: {  	_ =	swait.ge [sflag:s8], $0x2000;
	s23 =	sadd.s32 s22, s31  }
0x227: {  	s22 =	sadd.s32 $0x2800, s22;
	[sflag:s8] =	ssyncset.done $0x0;
	s23 =	sadd.s32 $0x1800, s23  }
0x228: {  	v6 =	vmov s22;
	s22 =	simm.s32 $0x0;
	[sflag:s8] =	ssyncadd.s32 $0xFFFFE000;
	v5 =	vmov s23  }
.LBB2_35:
0x229: {  	s23 =	sshll.u32 s22, $0x4  }
0x22a: {  	v7 =	vmov s23  }
0x22b: {  	v7 =	vshll.u32 v7, $0x6  }
0x22c: {  	s24 =	simm.s32 $0x0;
	v9 =	vor.u32 v4, v7  }
0x22d: {  	v8 =	vor.u32 s24, v9  }
0x22e: {  	v10 =	vld.idx.msk [tilespmem:v6+s23+$0x0 ss:$0x1], $0xffff;
	_ =	sdelay $0x2  }
0x22f: {  	v7 =	vld.idx.msk [tilespmem:v5+s23+$0x0 ss:$0x1], $0xffff  }
0x230: {  	s25 =	simm.s32 $0x1;
	v11 =	vld.idx.msk [tilespmem:v8+s11+$0x0], $0xffff  }
0x231: {  	v12 =	vmov s25;
	v8 =	vshll.u32 v10, $0x6  }
0x232: {  	v12 =	vand.u32 $0x38, v12;
	v10 =	vor.u32 $0x1, v9;
	v13 =	vor.u32 s24, v8  }
0x233: {  	v12 =	vor.u32 v12, v10;
	_ =	sdelay $0x1  }
0x234: {  	v11 =	vmul.f32 v11, v7;
	_ =	sdelay $0x1  }
0x235: {  	[tilespmem:v13+s13+$0x0] =	vst.idx.add.f32.msk $0xffff, v11  }
0x236: {  	s26 =	simm.s32 $0x2;
	v12 =	vld.idx.msk [tilespmem:v12+s11+$0x0], $0xffff  }
0x237: {  	v13 =	vmov s26  }
0x238: {  	v14 =	vor.u32 s25, v8;
	v11 =	vor.u32 $0x2, v9;
	v13 =	vand.u32 $0x38, v13  }
0x239: {  	v13 =	vor.u32 v13, v11;
	_ =	sdelay $0x1  }
0x23a: {  	v12 =	vmul.f32 v12, v7;
	_ =	sdelay $0x1  }
0x23b: {  	[tilespmem:v14+s13+$0x0] =	vst.idx.add.f32.msk $0xffff, v12  }
0x23c: {  	s28 =	simm.s32 $0x3;
	v13 =	vld.idx.msk [tilespmem:v13+s11+$0x0], $0xffff  }
0x23d: {  	v14 =	vmov s28  }
0x23e: {  	v15 =	vor.u32 s26, v8;
	v12 =	vor.u32 $0x3, v9;
	v14 =	vand.u32 $0x38, v14  }
0x23f: {  	v14 =	vor.u32 v14, v12;
	_ =	sdelay $0x1  }
0x240: {  	v13 =	vmul.f32 v13, v7;
	_ =	sdelay $0x1  }
0x241: {  	[tilespmem:v15+s13+$0x0] =	vst.idx.add.f32.msk $0xffff, v13  }
0x242: {  	s29 =	simm.s32 $0x4;
	v14 =	vld.idx.msk [tilespmem:v14+s11+$0x0], $0xffff  }
0x243: {  	v15 =	vmov s29  }
0x244: {  	v16 =	vor.u32 s28, v8;
	v13 =	vor.u32 $0x4, v9;
	v15 =	vand.u32 $0x38, v15  }
0x245: {  	v15 =	vor.u32 v15, v13;
	_ =	sdelay $0x1  }
0x246: {  	v14 =	vmul.f32 v14, v7;
	_ =	sdelay $0x1  }
0x247: {  	[tilespmem:v16+s13+$0x0] =	vst.idx.add.f32.msk $0xffff, v14  }
0x248: {  	s30 =	simm.s32 $0x5;
	v15 =	vld.idx.msk [tilespmem:v15+s11+$0x0], $0xffff  }
0x249: {  	v16 =	vmov s30  }
0x24a: {  	v17 =	vor.u32 s29, v8;
	v14 =	vor.u32 $0x5, v9;
	v16 =	vand.u32 $0x38, v16  }
0x24b: {  	v16 =	vor.u32 v16, v14;
	_ =	sdelay $0x1  }
0x24c: {  	v15 =	vmul.f32 v15, v7;
	_ =	sdelay $0x1  }
0x24d: {  	[tilespmem:v17+s13+$0x0] =	vst.idx.add.f32.msk $0xffff, v15  }
0x24e: {  	s31 =	simm.s32 $0x6;
	v16 =	vld.idx.msk [tilespmem:v16+s11+$0x0], $0xffff  }
0x24f: {  	v17 =	vmov s31  }
0x250: {  	v18 =	vor.u32 s30, v8;
	v15 =	vor.u32 $0x6, v9;
	v17 =	vand.u32 $0x38, v17  }
0x251: {  	v17 =	vor.u32 v17, v15;
	_ =	sdelay $0x1  }
0x252: {  	v16 =	vmul.f32 v16, v7;
	_ =	sdelay $0x1  }
0x253: {  	[tilespmem:v18+s13+$0x0] =	vst.idx.add.f32.msk $0xffff, v16  }
0x254: {  	s25 =	simm.s32 $0x7;
	v17 =	vld.idx.msk [tilespmem:v17+s11+$0x0], $0xffff  }
0x255: {  	v18 =	vmov s25  }
0x256: {  	v19 =	vor.u32 s31, v8;
	v16 =	vor.u32 $0x7, v9;
	v18 =	vand.u32 $0x38, v18  }
0x257: {  	v18 =	vor.u32 v18, v16;
	_ =	sdelay $0x1  }
0x258: {  	v17 =	vmul.f32 v17, v7;
	_ =	sdelay $0x1  }
0x259: {  	[tilespmem:v19+s13+$0x0] =	vst.idx.add.f32.msk $0xffff, v17  }
0x25a: {  	v19 =	vld.idx.msk [tilespmem:v18+s11+$0x0], $0xffff;
	_ =	sdelay $0x1  }
0x25b: {  	s26 =	simm.s32 $0x8;
	v18 =	vor.u32 s25, v8  }
0x25c: {  	v17 =	vor.u32 s26, v9;
	_ =	sdelay $0x1  }
0x25d: {  	s23 =	simm.s32 $0xF;
	s24 =	simm.s32 $0x17;
	v19 =	vmul.f32 v19, v7  }
.LBB2_36:
0x25e: {  	_ = 	snop  }
0x25f: {  	p0 =	sne.s32 s24, $0x3F;
	s25 =	smov.u32 s24;
	s24 =	sadd.s32 $0x8, s24;
	[tilespmem:v18+s13+$0x0] =	vst.idx.add.f32.msk $0xffff, v19  }
0x260: {  	v17 =	vld.idx.msk [tilespmem:v17+s11+$0x0], $0xffff  }
0x261: {  	s28 =	sadd.s32 $0xFFFFFFFA, s23  }
0x262: {  	v18 =	vmov s28  }
0x263: {  	v19 =	vor.u32 s26, v8;
	v18 =	vand.u32 $0x38, v18  }
0x264: {  	v18 =	vor.u32 v18, v10;
	_ =	sdelay $0x1  }
0x265: {  	v17 =	vmul.f32 v17, v7;
	_ =	sdelay $0x1  }
0x266: {  	[tilespmem:v19+s13+$0x0] =	vst.idx.add.f32.msk $0xffff, v17  }
0x267: {  	v17 =	vld.idx.msk [tilespmem:v18+s11+$0x0], $0xffff  }
0x268: {  	s26 =	sadd.s32 $0xFFFFFFFB, s23  }
0x269: {  	v18 =	vmov s26  }
0x26a: {  	v19 =	vor.u32 s28, v8;
	v18 =	vand.u32 $0x38, v18  }
0x26b: {  	v18 =	vor.u32 v18, v11;
	_ =	sdelay $0x1  }
0x26c: {  	v17 =	vmul.f32 v17, v7;
	_ =	sdelay $0x1  }
0x26d: {  	[tilespmem:v19+s13+$0x0] =	vst.idx.add.f32.msk $0xffff, v17  }
0x26e: {  	v17 =	vld.idx.msk [tilespmem:v18+s11+$0x0], $0xffff  }
0x26f: {  	s28 =	sadd.s32 $0xFFFFFFFC, s23  }
0x270: {  	v18 =	vmov s28  }
0x271: {  	v19 =	vor.u32 s26, v8;
	v18 =	vand.u32 $0x38, v18  }
0x272: {  	v18 =	vor.u32 v18, v12;
	_ =	sdelay $0x1  }
0x273: {  	v17 =	vmul.f32 v17, v7;
	_ =	sdelay $0x1  }
0x274: {  	[tilespmem:v19+s13+$0x0] =	vst.idx.add.f32.msk $0xffff, v17  }
0x275: {  	v17 =	vld.idx.msk [tilespmem:v18+s11+$0x0], $0xffff  }
0x276: {  	s26 =	sadd.s32 $0xFFFFFFFD, s23  }
0x277: {  	v18 =	vmov s26  }
0x278: {  	v19 =	vor.u32 s28, v8;
	v18 =	vand.u32 $0x38, v18  }
0x279: {  	v18 =	vor.u32 v18, v13;
	_ =	sdelay $0x1  }
0x27a: {  	v17 =	vmul.f32 v17, v7;
	_ =	sdelay $0x1  }
0x27b: {  	[tilespmem:v19+s13+$0x0] =	vst.idx.add.f32.msk $0xffff, v17  }
0x27c: {  	v17 =	vld.idx.msk [tilespmem:v18+s11+$0x0], $0xffff  }
0x27d: {  	s28 =	sadd.s32 $0xFFFFFFFE, s23  }
0x27e: {  	v18 =	vmov s28  }
0x27f: {  	v19 =	vor.u32 s26, v8;
	v18 =	vand.u32 $0x38, v18  }
0x280: {  	v18 =	vor.u32 v18, v14;
	_ =	sdelay $0x1  }
0x281: {  	v17 =	vmul.f32 v17, v7;
	_ =	sdelay $0x1  }
0x282: {  	[tilespmem:v19+s13+$0x0] =	vst.idx.add.f32.msk $0xffff, v17  }
0x283: {  	v17 =	vld.idx.msk [tilespmem:v18+s11+$0x0], $0xffff  }
0x284: {  	s26 =	sadd.s32 $0xFFFFFFFF, s23  }
0x285: {  	v18 =	vmov s26  }
0x286: {  	v19 =	vor.u32 s28, v8;
	v18 =	vand.u32 $0x38, v18  }
0x287: {  	v18 =	vor.u32 v18, v15;
	_ =	sdelay $0x1  }
0x288: {  	v17 =	vmul.f32 v17, v7;
	_ =	sdelay $0x1  }
0x289: {  	[tilespmem:v19+s13+$0x0] =	vst.idx.add.f32.msk $0xffff, v17  }
0x28a: {  	v17 =	vld.idx.msk [tilespmem:v18+s11+$0x0], $0xffff;
	_ =	sdelay $0x1  }
0x28b: {  	v18 =	vmov s23  }
0x28c: {  	v19 =	vor.u32 s26, v8;
	v18 =	vand.u32 $0x38, v18  }
0x28d: {  	v18 =	vor.u32 v18, v16;
	_ =	sdelay $0x1  }
0x28e: {  	v17 =	vmul.f32 v17, v7;
	_ =	sdelay $0x1  }
0x28f: {  	[tilespmem:v19+s13+$0x0] =	vst.idx.add.f32.msk $0xffff, v17  }
0x290: {  	v19 =	vld.idx.msk [tilespmem:v18+s11+$0x0], $0xffff;
	_ =	sdelay $0x1  }
.Ltmp21:
0x291: {  	(pc) =	sbr.rel @p0 .LBB2_36-.Ltmp21, $3  }
0x292: {  	s26 =	sadd.s32 $0xFFFFFFF9, s25;
	v18 =	vor.u32 s23, v8;
	s23 =	smov.u32 s25  }
0x293: {  	v17 =	vor.u32 s26, v9;
	_ =	sdelay $0x1  }
0x294: {  	v19 =	vmul.f32 v19, v7  }
0x295: {  	_ =	sdelay $0x3  }
0x296: {  	[tilespmem:v18+s13+$0x0] =	vst.idx.add.f32.msk $0xffff, v19  }
0x297: {  	s24 =	sadd.s32 $0xFFFFFFFA, s23;
	v9 =	vld.idx.msk [tilespmem:v17+s11+$0x0], $0xffff  }
0x298: {  	v50 =	vmov s24  }
0x299: {  	v51 =	vor.u32 s26, v8;
	v17 =	vand.u32 $0x38, v50  }
0x29a: {  	v10 =	vor.u32 v17, v10;
	_ =	sdelay $0x1  }
0x29b: {  	v9 =	vmul.f32 v9, v7;
	_ =	sdelay $0x1  }
0x29c: {  	[tilespmem:v51+s13+$0x0] =	vst.idx.add.f32.msk $0xffff, v9  }
0x29d: {  	s25 =	sadd.s32 $0xFFFFFFFB, s23;
	v9 =	vld.idx.msk [tilespmem:v10+s11+$0x0], $0xffff  }
0x29e: {  	v52 =	vmov s25  }
0x29f: {  	v53 =	vor.u32 s24, v8;
	v10 =	vand.u32 $0x38, v52  }
0x2a0: {  	v10 =	vor.u32 v10, v11;
	_ =	sdelay $0x1  }
0x2a1: {  	v9 =	vmul.f32 v9, v7;
	_ =	sdelay $0x1  }
0x2a2: {  	[tilespmem:v53+s13+$0x0] =	vst.idx.add.f32.msk $0xffff, v9  }
0x2a3: {  	s28 =	sadd.s32 $0xFFFFFFFC, s23;
	v9 =	vld.idx.msk [tilespmem:v10+s11+$0x0], $0xffff  }
0x2a4: {  	v54 =	vmov s28  }
0x2a5: {  	v55 =	vor.u32 s25, v8;
	v10 =	vand.u32 $0x38, v54  }
0x2a6: {  	v10 =	vor.u32 v10, v12;
	_ =	sdelay $0x1  }
0x2a7: {  	v9 =	vmul.f32 v9, v7;
	_ =	sdelay $0x1  }
0x2a8: {  	[tilespmem:v55+s13+$0x0] =	vst.idx.add.f32.msk $0xffff, v9  }
0x2a9: {  	s29 =	sadd.s32 $0xFFFFFFFD, s23;
	v9 =	vld.idx.msk [tilespmem:v10+s11+$0x0], $0xffff  }
0x2aa: {  	v56 =	vmov s29  }
0x2ab: {  	v57 =	vor.u32 s28, v8;
	v10 =	vand.u32 $0x38, v56  }
0x2ac: {  	v10 =	vor.u32 v10, v13;
	_ =	sdelay $0x1  }
0x2ad: {  	v9 =	vmul.f32 v9, v7;
	_ =	sdelay $0x1  }
0x2ae: {  	[tilespmem:v57+s13+$0x0] =	vst.idx.add.f32.msk $0xffff, v9  }
0x2af: {  	s30 =	sadd.s32 $0xFFFFFFFE, s23;
	v9 =	vld.idx.msk [tilespmem:v10+s11+$0x0], $0xffff  }
0x2b0: {  	v58 =	vmov s30  }
0x2b1: {  	v59 =	vor.u32 s29, v8;
	v10 =	vand.u32 $0x38, v58  }
0x2b2: {  	v10 =	vor.u32 v10, v14;
	_ =	sdelay $0x1  }
0x2b3: {  	v9 =	vmul.f32 v9, v7;
	_ =	sdelay $0x1  }
0x2b4: {  	[tilespmem:v59+s13+$0x0] =	vst.idx.add.f32.msk $0xffff, v9  }
0x2b5: {  	s31 =	sadd.s32 $0xFFFFFFFF, s23;
	v9 =	vld.idx.msk [tilespmem:v10+s11+$0x0], $0xffff  }
0x2b6: {  	v60 =	vmov s31  }
0x2b7: {  	v61 =	vor.u32 s30, v8;
	v10 =	vand.u32 $0x38, v60  }
0x2b8: {  	v10 =	vor.u32 v10, v15;
	_ =	sdelay $0x1  }
0x2b9: {  	v9 =	vmul.f32 v9, v7;
	_ =	sdelay $0x1  }
0x2ba: {  	[tilespmem:v61+s13+$0x0] =	vst.idx.add.f32.msk $0xffff, v9  }
0x2bb: {  	v9 =	vld.idx.msk [tilespmem:v10+s11+$0x0], $0xffff  }
0x2bc: {  	v62 =	vmov s23  }
0x2bd: {  	v63 =	vor.u32 s31, v8;
	v10 =	vand.u32 $0x38, v62  }
0x2be: {  	v10 =	vor.u32 v10, v16;
	_ =	sdelay $0x1  }
0x2bf: {  	v9 =	vmul.f32 v9, v7;
	_ =	sdelay $0x1  }
0x2c0: {  	[tilespmem:v63+s13+$0x0] =	vst.idx.add.f32.msk $0xffff, v9  }
0x2c1: {  	v9 =	vld.idx.msk [tilespmem:v10+s11+$0x0], $0xffff  }
0x2c2: {  	s22 =	sadd.s32 $0x1, s22  }
0x2c3: {  	v8 =	vor.u32 s23, v8;
	p0 =	sne.s32 s22, $0x8  }
.Ltmp22:
0x2c4: {  	_ = 	snop;
	(pc) =	sbr.rel @p0 .LBB2_35-.Ltmp22, $3  }
0x2c5: {  	_ = 	snop  }
0x2c6: {  	v7 =	vmul.f32 v9, v7;
	_ =	sdelay $0x1  }
0x2c7: {  	[tilespmem:v8+s13+$0x0] =	vst.idx.add.f32.msk $0xffff, v7  }
0x2c8: {  	s21 =	sadd.s32 $0x2, s21  }
0x2c9: {  	p0 =	sge.s32 s21, s16  }
0x2ca: {  	s22 =	sshra.s32 @!p0 s21, $0x1F  }
0x2cb: {  	s22 =	sshrl.u32 @!p0 s22, $0x1E  }
0x2cc: {  	s22 =	sadd.s32 @!p0 s22, s21  }
0x2cd: {  	s23 =	sand.u32 @!p0 $0xFFFFFFFC, s22  }
0x2ce: {  	p2 =	slt.s32 @!p0 s21, $0x1;
	p1 =	sne.s32 @!p0 s21, s23  }
0x2cf: {  	p1 =	por @!p0 !p2, !p1  }
0x2d0: {  	p1 =	por @!p0 !p1, !p1  }
0x2d1: {  	s23 =	simm.s32 @!p0 $0x1;
	p1 =	por !p1, p0  }
0x2d2: {  	s22 =	sshrl.u32 @!p0 s22, $0x2;
	s23 =	simm.s32 @p1 $0x0  }
0x2d3: {  	s21 =	sshll.u32 @!p0 s21, $0xA;
	s22 =	ssub.s32 @!p0 s22, s23  }
0x2d4: {  	s21 =	sadd.s32 @!p0 $0x1000, s21;
	s22 =	sshll.u32 @!p0 s22, $0x9  }
0x2d5: {  	s21 =	sand.u32 @!p0 $0x800, s21;
	s22 =	sshra.s32 @!p0 s22, $0x2  }
0x2d6: {  	s21 =	sadd.s32 @!p0 s22, s21  }
0x2d7: {  	s23 =	simm.s32 @!p0 $0x2C00;
	s22 =	simm.s32 @!p0 $0x80;
	s21 =	sadd.s32 @!p0 $0x800, s21  }
0x2d8: {  	[tilespmem:s23], [sflag:$0x1] =	stream.indirect.gather @!p0 [hbm4b:s4+s22], $0x40, s21, s22, $0xb8;
	[tilespmem:$0x1F400] =	vst v63  }
0x2d9: {  	_ =	swait.ge [sflag:s14], $0x2000  }
0x2da: {  	s20 =	sadd.s32 $0x1800, s20;
	s31 =	sadd.s32 $0x2800, s19;
	[sflag:s14] =	ssyncset.done $0x0  }
0x2db: {  	s19 =	simm.s32 $0x0;
	v5 =	vmov s20;
	v6 =	vmov s31;
	[sflag:s14] =	ssyncadd.s32 $0xFFFFE000  }
.LBB2_39:
0x2dc: {  	s20 =	sshll.u32 s19, $0x4  }
0x2dd: {  	v7 =	vmov s20  }
0x2de: {  	v7 =	vshll.u32 v7, $0x6  }
0x2df: {  	s21 =	simm.s32 $0x0;
	v9 =	vor.u32 v4, v7  }
0x2e0: {  	v8 =	vor.u32 s21, v9  }
0x2e1: {  	v10 =	vld.idx.msk [tilespmem:v6+s20+$0x0 ss:$0x1], $0xffff;
	_ =	sdelay $0x2  }
0x2e2: {  	v7 =	vld.idx.msk [tilespmem:v5+s20+$0x0 ss:$0x1], $0xffff  }
0x2e3: {  	s25 =	simm.s32 $0x1;
	v11 =	vld.idx.msk [tilespmem:v8+s12+$0x0], $0xffff  }
0x2e4: {  	v12 =	vmov s25;
	v8 =	vshll.u32 v10, $0x6  }
0x2e5: {  	v12 =	vand.u32 $0x38, v12;
	v10 =	vor.u32 $0x1, v9;
	v13 =	vor.u32 s21, v8  }
0x2e6: {  	v12 =	vor.u32 v12, v10;
	_ =	sdelay $0x1  }
0x2e7: {  	v11 =	vmul.f32 v11, v7;
	_ =	sdelay $0x1  }
0x2e8: {  	[tilespmem:v13+s13+$0x0] =	vst.idx.add.f32.msk $0xffff, v11  }
0x2e9: {  	s26 =	simm.s32 $0x2;
	v12 =	vld.idx.msk [tilespmem:v12+s12+$0x0], $0xffff  }
0x2ea: {  	v13 =	vmov s26  }
0x2eb: {  	v14 =	vor.u32 s25, v8;
	v11 =	vor.u32 $0x2, v9;
	v13 =	vand.u32 $0x38, v13  }
0x2ec: {  	v13 =	vor.u32 v13, v11;
	_ =	sdelay $0x1  }
0x2ed: {  	v12 =	vmul.f32 v12, v7;
	_ =	sdelay $0x1  }
0x2ee: {  	[tilespmem:v14+s13+$0x0] =	vst.idx.add.f32.msk $0xffff, v12  }
0x2ef: {  	s28 =	simm.s32 $0x3;
	v13 =	vld.idx.msk [tilespmem:v13+s12+$0x0], $0xffff  }
0x2f0: {  	v14 =	vmov s28  }
0x2f1: {  	v15 =	vor.u32 s26, v8;
	v12 =	vor.u32 $0x3, v9;
	v14 =	vand.u32 $0x38, v14  }
0x2f2: {  	v14 =	vor.u32 v14, v12;
	_ =	sdelay $0x1  }
0x2f3: {  	v13 =	vmul.f32 v13, v7;
	_ =	sdelay $0x1  }
0x2f4: {  	[tilespmem:v15+s13+$0x0] =	vst.idx.add.f32.msk $0xffff, v13  }
0x2f5: {  	s29 =	simm.s32 $0x4;
	v14 =	vld.idx.msk [tilespmem:v14+s12+$0x0], $0xffff  }
0x2f6: {  	v15 =	vmov s29  }
0x2f7: {  	v16 =	vor.u32 s28, v8;
	v13 =	vor.u32 $0x4, v9;
	v15 =	vand.u32 $0x38, v15  }
0x2f8: {  	v15 =	vor.u32 v15, v13;
	_ =	sdelay $0x1  }
0x2f9: {  	v14 =	vmul.f32 v14, v7;
	_ =	sdelay $0x1  }
0x2fa: {  	[tilespmem:v16+s13+$0x0] =	vst.idx.add.f32.msk $0xffff, v14  }
0x2fb: {  	s30 =	simm.s32 $0x5;
	v15 =	vld.idx.msk [tilespmem:v15+s12+$0x0], $0xffff  }
0x2fc: {  	v16 =	vmov s30  }
0x2fd: {  	v17 =	vor.u32 s29, v8;
	v14 =	vor.u32 $0x5, v9;
	v16 =	vand.u32 $0x38, v16  }
0x2fe: {  	v16 =	vor.u32 v16, v14;
	_ =	sdelay $0x1  }
0x2ff: {  	v15 =	vmul.f32 v15, v7;
	_ =	sdelay $0x1  }
0x300: {  	[tilespmem:v17+s13+$0x0] =	vst.idx.add.f32.msk $0xffff, v15  }
0x301: {  	s31 =	simm.s32 $0x6;
	v16 =	vld.idx.msk [tilespmem:v16+s12+$0x0], $0xffff  }
0x302: {  	v17 =	vmov s31  }
0x303: {  	v18 =	vor.u32 s30, v8;
	v15 =	vor.u32 $0x6, v9;
	v17 =	vand.u32 $0x38, v17  }
0x304: {  	v17 =	vor.u32 v17, v15;
	_ =	sdelay $0x1  }
0x305: {  	v16 =	vmul.f32 v16, v7;
	_ =	sdelay $0x1  }
0x306: {  	[tilespmem:v18+s13+$0x0] =	vst.idx.add.f32.msk $0xffff, v16  }
0x307: {  	s22 =	simm.s32 $0x7;
	v17 =	vld.idx.msk [tilespmem:v17+s12+$0x0], $0xffff  }
0x308: {  	v18 =	vmov s22  }
0x309: {  	v19 =	vor.u32 s31, v8;
	v16 =	vor.u32 $0x7, v9;
	v18 =	vand.u32 $0x38, v18  }
0x30a: {  	v18 =	vor.u32 v18, v16;
	_ =	sdelay $0x1  }
0x30b: {  	v17 =	vmul.f32 v17, v7;
	_ =	sdelay $0x1  }
0x30c: {  	[tilespmem:v19+s13+$0x0] =	vst.idx.add.f32.msk $0xffff, v17  }
0x30d: {  	v19 =	vld.idx.msk [tilespmem:v18+s12+$0x0], $0xffff;
	_ =	sdelay $0x1  }
0x30e: {  	s23 =	simm.s32 $0x8;
	v18 =	vor.u32 s22, v8  }
0x30f: {  	v17 =	vor.u32 s23, v9;
	_ =	sdelay $0x1  }
0x310: {  	s20 =	simm.s32 $0xF;
	s21 =	simm.s32 $0x17;
	v19 =	vmul.f32 v19, v7  }
.LBB2_40:
0x311: {  	_ = 	snop  }
0x312: {  	p0 =	sne.s32 s21, $0x3F;
	s22 =	smov.u32 s21;
	s21 =	sadd.s32 $0x8, s21;
	[tilespmem:v18+s13+$0x0] =	vst.idx.add.f32.msk $0xffff, v19  }
0x313: {  	v17 =	vld.idx.msk [tilespmem:v17+s12+$0x0], $0xffff  }
0x314: {  	s24 =	sadd.s32 $0xFFFFFFFA, s20  }
0x315: {  	v18 =	vmov s24  }
0x316: {  	v19 =	vor.u32 s23, v8;
	v18 =	vand.u32 $0x38, v18  }
0x317: {  	v18 =	vor.u32 v18, v10;
	_ =	sdelay $0x1  }
0x318: {  	v17 =	vmul.f32 v17, v7;
	_ =	sdelay $0x1  }
0x319: {  	[tilespmem:v19+s13+$0x0] =	vst.idx.add.f32.msk $0xffff, v17  }
0x31a: {  	v17 =	vld.idx.msk [tilespmem:v18+s12+$0x0], $0xffff  }
0x31b: {  	s23 =	sadd.s32 $0xFFFFFFFB, s20  }
0x31c: {  	v18 =	vmov s23  }
0x31d: {  	v19 =	vor.u32 s24, v8;
	v18 =	vand.u32 $0x38, v18  }
0x31e: {  	v18 =	vor.u32 v18, v11;
	_ =	sdelay $0x1  }
0x31f: {  	v17 =	vmul.f32 v17, v7;
	_ =	sdelay $0x1  }
0x320: {  	[tilespmem:v19+s13+$0x0] =	vst.idx.add.f32.msk $0xffff, v17  }
0x321: {  	v17 =	vld.idx.msk [tilespmem:v18+s12+$0x0], $0xffff  }
0x322: {  	s24 =	sadd.s32 $0xFFFFFFFC, s20  }
0x323: {  	v18 =	vmov s24  }
0x324: {  	v19 =	vor.u32 s23, v8;
	v18 =	vand.u32 $0x38, v18  }
0x325: {  	v18 =	vor.u32 v18, v12;
	_ =	sdelay $0x1  }
0x326: {  	v17 =	vmul.f32 v17, v7;
	_ =	sdelay $0x1  }
0x327: {  	[tilespmem:v19+s13+$0x0] =	vst.idx.add.f32.msk $0xffff, v17  }
0x328: {  	v17 =	vld.idx.msk [tilespmem:v18+s12+$0x0], $0xffff  }
0x329: {  	s23 =	sadd.s32 $0xFFFFFFFD, s20  }
0x32a: {  	v18 =	vmov s23  }
0x32b: {  	v19 =	vor.u32 s24, v8;
	v18 =	vand.u32 $0x38, v18  }
0x32c: {  	v18 =	vor.u32 v18, v13;
	_ =	sdelay $0x1  }
0x32d: {  	v17 =	vmul.f32 v17, v7;
	_ =	sdelay $0x1  }
0x32e: {  	[tilespmem:v19+s13+$0x0] =	vst.idx.add.f32.msk $0xffff, v17  }
0x32f: {  	v17 =	vld.idx.msk [tilespmem:v18+s12+$0x0], $0xffff  }
0x330: {  	s24 =	sadd.s32 $0xFFFFFFFE, s20  }
0x331: {  	v18 =	vmov s24  }
0x332: {  	v19 =	vor.u32 s23, v8;
	v18 =	vand.u32 $0x38, v18  }
0x333: {  	v18 =	vor.u32 v18, v14;
	_ =	sdelay $0x1  }
0x334: {  	v17 =	vmul.f32 v17, v7;
	_ =	sdelay $0x1  }
0x335: {  	[tilespmem:v19+s13+$0x0] =	vst.idx.add.f32.msk $0xffff, v17  }
0x336: {  	v17 =	vld.idx.msk [tilespmem:v18+s12+$0x0], $0xffff  }
0x337: {  	s23 =	sadd.s32 $0xFFFFFFFF, s20  }
0x338: {  	v18 =	vmov s23  }
0x339: {  	v19 =	vor.u32 s24, v8;
	v18 =	vand.u32 $0x38, v18  }
0x33a: {  	v18 =	vor.u32 v18, v15;
	_ =	sdelay $0x1  }
0x33b: {  	v17 =	vmul.f32 v17, v7;
	_ =	sdelay $0x1  }
0x33c: {  	[tilespmem:v19+s13+$0x0] =	vst.idx.add.f32.msk $0xffff, v17  }
0x33d: {  	v17 =	vld.idx.msk [tilespmem:v18+s12+$0x0], $0xffff;
	_ =	sdelay $0x1  }
0x33e: {  	v18 =	vmov s20  }
0x33f: {  	v19 =	vor.u32 s23, v8;
	v18 =	vand.u32 $0x38, v18  }
0x340: {  	v18 =	vor.u32 v18, v16;
	_ =	sdelay $0x1  }
0x341: {  	v17 =	vmul.f32 v17, v7;
	_ =	sdelay $0x1  }
0x342: {  	[tilespmem:v19+s13+$0x0] =	vst.idx.add.f32.msk $0xffff, v17  }
0x343: {  	v19 =	vld.idx.msk [tilespmem:v18+s12+$0x0], $0xffff;
	_ =	sdelay $0x1  }
.Ltmp23:
0x344: {  	(pc) =	sbr.rel @p0 .LBB2_40-.Ltmp23, $3  }
0x345: {  	s23 =	sadd.s32 $0xFFFFFFF9, s22;
	v18 =	vor.u32 s20, v8;
	s20 =	smov.u32 s22  }
0x346: {  	v17 =	vor.u32 s23, v9;
	_ =	sdelay $0x1  }
0x347: {  	v19 =	vmul.f32 v19, v7  }
0x348: {  	_ =	sdelay $0x3  }
0x349: {  	[tilespmem:v18+s13+$0x0] =	vst.idx.add.f32.msk $0xffff, v19  }
0x34a: {  	s21 =	sadd.s32 $0xFFFFFFFA, s20;
	v9 =	vld.idx.msk [tilespmem:v17+s12+$0x0], $0xffff  }
0x34b: {  	v50 =	vmov s21  }
0x34c: {  	v51 =	vor.u32 s23, v8;
	v17 =	vand.u32 $0x38, v50  }
0x34d: {  	v10 =	vor.u32 v17, v10;
	_ =	sdelay $0x1  }
0x34e: {  	v9 =	vmul.f32 v9, v7;
	_ =	sdelay $0x1  }
0x34f: {  	[tilespmem:v51+s13+$0x0] =	vst.idx.add.f32.msk $0xffff, v9  }
0x350: {  	s22 =	sadd.s32 $0xFFFFFFFB, s20;
	v9 =	vld.idx.msk [tilespmem:v10+s12+$0x0], $0xffff  }
0x351: {  	v52 =	vmov s22  }
0x352: {  	v53 =	vor.u32 s21, v8;
	v10 =	vand.u32 $0x38, v52  }
0x353: {  	v10 =	vor.u32 v10, v11;
	_ =	sdelay $0x1  }
0x354: {  	v9 =	vmul.f32 v9, v7;
	_ =	sdelay $0x1  }
0x355: {  	[tilespmem:v53+s13+$0x0] =	vst.idx.add.f32.msk $0xffff, v9  }
0x356: {  	s28 =	sadd.s32 $0xFFFFFFFC, s20;
	v9 =	vld.idx.msk [tilespmem:v10+s12+$0x0], $0xffff  }
0x357: {  	v54 =	vmov s28  }
0x358: {  	v55 =	vor.u32 s22, v8;
	v10 =	vand.u32 $0x38, v54  }
0x359: {  	v10 =	vor.u32 v10, v12;
	_ =	sdelay $0x1  }
0x35a: {  	v9 =	vmul.f32 v9, v7;
	_ =	sdelay $0x1  }
0x35b: {  	[tilespmem:v55+s13+$0x0] =	vst.idx.add.f32.msk $0xffff, v9  }
0x35c: {  	s29 =	sadd.s32 $0xFFFFFFFD, s20;
	v9 =	vld.idx.msk [tilespmem:v10+s12+$0x0], $0xffff  }
0x35d: {  	v56 =	vmov s29  }
0x35e: {  	v57 =	vor.u32 s28, v8;
	v10 =	vand.u32 $0x38, v56  }
0x35f: {  	v10 =	vor.u32 v10, v13;
	_ =	sdelay $0x1  }
0x360: {  	v9 =	vmul.f32 v9, v7;
	_ =	sdelay $0x1  }
0x361: {  	[tilespmem:v57+s13+$0x0] =	vst.idx.add.f32.msk $0xffff, v9  }
0x362: {  	s30 =	sadd.s32 $0xFFFFFFFE, s20;
	v9 =	vld.idx.msk [tilespmem:v10+s12+$0x0], $0xffff  }
0x363: {  	v58 =	vmov s30  }
0x364: {  	v59 =	vor.u32 s29, v8;
	v10 =	vand.u32 $0x38, v58  }
0x365: {  	v10 =	vor.u32 v10, v14;
	_ =	sdelay $0x1  }
0x366: {  	v9 =	vmul.f32 v9, v7;
	_ =	sdelay $0x1  }
0x367: {  	[tilespmem:v59+s13+$0x0] =	vst.idx.add.f32.msk $0xffff, v9  }
0x368: {  	s31 =	sadd.s32 $0xFFFFFFFF, s20;
	v9 =	vld.idx.msk [tilespmem:v10+s12+$0x0], $0xffff  }
0x369: {  	v60 =	vmov s31  }
0x36a: {  	v61 =	vor.u32 s30, v8;
	v10 =	vand.u32 $0x38, v60  }
0x36b: {  	v10 =	vor.u32 v10, v15;
	_ =	sdelay $0x1  }
0x36c: {  	v9 =	vmul.f32 v9, v7;
	_ =	sdelay $0x1  }
0x36d: {  	[tilespmem:v61+s13+$0x0] =	vst.idx.add.f32.msk $0xffff, v9  }
0x36e: {  	v9 =	vld.idx.msk [tilespmem:v10+s12+$0x0], $0xffff  }
0x36f: {  	v62 =	vmov s20  }
0x370: {  	v63 =	vor.u32 s31, v8;
	v10 =	vand.u32 $0x38, v62  }
0x371: {  	v10 =	vor.u32 v10, v16;
	_ =	sdelay $0x1  }
0x372: {  	v9 =	vmul.f32 v9, v7;
	_ =	sdelay $0x1  }
0x373: {  	[tilespmem:v63+s13+$0x0] =	vst.idx.add.f32.msk $0xffff, v9  }
0x374: {  	v9 =	vld.idx.msk [tilespmem:v10+s12+$0x0], $0xffff  }
0x375: {  	s19 =	sadd.s32 $0x1, s19  }
0x376: {  	v8 =	vor.u32 s20, v8;
	p0 =	sne.s32 s19, $0x8  }
.Ltmp24:
0x377: {  	_ = 	snop;
	(pc) =	sbr.rel @p0 .LBB2_39-.Ltmp24, $3  }
0x378: {  	_ = 	snop  }
0x379: {  	v7 =	vmul.f32 v9, v7;
	_ =	sdelay $0x1  }
0x37a: {  	[tilespmem:v8+s13+$0x0] =	vst.idx.add.f32.msk $0xffff, v7  }
0x37b: {  	s18 =	sadd.s32 $0x1, s18  }
0x37c: {  	p0 =	sne.s32 s18, s17  }
.Ltmp25:
0x37d: {  	_ = 	snop;
	(pc) =	sbr.rel @p0 .LBB2_34-.Ltmp25, $4  }
.Ltmp26:
0x37e: {  	_ = 	snop;
	(pc) =	sbr.rel @!p0 .LBB2_43-.Ltmp26, $4  }
0x37f: {  	_ = 	snop  }
0x380: {  	_ = 	snop  }
0x381: {  	_ = 	snop  }
0x382: {  	_ = 	snop  }
.LBB2_44:
0x383: {  	_ =	sfence.sel $0x180000  }
0x384: {  	[bflag:$0x0] =	sbarrier.arrive $0xFFFF  }
0x385: {  	p0 =	sne.s32 s1, $0x0;
	_ =	strace $0x9000004A  }
0x386: {  	s0 =	sadd.s32 @!p0 $0x100000, s0;
	[bflag:$0x2] =	sbarrier.arrive $0xFFFF  }
0x387: {  	[sflag:s0] =	ssyncadd.tile.s32 @!p0 $0x1;
	_ =	shalt  }
.Lfunc_end2:
_tile_overlayer_lowered:
.L_overlay_start_2:
0x388: {  	(tag) =	ssettag $0x2  }
0x389: {  	s0 =	rddreg [dreg:$0x0];
	s2 =	stileid.u32  }
0x38a: {  	s1 =	rddreg [dreg:$0x1];
	p0 =	sne.s32 s2, $0x0  }
0x38b: {  	s3 =	rddreg [dreg:$0x2];
	[bflag:$0x3] =	sbarrier.arrive $0xFFFF;
	s2 =	simm.s32 @!p0 $0x1C03  }
0x38c: {  	[timem:s3], [sflag:s2] =	dma.local @!p0 [hbm:s0], s1  }
0x38d: {  	s0 =	simm.s32 @!p0 $0x3  }
0x38e: {  	_ =	swait.ge @!p0 [sflag:s0], s1  }
0x38f: {  	s1 =	ssub.s32 @!p0 $0x0, s1;
	[sflag:s0] =	ssyncset.done @!p0 $0x0  }
0x390: {  	[sflag:s0] =	ssyncadd.s32 @!p0 s1  }
0x391: {  	[bflag:$0x3] =	sbarrier.arrive $0xFFFF  }
0x392: {  	_ =	shalt  }

</sc_bundles>
